<compile_context>
chip_gen: v7x
topology: tpu7x:2x2x1
jax: 0.10.2.dev20260603
libtpu: 0.0.44.dev20260713+nightly
codegen_flags: <defaults>
</compile_context>

<pallas_src>
import jax
import jax.numpy as jnp
from jax import lax
from jax.experimental import pallas as pl
from jax.experimental.pallas import tpu as pltpu
from jax.experimental.pallas import tpu_sc as plsc

HS = 64
HS1 = HS + 1
L = 200
V_FEAT = 100000
V_ITEM = 1000000
NT = 16
MAT_W = 256
PREF0 = 16
SPARE0 = 72


def _fm_body(featT_hbm, itemsT_hbm, user_hbm, bias_hbm, ui_hbm, pref_hbm,
             mat_hbm, res_hbm,
             idx_v, uiv, ubuf, ibuf4, rowstage, rowbuf, ctile_v, sall_v,
             bias_v, res_v, sem, sem_win, sem_out):
    core = lax.axis_index("c")
    wid = lax.axis_index("s")
    iota = lax.iota(jnp.int32, 16)

    pltpu.sync_copy(pref_hbm.at[0], idx_v.at[pl.ds(0, L)])
    c12 = idx_v[pl.ds(192, 16)]
    idx_v[pl.ds(192, 16)] = jnp.where(lax.iota(jnp.int32, 16) < 8, c12, 0)
    pltpu.sync_copy(ui_hbm.at[0], uiv.at[pl.ds(0, 2)])
    pltpu.sync_copy(user_hbm.at[0], ubuf.at[pl.ds(0, HS1)])
    i_item = uiv[pl.ds(0, 16)][1]
    woff = (i_item // 64) * 64
    lane_it = i_item - woff

    acc = jnp.zeros((16,), jnp.float32)
    res_v[pl.ds(0, 16)] = acc

    def extract_ue_ie(d, b):
        ue = jnp.float32(0.0)
        for k in range(5):
            uc = ubuf[pl.ds(16 * k, 16)]
            ue = ue + jnp.sum(jnp.where(iota + (16 * k) == d, uc, 0.0))
        ie = jnp.float32(0.0)
        for k in range(4):
            ic = ibuf4[b, pl.ds(16 * k, 16)]
            ie = ie + jnp.sum(jnp.where(iota + (16 * k) == lane_it, ic, 0.0))
        return ue, ie

    def gather_row(d, b, ue, ie):
        rowbuf[b, pl.ds(0, 16)] = (jnp.where(iota == 14, ue, 0.0)
                                   + jnp.where(iota == 15, ie, 0.0))
        psum = jnp.float32(0.0)
        for c in range(13):
            idxc = idx_v[pl.ds(16 * c, 16)]
            g = plsc.load_gather(rowstage, [idxc])
            valid = iota + (16 * c) < L
            psum = psum + jnp.sum(jnp.where(valid, g, 0.0))
            rowbuf[b, pl.ds(PREF0 + 16 * c, 16)] = g
        return psum, pltpu.async_copy(rowbuf.at[b], mat_hbm.at[d], sem_out)

    @pl.when(core == 0)
    def _():
        win = [pltpu.async_copy(itemsT_hbm.at[wid + NT * s, pl.ds(woff, 64)],
                                ibuf4.at[s], sem_win) for s in range(4)]
        hout_prev = None
        for slot in range(4):
            d = wid + NT * slot
            hstage = pltpu.async_copy(featT_hbm.at[d], rowstage, sem)
            if slot == 0:
                for h in win:
                    h.wait()
            ue, ie = extract_ue_ie(d, slot)
            hstage.wait()
            if hout_prev is not None:
                hout_prev.wait()
            psum, hout_prev = gather_row(d, slot % 2, ue, ie)
            contrib = ue * ie + (ue + ie) * psum
            cur = res_v[pl.ds(0, 16)]
            res_v[pl.ds(0, 16)] = cur + jnp.where(iota == 0, contrib, 0.0)
        hout_prev.wait()
        ctile_v[pl.ds(0, 16)] = res_v[pl.ds(0, 16)]
        zero16 = jnp.zeros((16,), jnp.float32)
        for k in range(1, MAT_W // 16):
            ctile_v[pl.ds(16 * k, 16)] = zero16
        pltpu.sync_copy(ctile_v, mat_hbm.at[wid + SPARE0])

    @pl.when((core == 1) & (wid == 0))
    def _():
        d64 = wid + HS
        pltpu.sync_copy(itemsT_hbm.at[d64, pl.ds(woff, 64)], ibuf4.at[0])
        pltpu.sync_copy(featT_hbm.at[d64], rowstage)
        ue, ie = extract_ue_ie(d64, 0)
        _, hout = gather_row(d64, 0, ue, ie)
        hout.wait()

    plsc.subcore_barrier()

    @pl.when((core == 0) & (wid == 0))
    def _():
        pltpu.sync_copy(bias_hbm, bias_v.at[pl.ds(0, 1)])
        pltpu.sync_copy(mat_hbm.at[pl.ds(SPARE0, NT)], sall_v)
        tot = jnp.zeros((16,), jnp.float32)
        for s in range(NT):
            tot = tot + sall_v[s, pl.ds(0, 16)]
        total = tot[0] + bias_v[pl.ds(0, 16)][0]
        res_v[pl.ds(0, 16)] = jnp.full((16,), total, jnp.float32)
        pltpu.sync_copy(res_v.at[pl.ds(0, 1)], res_hbm)


def kernel(items_emb, feature_emb, user_emb, Bias, ui_pair, feature_index,
           preference_index):
    del feature_index
    mesh = plsc.VectorSubcoreMesh(core_axis_name="c", subcore_axis_name="s",
                                  num_cores=2)
    fn = pl.kernel(
        _fm_body,
        mesh=mesh,
        out_type=(
            jax.ShapeDtypeStruct((SPARE0 + NT, MAT_W), jnp.float32),
            jax.ShapeDtypeStruct((1,), jnp.float32),
        ),
        scratch_types=[
            pltpu.VMEM((208,), jnp.int32),
            pltpu.VMEM((16,), jnp.int32),
            pltpu.VMEM((80,), jnp.float32),
            pltpu.VMEM((4, 64), jnp.float32),
            pltpu.VMEM((V_FEAT,), jnp.float32),
            pltpu.VMEM((2, MAT_W), jnp.float32),
            pltpu.VMEM((MAT_W,), jnp.float32),
            pltpu.VMEM((NT, MAT_W), jnp.float32),
            pltpu.VMEM((16,), jnp.float32),
            pltpu.VMEM((16,), jnp.float32),
            pltpu.SemaphoreType.DMA,
            pltpu.SemaphoreType.DMA,
            pltpu.SemaphoreType.DMA,
        ],
        compiler_params=pltpu.CompilerParams(needs_layout_passes=False),
    )
    matT, res = fn(feature_emb.T, items_emb.T, user_emb, Bias, ui_pair,
                   preference_index)
    result = res.reshape(1, 1)
    mat = matT[:HS1, PREF0 - 2:PREF0 + L].T
    fb = mat[None, :, HS:]
    nz = mat[None, :, :HS]
    return (result, fb, nz)

# --- scband reference (transcript-rebuilt; emitter-appended) ---
"""Pipeline reference for scband-factorization-machine-1529008358085 (READ-ONLY COPY).

The authoritative reference and input builder live on the scoring server;
editing this copy changes nothing except your own understanding.
"""

import jax, jax.numpy as jnp
import numpy as np

ITEM_LENGTH = 1000000
FEATURE_LENGTH = 100000
HS = 64
USER_LENGTH = 0
L = 200


def setup_inputs(seed: int = 0) -> dict:
    key = jax.random.key(seed)
    ks = jax.random.split(key, 7)
    items_emb = jax.random.normal(ks[0], (ITEM_LENGTH, HS + 1), dtype=jnp.float32) * 0.01
    feature_emb = jax.random.normal(ks[1], (FEATURE_LENGTH, HS + 1), dtype=jnp.float32) * 0.01
    user_emb = jax.random.normal(ks[2], (1, HS + 1), dtype=jnp.float32) * 0.01
    Bias = jax.random.normal(ks[3], (1,), dtype=jnp.float32) * 0.01
    ui_pair = jax.random.randint(ks[4], (1, 2), 0, ITEM_LENGTH, dtype=jnp.int32)
    feature_index = jax.random.randint(ks[5], (1,), 0, FEATURE_LENGTH, dtype=jnp.int32)
    preference_index = jax.random.randint(ks[6], (1, L), 0, FEATURE_LENGTH, dtype=jnp.int32)
    return {
        "items_emb": items_emb,
        "feature_emb": feature_emb,
        "user_emb": user_emb,
        "Bias": Bias,
        "ui_pair": ui_pair,
        "feature_index": feature_index,
        "preference_index": preference_index,
    }


def reference(items_emb, feature_emb, user_emb, Bias, ui_pair, feature_index, preference_index):
    # user_length global in the original forward; fixed to USER_LENGTH=0 here
    real_idx = ui_pair[0, 1] - USER_LENGTH
    ue = jnp.take(user_emb, jnp.array([0]), axis=0)            # [1, hs+1]
    ie = jnp.take(items_emb, real_idx, axis=0)[None, :]        # [1, hs+1]
    ui_emb = jnp.concatenate([ue, ie], axis=0)[None, ...]      # [1, 2, hs+1]
    nonzero_matrix_ui = ui_emb[..., :-1]
    feature_bias_matrix_ui = ui_emb[..., -1:]
    feature_matrix_preference = jnp.take(feature_emb, preference_index, axis=0)  # [1, L, hs+1]
    nonzero_matrix_preference = feature_matrix_preference[..., :-1]
    feature_bias_matrix_preference = feature_matrix_preference[..., -1:]
    nonzero_matrix = jnp.concatenate((nonzero_matrix_ui, nonzero_matrix_preference), axis=1)
    feature_bias_matrix = jnp.concatenate((feature_bias_matrix_ui, feature_bias_matrix_preference), axis=1)
    summed_features_embedding_squared = jnp.sum(nonzero_matrix, axis=1, keepdims=True) ** 2
    squared_sum_features_embedding = jnp.sum(nonzero_matrix * nonzero_matrix, axis=1, keepdims=True)
    FM = 0.5 * (summed_features_embedding_squared - squared_sum_features_embedding)
    s2 = jnp.sum(nonzero_matrix_preference, axis=1, keepdims=True) ** 2
    q2 = jnp.sum(nonzero_matrix_preference * nonzero_matrix_preference, axis=1, keepdims=True)
    newFM_2 = 0.5 * (s2 - q2)
    FM = FM - newFM_2
    # dropout2 is identity in eval mode
    Bilinear = jnp.sum(FM, axis=2)
    result = Bilinear + Bias
    return (result, feature_bias_matrix, nonzero_matrix)

if __name__ == "__main__":
    import jax
    _d = setup_inputs()
    print(jax.jit(kernel)(*tuple(_d.values())))

</pallas_src>

<mosaic_0001>
#map = affine_map<(d0, d1) -> (0, 0)>
#map1 = affine_map<(d0, d1) -> (0)>
module attributes {stable_mosaic.version = 14 : i64} {
  func.func @_fm_body(%arg0: i32, %arg1: i32, %arg2: memref<65x100000xf32, #tpu.memory_space<hbm>>, %arg3: memref<65x1000000xf32, #tpu.memory_space<hbm>>, %arg4: memref<1x65xf32, #tpu.memory_space<hbm>>, %arg5: memref<1xf32, #tpu.memory_space<hbm>>, %arg6: memref<1x2xi32, #tpu.memory_space<hbm>>, %arg7: memref<1x200xi32, #tpu.memory_space<hbm>>, %arg8: memref<88x256xf32, #tpu.memory_space<hbm>>, %arg9: memref<1xf32, #tpu.memory_space<hbm>>, %arg10: memref<208xi32, #tpu.memory_space<vmem>>, %arg11: memref<16xi32, #tpu.memory_space<vmem>>, %arg12: memref<80xf32, #tpu.memory_space<vmem>>, %arg13: memref<4x64xf32, #tpu.memory_space<vmem>>, %arg14: memref<100000xf32, #tpu.memory_space<vmem>>, %arg15: memref<2x256xf32, #tpu.memory_space<vmem>>, %arg16: memref<256xf32, #tpu.memory_space<vmem>>, %arg17: memref<16x256xf32, #tpu.memory_space<vmem>>, %arg18: memref<16xf32, #tpu.memory_space<vmem>>, %arg19: memref<16xf32, #tpu.memory_space<vmem>>, %arg20: memref<!tpu.dma_semaphore, #tpu.memory_space<semaphore_mem>>, %arg21: memref<!tpu.dma_semaphore, #tpu.memory_space<semaphore_mem>>, %arg22: memref<!tpu.dma_semaphore, #tpu.memory_space<semaphore_mem>>) attributes {dimension_semantics = [#tpu.dimension_semantics<core_parallel>, #tpu.dimension_semantics<subcore_parallel>], iteration_bounds = array<i64: 2, 16>, scalar_prefetch = 0 : i64, scratch_operands = 13 : i64, tpu.core_type = #tpu.core_type<sc_vector_subcore>, window_params = [{transform_indices = #map}, {transform_indices = #map}, {transform_indices = #map}, {transform_indices = #map1}, {transform_indices = #map}, {transform_indices = #map}, {transform_indices = #map}, {transform_indices = #map1}]} {
    %iota3A = tpu.iota {dimensions = array<i32: 0>} : vector<16xi32>
    %run_scoped3A = arith.constant 0 : i32
    "tpu.region"() ({
      %run_scoped3A_51 = tpu.sem_alloc : memref<!tpu.dma_semaphore, #tpu.memory_space<semaphore_mem>>
      %dma_start3A = arith.constant 0 : i32
      %dma_start3A_52 = tpu.memref_slice %arg10[%dma_start3A] : memref<208xi32, #tpu.memory_space<vmem>> -> memref<200xi32, #tpu.memory_space<vmem>>
      %dma_start3A_53 = arith.constant 0 : i32
      %dma_start3A_54 = tpu.memref_slice %arg7[%run_scoped3A, %dma_start3A_53] : memref<1x200xi32, #tpu.memory_space<hbm>> -> memref<1x200xi32, #tpu.memory_space<hbm>>
      %dma_start3A_55 = tpu.memref_squeeze %dma_start3A_54 : memref<1x200xi32, #tpu.memory_space<hbm>> -> memref<200xi32, #tpu.memory_space<hbm>>
      %dma_start3A_56 = arith.constant 0 : i32
      %dma_start3A_57 = tpu.memref_slice %arg10[%dma_start3A_56] : memref<208xi32, #tpu.memory_space<vmem>> -> memref<200xi32, #tpu.memory_space<vmem>>
      %dma_start3A_58 = arith.constant 0 : i32
      %dma_start3A_59 = tpu.memref_slice %arg7[%run_scoped3A, %dma_start3A_58] : memref<1x200xi32, #tpu.memory_space<hbm>> -> memref<1x200xi32, #tpu.memory_space<hbm>>
      %dma_start3A_60 = tpu.memref_squeeze %dma_start3A_59 : memref<1x200xi32, #tpu.memory_space<hbm>> -> memref<200xi32, #tpu.memory_space<hbm>>
      tpu.enqueue_dma source(%dma_start3A_60 : memref<200xi32, #tpu.memory_space<hbm>>) target(%dma_start3A_57 : memref<200xi32, #tpu.memory_space<vmem>>) target_semaphore(%run_scoped3A_51 : memref<!tpu.dma_semaphore, #tpu.memory_space<semaphore_mem>>)
      %dma_wait3A = arith.constant 0 : i32
      %dma_wait3A_61 = tpu.memref_slice %arg10[%dma_wait3A] : memref<208xi32, #tpu.memory_space<vmem>> -> memref<200xi32, #tpu.memory_space<vmem>>
      %dma_wait3A_62 = arith.constant 0 : i32
      %dma_wait3A_63 = tpu.memref_slice %arg7[%run_scoped3A, %dma_wait3A_62] : memref<1x200xi32, #tpu.memory_space<hbm>> -> memref<1x200xi32, #tpu.memory_space<hbm>>
      %dma_wait3A_64 = tpu.memref_squeeze %dma_wait3A_63 : memref<1x200xi32, #tpu.memory_space<hbm>> -> memref<200xi32, #tpu.memory_space<hbm>>
      %dma_wait3A_65 = arith.constant 0 : i32
      %dma_wait3A_66 = tpu.memref_slice %arg10[%dma_wait3A_65] : memref<208xi32, #tpu.memory_space<vmem>> -> memref<200xi32, #tpu.memory_space<vmem>>
      %dma_wait3A_67 = arith.constant 0 : i32
      %dma_wait3A_68 = tpu.memref_slice %arg7[%run_scoped3A, %dma_wait3A_67] : memref<1x200xi32, #tpu.memory_space<hbm>> -> memref<1x200xi32, #tpu.memory_space<hbm>>
      %dma_wait3A_69 = tpu.memref_squeeze %dma_wait3A_68 : memref<1x200xi32, #tpu.memory_space<hbm>> -> memref<200xi32, #tpu.memory_space<hbm>>
      tpu.wait_dma2 semaphore(%run_scoped3A_51 : memref<!tpu.dma_semaphore, #tpu.memory_space<semaphore_mem>>) src(%dma_wait3A_69 : memref<200xi32, #tpu.memory_space<hbm>>) dst(%dma_wait3A_66 : memref<200xi32, #tpu.memory_space<vmem>>)
      tpu.yield
    }) : () -> ()
    %get3A = arith.constant 192 : index
    %get3A_0 = tpu.vector_load %arg10[%get3A] {strides = array<i32>} : memref<208xi32, #tpu.memory_space<vmem>>, vector<16xi32>,
    %iota3A_1 = tpu.iota {dimensions = array<i32: 0>} : vector<16xi32>
    %lt3A = arith.constant 8 : i32
    %lt3A_2 = vector.broadcast %lt3A : i32 to vector<16xi32>
    %lt3A_3 = arith.cmpi slt, %iota3A_1, %lt3A_2 : vector<16xi32>
    %jit3A = arith.constant 0 : i32
    %broadcast_in_dim3A = vector.broadcast %jit3A : i32 to vector<16xi32>
    %select_n3A = arith.select %lt3A_3, %get3A_0, %broadcast_in_dim3A : vector<16xi1>, vector<16xi32>
    %swap3A = arith.constant 192 : index
    %swap3A_4 = tpu.vector_load %arg10[%swap3A] {strides = array<i32>} : memref<208xi32, #tpu.memory_space<vmem>>, vector<16xi32>,
    tpu.vector_store %arg10[%swap3A], %select_n3A {strides = array<i32>} : memref<208xi32, #tpu.memory_space<vmem>>, vector<16xi32>,
    %run_scoped3A_5 = arith.constant 0 : i32
    "tpu.region"() ({
      %run_scoped3A_51 = tpu.sem_alloc : memref<!tpu.dma_semaphore, #tpu.memory_space<semaphore_mem>>
      %dma_start3A = arith.constant 0 : i32
      %dma_start3A_52 = tpu.memref_slice %arg11[%dma_start3A] : memref<16xi32, #tpu.memory_space<vmem>> -> memref<2xi32, #tpu.memory_space<vmem>>
      %dma_start3A_53 = arith.constant 0 : i32
      %dma_start3A_54 = tpu.memref_slice %arg6[%run_scoped3A_5, %dma_start3A_53] : memref<1x2xi32, #tpu.memory_space<hbm>> -> memref<1x2xi32, #tpu.memory_space<hbm>>
      %dma_start3A_55 = tpu.memref_squeeze %dma_start3A_54 : memref<1x2xi32, #tpu.memory_space<hbm>> -> memref<2xi32, #tpu.memory_space<hbm>>
      %dma_start3A_56 = arith.constant 0 : i32
      %dma_start3A_57 = tpu.memref_slice %arg11[%dma_start3A_56] : memref<16xi32, #tpu.memory_space<vmem>> -> memref<2xi32, #tpu.memory_space<vmem>>
      %dma_start3A_58 = arith.constant 0 : i32
      %dma_start3A_59 = tpu.memref_slice %arg6[%run_scoped3A_5, %dma_start3A_58] : memref<1x2xi32, #tpu.memory_space<hbm>> -> memref<1x2xi32, #tpu.memory_space<hbm>>
      %dma_start3A_60 = tpu.memref_squeeze %dma_start3A_59 : memref<1x2xi32, #tpu.memory_space<hbm>> -> memref<2xi32, #tpu.memory_space<hbm>>
      tpu.enqueue_dma source(%dma_start3A_60 : memref<2xi32, #tpu.memory_space<hbm>>) target(%dma_start3A_57 : memref<2xi32, #tpu.memory_space<vmem>>) target_semaphore(%run_scoped3A_51 : memref<!tpu.dma_semaphore, #tpu.memory_space<semaphore_mem>>)
      %dma_wait3A = arith.constant 0 : i32
      %dma_wait3A_61 = tpu.memref_slice %arg11[%dma_wait3A] : memref<16xi32, #tpu.memory_space<vmem>> -> memref<2xi32, #tpu.memory_space<vmem>>
      %dma_wait3A_62 = arith.constant 0 : i32
      %dma_wait3A_63 = tpu.memref_slice %arg6[%run_scoped3A_5, %dma_wait3A_62] : memref<1x2xi32, #tpu.memory_space<hbm>> -> memref<1x2xi32, #tpu.memory_space<hbm>>
      %dma_wait3A_64 = tpu.memref_squeeze %dma_wait3A_63 : memref<1x2xi32, #tpu.memory_space<hbm>> -> memref<2xi32, #tpu.memory_space<hbm>>
      %dma_wait3A_65 = arith.constant 0 : i32
      %dma_wait3A_66 = tpu.memref_slice %arg11[%dma_wait3A_65] : memref<16xi32, #tpu.memory_space<vmem>> -> memref<2xi32, #tpu.memory_space<vmem>>
      %dma_wait3A_67 = arith.constant 0 : i32
      %dma_wait3A_68 = tpu.memref_slice %arg6[%run_scoped3A_5, %dma_wait3A_67] : memref<1x2xi32, #tpu.memory_space<hbm>> -> memref<1x2xi32, #tpu.memory_space<hbm>>
      %dma_wait3A_69 = tpu.memref_squeeze %dma_wait3A_68 : memref<1x2xi32, #tpu.memory_space<hbm>> -> memref<2xi32, #tpu.memory_space<hbm>>
      tpu.wait_dma2 semaphore(%run_scoped3A_51 : memref<!tpu.dma_semaphore, #tpu.memory_space<semaphore_mem>>) src(%dma_wait3A_69 : memref<2xi32, #tpu.memory_space<hbm>>) dst(%dma_wait3A_66 : memref<2xi32, #tpu.memory_space<vmem>>)
      tpu.yield
    }) : () -> ()
    %run_scoped3A_6 = arith.constant 0 : i32
    "tpu.region"() ({
      %run_scoped3A_51 = tpu.sem_alloc : memref<!tpu.dma_semaphore, #tpu.memory_space<semaphore_mem>>
      %dma_start3A = arith.constant 0 : i32
      %dma_start3A_52 = tpu.memref_slice %arg12[%dma_start3A] : memref<80xf32, #tpu.memory_space<vmem>> -> memref<65xf32, #tpu.memory_space<vmem>>
      %dma_start3A_53 = arith.constant 0 : i32
      %dma_start3A_54 = tpu.memref_slice %arg4[%run_scoped3A_6, %dma_start3A_53] : memref<1x65xf32, #tpu.memory_space<hbm>> -> memref<1x65xf32, #tpu.memory_space<hbm>>
      %dma_start3A_55 = tpu.memref_squeeze %dma_start3A_54 : memref<1x65xf32, #tpu.memory_space<hbm>> -> memref<65xf32, #tpu.memory_space<hbm>>
      %dma_start3A_56 = arith.constant 0 : i32
      %dma_start3A_57 = tpu.memref_slice %arg12[%dma_start3A_56] : memref<80xf32, #tpu.memory_space<vmem>> -> memref<65xf32, #tpu.memory_space<vmem>>
      %dma_start3A_58 = arith.constant 0 : i32
      %dma_start3A_59 = tpu.memref_slice %arg4[%run_scoped3A_6, %dma_start3A_58] : memref<1x65xf32, #tpu.memory_space<hbm>> -> memref<1x65xf32, #tpu.memory_space<hbm>>
      %dma_start3A_60 = tpu.memref_squeeze %dma_start3A_59 : memref<1x65xf32, #tpu.memory_space<hbm>> -> memref<65xf32, #tpu.memory_space<hbm>>
      tpu.enqueue_dma source(%dma_start3A_60 : memref<65xf32, #tpu.memory_space<hbm>>) target(%dma_start3A_57 : memref<65xf32, #tpu.memory_space<vmem>>) target_semaphore(%run_scoped3A_51 : memref<!tpu.dma_semaphore, #tpu.memory_space<semaphore_mem>>)
      %dma_wait3A = arith.constant 0 : i32
      %dma_wait3A_61 = tpu.memref_slice %arg12[%dma_wait3A] : memref<80xf32, #tpu.memory_space<vmem>> -> memref<65xf32, #tpu.memory_space<vmem>>
      %dma_wait3A_62 = arith.constant 0 : i32
      %dma_wait3A_63 = tpu.memref_slice %arg4[%run_scoped3A_6, %dma_wait3A_62] : memref<1x65xf32, #tpu.memory_space<hbm>> -> memref<1x65xf32, #tpu.memory_space<hbm>>
      %dma_wait3A_64 = tpu.memref_squeeze %dma_wait3A_63 : memref<1x65xf32, #tpu.memory_space<hbm>> -> memref<65xf32, #tpu.memory_space<hbm>>
      %dma_wait3A_65 = arith.constant 0 : i32
      %dma_wait3A_66 = tpu.memref_slice %arg12[%dma_wait3A_65] : memref<80xf32, #tpu.memory_space<vmem>> -> memref<65xf32, #tpu.memory_space<vmem>>
      %dma_wait3A_67 = arith.constant 0 : i32
      %dma_wait3A_68 = tpu.memref_slice %arg4[%run_scoped3A_6, %dma_wait3A_67] : memref<1x65xf32, #tpu.memory_space<hbm>> -> memref<1x65xf32, #tpu.memory_space<hbm>>
      %dma_wait3A_69 = tpu.memref_squeeze %dma_wait3A_68 : memref<1x65xf32, #tpu.memory_space<hbm>> -> memref<65xf32, #tpu.memory_space<hbm>>
      tpu.wait_dma2 semaphore(%run_scoped3A_51 : memref<!tpu.dma_semaphore, #tpu.memory_space<semaphore_mem>>) src(%dma_wait3A_69 : memref<65xf32, #tpu.memory_space<hbm>>) dst(%dma_wait3A_66 : memref<65xf32, #tpu.memory_space<vmem>>)
      tpu.yield
    }) : () -> ()
    %get3A_7 = arith.constant 0 : index
    %get3A_8 = tpu.vector_load %arg11[%get3A_7] {strides = array<i32>} : memref<16xi32, #tpu.memory_space<vmem>>, vector<16xi32>,
    %slice3A = vector.extract_strided_slice %get3A_8 {offsets = [1], sizes = [1], strides = [1]} : vector<16xi32> to vector<1xi32>
    %squeeze3A = vector.extract %slice3A[0] : i32 from vector<1xi32>
    %jit3A_9 = arith.constant 64 : i32
    %div3A = arith.divsi %squeeze3A, %jit3A_9 : i32
    %sign3A = arith.constant 0 : i32
    %sign3A_10 = arith.cmpi sgt, %squeeze3A, %sign3A : i32
    %sign3A_11 = arith.extui %sign3A_10 : i1 to i32
    %sign3A_12 = arith.constant 0 : i32
    %sign3A_13 = arith.cmpi slt, %squeeze3A, %sign3A_12 : i32
    %sign3A_14 = arith.extui %sign3A_13 : i1 to i32
    %sign3A_15 = arith.subi %sign3A_11, %sign3A_14 : i32
    %sign3A_16 = arith.constant 0 : i32
    %sign3A_17 = arith.cmpi sgt, %jit3A_9, %sign3A_16 : i32
    %sign3A_18 = arith.extui %sign3A_17 : i1 to i32
    %sign3A_19 = arith.constant 0 : i32
    %sign3A_20 = arith.cmpi slt, %jit3A_9, %sign3A_19 : i32
    %sign3A_21 = arith.extui %sign3A_20 : i1 to i32
    %sign3A_22 = arith.subi %sign3A_18, %sign3A_21 : i32
    %ne3A = arith.cmpi ne, %sign3A_15, %sign3A_22 : i32
    %rem3A = arith.remsi %squeeze3A, %jit3A_9 : i32
    %ne3A_23 = arith.constant 0 : i32
    %ne3A_24 = arith.cmpi ne, %rem3A, %ne3A_23 : i32
    %and3A = arith.andi %ne3A, %ne3A_24 : i1
    %sub3A = arith.constant 1 : i32
    %sub3A_25 = arith.subi %div3A, %sub3A : i32
    %select_n3A_26 = arith.select %and3A, %sub3A_25, %div3A : i32
    %mul3A = arith.constant 64 : i32
    %mul3A_27 = arith.muli %select_n3A_26, %mul3A : i32
    %sub3A_28 = arith.subi %squeeze3A, %mul3A_27 : i32
    %broadcast_in_dim3A_29 = arith.constant 0.000000e+00 : f32
    %broadcast_in_dim3A_30 = vector.broadcast %broadcast_in_dim3A_29 : f32 to vector<16xf32>
    %swap3A_31 = arith.constant 0 : index
    %swap3A_32 = tpu.vector_load %arg19[%swap3A_31] {strides = array<i32>} : memref<16xf32, #tpu.memory_space<vmem>>, vector<16xf32>,
    tpu.vector_store %arg19[%swap3A_31], %broadcast_in_dim3A_30 {strides = array<i32>} : memref<16xf32, #tpu.memory_space<vmem>>, vector<16xf32>,
    %eq3A = arith.constant 0 : i32
    %eq3A_33 = arith.cmpi eq, %arg0, %eq3A : i32
    %convert_element_type3A = arith.extui %eq3A_33 : i1 to i32
    %cond3A = arith.constant 0 : i32
    %cond3A_34 = arith.cmpi ne, %convert_element_type3A, %cond3A : i32
    scf.if %cond3A_34 {
      %add3A = arith.constant 0 : i32
      %add3A_51 = arith.addi %arg1, %add3A : i32
      %dma_start3A = arith.constant 0 : i32
      %dma_start3A_52 = arith.constant 0 : i32
      %dma_start3A_53 = tpu.memref_slice %arg13[%dma_start3A, %dma_start3A_52] : memref<4x64xf32, #tpu.memory_space<vmem>> -> memref<1x64xf32, #tpu.memory_space<vmem>>
      %dma_start3A_54 = tpu.memref_squeeze %dma_start3A_53 : memref<1x64xf32, #tpu.memory_space<vmem>> -> memref<64xf32, #tpu.memory_space<vmem>>
      %dma_start3A_55 = tpu.memref_slice %arg3[%add3A_51, %mul3A_27] : memref<65x1000000xf32, #tpu.memory_space<hbm>> -> memref<1x64xf32, #tpu.memory_space<hbm>>
      %dma_start3A_56 = tpu.memref_squeeze %dma_start3A_55 : memref<1x64xf32, #tpu.memory_space<hbm>> -> memref<64xf32, #tpu.memory_space<hbm>>
      %dma_start3A_57 = arith.constant 0 : i32
      %dma_start3A_58 = tpu.memref_slice %arg13[%dma_start3A, %dma_start3A_57] : memref<4x64xf32, #tpu.memory_space<vmem>> -> memref<1x64xf32, #tpu.memory_space<vmem>>
      %dma_start3A_59 = tpu.memref_squeeze %dma_start3A_58 : memref<1x64xf32, #tpu.memory_space<vmem>> -> memref<64xf32, #tpu.memory_space<vmem>>
      %dma_start3A_60 = tpu.memref_slice %arg3[%add3A_51, %mul3A_27] : memref<65x1000000xf32, #tpu.memory_space<hbm>> -> memref<1x64xf32, #tpu.memory_space<hbm>>
      %dma_start3A_61 = tpu.memref_squeeze %dma_start3A_60 : memref<1x64xf32, #tpu.memory_space<hbm>> -> memref<64xf32, #tpu.memory_space<hbm>>
      tpu.enqueue_dma source(%dma_start3A_61 : memref<64xf32, #tpu.memory_space<hbm>>) target(%dma_start3A_59 : memref<64xf32, #tpu.memory_space<vmem>>) target_semaphore(%arg21 : memref<!tpu.dma_semaphore, #tpu.memory_space<semaphore_mem>>)
      %add3A_62 = arith.constant 16 : i32
      %add3A_63 = arith.addi %arg1, %add3A_62 : i32
      %dma_start3A_64 = arith.constant 1 : i32
      %dma_start3A_65 = arith.constant 0 : i32
      %dma_start3A_66 = tpu.memref_slice %arg13[%dma_start3A_64, %dma_start3A_65] : memref<4x64xf32, #tpu.memory_space<vmem>> -> memref<1x64xf32, #tpu.memory_space<vmem>>
      %dma_start3A_67 = tpu.memref_squeeze %dma_start3A_66 : memref<1x64xf32, #tpu.memory_space<vmem>> -> memref<64xf32, #tpu.memory_space<vmem>>
      %dma_start3A_68 = tpu.memref_slice %arg3[%add3A_63, %mul3A_27] : memref<65x1000000xf32, #tpu.memory_space<hbm>> -> memref<1x64xf32, #tpu.memory_space<hbm>>
      %dma_start3A_69 = tpu.memref_squeeze %dma_start3A_68 : memref<1x64xf32, #tpu.memory_space<hbm>> -> memref<64xf32, #tpu.memory_space<hbm>>
      %dma_start3A_70 = arith.constant 0 : i32
      %dma_start3A_71 = tpu.memref_slice %arg13[%dma_start3A_64, %dma_start3A_70] : memref<4x64xf32, #tpu.memory_space<vmem>> -> memref<1x64xf32, #tpu.memory_space<vmem>>
      %dma_start3A_72 = tpu.memref_squeeze %dma_start3A_71 : memref<1x64xf32, #tpu.memory_space<vmem>> -> memref<64xf32, #tpu.memory_space<vmem>>
      %dma_start3A_73 = tpu.memref_slice %arg3[%add3A_63, %mul3A_27] : memref<65x1000000xf32, #tpu.memory_space<hbm>> -> memref<1x64xf32, #tpu.memory_space<hbm>>
      %dma_start3A_74 = tpu.memref_squeeze %dma_start3A_73 : memref<1x64xf32, #tpu.memory_space<hbm>> -> memref<64xf32, #tpu.memory_space<hbm>>
      tpu.enqueue_dma source(%dma_start3A_74 : memref<64xf32, #tpu.memory_space<hbm>>) target(%dma_start3A_72 : memref<64xf32, #tpu.memory_space<vmem>>) target_semaphore(%arg21 : memref<!tpu.dma_semaphore, #tpu.memory_space<semaphore_mem>>)
      %add3A_75 = arith.constant 32 : i32
      %add3A_76 = arith.addi %arg1, %add3A_75 : i32
      %dma_start3A_77 = arith.constant 2 : i32
      %dma_start3A_78 = arith.constant 0 : i32
      %dma_start3A_79 = tpu.memref_slice %arg13[%dma_start3A_77, %dma_start3A_78] : memref<4x64xf32, #tpu.memory_space<vmem>> -> memref<1x64xf32, #tpu.memory_space<vmem>>
      %dma_start3A_80 = tpu.memref_squeeze %dma_start3A_79 : memref<1x64xf32, #tpu.memory_space<vmem>> -> memref<64xf32, #tpu.memory_space<vmem>>
      %dma_start3A_81 = tpu.memref_slice %arg3[%add3A_76, %mul3A_27] : memref<65x1000000xf32, #tpu.memory_space<hbm>> -> memref<1x64xf32, #tpu.memory_space<hbm>>
      %dma_start3A_82 = tpu.memref_squeeze %dma_start3A_81 : memref<1x64xf32, #tpu.memory_space<hbm>> -> memref<64xf32, #tpu.memory_space<hbm>>
      %dma_start3A_83 = arith.constant 0 : i32
      %dma_start3A_84 = tpu.memref_slice %arg13[%dma_start3A_77, %dma_start3A_83] : memref<4x64xf32, #tpu.memory_space<vmem>> -> memref<1x64xf32, #tpu.memory_space<vmem>>
      %dma_start3A_85 = tpu.memref_squeeze %dma_start3A_84 : memref<1x64xf32, #tpu.memory_space<vmem>> -> memref<64xf32, #tpu.memory_space<vmem>>
      %dma_start3A_86 = tpu.memref_slice %arg3[%add3A_76, %mul3A_27] : memref<65x1000000xf32, #tpu.memory_space<hbm>> -> memref<1x64xf32, #tpu.memory_space<hbm>>
      %dma_start3A_87 = tpu.memref_squeeze %dma_start3A_86 : memref<1x64xf32, #tpu.memory_space<hbm>> -> memref<64xf32, #tpu.memory_space<hbm>>
      tpu.enqueue_dma source(%dma_start3A_87 : memref<64xf32, #tpu.memory_space<hbm>>) target(%dma_start3A_85 : memref<64xf32, #tpu.memory_space<vmem>>) target_semaphore(%arg21 : memref<!tpu.dma_semaphore, #tpu.memory_space<semaphore_mem>>)
      %add3A_88 = arith.constant 48 : i32
      %add3A_89 = arith.addi %arg1, %add3A_88 : i32
      %dma_start3A_90 = arith.constant 3 : i32
      %dma_start3A_91 = arith.constant 0 : i32
      %dma_start3A_92 = tpu.memref_slice %arg13[%dma_start3A_90, %dma_start3A_91] : memref<4x64xf32, #tpu.memory_space<vmem>> -> memref<1x64xf32, #tpu.memory_space<vmem>>
      %dma_start3A_93 = tpu.memref_squeeze %dma_start3A_92 : memref<1x64xf32, #tpu.memory_space<vmem>> -> memref<64xf32, #tpu.memory_space<vmem>>
      %dma_start3A_94 = tpu.memref_slice %arg3[%add3A_89, %mul3A_27] : memref<65x1000000xf32, #tpu.memory_space<hbm>> -> memref<1x64xf32, #tpu.memory_space<hbm>>
      %dma_start3A_95 = tpu.memref_squeeze %dma_start3A_94 : memref<1x64xf32, #tpu.memory_space<hbm>> -> memref<64xf32, #tpu.memory_space<hbm>>
      %dma_start3A_96 = arith.constant 0 : i32
      %dma_start3A_97 = tpu.memref_slice %arg13[%dma_start3A_90, %dma_start3A_96] : memref<4x64xf32, #tpu.memory_space<vmem>> -> memref<1x64xf32, #tpu.memory_space<vmem>>
      %dma_start3A_98 = tpu.memref_squeeze %dma_start3A_97 : memref<1x64xf32, #tpu.memory_space<vmem>> -> memref<64xf32, #tpu.memory_space<vmem>>
      %dma_start3A_99 = tpu.memref_slice %arg3[%add3A_89, %mul3A_27] : memref<65x1000000xf32, #tpu.memory_space<hbm>> -> memref<1x64xf32, #tpu.memory_space<hbm>>
      %dma_start3A_100 = tpu.memref_squeeze %dma_start3A_99 : memref<1x64xf32, #tpu.memory_space<hbm>> -> memref<64xf32, #tpu.memory_space<hbm>>
      tpu.enqueue_dma source(%dma_start3A_100 : memref<64xf32, #tpu.memory_space<hbm>>) target(%dma_start3A_98 : memref<64xf32, #tpu.memory_space<vmem>>) target_semaphore(%arg21 : memref<!tpu.dma_semaphore, #tpu.memory_space<semaphore_mem>>)
      %add3A_101 = arith.constant 0 : i32
      %add3A_102 = arith.addi %arg1, %add3A_101 : i32
      %dma_start3A_103 = arith.constant 0 : i32
      %dma_start3A_104 = tpu.memref_slice %arg2[%add3A_102, %dma_start3A_103] : memref<65x100000xf32, #tpu.memory_space<hbm>> -> memref<1x100000xf32, #tpu.memory_space<hbm>>
      %dma_start3A_105 = tpu.memref_squeeze %dma_start3A_104 : memref<1x100000xf32, #tpu.memory_space<hbm>> -> memref<100000xf32, #tpu.memory_space<hbm>>
      %dma_start3A_106 = arith.constant 0 : i32
      %dma_start3A_107 = tpu.memref_slice %arg2[%add3A_102, %dma_start3A_106] : memref<65x100000xf32, #tpu.memory_space<hbm>> -> memref<1x100000xf32, #tpu.memory_space<hbm>>
      %dma_start3A_108 = tpu.memref_squeeze %dma_start3A_107 : memref<1x100000xf32, #tpu.memory_space<hbm>> -> memref<100000xf32, #tpu.memory_space<hbm>>
      tpu.enqueue_dma source(%dma_start3A_108 : memref<100000xf32, #tpu.memory_space<hbm>>) target(%arg14 : memref<100000xf32, #tpu.memory_space<vmem>>) target_semaphore(%arg20 : memref<!tpu.dma_semaphore, #tpu.memory_space<semaphore_mem>>)
      %dma_wait3A = arith.constant 0 : i32
      %dma_wait3A_109 = arith.constant 0 : i32
      %dma_wait3A_110 = tpu.memref_slice %arg13[%dma_wait3A, %dma_wait3A_109] : memref<4x64xf32, #tpu.memory_space<vmem>> -> memref<1x64xf32, #tpu.memory_space<vmem>>
      %dma_wait3A_111 = tpu.memref_squeeze %dma_wait3A_110 : memref<1x64xf32, #tpu.memory_space<vmem>> -> memref<64xf32, #tpu.memory_space<vmem>>
      %dma_wait3A_112 = tpu.memref_slice %arg3[%add3A_51, %mul3A_27] : memref<65x1000000xf32, #tpu.memory_space<hbm>> -> memref<1x64xf32, #tpu.memory_space<hbm>>
      %dma_wait3A_113 = tpu.memref_squeeze %dma_wait3A_112 : memref<1x64xf32, #tpu.memory_space<hbm>> -> memref<64xf32, #tpu.memory_space<hbm>>
      %dma_wait3A_114 = arith.constant 0 : i32
      %dma_wait3A_115 = tpu.memref_slice %arg13[%dma_wait3A, %dma_wait3A_114] : memref<4x64xf32, #tpu.memory_space<vmem>> -> memref<1x64xf32, #tpu.memory_space<vmem>>
      %dma_wait3A_116 = tpu.memref_squeeze %dma_wait3A_115 : memref<1x64xf32, #tpu.memory_space<vmem>> -> memref<64xf32, #tpu.memory_space<vmem>>
      %dma_wait3A_117 = tpu.memref_slice %arg3[%add3A_51, %mul3A_27] : memref<65x1000000xf32, #tpu.memory_space<hbm>> -> memref<1x64xf32, #tpu.memory_space<hbm>>
      %dma_wait3A_118 = tpu.memref_squeeze %dma_wait3A_117 : memref<1x64xf32, #tpu.memory_space<hbm>> -> memref<64xf32, #tpu.memory_space<hbm>>
      tpu.wait_dma2 semaphore(%arg21 : memref<!tpu.dma_semaphore, #tpu.memory_space<semaphore_mem>>) src(%dma_wait3A_118 : memref<64xf32, #tpu.memory_space<hbm>>) dst(%dma_wait3A_116 : memref<64xf32, #tpu.memory_space<vmem>>)
      %dma_wait3A_119 = arith.constant 1 : i32
      %dma_wait3A_120 = arith.constant 0 : i32
      %dma_wait3A_121 = tpu.memref_slice %arg13[%dma_wait3A_119, %dma_wait3A_120] : memref<4x64xf32, #tpu.memory_space<vmem>> -> memref<1x64xf32, #tpu.memory_space<vmem>>
      %dma_wait3A_122 = tpu.memref_squeeze %dma_wait3A_121 : memref<1x64xf32, #tpu.memory_space<vmem>> -> memref<64xf32, #tpu.memory_space<vmem>>
      %dma_wait3A_123 = tpu.memref_slice %arg3[%add3A_63, %mul3A_27] : memref<65x1000000xf32, #tpu.memory_space<hbm>> -> memref<1x64xf32, #tpu.memory_space<hbm>>
      %dma_wait3A_124 = tpu.memref_squeeze %dma_wait3A_123 : memref<1x64xf32, #tpu.memory_space<hbm>> -> memref<64xf32, #tpu.memory_space<hbm>>
      %dma_wait3A_125 = arith.constant 0 : i32
      %dma_wait3A_126 = tpu.memref_slice %arg13[%dma_wait3A_119, %dma_wait3A_125] : memref<4x64xf32, #tpu.memory_space<vmem>> -> memref<1x64xf32, #tpu.memory_space<vmem>>
      %dma_wait3A_127 = tpu.memref_squeeze %dma_wait3A_126 : memref<1x64xf32, #tpu.memory_space<vmem>> -> memref<64xf32, #tpu.memory_space<vmem>>
      %dma_wait3A_128 = tpu.memref_slice %arg3[%add3A_63, %mul3A_27] : memref<65x1000000xf32, #tpu.memory_space<hbm>> -> memref<1x64xf32, #tpu.memory_space<hbm>>
      %dma_wait3A_129 = tpu.memref_squeeze %dma_wait3A_128 : memref<1x64xf32, #tpu.memory_space<hbm>> -> memref<64xf32, #tpu.memory_space<hbm>>
      tpu.wait_dma2 semaphore(%arg21 : memref<!tpu.dma_semaphore, #tpu.memory_space<semaphore_mem>>) src(%dma_wait3A_129 : memref<64xf32, #tpu.memory_space<hbm>>) dst(%dma_wait3A_127 : memref<64xf32, #tpu.memory_space<vmem>>)
      %dma_wait3A_130 = arith.constant 2 : i32
      %dma_wait3A_131 = arith.constant 0 : i32
      %dma_wait3A_132 = tpu.memref_slice %arg13[%dma_wait3A_130, %dma_wait3A_131] : memref<4x64xf32, #tpu.memory_space<vmem>> -> memref<1x64xf32, #tpu.memory_space<vmem>>
      %dma_wait3A_133 = tpu.memref_squeeze %dma_wait3A_132 : memref<1x64xf32, #tpu.memory_space<vmem>> -> memref<64xf32, #tpu.memory_space<vmem>>
      %dma_wait3A_134 = tpu.memref_slice %arg3[%add3A_76, %mul3A_27] : memref<65x1000000xf32, #tpu.memory_space<hbm>> -> memref<1x64xf32, #tpu.memory_space<hbm>>
      %dma_wait3A_135 = tpu.memref_squeeze %dma_wait3A_134 : memref<1x64xf32, #tpu.memory_space<hbm>> -> memref<64xf32, #tpu.memory_space<hbm>>
      %dma_wait3A_136 = arith.constant 0 : i32
      %dma_wait3A_137 = tpu.memref_slice %arg13[%dma_wait3A_130, %dma_wait3A_136] : memref<4x64xf32, #tpu.memory_space<vmem>> -> memref<1x64xf32, #tpu.memory_space<vmem>>
      %dma_wait3A_138 = tpu.memref_squeeze %dma_wait3A_137 : memref<1x64xf32, #tpu.memory_space<vmem>> -> memref<64xf32, #tpu.memory_space<vmem>>
      %dma_wait3A_139 = tpu.memref_slice %arg3[%add3A_76, %mul3A_27] : memref<65x1000000xf32, #tpu.memory_space<hbm>> -> memref<1x64xf32, #tpu.memory_space<hbm>>
      %dma_wait3A_140 = tpu.memref_squeeze %dma_wait3A_139 : memref<1x64xf32, #tpu.memory_space<hbm>> -> memref<64xf32, #tpu.memory_space<hbm>>
      tpu.wait_dma2 semaphore(%arg21 : memref<!tpu.dma_semaphore, #tpu.memory_space<semaphore_mem>>) src(%dma_wait3A_140 : memref<64xf32, #tpu.memory_space<hbm>>) dst(%dma_wait3A_138 : memref<64xf32, #tpu.memory_space<vmem>>)
      %dma_wait3A_141 = arith.constant 3 : i32
      %dma_wait3A_142 = arith.constant 0 : i32
      %dma_wait3A_143 = tpu.memref_slice %arg13[%dma_wait3A_141, %dma_wait3A_142] : memref<4x64xf32, #tpu.memory_space<vmem>> -> memref<1x64xf32, #tpu.memory_space<vmem>>
      %dma_wait3A_144 = tpu.memref_squeeze %dma_wait3A_143 : memref<1x64xf32, #tpu.memory_space<vmem>> -> memref<64xf32, #tpu.memory_space<vmem>>
      %dma_wait3A_145 = tpu.memref_slice %arg3[%add3A_89, %mul3A_27] : memref<65x1000000xf32, #tpu.memory_space<hbm>> -> memref<1x64xf32, #tpu.memory_space<hbm>>
      %dma_wait3A_146 = tpu.memref_squeeze %dma_wait3A_145 : memref<1x64xf32, #tpu.memory_space<hbm>> -> memref<64xf32, #tpu.memory_space<hbm>>
      %dma_wait3A_147 = arith.constant 0 : i32
      %dma_wait3A_148 = tpu.memref_slice %arg13[%dma_wait3A_141, %dma_wait3A_147] : memref<4x64xf32, #tpu.memory_space<vmem>> -> memref<1x64xf32, #tpu.memory_space<vmem>>
      %dma_wait3A_149 = tpu.memref_squeeze %dma_wait3A_148 : memref<1x64xf32, #tpu.memory_space<vmem>> -> memref<64xf32, #tpu.memory_space<vmem>>
      %dma_wait3A_150 = tpu.memref_slice %arg3[%add3A_89, %mul3A_27] : memref<65x1000000xf32, #tpu.memory_space<hbm>> -> memref<1x64xf32, #tpu.memory_space<hbm>>
      %dma_wait3A_151 = tpu.memref_squeeze %dma_wait3A_150 : memref<1x64xf32, #tpu.memory_space<hbm>> -> memref<64xf32, #tpu.memory_space<hbm>>
      tpu.wait_dma2 semaphore(%arg21 : memref<!tpu.dma_semaphore, #tpu.memory_space<semaphore_mem>>) src(%dma_wait3A_151 : memref<64xf32, #tpu.memory_space<hbm>>) dst(%dma_wait3A_149 : memref<64xf32, #tpu.memory_space<vmem>>)
      %get3A_152 = arith.constant 0 : index
      %get3A_153 = tpu.vector_load %arg12[%get3A_152] {strides = array<i32>} : memref<80xf32, #tpu.memory_space<vmem>>, vector<16xf32>,
      %add3A_154 = arith.constant 0 : i32
      %add3A_155 = vector.broadcast %add3A_154 : i32 to vector<16xi32>
      %add3A_156 = arith.addi %iota3A, %add3A_155 : vector<16xi32>
      %eq3A_157 = vector.broadcast %add3A_102 : i32 to vector<16xi32>
      %eq3A_158 = arith.cmpi eq, %add3A_156, %eq3A_157 : vector<16xi32>
      %jit3A_159 = arith.constant 0.000000e+00 : f32
      %broadcast_in_dim3A_160 = vector.broadcast %jit3A_159 : f32 to vector<16xf32>
      %select_n3A_161 = arith.select %eq3A_158, %get3A_153, %broadcast_in_dim3A_160 : vector<16xi1>, vector<16xf32>
      %reduce_sum3A = arith.constant true
      %reduce_sum3A_162 = vector.broadcast %reduce_sum3A : i1 to vector<16xi1>
      %reduce_sum3A_163 = tpu.scan <sum>, %select_n3A_161 masked %reduce_sum3A_162 : vector<16xf32>, vector<16xi1> -> vector<16xf32>
      %reduce_sum3A_164 = vector.extract %reduce_sum3A_163[15] : f32 from vector<16xf32>
      %add3A_165 = arith.constant 0.000000e+00 : f32
      %add3A_166 = arith.addf %add3A_165, %reduce_sum3A_164 : f32
      %get3A_167 = arith.constant 16 : index
      %get3A_168 = tpu.vector_load %arg12[%get3A_167] {strides = array<i32>} : memref<80xf32, #tpu.memory_space<vmem>>, vector<16xf32>,
      %add3A_169 = arith.constant 16 : i32
      %add3A_170 = vector.broadcast %add3A_169 : i32 to vector<16xi32>
      %add3A_171 = arith.addi %iota3A, %add3A_170 : vector<16xi32>
      %eq3A_172 = vector.broadcast %add3A_102 : i32 to vector<16xi32>
      %eq3A_173 = arith.cmpi eq, %add3A_171, %eq3A_172 : vector<16xi32>
      %jit3A_174 = arith.constant 0.000000e+00 : f32
      %broadcast_in_dim3A_175 = vector.broadcast %jit3A_174 : f32 to vector<16xf32>
      %select_n3A_176 = arith.select %eq3A_173, %get3A_168, %broadcast_in_dim3A_175 : vector<16xi1>, vector<16xf32>
      %reduce_sum3A_177 = arith.constant true
      %reduce_sum3A_178 = vector.broadcast %reduce_sum3A_177 : i1 to vector<16xi1>
      %reduce_sum3A_179 = tpu.scan <sum>, %select_n3A_176 masked %reduce_sum3A_178 : vector<16xf32>, vector<16xi1> -> vector<16xf32>
      %reduce_sum3A_180 = vector.extract %reduce_sum3A_179[15] : f32 from vector<16xf32>
      %add3A_181 = arith.addf %add3A_166, %reduce_sum3A_180 : f32
      %get3A_182 = arith.constant 32 : index
      %get3A_183 = tpu.vector_load %arg12[%get3A_182] {strides = array<i32>} : memref<80xf32, #tpu.memory_space<vmem>>, vector<16xf32>,
      %add3A_184 = arith.constant 32 : i32
      %add3A_185 = vector.broadcast %add3A_184 : i32 to vector<16xi32>
      %add3A_186 = arith.addi %iota3A, %add3A_185 : vector<16xi32>
      %eq3A_187 = vector.broadcast %add3A_102 : i32 to vector<16xi32>
      %eq3A_188 = arith.cmpi eq, %add3A_186, %eq3A_187 : vector<16xi32>
      %jit3A_189 = arith.constant 0.000000e+00 : f32
      %broadcast_in_dim3A_190 = vector.broadcast %jit3A_189 : f32 to vector<16xf32>
      %select_n3A_191 = arith.select %eq3A_188, %get3A_183, %broadcast_in_dim3A_190 : vector<16xi1>, vector<16xf32>
      %reduce_sum3A_192 = arith.constant true
      %reduce_sum3A_193 = vector.broadcast %reduce_sum3A_192 : i1 to vector<16xi1>
      %reduce_sum3A_194 = tpu.scan <sum>, %select_n3A_191 masked %reduce_sum3A_193 : vector<16xf32>, vector<16xi1> -> vector<16xf32>
      %reduce_sum3A_195 = vector.extract %reduce_sum3A_194[15] : f32 from vector<16xf32>
      %add3A_196 = arith.addf %add3A_181, %reduce_sum3A_195 : f32
      %get3A_197 = arith.constant 48 : index
      %get3A_198 = tpu.vector_load %arg12[%get3A_197] {strides = array<i32>} : memref<80xf32, #tpu.memory_space<vmem>>, vector<16xf32>,
      %add3A_199 = arith.constant 48 : i32
      %add3A_200 = vector.broadcast %add3A_199 : i32 to vector<16xi32>
      %add3A_201 = arith.addi %iota3A, %add3A_200 : vector<16xi32>
      %eq3A_202 = vector.broadcast %add3A_102 : i32 to vector<16xi32>
      %eq3A_203 = arith.cmpi eq, %add3A_201, %eq3A_202 : vector<16xi32>
      %jit3A_204 = arith.constant 0.000000e+00 : f32
      %broadcast_in_dim3A_205 = vector.broadcast %jit3A_204 : f32 to vector<16xf32>
      %select_n3A_206 = arith.select %eq3A_203, %get3A_198, %broadcast_in_dim3A_205 : vector<16xi1>, vector<16xf32>
      %reduce_sum3A_207 = arith.constant true
      %reduce_sum3A_208 = vector.broadcast %reduce_sum3A_207 : i1 to vector<16xi1>
      %reduce_sum3A_209 = tpu.scan <sum>, %select_n3A_206 masked %reduce_sum3A_208 : vector<16xf32>, vector<16xi1> -> vector<16xf32>
      %reduce_sum3A_210 = vector.extract %reduce_sum3A_209[15] : f32 from vector<16xf32>
      %add3A_211 = arith.addf %add3A_196, %reduce_sum3A_210 : f32
      %get3A_212 = arith.constant 64 : index
      %get3A_213 = tpu.vector_load %arg12[%get3A_212] {strides = array<i32>} : memref<80xf32, #tpu.memory_space<vmem>>, vector<16xf32>,
      %add3A_214 = arith.constant 64 : i32
      %add3A_215 = vector.broadcast %add3A_214 : i32 to vector<16xi32>
      %add3A_216 = arith.addi %iota3A, %add3A_215 : vector<16xi32>
      %eq3A_217 = vector.broadcast %add3A_102 : i32 to vector<16xi32>
      %eq3A_218 = arith.cmpi eq, %add3A_216, %eq3A_217 : vector<16xi32>
      %jit3A_219 = arith.constant 0.000000e+00 : f32
      %broadcast_in_dim3A_220 = vector.broadcast %jit3A_219 : f32 to vector<16xf32>
      %select_n3A_221 = arith.select %eq3A_218, %get3A_213, %broadcast_in_dim3A_220 : vector<16xi1>, vector<16xf32>
      %reduce_sum3A_222 = arith.constant true
      %reduce_sum3A_223 = vector.broadcast %reduce_sum3A_222 : i1 to vector<16xi1>
      %reduce_sum3A_224 = tpu.scan <sum>, %select_n3A_221 masked %reduce_sum3A_223 : vector<16xf32>, vector<16xi1> -> vector<16xf32>
      %reduce_sum3A_225 = vector.extract %reduce_sum3A_224[15] : f32 from vector<16xf32>
      %add3A_226 = arith.addf %add3A_211, %reduce_sum3A_225 : f32
      %get3A_227 = arith.constant 0 : i32
      %get3A_228 = arith.index_cast %get3A_227 : i32 to index
      %get3A_229 = arith.constant 0 : index
      %get3A_230 = tpu.vector_load %arg13[%get3A_228, %get3A_229] {strides = array<i32>} : memref<4x64xf32, #tpu.memory_space<vmem>>, vector<16xf32>,
      %add3A_231 = arith.constant 0 : i32
      %add3A_232 = vector.broadcast %add3A_231 : i32 to vector<16xi32>
      %add3A_233 = arith.addi %iota3A, %add3A_232 : vector<16xi32>
      %eq3A_234 = vector.broadcast %sub3A_28 : i32 to vector<16xi32>
      %eq3A_235 = arith.cmpi eq, %add3A_233, %eq3A_234 : vector<16xi32>
      %jit3A_236 = arith.constant 0.000000e+00 : f32
      %broadcast_in_dim3A_237 = vector.broadcast %jit3A_236 : f32 to vector<16xf32>
      %select_n3A_238 = arith.select %eq3A_235, %get3A_230, %broadcast_in_dim3A_237 : vector<16xi1>, vector<16xf32>
      %reduce_sum3A_239 = arith.constant true
      %reduce_sum3A_240 = vector.broadcast %reduce_sum3A_239 : i1 to vector<16xi1>
      %reduce_sum3A_241 = tpu.scan <sum>, %select_n3A_238 masked %reduce_sum3A_240 : vector<16xf32>, vector<16xi1> -> vector<16xf32>
      %reduce_sum3A_242 = vector.extract %reduce_sum3A_241[15] : f32 from vector<16xf32>
      %add3A_243 = arith.constant 0.000000e+00 : f32
      %add3A_244 = arith.addf %add3A_243, %reduce_sum3A_242 : f32
      %get3A_245 = arith.constant 0 : i32
      %get3A_246 = arith.index_cast %get3A_245 : i32 to index
      %get3A_247 = arith.constant 16 : index
      %get3A_248 = tpu.vector_load %arg13[%get3A_246, %get3A_247] {strides = array<i32>} : memref<4x64xf32, #tpu.memory_space<vmem>>, vector<16xf32>,
      %add3A_249 = arith.constant 16 : i32
      %add3A_250 = vector.broadcast %add3A_249 : i32 to vector<16xi32>
      %add3A_251 = arith.addi %iota3A, %add3A_250 : vector<16xi32>
      %eq3A_252 = vector.broadcast %sub3A_28 : i32 to vector<16xi32>
      %eq3A_253 = arith.cmpi eq, %add3A_251, %eq3A_252 : vector<16xi32>
      %jit3A_254 = arith.constant 0.000000e+00 : f32
      %broadcast_in_dim3A_255 = vector.broadcast %jit3A_254 : f32 to vector<16xf32>
      %select_n3A_256 = arith.select %eq3A_253, %get3A_248, %broadcast_in_dim3A_255 : vector<16xi1>, vector<16xf32>
      %reduce_sum3A_257 = arith.constant true
      %reduce_sum3A_258 = vector.broadcast %reduce_sum3A_257 : i1 to vector<16xi1>
      %reduce_sum3A_259 = tpu.scan <sum>, %select_n3A_256 masked %reduce_sum3A_258 : vector<16xf32>, vector<16xi1> -> vector<16xf32>
      %reduce_sum3A_260 = vector.extract %reduce_sum3A_259[15] : f32 from vector<16xf32>
      %add3A_261 = arith.addf %add3A_244, %reduce_sum3A_260 : f32
      %get3A_262 = arith.constant 0 : i32
      %get3A_263 = arith.index_cast %get3A_262 : i32 to index
      %get3A_264 = arith.constant 32 : index
      %get3A_265 = tpu.vector_load %arg13[%get3A_263, %get3A_264] {strides = array<i32>} : memref<4x64xf32, #tpu.memory_space<vmem>>, vector<16xf32>,
      %add3A_266 = arith.constant 32 : i32
      %add3A_267 = vector.broadcast %add3A_266 : i32 to vector<16xi32>
      %add3A_268 = arith.addi %iota3A, %add3A_267 : vector<16xi32>
      %eq3A_269 = vector.broadcast %sub3A_28 : i32 to vector<16xi32>
      %eq3A_270 = arith.cmpi eq, %add3A_268, %eq3A_269 : vector<16xi32>
      %jit3A_271 = arith.constant 0.000000e+00 : f32
      %broadcast_in_dim3A_272 = vector.broadcast %jit3A_271 : f32 to vector<16xf32>
      %select_n3A_273 = arith.select %eq3A_270, %get3A_265, %broadcast_in_dim3A_272 : vector<16xi1>, vector<16xf32>
      %reduce_sum3A_274 = arith.constant true
      %reduce_sum3A_275 = vector.broadcast %reduce_sum3A_274 : i1 to vector<16xi1>
      %reduce_sum3A_276 = tpu.scan <sum>, %select_n3A_273 masked %reduce_sum3A_275 : vector<16xf32>, vector<16xi1> -> vector<16xf32>
      %reduce_sum3A_277 = vector.extract %reduce_sum3A_276[15] : f32 from vector<16xf32>
      %add3A_278 = arith.addf %add3A_261, %reduce_sum3A_277 : f32
      %get3A_279 = arith.constant 0 : i32
      %get3A_280 = arith.index_cast %get3A_279 : i32 to index
      %get3A_281 = arith.constant 48 : index
      %get3A_282 = tpu.vector_load %arg13[%get3A_280, %get3A_281] {strides = array<i32>} : memref<4x64xf32, #tpu.memory_space<vmem>>, vector<16xf32>,
      %add3A_283 = arith.constant 48 : i32
      %add3A_284 = vector.broadcast %add3A_283 : i32 to vector<16xi32>
      %add3A_285 = arith.addi %iota3A, %add3A_284 : vector<16xi32>
      %eq3A_286 = vector.broadcast %sub3A_28 : i32 to vector<16xi32>
      %eq3A_287 = arith.cmpi eq, %add3A_285, %eq3A_286 : vector<16xi32>
      %jit3A_288 = arith.constant 0.000000e+00 : f32
      %broadcast_in_dim3A_289 = vector.broadcast %jit3A_288 : f32 to vector<16xf32>
      %select_n3A_290 = arith.select %eq3A_287, %get3A_282, %broadcast_in_dim3A_289 : vector<16xi1>, vector<16xf32>
      %reduce_sum3A_291 = arith.constant true
      %reduce_sum3A_292 = vector.broadcast %reduce_sum3A_291 : i1 to vector<16xi1>
      %reduce_sum3A_293 = tpu.scan <sum>, %select_n3A_290 masked %reduce_sum3A_292 : vector<16xf32>, vector<16xi1> -> vector<16xf32>
      %reduce_sum3A_294 = vector.extract %reduce_sum3A_293[15] : f32 from vector<16xf32>
      %add3A_295 = arith.addf %add3A_278, %reduce_sum3A_294 : f32
      %dma_wait3A_296 = arith.constant 0 : i32
      %dma_wait3A_297 = tpu.memref_slice %arg2[%add3A_102, %dma_wait3A_296] : memref<65x100000xf32, #tpu.memory_space<hbm>> -> memref<1x100000xf32, #tpu.memory_space<hbm>>
      %dma_wait3A_298 = tpu.memref_squeeze %dma_wait3A_297 : memref<1x100000xf32, #tpu.memory_space<hbm>> -> memref<100000xf32, #tpu.memory_space<hbm>>
      %dma_wait3A_299 = arith.constant 0 : i32
      %dma_wait3A_300 = tpu.memref_slice %arg2[%add3A_102, %dma_wait3A_299] : memref<65x100000xf32, #tpu.memory_space<hbm>> -> memref<1x100000xf32, #tpu.memory_space<hbm>>
      %dma_wait3A_301 = tpu.memref_squeeze %dma_wait3A_300 : memref<1x100000xf32, #tpu.memory_space<hbm>> -> memref<100000xf32, #tpu.memory_space<hbm>>
      tpu.wait_dma2 semaphore(%arg20 : memref<!tpu.dma_semaphore, #tpu.memory_space<semaphore_mem>>) src(%dma_wait3A_301 : memref<100000xf32, #tpu.memory_space<hbm>>) dst(%arg14 : memref<100000xf32, #tpu.memory_space<vmem>>)
      %eq3A_302 = arith.constant 14 : i32
      %eq3A_303 = vector.broadcast %eq3A_302 : i32 to vector<16xi32>
      %eq3A_304 = arith.cmpi eq, %iota3A, %eq3A_303 : vector<16xi32>
      %jit3A_305 = arith.constant 0.000000e+00 : f32
      %broadcast_in_dim3A_306 = vector.broadcast %add3A_226 : f32 to vector<16xf32>
      %broadcast_in_dim3A_307 = vector.broadcast %jit3A_305 : f32 to vector<16xf32>
      %select_n3A_308 = arith.select %eq3A_304, %broadcast_in_dim3A_306, %broadcast_in_dim3A_307 : vector<16xi1>, vector<16xf32>
      %eq3A_309 = arith.constant 15 : i32
      %eq3A_310 = vector.broadcast %eq3A_309 : i32 to vector<16xi32>
      %eq3A_311 = arith.cmpi eq, %iota3A, %eq3A_310 : vector<16xi32>
      %jit3A_312 = arith.constant 0.000000e+00 : f32
      %broadcast_in_dim3A_313 = vector.broadcast %add3A_295 : f32 to vector<16xf32>
      %broadcast_in_dim3A_314 = vector.broadcast %jit3A_312 : f32 to vector<16xf32>
      %select_n3A_315 = arith.select %eq3A_311, %broadcast_in_dim3A_313, %broadcast_in_dim3A_314 : vector<16xi1>, vector<16xf32>
      %add3A_316 = arith.addf %select_n3A_308, %select_n3A_315 : vector<16xf32>
      %swap3A_317 = arith.constant 0 : i32
      %swap3A_318 = arith.index_cast %swap3A_317 : i32 to index
      %swap3A_319 = arith.constant 0 : index
      %swap3A_320 = tpu.vector_load %arg15[%swap3A_318, %swap3A_319] {strides = array<i32>} : memref<2x256xf32, #tpu.memory_space<vmem>>, vector<16xf32>,
      tpu.vector_store %arg15[%swap3A_318, %swap3A_319], %add3A_316 {strides = array<i32>} : memref<2x256xf32, #tpu.memory_space<vmem>>, vector<16xf32>,
      %get3A_321 = arith.constant 0 : index
      %get3A_322 = tpu.vector_load %arg10[%get3A_321] {strides = array<i32>} : memref<208xi32, #tpu.memory_space<vmem>>, vector<16xi32>,
      %gather3A = tpu.vector_load_idx %arg14[%get3A_322] : memref<100000xf32, #tpu.memory_space<vmem>>[vector<16xi32>], vector<16xf32>,
      %add3A_323 = arith.constant 0 : i32
      %add3A_324 = vector.broadcast %add3A_323 : i32 to vector<16xi32>
      %add3A_325 = arith.addi %iota3A, %add3A_324 : vector<16xi32>
      %lt3A_326 = arith.constant 200 : i32
      %lt3A_327 = vector.broadcast %lt3A_326 : i32 to vector<16xi32>
      %lt3A_328 = arith.cmpi slt, %add3A_325, %lt3A_327 : vector<16xi32>
      %jit3A_329 = arith.constant 0.000000e+00 : f32
      %broadcast_in_dim3A_330 = vector.broadcast %jit3A_329 : f32 to vector<16xf32>
      %select_n3A_331 = arith.select %lt3A_328, %gather3A, %broadcast_in_dim3A_330 : vector<16xi1>, vector<16xf32>
      %reduce_sum3A_332 = arith.constant true
      %reduce_sum3A_333 = vector.broadcast %reduce_sum3A_332 : i1 to vector<16xi1>
      %reduce_sum3A_334 = tpu.scan <sum>, %select_n3A_331 masked %reduce_sum3A_333 : vector<16xf32>, vector<16xi1> -> vector<16xf32>
      %reduce_sum3A_335 = vector.extract %reduce_sum3A_334[15] : f32 from vector<16xf32>
      %add3A_336 = arith.constant 0.000000e+00 : f32
      %add3A_337 = arith.addf %add3A_336, %reduce_sum3A_335 : f32
      %swap3A_338 = arith.constant 0 : i32
      %swap3A_339 = arith.index_cast %swap3A_338 : i32 to index
      %swap3A_340 = arith.constant 16 : index
      %swap3A_341 = tpu.vector_load %arg15[%swap3A_339, %swap3A_340] {strides = array<i32>} : memref<2x256xf32, #tpu.memory_space<vmem>>, vector<16xf32>,
      tpu.vector_store %arg15[%swap3A_339, %swap3A_340], %gather3A {strides = array<i32>} : memref<2x256xf32, #tpu.memory_space<vmem>>, vector<16xf32>,
      %get3A_342 = arith.constant 16 : index
      %get3A_343 = tpu.vector_load %arg10[%get3A_342] {strides = array<i32>} : memref<208xi32, #tpu.memory_space<vmem>>, vector<16xi32>,
      %gather3A_344 = tpu.vector_load_idx %arg14[%get3A_343] : memref<100000xf32, #tpu.memory_space<vmem>>[vector<16xi32>], vector<16xf32>,
      %add3A_345 = arith.constant 16 : i32
      %add3A_346 = vector.broadcast %add3A_345 : i32 to vector<16xi32>
      %add3A_347 = arith.addi %iota3A, %add3A_346 : vector<16xi32>
      %lt3A_348 = arith.constant 200 : i32
      %lt3A_349 = vector.broadcast %lt3A_348 : i32 to vector<16xi32>
      %lt3A_350 = arith.cmpi slt, %add3A_347, %lt3A_349 : vector<16xi32>
      %jit3A_351 = arith.constant 0.000000e+00 : f32
      %broadcast_in_dim3A_352 = vector.broadcast %jit3A_351 : f32 to vector<16xf32>
      %select_n3A_353 = arith.select %lt3A_350, %gather3A_344, %broadcast_in_dim3A_352 : vector<16xi1>, vector<16xf32>
      %reduce_sum3A_354 = arith.constant true
      %reduce_sum3A_355 = vector.broadcast %reduce_sum3A_354 : i1 to vector<16xi1>
      %reduce_sum3A_356 = tpu.scan <sum>, %select_n3A_353 masked %reduce_sum3A_355 : vector<16xf32>, vector<16xi1> -> vector<16xf32>
      %reduce_sum3A_357 = vector.extract %reduce_sum3A_356[15] : f32 from vector<16xf32>
      %add3A_358 = arith.addf %add3A_337, %reduce_sum3A_357 : f32
      %swap3A_359 = arith.constant 0 : i32
      %swap3A_360 = arith.index_cast %swap3A_359 : i32 to index
      %swap3A_361 = arith.constant 32 : index
      %swap3A_362 = tpu.vector_load %arg15[%swap3A_360, %swap3A_361] {strides = array<i32>} : memref<2x256xf32, #tpu.memory_space<vmem>>, vector<16xf32>,
      tpu.vector_store %arg15[%swap3A_360, %swap3A_361], %gather3A_344 {strides = array<i32>} : memref<2x256xf32, #tpu.memory_space<vmem>>, vector<16xf32>,
      %get3A_363 = arith.constant 32 : index
      %get3A_364 = tpu.vector_load %arg10[%get3A_363] {strides = array<i32>} : memref<208xi32, #tpu.memory_space<vmem>>, vector<16xi32>,
      %gather3A_365 = tpu.vector_load_idx %arg14[%get3A_364] : memref<100000xf32, #tpu.memory_space<vmem>>[vector<16xi32>], vector<16xf32>,
      %add3A_366 = arith.constant 32 : i32
      %add3A_367 = vector.broadcast %add3A_366 : i32 to vector<16xi32>
      %add3A_368 = arith.addi %iota3A, %add3A_367 : vector<16xi32>
      %lt3A_369 = arith.constant 200 : i32
      %lt3A_370 = vector.broadcast %lt3A_369 : i32 to vector<16xi32>
      %lt3A_371 = arith.cmpi slt, %add3A_368, %lt3A_370 : vector<16xi32>
      %jit3A_372 = arith.constant 0.000000e+00 : f32
      %broadcast_in_dim3A_373 = vector.broadcast %jit3A_372 : f32 to vector<16xf32>
      %select_n3A_374 = arith.select %lt3A_371, %gather3A_365, %broadcast_in_dim3A_373 : vector<16xi1>, vector<16xf32>
      %reduce_sum3A_375 = arith.constant true
      %reduce_sum3A_376 = vector.broadcast %reduce_sum3A_375 : i1 to vector<16xi1>
      %reduce_sum3A_377 = tpu.scan <sum>, %select_n3A_374 masked %reduce_sum3A_376 : vector<16xf32>, vector<16xi1> -> vector<16xf32>
      %reduce_sum3A_378 = vector.extract %reduce_sum3A_377[15] : f32 from vector<16xf32>
      %add3A_379 = arith.addf %add3A_358, %reduce_sum3A_378 : f32
      %swap3A_380 = arith.constant 0 : i32
      %swap3A_381 = arith.index_cast %swap3A_380 : i32 to index
      %swap3A_382 = arith.constant 48 : index
      %swap3A_383 = tpu.vector_load %arg15[%swap3A_381, %swap3A_382] {strides = array<i32>} : memref<2x256xf32, #tpu.memory_space<vmem>>, vector<16xf32>,
      tpu.vector_store %arg15[%swap3A_381, %swap3A_382], %gather3A_365 {strides = array<i32>} : memref<2x256xf32, #tpu.memory_space<vmem>>, vector<16xf32>,
      %get3A_384 = arith.constant 48 : index
      %get3A_385 = tpu.vector_load %arg10[%get3A_384] {strides = array<i32>} : memref<208xi32, #tpu.memory_space<vmem>>, vector<16xi32>,
      %gather3A_386 = tpu.vector_load_idx %arg14[%get3A_385] : memref<100000xf32, #tpu.memory_space<vmem>>[vector<16xi32>], vector<16xf32>,
      %add3A_387 = arith.constant 48 : i32
      %add3A_388 = vector.broadcast %add3A_387 : i32 to vector<16xi32>
      %add3A_389 = arith.addi %iota3A, %add3A_388 : vector<16xi32>
      %lt3A_390 = arith.constant 200 : i32
      %lt3A_391 = vector.broadcast %lt3A_390 : i32 to vector<16xi32>
      %lt3A_392 = arith.cmpi slt, %add3A_389, %lt3A_391 : vector<16xi32>
      %jit3A_393 = arith.constant 0.000000e+00 : f32
      %broadcast_in_dim3A_394 = vector.broadcast %jit3A_393 : f32 to vector<16xf32>
      %select_n3A_395 = arith.select %lt3A_392, %gather3A_386, %broadcast_in_dim3A_394 : vector<16xi1>, vector<16xf32>
      %reduce_sum3A_396 = arith.constant true
      %reduce_sum3A_397 = vector.broadcast %reduce_sum3A_396 : i1 to vector<16xi1>
      %reduce_sum3A_398 = tpu.scan <sum>, %select_n3A_395 masked %reduce_sum3A_397 : vector<16xf32>, vector<16xi1> -> vector<16xf32>
      %reduce_sum3A_399 = vector.extract %reduce_sum3A_398[15] : f32 from vector<16xf32>
      %add3A_400 = arith.addf %add3A_379, %reduce_sum3A_399 : f32
      %swap3A_401 = arith.constant 0 : i32
      %swap3A_402 = arith.index_cast %swap3A_401 : i32 to index
      %swap3A_403 = arith.constant 64 : index
      %swap3A_404 = tpu.vector_load %arg15[%swap3A_402, %swap3A_403] {strides = array<i32>} : memref<2x256xf32, #tpu.memory_space<vmem>>, vector<16xf32>,
      tpu.vector_store %arg15[%swap3A_402, %swap3A_403], %gather3A_386 {strides = array<i32>} : memref<2x256xf32, #tpu.memory_space<vmem>>, vector<16xf32>,
      %get3A_405 = arith.constant 64 : index
      %get3A_406 = tpu.vector_load %arg10[%get3A_405] {strides = array<i32>} : memref<208xi32, #tpu.memory_space<vmem>>, vector<16xi32>,
      %gather3A_407 = tpu.vector_load_idx %arg14[%get3A_406] : memref<100000xf32, #tpu.memory_space<vmem>>[vector<16xi32>], vector<16xf32>,
      %add3A_408 = arith.constant 64 : i32
      %add3A_409 = vector.broadcast %add3A_408 : i32 to vector<16xi32>
      %add3A_410 = arith.addi %iota3A, %add3A_409 : vector<16xi32>
      %lt3A_411 = arith.constant 200 : i32
      %lt3A_412 = vector.broadcast %lt3A_411 : i32 to vector<16xi32>
      %lt3A_413 = arith.cmpi slt, %add3A_410, %lt3A_412 : vector<16xi32>
      %jit3A_414 = arith.constant 0.000000e+00 : f32
      %broadcast_in_dim3A_415 = vector.broadcast %jit3A_414 : f32 to vector<16xf32>
      %select_n3A_416 = arith.select %lt3A_413, %gather3A_407, %broadcast_in_dim3A_415 : vector<16xi1>, vector<16xf32>
      %reduce_sum3A_417 = arith.constant true
      %reduce_sum3A_418 = vector.broadcast %reduce_sum3A_417 : i1 to vector<16xi1>
      %reduce_sum3A_419 = tpu.scan <sum>, %select_n3A_416 masked %reduce_sum3A_418 : vector<16xf32>, vector<16xi1> -> vector<16xf32>
      %reduce_sum3A_420 = vector.extract %reduce_sum3A_419[15] : f32 from vector<16xf32>
      %add3A_421 = arith.addf %add3A_400, %reduce_sum3A_420 : f32
      %swap3A_422 = arith.constant 0 : i32
      %swap3A_423 = arith.index_cast %swap3A_422 : i32 to index
      %swap3A_424 = arith.constant 80 : index
      %swap3A_425 = tpu.vector_load %arg15[%swap3A_423, %swap3A_424] {strides = array<i32>} : memref<2x256xf32, #tpu.memory_space<vmem>>, vector<16xf32>,
      tpu.vector_store %arg15[%swap3A_423, %swap3A_424], %gather3A_407 {strides = array<i32>} : memref<2x256xf32, #tpu.memory_space<vmem>>, vector<16xf32>,
      %get3A_426 = arith.constant 80 : index
      %get3A_427 = tpu.vector_load %arg10[%get3A_426] {strides = array<i32>} : memref<208xi32, #tpu.memory_space<vmem>>, vector<16xi32>,
      %gather3A_428 = tpu.vector_load_idx %arg14[%get3A_427] : memref<100000xf32, #tpu.memory_space<vmem>>[vector<16xi32>], vector<16xf32>,
      %add3A_429 = arith.constant 80 : i32
      %add3A_430 = vector.broadcast %add3A_429 : i32 to vector<16xi32>
      %add3A_431 = arith.addi %iota3A, %add3A_430 : vector<16xi32>
      %lt3A_432 = arith.constant 200 : i32
      %lt3A_433 = vector.broadcast %lt3A_432 : i32 to vector<16xi32>
      %lt3A_434 = arith.cmpi slt, %add3A_431, %lt3A_433 : vector<16xi32>
      %jit3A_435 = arith.constant 0.000000e+00 : f32
      %broadcast_in_dim3A_436 = vector.broadcast %jit3A_435 : f32 to vector<16xf32>
      %select_n3A_437 = arith.select %lt3A_434, %gather3A_428, %broadcast_in_dim3A_436 : vector<16xi1>, vector<16xf32>
      %reduce_sum3A_438 = arith.constant true
      %reduce_sum3A_439 = vector.broadcast %reduce_sum3A_438 : i1 to vector<16xi1>
      %reduce_sum3A_440 = tpu.scan <sum>, %select_n3A_437 masked %reduce_sum3A_439 : vector<16xf32>, vector<16xi1> -> vector<16xf32>
      %reduce_sum3A_441 = vector.extract %reduce_sum3A_440[15] : f32 from vector<16xf32>
      %add3A_442 = arith.addf %add3A_421, %reduce_sum3A_441 : f32
      %swap3A_443 = arith.constant 0 : i32
      %swap3A_444 = arith.index_cast %swap3A_443 : i32 to index
      %swap3A_445 = arith.constant 96 : index
      %swap3A_446 = tpu.vector_load %arg15[%swap3A_444, %swap3A_445] {strides = array<i32>} : memref<2x256xf32, #tpu.memory_space<vmem>>, vector<16xf32>,
      tpu.vector_store %arg15[%swap3A_444, %swap3A_445], %gather3A_428 {strides = array<i32>} : memref<2x256xf32, #tpu.memory_space<vmem>>, vector<16xf32>,
      %get3A_447 = arith.constant 96 : index
      %get3A_448 = tpu.vector_load %arg10[%get3A_447] {strides = array<i32>} : memref<208xi32, #tpu.memory_space<vmem>>, vector<16xi32>,
      %gather3A_449 = tpu.vector_load_idx %arg14[%get3A_448] : memref<100000xf32, #tpu.memory_space<vmem>>[vector<16xi32>], vector<16xf32>,
      %add3A_450 = arith.constant 96 : i32
      %add3A_451 = vector.broadcast %add3A_450 : i32 to vector<16xi32>
      %add3A_452 = arith.addi %iota3A, %add3A_451 : vector<16xi32>
      %lt3A_453 = arith.constant 200 : i32
      %lt3A_454 = vector.broadcast %lt3A_453 : i32 to vector<16xi32>
      %lt3A_455 = arith.cmpi slt, %add3A_452, %lt3A_454 : vector<16xi32>
      %jit3A_456 = arith.constant 0.000000e+00 : f32
      %broadcast_in_dim3A_457 = vector.broadcast %jit3A_456 : f32 to vector<16xf32>
      %select_n3A_458 = arith.select %lt3A_455, %gather3A_449, %broadcast_in_dim3A_457 : vector<16xi1>, vector<16xf32>
      %reduce_sum3A_459 = arith.constant true
      %reduce_sum3A_460 = vector.broadcast %reduce_sum3A_459 : i1 to vector<16xi1>
      %reduce_sum3A_461 = tpu.scan <sum>, %select_n3A_458 masked %reduce_sum3A_460 : vector<16xf32>, vector<16xi1> -> vector<16xf32>
      %reduce_sum3A_462 = vector.extract %reduce_sum3A_461[15] : f32 from vector<16xf32>
      %add3A_463 = arith.addf %add3A_442, %reduce_sum3A_462 : f32
      %swap3A_464 = arith.constant 0 : i32
      %swap3A_465 = arith.index_cast %swap3A_464 : i32 to index
      %swap3A_466 = arith.constant 112 : index
      %swap3A_467 = tpu.vector_load %arg15[%swap3A_465, %swap3A_466] {strides = array<i32>} : memref<2x256xf32, #tpu.memory_space<vmem>>, vector<16xf32>,
      tpu.vector_store %arg15[%swap3A_465, %swap3A_466], %gather3A_449 {strides = array<i32>} : memref<2x256xf32, #tpu.memory_space<vmem>>, vector<16xf32>,
      %get3A_468 = arith.constant 112 : index
      %get3A_469 = tpu.vector_load %arg10[%get3A_468] {strides = array<i32>} : memref<208xi32, #tpu.memory_space<vmem>>, vector<16xi32>,
      %gather3A_470 = tpu.vector_load_idx %arg14[%get3A_469] : memref<100000xf32, #tpu.memory_space<vmem>>[vector<16xi32>], vector<16xf32>,
      %add3A_471 = arith.constant 112 : i32
      %add3A_472 = vector.broadcast %add3A_471 : i32 to vector<16xi32>
      %add3A_473 = arith.addi %iota3A, %add3A_472 : vector<16xi32>
      %lt3A_474 = arith.constant 200 : i32
      %lt3A_475 = vector.broadcast %lt3A_474 : i32 to vector<16xi32>
      %lt3A_476 = arith.cmpi slt, %add3A_473, %lt3A_475 : vector<16xi32>
      %jit3A_477 = arith.constant 0.000000e+00 : f32
      %broadcast_in_dim3A_478 = vector.broadcast %jit3A_477 : f32 to vector<16xf32>
      %select_n3A_479 = arith.select %lt3A_476, %gather3A_470, %broadcast_in_dim3A_478 : vector<16xi1>, vector<16xf32>
      %reduce_sum3A_480 = arith.constant true
      %reduce_sum3A_481 = vector.broadcast %reduce_sum3A_480 : i1 to vector<16xi1>
      %reduce_sum3A_482 = tpu.scan <sum>, %select_n3A_479 masked %reduce_sum3A_481 : vector<16xf32>, vector<16xi1> -> vector<16xf32>
      %reduce_sum3A_483 = vector.extract %reduce_sum3A_482[15] : f32 from vector<16xf32>
      %add3A_484 = arith.addf %add3A_463, %reduce_sum3A_483 : f32
      %swap3A_485 = arith.constant 0 : i32
      %swap3A_486 = arith.index_cast %swap3A_485 : i32 to index
      %swap3A_487 = arith.constant 128 : index
      %swap3A_488 = tpu.vector_load %arg15[%swap3A_486, %swap3A_487] {strides = array<i32>} : memref<2x256xf32, #tpu.memory_space<vmem>>, vector<16xf32>,
      tpu.vector_store %arg15[%swap3A_486, %swap3A_487], %gather3A_470 {strides = array<i32>} : memref<2x256xf32, #tpu.memory_space<vmem>>, vector<16xf32>,
      %get3A_489 = arith.constant 128 : index
      %get3A_490 = tpu.vector_load %arg10[%get3A_489] {strides = array<i32>} : memref<208xi32, #tpu.memory_space<vmem>>, vector<16xi32>,
      %gather3A_491 = tpu.vector_load_idx %arg14[%get3A_490] : memref<100000xf32, #tpu.memory_space<vmem>>[vector<16xi32>], vector<16xf32>,
      %add3A_492 = arith.constant 128 : i32
      %add3A_493 = vector.broadcast %add3A_492 : i32 to vector<16xi32>
      %add3A_494 = arith.addi %iota3A, %add3A_493 : vector<16xi32>
      %lt3A_495 = arith.constant 200 : i32
      %lt3A_496 = vector.broadcast %lt3A_495 : i32 to vector<16xi32>
      %lt3A_497 = arith.cmpi slt, %add3A_494, %lt3A_496 : vector<16xi32>
      %jit3A_498 = arith.constant 0.000000e+00 : f32
      %broadcast_in_dim3A_499 = vector.broadcast %jit3A_498 : f32 to vector<16xf32>
      %select_n3A_500 = arith.select %lt3A_497, %gather3A_491, %broadcast_in_dim3A_499 : vector<16xi1>, vector<16xf32>
      %reduce_sum3A_501 = arith.constant true
      %reduce_sum3A_502 = vector.broadcast %reduce_sum3A_501 : i1 to vector<16xi1>
      %reduce_sum3A_503 = tpu.scan <sum>, %select_n3A_500 masked %reduce_sum3A_502 : vector<16xf32>, vector<16xi1> -> vector<16xf32>
      %reduce_sum3A_504 = vector.extract %reduce_sum3A_503[15] : f32 from vector<16xf32>
      %add3A_505 = arith.addf %add3A_484, %reduce_sum3A_504 : f32
      %swap3A_506 = arith.constant 0 : i32
      %swap3A_507 = arith.index_cast %swap3A_506 : i32 to index
      %swap3A_508 = arith.constant 144 : index
      %swap3A_509 = tpu.vector_load %arg15[%swap3A_507, %swap3A_508] {strides = array<i32>} : memref<2x256xf32, #tpu.memory_space<vmem>>, vector<16xf32>,
      tpu.vector_store %arg15[%swap3A_507, %swap3A_508], %gather3A_491 {strides = array<i32>} : memref<2x256xf32, #tpu.memory_space<vmem>>, vector<16xf32>,
      %get3A_510 = arith.constant 144 : index
      %get3A_511 = tpu.vector_load %arg10[%get3A_510] {strides = array<i32>} : memref<208xi32, #tpu.memory_space<vmem>>, vector<16xi32>,
      %gather3A_512 = tpu.vector_load_idx %arg14[%get3A_511] : memref<100000xf32, #tpu.memory_space<vmem>>[vector<16xi32>], vector<16xf32>,
      %add3A_513 = arith.constant 144 : i32
      %add3A_514 = vector.broadcast %add3A_513 : i32 to vector<16xi32>
      %add3A_515 = arith.addi %iota3A, %add3A_514 : vector<16xi32>
      %lt3A_516 = arith.constant 200 : i32
      %lt3A_517 = vector.broadcast %lt3A_516 : i32 to vector<16xi32>
      %lt3A_518 = arith.cmpi slt, %add3A_515, %lt3A_517 : vector<16xi32>
      %jit3A_519 = arith.constant 0.000000e+00 : f32
      %broadcast_in_dim3A_520 = vector.broadcast %jit3A_519 : f32 to vector<16xf32>
      %select_n3A_521 = arith.select %lt3A_518, %gather3A_512, %broadcast_in_dim3A_520 : vector<16xi1>, vector<16xf32>
      %reduce_sum3A_522 = arith.constant true
      %reduce_sum3A_523 = vector.broadcast %reduce_sum3A_522 : i1 to vector<16xi1>
      %reduce_sum3A_524 = tpu.scan <sum>, %select_n3A_521 masked %reduce_sum3A_523 : vector<16xf32>, vector<16xi1> -> vector<16xf32>
      %reduce_sum3A_525 = vector.extract %reduce_sum3A_524[15] : f32 from vector<16xf32>
      %add3A_526 = arith.addf %add3A_505, %reduce_sum3A_525 : f32
      %swap3A_527 = arith.constant 0 : i32
      %swap3A_528 = arith.index_cast %swap3A_527 : i32 to index
      %swap3A_529 = arith.constant 160 : index
      %swap3A_530 = tpu.vector_load %arg15[%swap3A_528, %swap3A_529] {strides = array<i32>} : memref<2x256xf32, #tpu.memory_space<vmem>>, vector<16xf32>,
      tpu.vector_store %arg15[%swap3A_528, %swap3A_529], %gather3A_512 {strides = array<i32>} : memref<2x256xf32, #tpu.memory_space<vmem>>, vector<16xf32>,
      %get3A_531 = arith.constant 160 : index
      %get3A_532 = tpu.vector_load %arg10[%get3A_531] {strides = array<i32>} : memref<208xi32, #tpu.memory_space<vmem>>, vector<16xi32>,
      %gather3A_533 = tpu.vector_load_idx %arg14[%get3A_532] : memref<100000xf32, #tpu.memory_space<vmem>>[vector<16xi32>], vector<16xf32>,
      %add3A_534 = arith.constant 160 : i32
      %add3A_535 = vector.broadcast %add3A_534 : i32 to vector<16xi32>
      %add3A_536 = arith.addi %iota3A, %add3A_535 : vector<16xi32>
      %lt3A_537 = arith.constant 200 : i32
      %lt3A_538 = vector.broadcast %lt3A_537 : i32 to vector<16xi32>
      %lt3A_539 = arith.cmpi slt, %add3A_536, %lt3A_538 : vector<16xi32>
      %jit3A_540 = arith.constant 0.000000e+00 : f32
      %broadcast_in_dim3A_541 = vector.broadcast %jit3A_540 : f32 to vector<16xf32>
      %select_n3A_542 = arith.select %lt3A_539, %gather3A_533, %broadcast_in_dim3A_541 : vector<16xi1>, vector<16xf32>
      %reduce_sum3A_543 = arith.constant true
      %reduce_sum3A_544 = vector.broadcast %reduce_sum3A_543 : i1 to vector<16xi1>
      %reduce_sum3A_545 = tpu.scan <sum>, %select_n3A_542 masked %reduce_sum3A_544 : vector<16xf32>, vector<16xi1> -> vector<16xf32>
      %reduce_sum3A_546 = vector.extract %reduce_sum3A_545[15] : f32 from vector<16xf32>
      %add3A_547 = arith.addf %add3A_526, %reduce_sum3A_546 : f32
      %swap3A_548 = arith.constant 0 : i32
      %swap3A_549 = arith.index_cast %swap3A_548 : i32 to index
      %swap3A_550 = arith.constant 176 : index
      %swap3A_551 = tpu.vector_load %arg15[%swap3A_549, %swap3A_550] {strides = array<i32>} : memref<2x256xf32, #tpu.memory_space<vmem>>, vector<16xf32>,
      tpu.vector_store %arg15[%swap3A_549, %swap3A_550], %gather3A_533 {strides = array<i32>} : memref<2x256xf32, #tpu.memory_space<vmem>>, vector<16xf32>,
      %get3A_552 = arith.constant 176 : index
      %get3A_553 = tpu.vector_load %arg10[%get3A_552] {strides = array<i32>} : memref<208xi32, #tpu.memory_space<vmem>>, vector<16xi32>,
      %gather3A_554 = tpu.vector_load_idx %arg14[%get3A_553] : memref<100000xf32, #tpu.memory_space<vmem>>[vector<16xi32>], vector<16xf32>,
      %add3A_555 = arith.constant 176 : i32
      %add3A_556 = vector.broadcast %add3A_555 : i32 to vector<16xi32>
      %add3A_557 = arith.addi %iota3A, %add3A_556 : vector<16xi32>
      %lt3A_558 = arith.constant 200 : i32
      %lt3A_559 = vector.broadcast %lt3A_558 : i32 to vector<16xi32>
      %lt3A_560 = arith.cmpi slt, %add3A_557, %lt3A_559 : vector<16xi32>
      %jit3A_561 = arith.constant 0.000000e+00 : f32
      %broadcast_in_dim3A_562 = vector.broadcast %jit3A_561 : f32 to vector<16xf32>
      %select_n3A_563 = arith.select %lt3A_560, %gather3A_554, %broadcast_in_dim3A_562 : vector<16xi1>, vector<16xf32>
      %reduce_sum3A_564 = arith.constant true
      %reduce_sum3A_565 = vector.broadcast %reduce_sum3A_564 : i1 to vector<16xi1>
      %reduce_sum3A_566 = tpu.scan <sum>, %select_n3A_563 masked %reduce_sum3A_565 : vector<16xf32>, vector<16xi1> -> vector<16xf32>
      %reduce_sum3A_567 = vector.extract %reduce_sum3A_566[15] : f32 from vector<16xf32>
      %add3A_568 = arith.addf %add3A_547, %reduce_sum3A_567 : f32
      %swap3A_569 = arith.constant 0 : i32
      %swap3A_570 = arith.index_cast %swap3A_569 : i32 to index
      %swap3A_571 = arith.constant 192 : index
      %swap3A_572 = tpu.vector_load %arg15[%swap3A_570, %swap3A_571] {strides = array<i32>} : memref<2x256xf32, #tpu.memory_space<vmem>>, vector<16xf32>,
      tpu.vector_store %arg15[%swap3A_570, %swap3A_571], %gather3A_554 {strides = array<i32>} : memref<2x256xf32, #tpu.memory_space<vmem>>, vector<16xf32>,
      %get3A_573 = arith.constant 192 : index
      %get3A_574 = tpu.vector_load %arg10[%get3A_573] {strides = array<i32>} : memref<208xi32, #tpu.memory_space<vmem>>, vector<16xi32>,
      %gather3A_575 = tpu.vector_load_idx %arg14[%get3A_574] : memref<100000xf32, #tpu.memory_space<vmem>>[vector<16xi32>], vector<16xf32>,
      %add3A_576 = arith.constant 192 : i32
      %add3A_577 = vector.broadcast %add3A_576 : i32 to vector<16xi32>
      %add3A_578 = arith.addi %iota3A, %add3A_577 : vector<16xi32>
      %lt3A_579 = arith.constant 200 : i32
      %lt3A_580 = vector.broadcast %lt3A_579 : i32 to vector<16xi32>
      %lt3A_581 = arith.cmpi slt, %add3A_578, %lt3A_580 : vector<16xi32>
      %jit3A_582 = arith.constant 0.000000e+00 : f32
      %broadcast_in_dim3A_583 = vector.broadcast %jit3A_582 : f32 to vector<16xf32>
      %select_n3A_584 = arith.select %lt3A_581, %gather3A_575, %broadcast_in_dim3A_583 : vector<16xi1>, vector<16xf32>
      %reduce_sum3A_585 = arith.constant true
      %reduce_sum3A_586 = vector.broadcast %reduce_sum3A_585 : i1 to vector<16xi1>
      %reduce_sum3A_587 = tpu.scan <sum>, %select_n3A_584 masked %reduce_sum3A_586 : vector<16xf32>, vector<16xi1> -> vector<16xf32>
      %reduce_sum3A_588 = vector.extract %reduce_sum3A_587[15] : f32 from vector<16xf32>
      %add3A_589 = arith.addf %add3A_568, %reduce_sum3A_588 : f32
      %swap3A_590 = arith.constant 0 : i32
      %swap3A_591 = arith.index_cast %swap3A_590 : i32 to index
      %swap3A_592 = arith.constant 208 : index
      %swap3A_593 = tpu.vector_load %arg15[%swap3A_591, %swap3A_592] {strides = array<i32>} : memref<2x256xf32, #tpu.memory_space<vmem>>, vector<16xf32>,
      tpu.vector_store %arg15[%swap3A_591, %swap3A_592], %gather3A_575 {strides = array<i32>} : memref<2x256xf32, #tpu.memory_space<vmem>>, vector<16xf32>,
      %dma_start3A_594 = arith.constant 0 : i32
      %dma_start3A_595 = arith.constant 0 : i32
      %dma_start3A_596 = tpu.memref_slice %arg15[%dma_start3A_594, %dma_start3A_595] : memref<2x256xf32, #tpu.memory_space<vmem>> -> memref<1x256xf32, #tpu.memory_space<vmem>>
      %dma_start3A_597 = tpu.memref_squeeze %dma_start3A_596 : memref<1x256xf32, #tpu.memory_space<vmem>> -> memref<256xf32, #tpu.memory_space<vmem>>
      %dma_start3A_598 = arith.constant 0 : i32
      %dma_start3A_599 = tpu.memref_slice %arg8[%add3A_102, %dma_start3A_598] : memref<88x256xf32, #tpu.memory_space<hbm>> -> memref<1x256xf32, #tpu.memory_space<hbm>>
      %dma_start3A_600 = tpu.memref_squeeze %dma_start3A_599 : memref<1x256xf32, #tpu.memory_space<hbm>> -> memref<256xf32, #tpu.memory_space<hbm>>
      %dma_start3A_601 = arith.constant 0 : i32
      %dma_start3A_602 = tpu.memref_slice %arg8[%add3A_102, %dma_start3A_601] : memref<88x256xf32, #tpu.memory_space<hbm>> -> memref<1x256xf32, #tpu.memory_space<hbm>>
      %dma_start3A_603 = tpu.memref_squeeze %dma_start3A_602 : memref<1x256xf32, #tpu.memory_space<hbm>> -> memref<256xf32, #tpu.memory_space<hbm>>
      %dma_start3A_604 = arith.constant 0 : i32
      %dma_start3A_605 = tpu.memref_slice %arg15[%dma_start3A_594, %dma_start3A_604] : memref<2x256xf32, #tpu.memory_space<vmem>> -> memref<1x256xf32, #tpu.memory_space<vmem>>
      %dma_start3A_606 = tpu.memref_squeeze %dma_start3A_605 : memref<1x256xf32, #tpu.memory_space<vmem>> -> memref<256xf32, #tpu.memory_space<vmem>>
      tpu.enqueue_dma source(%dma_start3A_606 : memref<256xf32, #tpu.memory_space<vmem>>) target(%dma_start3A_603 : memref<256xf32, #tpu.memory_space<hbm>>) target_semaphore(%arg22 : memref<!tpu.dma_semaphore, #tpu.memory_space<semaphore_mem>>)
      %mul3A_607 = arith.mulf %add3A_226, %add3A_295 : f32
      %add3A_608 = arith.addf %add3A_226, %add3A_295 : f32
      %mul3A_609 = arith.mulf %add3A_608, %add3A_589 : f32
      %add3A_610 = arith.addf %mul3A_607, %mul3A_609 : f32
      %get3A_611 = arith.constant 0 : index
      %get3A_612 = tpu.vector_load %arg19[%get3A_611] {strides = array<i32>} : memref<16xf32, #tpu.memory_space<vmem>>, vector<16xf32>,
      %eq3A_613 = arith.constant 0 : i32
      %eq3A_614 = vector.broadcast %eq3A_613 : i32 to vector<16xi32>
      %eq3A_615 = arith.cmpi eq, %iota3A, %eq3A_614 : vector<16xi32>
      %jit3A_616 = arith.constant 0.000000e+00 : f32
      %broadcast_in_dim3A_617 = vector.broadcast %add3A_610 : f32 to vector<16xf32>
      %broadcast_in_dim3A_618 = vector.broadcast %jit3A_616 : f32 to vector<16xf32>
      %select_n3A_619 = arith.select %eq3A_615, %broadcast_in_dim3A_617, %broadcast_in_dim3A_618 : vector<16xi1>, vector<16xf32>
      %add3A_620 = arith.addf %get3A_612, %select_n3A_619 : vector<16xf32>
      %swap3A_621 = arith.constant 0 : index
      %swap3A_622 = tpu.vector_load %arg19[%swap3A_621] {strides = array<i32>} : memref<16xf32, #tpu.memory_space<vmem>>, vector<16xf32>,
      tpu.vector_store %arg19[%swap3A_621], %add3A_620 {strides = array<i32>} : memref<16xf32, #tpu.memory_space<vmem>>, vector<16xf32>,
      %add3A_623 = arith.constant 16 : i32
      %add3A_624 = arith.addi %arg1, %add3A_623 : i32
      %dma_start3A_625 = arith.constant 0 : i32
      %dma_start3A_626 = tpu.memref_slice %arg2[%add3A_624, %dma_start3A_625] : memref<65x100000xf32, #tpu.memory_space<hbm>> -> memref<1x100000xf32, #tpu.memory_space<hbm>>
      %dma_start3A_627 = tpu.memref_squeeze %dma_start3A_626 : memref<1x100000xf32, #tpu.memory_space<hbm>> -> memref<100000xf32, #tpu.memory_space<hbm>>
      %dma_start3A_628 = arith.constant 0 : i32
      %dma_start3A_629 = tpu.memref_slice %arg2[%add3A_624, %dma_start3A_628] : memref<65x100000xf32, #tpu.memory_space<hbm>> -> memref<1x100000xf32, #tpu.memory_space<hbm>>
      %dma_start3A_630 = tpu.memref_squeeze %dma_start3A_629 : memref<1x100000xf32, #tpu.memory_space<hbm>> -> memref<100000xf32, #tpu.memory_space<hbm>>
      tpu.enqueue_dma source(%dma_start3A_630 : memref<100000xf32, #tpu.memory_space<hbm>>) target(%arg14 : memref<100000xf32, #tpu.memory_space<vmem>>) target_semaphore(%arg20 : memref<!tpu.dma_semaphore, #tpu.memory_space<semaphore_mem>>)
      %get3A_631 = arith.constant 0 : index
      %get3A_632 = tpu.vector_load %arg12[%get3A_631] {strides = array<i32>} : memref<80xf32, #tpu.memory_space<vmem>>, vector<16xf32>,
      %add3A_633 = arith.constant 0 : i32
      %add3A_634 = vector.broadcast %add3A_633 : i32 to vector<16xi32>
      %add3A_635 = arith.addi %iota3A, %add3A_634 : vector<16xi32>
      %eq3A_636 = vector.broadcast %add3A_624 : i32 to vector<16xi32>
      %eq3A_637 = arith.cmpi eq, %add3A_635, %eq3A_636 : vector<16xi32>
      %jit3A_638 = arith.constant 0.000000e+00 : f32
      %broadcast_in_dim3A_639 = vector.broadcast %jit3A_638 : f32 to vector<16xf32>
      %select_n3A_640 = arith.select %eq3A_637, %get3A_632, %broadcast_in_dim3A_639 : vector<16xi1>, vector<16xf32>
      %reduce_sum3A_641 = arith.constant true
      %reduce_sum3A_642 = vector.broadcast %reduce_sum3A_641 : i1 to vector<16xi1>
      %reduce_sum3A_643 = tpu.scan <sum>, %select_n3A_640 masked %reduce_sum3A_642 : vector<16xf32>, vector<16xi1> -> vector<16xf32>
      %reduce_sum3A_644 = vector.extract %reduce_sum3A_643[15] : f32 from vector<16xf32>
      %add3A_645 = arith.constant 0.000000e+00 : f32
      %add3A_646 = arith.addf %add3A_645, %reduce_sum3A_644 : f32
      %get3A_647 = arith.constant 16 : index
      %get3A_648 = tpu.vector_load %arg12[%get3A_647] {strides = array<i32>} : memref<80xf32, #tpu.memory_space<vmem>>, vector<16xf32>,
      %add3A_649 = arith.constant 16 : i32
      %add3A_650 = vector.broadcast %add3A_649 : i32 to vector<16xi32>
      %add3A_651 = arith.addi %iota3A, %add3A_650 : vector<16xi32>
      %eq3A_652 = vector.broadcast %add3A_624 : i32 to vector<16xi32>
      %eq3A_653 = arith.cmpi eq, %add3A_651, %eq3A_652 : vector<16xi32>
      %jit3A_654 = arith.constant 0.000000e+00 : f32
      %broadcast_in_dim3A_655 = vector.broadcast %jit3A_654 : f32 to vector<16xf32>
      %select_n3A_656 = arith.select %eq3A_653, %get3A_648, %broadcast_in_dim3A_655 : vector<16xi1>, vector<16xf32>
      %reduce_sum3A_657 = arith.constant true
      %reduce_sum3A_658 = vector.broadcast %reduce_sum3A_657 : i1 to vector<16xi1>
      %reduce_sum3A_659 = tpu.scan <sum>, %select_n3A_656 masked %reduce_sum3A_658 : vector<16xf32>, vector<16xi1> -> vector<16xf32>
      %reduce_sum3A_660 = vector.extract %reduce_sum3A_659[15] : f32 from vector<16xf32>
      %add3A_661 = arith.addf %add3A_646, %reduce_sum3A_660 : f32
      %get3A_662 = arith.constant 32 : index
      %get3A_663 = tpu.vector_load %arg12[%get3A_662] {strides = array<i32>} : memref<80xf32, #tpu.memory_space<vmem>>, vector<16xf32>,
      %add3A_664 = arith.constant 32 : i32
      %add3A_665 = vector.broadcast %add3A_664 : i32 to vector<16xi32>
      %add3A_666 = arith.addi %iota3A, %add3A_665 : vector<16xi32>
      %eq3A_667 = vector.broadcast %add3A_624 : i32 to vector<16xi32>
      %eq3A_668 = arith.cmpi eq, %add3A_666, %eq3A_667 : vector<16xi32>
      %jit3A_669 = arith.constant 0.000000e+00 : f32
      %broadcast_in_dim3A_670 = vector.broadcast %jit3A_669 : f32 to vector<16xf32>
      %select_n3A_671 = arith.select %eq3A_668, %get3A_663, %broadcast_in_dim3A_670 : vector<16xi1>, vector<16xf32>
      %reduce_sum3A_672 = arith.constant true
      %reduce_sum3A_673 = vector.broadcast %reduce_sum3A_672 : i1 to vector<16xi1>
      %reduce_sum3A_674 = tpu.scan <sum>, %select_n3A_671 masked %reduce_sum3A_673 : vector<16xf32>, vector<16xi1> -> vector<16xf32>
      %reduce_sum3A_675 = vector.extract %reduce_sum3A_674[15] : f32 from vector<16xf32>
      %add3A_676 = arith.addf %add3A_661, %reduce_sum3A_675 : f32
      %get3A_677 = arith.constant 48 : index
      %get3A_678 = tpu.vector_load %arg12[%get3A_677] {strides = array<i32>} : memref<80xf32, #tpu.memory_space<vmem>>, vector<16xf32>,
      %add3A_679 = arith.constant 48 : i32
      %add3A_680 = vector.broadcast %add3A_679 : i32 to vector<16xi32>
      %add3A_681 = arith.addi %iota3A, %add3A_680 : vector<16xi32>
      %eq3A_682 = vector.broadcast %add3A_624 : i32 to vector<16xi32>
      %eq3A_683 = arith.cmpi eq, %add3A_681, %eq3A_682 : vector<16xi32>
      %jit3A_684 = arith.constant 0.000000e+00 : f32
      %broadcast_in_dim3A_685 = vector.broadcast %jit3A_684 : f32 to vector<16xf32>
      %select_n3A_686 = arith.select %eq3A_683, %get3A_678, %broadcast_in_dim3A_685 : vector<16xi1>, vector<16xf32>
      %reduce_sum3A_687 = arith.constant true
      %reduce_sum3A_688 = vector.broadcast %reduce_sum3A_687 : i1 to vector<16xi1>
      %reduce_sum3A_689 = tpu.scan <sum>, %select_n3A_686 masked %reduce_sum3A_688 : vector<16xf32>, vector<16xi1> -> vector<16xf32>
      %reduce_sum3A_690 = vector.extract %reduce_sum3A_689[15] : f32 from vector<16xf32>
      %add3A_691 = arith.addf %add3A_676, %reduce_sum3A_690 : f32
      %get3A_692 = arith.constant 64 : index
      %get3A_693 = tpu.vector_load %arg12[%get3A_692] {strides = array<i32>} : memref<80xf32, #tpu.memory_space<vmem>>, vector<16xf32>,
      %add3A_694 = arith.constant 64 : i32
      %add3A_695 = vector.broadcast %add3A_694 : i32 to vector<16xi32>
      %add3A_696 = arith.addi %iota3A, %add3A_695 : vector<16xi32>
      %eq3A_697 = vector.broadcast %add3A_624 : i32 to vector<16xi32>
      %eq3A_698 = arith.cmpi eq, %add3A_696, %eq3A_697 : vector<16xi32>
      %jit3A_699 = arith.constant 0.000000e+00 : f32
      %broadcast_in_dim3A_700 = vector.broadcast %jit3A_699 : f32 to vector<16xf32>
      %select_n3A_701 = arith.select %eq3A_698, %get3A_693, %broadcast_in_dim3A_700 : vector<16xi1>, vector<16xf32>
      %reduce_sum3A_702 = arith.constant true
      %reduce_sum3A_703 = vector.broadcast %reduce_sum3A_702 : i1 to vector<16xi1>
      %reduce_sum3A_704 = tpu.scan <sum>, %select_n3A_701 masked %reduce_sum3A_703 : vector<16xf32>, vector<16xi1> -> vector<16xf32>
      %reduce_sum3A_705 = vector.extract %reduce_sum3A_704[15] : f32 from vector<16xf32>
      %add3A_706 = arith.addf %add3A_691, %reduce_sum3A_705 : f32
      %get3A_707 = arith.constant 1 : i32
      %get3A_708 = arith.index_cast %get3A_707 : i32 to index
      %get3A_709 = arith.constant 0 : index
      %get3A_710 = tpu.vector_load %arg13[%get3A_708, %get3A_709] {strides = array<i32>} : memref<4x64xf32, #tpu.memory_space<vmem>>, vector<16xf32>,
      %add3A_711 = arith.constant 0 : i32
      %add3A_712 = vector.broadcast %add3A_711 : i32 to vector<16xi32>
      %add3A_713 = arith.addi %iota3A, %add3A_712 : vector<16xi32>
      %eq3A_714 = vector.broadcast %sub3A_28 : i32 to vector<16xi32>
      %eq3A_715 = arith.cmpi eq, %add3A_713, %eq3A_714 : vector<16xi32>
      %jit3A_716 = arith.constant 0.000000e+00 : f32
      %broadcast_in_dim3A_717 = vector.broadcast %jit3A_716 : f32 to vector<16xf32>
      %select_n3A_718 = arith.select %eq3A_715, %get3A_710, %broadcast_in_dim3A_717 : vector<16xi1>, vector<16xf32>
      %reduce_sum3A_719 = arith.constant true
      %reduce_sum3A_720 = vector.broadcast %reduce_sum3A_719 : i1 to vector<16xi1>
      %reduce_sum3A_721 = tpu.scan <sum>, %select_n3A_718 masked %reduce_sum3A_720 : vector<16xf32>, vector<16xi1> -> vector<16xf32>
      %reduce_sum3A_722 = vector.extract %reduce_sum3A_721[15] : f32 from vector<16xf32>
      %add3A_723 = arith.constant 0.000000e+00 : f32
      %add3A_724 = arith.addf %add3A_723, %reduce_sum3A_722 : f32
      %get3A_725 = arith.constant 1 : i32
      %get3A_726 = arith.index_cast %get3A_725 : i32 to index
      %get3A_727 = arith.constant 16 : index
      %get3A_728 = tpu.vector_load %arg13[%get3A_726, %get3A_727] {strides = array<i32>} : memref<4x64xf32, #tpu.memory_space<vmem>>, vector<16xf32>,
      %add3A_729 = arith.constant 16 : i32
      %add3A_730 = vector.broadcast %add3A_729 : i32 to vector<16xi32>
      %add3A_731 = arith.addi %iota3A, %add3A_730 : vector<16xi32>
      %eq3A_732 = vector.broadcast %sub3A_28 : i32 to vector<16xi32>
      %eq3A_733 = arith.cmpi eq, %add3A_731, %eq3A_732 : vector<16xi32>
      %jit3A_734 = arith.constant 0.000000e+00 : f32
      %broadcast_in_dim3A_735 = vector.broadcast %jit3A_734 : f32 to vector<16xf32>
      %select_n3A_736 = arith.select %eq3A_733, %get3A_728, %broadcast_in_dim3A_735 : vector<16xi1>, vector<16xf32>
      %reduce_sum3A_737 = arith.constant true
      %reduce_sum3A_738 = vector.broadcast %reduce_sum3A_737 : i1 to vector<16xi1>
      %reduce_sum3A_739 = tpu.scan <sum>, %select_n3A_736 masked %reduce_sum3A_738 : vector<16xf32>, vector<16xi1> -> vector<16xf32>
      %reduce_sum3A_740 = vector.extract %reduce_sum3A_739[15] : f32 from vector<16xf32>
      %add3A_741 = arith.addf %add3A_724, %reduce_sum3A_740 : f32
      %get3A_742 = arith.constant 1 : i32
      %get3A_743 = arith.index_cast %get3A_742 : i32 to index
      %get3A_744 = arith.constant 32 : index
      %get3A_745 = tpu.vector_load %arg13[%get3A_743, %get3A_744] {strides = array<i32>} : memref<4x64xf32, #tpu.memory_space<vmem>>, vector<16xf32>,
      %add3A_746 = arith.constant 32 : i32
      %add3A_747 = vector.broadcast %add3A_746 : i32 to vector<16xi32>
      %add3A_748 = arith.addi %iota3A, %add3A_747 : vector<16xi32>
      %eq3A_749 = vector.broadcast %sub3A_28 : i32 to vector<16xi32>
      %eq3A_750 = arith.cmpi eq, %add3A_748, %eq3A_749 : vector<16xi32>
      %jit3A_751 = arith.constant 0.000000e+00 : f32
      %broadcast_in_dim3A_752 = vector.broadcast %jit3A_751 : f32 to vector<16xf32>
      %select_n3A_753 = arith.select %eq3A_750, %get3A_745, %broadcast_in_dim3A_752 : vector<16xi1>, vector<16xf32>
      %reduce_sum3A_754 = arith.constant true
      %reduce_sum3A_755 = vector.broadcast %reduce_sum3A_754 : i1 to vector<16xi1>
      %reduce_sum3A_756 = tpu.scan <sum>, %select_n3A_753 masked %reduce_sum3A_755 : vector<16xf32>, vector<16xi1> -> vector<16xf32>
      %reduce_sum3A_757 = vector.extract %reduce_sum3A_756[15] : f32 from vector<16xf32>
      %add3A_758 = arith.addf %add3A_741, %reduce_sum3A_757 : f32
      %get3A_759 = arith.constant 1 : i32
      %get3A_760 = arith.index_cast %get3A_759 : i32 to index
      %get3A_761 = arith.constant 48 : index
      %get3A_762 = tpu.vector_load %arg13[%get3A_760, %get3A_761] {strides = array<i32>} : memref<4x64xf32, #tpu.memory_space<vmem>>, vector<16xf32>,
      %add3A_763 = arith.constant 48 : i32
      %add3A_764 = vector.broadcast %add3A_763 : i32 to vector<16xi32>
      %add3A_765 = arith.addi %iota3A, %add3A_764 : vector<16xi32>
      %eq3A_766 = vector.broadcast %sub3A_28 : i32 to vector<16xi32>
      %eq3A_767 = arith.cmpi eq, %add3A_765, %eq3A_766 : vector<16xi32>
      %jit3A_768 = arith.constant 0.000000e+00 : f32
      %broadcast_in_dim3A_769 = vector.broadcast %jit3A_768 : f32 to vector<16xf32>
      %select_n3A_770 = arith.select %eq3A_767, %get3A_762, %broadcast_in_dim3A_769 : vector<16xi1>, vector<16xf32>
      %reduce_sum3A_771 = arith.constant true
      %reduce_sum3A_772 = vector.broadcast %reduce_sum3A_771 : i1 to vector<16xi1>
      %reduce_sum3A_773 = tpu.scan <sum>, %select_n3A_770 masked %reduce_sum3A_772 : vector<16xf32>, vector<16xi1> -> vector<16xf32>
      %reduce_sum3A_774 = vector.extract %reduce_sum3A_773[15] : f32 from vector<16xf32>
      %add3A_775 = arith.addf %add3A_758, %reduce_sum3A_774 : f32
      %dma_wait3A_776 = arith.constant 0 : i32
      %dma_wait3A_777 = tpu.memref_slice %arg2[%add3A_624, %dma_wait3A_776] : memref<65x100000xf32, #tpu.memory_space<hbm>> -> memref<1x100000xf32, #tpu.memory_space<hbm>>
      %dma_wait3A_778 = tpu.memref_squeeze %dma_wait3A_777 : memref<1x100000xf32, #tpu.memory_space<hbm>> -> memref<100000xf32, #tpu.memory_space<hbm>>
      %dma_wait3A_779 = arith.constant 0 : i32
      %dma_wait3A_780 = tpu.memref_slice %arg2[%add3A_624, %dma_wait3A_779] : memref<65x100000xf32, #tpu.memory_space<hbm>> -> memref<1x100000xf32, #tpu.memory_space<hbm>>
      %dma_wait3A_781 = tpu.memref_squeeze %dma_wait3A_780 : memref<1x100000xf32, #tpu.memory_space<hbm>> -> memref<100000xf32, #tpu.memory_space<hbm>>
      tpu.wait_dma2 semaphore(%arg20 : memref<!tpu.dma_semaphore, #tpu.memory_space<semaphore_mem>>) src(%dma_wait3A_781 : memref<100000xf32, #tpu.memory_space<hbm>>) dst(%arg14 : memref<100000xf32, #tpu.memory_space<vmem>>)
      %dma_wait3A_782 = arith.constant 0 : i32
      %dma_wait3A_783 = arith.constant 0 : i32
      %dma_wait3A_784 = tpu.memref_slice %arg15[%dma_wait3A_782, %dma_wait3A_783] : memref<2x256xf32, #tpu.memory_space<vmem>> -> memref<1x256xf32, #tpu.memory_space<vmem>>
      %dma_wait3A_785 = tpu.memref_squeeze %dma_wait3A_784 : memref<1x256xf32, #tpu.memory_space<vmem>> -> memref<256xf32, #tpu.memory_space<vmem>>
      %dma_wait3A_786 = arith.constant 0 : i32
      %dma_wait3A_787 = tpu.memref_slice %arg8[%add3A_102, %dma_wait3A_786] : memref<88x256xf32, #tpu.memory_space<hbm>> -> memref<1x256xf32, #tpu.memory_space<hbm>>
      %dma_wait3A_788 = tpu.memref_squeeze %dma_wait3A_787 : memref<1x256xf32, #tpu.memory_space<hbm>> -> memref<256xf32, #tpu.memory_space<hbm>>
      %dma_wait3A_789 = arith.constant 0 : i32
      %dma_wait3A_790 = tpu.memref_slice %arg8[%add3A_102, %dma_wait3A_789] : memref<88x256xf32, #tpu.memory_space<hbm>> -> memref<1x256xf32, #tpu.memory_space<hbm>>
      %dma_wait3A_791 = tpu.memref_squeeze %dma_wait3A_790 : memref<1x256xf32, #tpu.memory_space<hbm>> -> memref<256xf32, #tpu.memory_space<hbm>>
      %dma_wait3A_792 = arith.constant 0 : i32
      %dma_wait3A_793 = tpu.memref_slice %arg15[%dma_wait3A_782, %dma_wait3A_792] : memref<2x256xf32, #tpu.memory_space<vmem>> -> memref<1x256xf32, #tpu.memory_space<vmem>>
      %dma_wait3A_794 = tpu.memref_squeeze %dma_wait3A_793 : memref<1x256xf32, #tpu.memory_space<vmem>> -> memref<256xf32, #tpu.memory_space<vmem>>
      tpu.wait_dma2 semaphore(%arg22 : memref<!tpu.dma_semaphore, #tpu.memory_space<semaphore_mem>>) src(%dma_wait3A_794 : memref<256xf32, #tpu.memory_space<vmem>>) dst(%dma_wait3A_791 : memref<256xf32, #tpu.memory_space<hbm>>)
      %eq3A_795 = arith.constant 14 : i32
      %eq3A_796 = vector.broadcast %eq3A_795 : i32 to vector<16xi32>
      %eq3A_797 = arith.cmpi eq, %iota3A, %eq3A_796 : vector<16xi32>
      %jit3A_798 = arith.constant 0.000000e+00 : f32
      %broadcast_in_dim3A_799 = vector.broadcast %add3A_706 : f32 to vector<16xf32>
      %broadcast_in_dim3A_800 = vector.broadcast %jit3A_798 : f32 to vector<16xf32>
      %select_n3A_801 = arith.select %eq3A_797, %broadcast_in_dim3A_799, %broadcast_in_dim3A_800 : vector<16xi1>, vector<16xf32>
      %eq3A_802 = arith.constant 15 : i32
      %eq3A_803 = vector.broadcast %eq3A_802 : i32 to vector<16xi32>
      %eq3A_804 = arith.cmpi eq, %iota3A, %eq3A_803 : vector<16xi32>
      %jit3A_805 = arith.constant 0.000000e+00 : f32
      %broadcast_in_dim3A_806 = vector.broadcast %add3A_775 : f32 to vector<16xf32>
      %broadcast_in_dim3A_807 = vector.broadcast %jit3A_805 : f32 to vector<16xf32>
      %select_n3A_808 = arith.select %eq3A_804, %broadcast_in_dim3A_806, %broadcast_in_dim3A_807 : vector<16xi1>, vector<16xf32>
      %add3A_809 = arith.addf %select_n3A_801, %select_n3A_808 : vector<16xf32>
      %swap3A_810 = arith.constant 1 : i32
      %swap3A_811 = arith.index_cast %swap3A_810 : i32 to index
      %swap3A_812 = arith.constant 0 : index
      %swap3A_813 = tpu.vector_load %arg15[%swap3A_811, %swap3A_812] {strides = array<i32>} : memref<2x256xf32, #tpu.memory_space<vmem>>, vector<16xf32>,
      tpu.vector_store %arg15[%swap3A_811, %swap3A_812], %add3A_809 {strides = array<i32>} : memref<2x256xf32, #tpu.memory_space<vmem>>, vector<16xf32>,
      %get3A_814 = arith.constant 0 : index
      %get3A_815 = tpu.vector_load %arg10[%get3A_814] {strides = array<i32>} : memref<208xi32, #tpu.memory_space<vmem>>, vector<16xi32>,
      %gather3A_816 = tpu.vector_load_idx %arg14[%get3A_815] : memref<100000xf32, #tpu.memory_space<vmem>>[vector<16xi32>], vector<16xf32>,
      %add3A_817 = arith.constant 0 : i32
      %add3A_818 = vector.broadcast %add3A_817 : i32 to vector<16xi32>
      %add3A_819 = arith.addi %iota3A, %add3A_818 : vector<16xi32>
      %lt3A_820 = arith.constant 200 : i32
      %lt3A_821 = vector.broadcast %lt3A_820 : i32 to vector<16xi32>
      %lt3A_822 = arith.cmpi slt, %add3A_819, %lt3A_821 : vector<16xi32>
      %jit3A_823 = arith.constant 0.000000e+00 : f32
      %broadcast_in_dim3A_824 = vector.broadcast %jit3A_823 : f32 to vector<16xf32>
      %select_n3A_825 = arith.select %lt3A_822, %gather3A_816, %broadcast_in_dim3A_824 : vector<16xi1>, vector<16xf32>
      %reduce_sum3A_826 = arith.constant true
      %reduce_sum3A_827 = vector.broadcast %reduce_sum3A_826 : i1 to vector<16xi1>
      %reduce_sum3A_828 = tpu.scan <sum>, %select_n3A_825 masked %reduce_sum3A_827 : vector<16xf32>, vector<16xi1> -> vector<16xf32>
      %reduce_sum3A_829 = vector.extract %reduce_sum3A_828[15] : f32 from vector<16xf32>
      %add3A_830 = arith.constant 0.000000e+00 : f32
      %add3A_831 = arith.addf %add3A_830, %reduce_sum3A_829 : f32
      %swap3A_832 = arith.constant 1 : i32
      %swap3A_833 = arith.index_cast %swap3A_832 : i32 to index
      %swap3A_834 = arith.constant 16 : index
      %swap3A_835 = tpu.vector_load %arg15[%swap3A_833, %swap3A_834] {strides = array<i32>} : memref<2x256xf32, #tpu.memory_space<vmem>>, vector<16xf32>,
      tpu.vector_store %arg15[%swap3A_833, %swap3A_834], %gather3A_816 {strides = array<i32>} : memref<2x256xf32, #tpu.memory_space<vmem>>, vector<16xf32>,
      %get3A_836 = arith.constant 16 : index
      %get3A_837 = tpu.vector_load %arg10[%get3A_836] {strides = array<i32>} : memref<208xi32, #tpu.memory_space<vmem>>, vector<16xi32>,
      %gather3A_838 = tpu.vector_load_idx %arg14[%get3A_837] : memref<100000xf32, #tpu.memory_space<vmem>>[vector<16xi32>], vector<16xf32>,
      %add3A_839 = arith.constant 16 : i32
      %add3A_840 = vector.broadcast %add3A_839 : i32 to vector<16xi32>
      %add3A_841 = arith.addi %iota3A, %add3A_840 : vector<16xi32>
      %lt3A_842 = arith.constant 200 : i32
      %lt3A_843 = vector.broadcast %lt3A_842 : i32 to vector<16xi32>
      %lt3A_844 = arith.cmpi slt, %add3A_841, %lt3A_843 : vector<16xi32>
      %jit3A_845 = arith.constant 0.000000e+00 : f32
      %broadcast_in_dim3A_846 = vector.broadcast %jit3A_845 : f32 to vector<16xf32>
      %select_n3A_847 = arith.select %lt3A_844, %gather3A_838, %broadcast_in_dim3A_846 : vector<16xi1>, vector<16xf32>
      %reduce_sum3A_848 = arith.constant true
      %reduce_sum3A_849 = vector.broadcast %reduce_sum3A_848 : i1 to vector<16xi1>
      %reduce_sum3A_850 = tpu.scan <sum>, %select_n3A_847 masked %reduce_sum3A_849 : vector<16xf32>, vector<16xi1> -> vector<16xf32>
      %reduce_sum3A_851 = vector.extract %reduce_sum3A_850[15] : f32 from vector<16xf32>
      %add3A_852 = arith.addf %add3A_831, %reduce_sum3A_851 : f32
      %swap3A_853 = arith.constant 1 : i32
      %swap3A_854 = arith.index_cast %swap3A_853 : i32 to index
      %swap3A_855 = arith.constant 32 : index
      %swap3A_856 = tpu.vector_load %arg15[%swap3A_854, %swap3A_855] {strides = array<i32>} : memref<2x256xf32, #tpu.memory_space<vmem>>, vector<16xf32>,
      tpu.vector_store %arg15[%swap3A_854, %swap3A_855], %gather3A_838 {strides = array<i32>} : memref<2x256xf32, #tpu.memory_space<vmem>>, vector<16xf32>,
      %get3A_857 = arith.constant 32 : index
      %get3A_858 = tpu.vector_load %arg10[%get3A_857] {strides = array<i32>} : memref<208xi32, #tpu.memory_space<vmem>>, vector<16xi32>,
      %gather3A_859 = tpu.vector_load_idx %arg14[%get3A_858] : memref<100000xf32, #tpu.memory_space<vmem>>[vector<16xi32>], vector<16xf32>,
      %add3A_860 = arith.constant 32 : i32
      %add3A_861 = vector.broadcast %add3A_860 : i32 to vector<16xi32>
      %add3A_862 = arith.addi %iota3A, %add3A_861 : vector<16xi32>
      %lt3A_863 = arith.constant 200 : i32
      %lt3A_864 = vector.broadcast %lt3A_863 : i32 to vector<16xi32>
      %lt3A_865 = arith.cmpi slt, %add3A_862, %lt3A_864 : vector<16xi32>
      %jit3A_866 = arith.constant 0.000000e+00 : f32
      %broadcast_in_dim3A_867 = vector.broadcast %jit3A_866 : f32 to vector<16xf32>
      %select_n3A_868 = arith.select %lt3A_865, %gather3A_859, %broadcast_in_dim3A_867 : vector<16xi1>, vector<16xf32>
      %reduce_sum3A_869 = arith.constant true
      %reduce_sum3A_870 = vector.broadcast %reduce_sum3A_869 : i1 to vector<16xi1>
      %reduce_sum3A_871 = tpu.scan <sum>, %select_n3A_868 masked %reduce_sum3A_870 : vector<16xf32>, vector<16xi1> -> vector<16xf32>
      %reduce_sum3A_872 = vector.extract %reduce_sum3A_871[15] : f32 from vector<16xf32>
      %add3A_873 = arith.addf %add3A_852, %reduce_sum3A_872 : f32
      %swap3A_874 = arith.constant 1 : i32
      %swap3A_875 = arith.index_cast %swap3A_874 : i32 to index
      %swap3A_876 = arith.constant 48 : index
      %swap3A_877 = tpu.vector_load %arg15[%swap3A_875, %swap3A_876] {strides = array<i32>} : memref<2x256xf32, #tpu.memory_space<vmem>>, vector<16xf32>,
      tpu.vector_store %arg15[%swap3A_875, %swap3A_876], %gather3A_859 {strides = array<i32>} : memref<2x256xf32, #tpu.memory_space<vmem>>, vector<16xf32>,
      %get3A_878 = arith.constant 48 : index
      %get3A_879 = tpu.vector_load %arg10[%get3A_878] {strides = array<i32>} : memref<208xi32, #tpu.memory_space<vmem>>, vector<16xi32>,
      %gather3A_880 = tpu.vector_load_idx %arg14[%get3A_879] : memref<100000xf32, #tpu.memory_space<vmem>>[vector<16xi32>], vector<16xf32>,
      %add3A_881 = arith.constant 48 : i32
      %add3A_882 = vector.broadcast %add3A_881 : i32 to vector<16xi32>
      %add3A_883 = arith.addi %iota3A, %add3A_882 : vector<16xi32>
      %lt3A_884 = arith.constant 200 : i32
      %lt3A_885 = vector.broadcast %lt3A_884 : i32 to vector<16xi32>
      %lt3A_886 = arith.cmpi slt, %add3A_883, %lt3A_885 : vector<16xi32>
      %jit3A_887 = arith.constant 0.000000e+00 : f32
      %broadcast_in_dim3A_888 = vector.broadcast %jit3A_887 : f32 to vector<16xf32>
      %select_n3A_889 = arith.select %lt3A_886, %gather3A_880, %broadcast_in_dim3A_888 : vector<16xi1>, vector<16xf32>
      %reduce_sum3A_890 = arith.constant true
      %reduce_sum3A_891 = vector.broadcast %reduce_sum3A_890 : i1 to vector<16xi1>
      %reduce_sum3A_892 = tpu.scan <sum>, %select_n3A_889 masked %reduce_sum3A_891 : vector<16xf32>, vector<16xi1> -> vector<16xf32>
      %reduce_sum3A_893 = vector.extract %reduce_sum3A_892[15] : f32 from vector<16xf32>
      %add3A_894 = arith.addf %add3A_873, %reduce_sum3A_893 : f32
      %swap3A_895 = arith.constant 1 : i32
      %swap3A_896 = arith.index_cast %swap3A_895 : i32 to index
      %swap3A_897 = arith.constant 64 : index
      %swap3A_898 = tpu.vector_load %arg15[%swap3A_896, %swap3A_897] {strides = array<i32>} : memref<2x256xf32, #tpu.memory_space<vmem>>, vector<16xf32>,
      tpu.vector_store %arg15[%swap3A_896, %swap3A_897], %gather3A_880 {strides = array<i32>} : memref<2x256xf32, #tpu.memory_space<vmem>>, vector<16xf32>,
      %get3A_899 = arith.constant 64 : index
      %get3A_900 = tpu.vector_load %arg10[%get3A_899] {strides = array<i32>} : memref<208xi32, #tpu.memory_space<vmem>>, vector<16xi32>,
      %gather3A_901 = tpu.vector_load_idx %arg14[%get3A_900] : memref<100000xf32, #tpu.memory_space<vmem>>[vector<16xi32>], vector<16xf32>,
      %add3A_902 = arith.constant 64 : i32
      %add3A_903 = vector.broadcast %add3A_902 : i32 to vector<16xi32>
      %add3A_904 = arith.addi %iota3A, %add3A_903 : vector<16xi32>
      %lt3A_905 = arith.constant 200 : i32
      %lt3A_906 = vector.broadcast %lt3A_905 : i32 to vector<16xi32>
      %lt3A_907 = arith.cmpi slt, %add3A_904, %lt3A_906 : vector<16xi32>
      %jit3A_908 = arith.constant 0.000000e+00 : f32
      %broadcast_in_dim3A_909 = vector.broadcast %jit3A_908 : f32 to vector<16xf32>
      %select_n3A_910 = arith.select %lt3A_907, %gather3A_901, %broadcast_in_dim3A_909 : vector<16xi1>, vector<16xf32>
      %reduce_sum3A_911 = arith.constant true
      %reduce_sum3A_912 = vector.broadcast %reduce_sum3A_911 : i1 to vector<16xi1>
      %reduce_sum3A_913 = tpu.scan <sum>, %select_n3A_910 masked %reduce_sum3A_912 : vector<16xf32>, vector<16xi1> -> vector<16xf32>
      %reduce_sum3A_914 = vector.extract %reduce_sum3A_913[15] : f32 from vector<16xf32>
      %add3A_915 = arith.addf %add3A_894, %reduce_sum3A_914 : f32
      %swap3A_916 = arith.constant 1 : i32
      %swap3A_917 = arith.index_cast %swap3A_916 : i32 to index
      %swap3A_918 = arith.constant 80 : index
      %swap3A_919 = tpu.vector_load %arg15[%swap3A_917, %swap3A_918] {strides = array<i32>} : memref<2x256xf32, #tpu.memory_space<vmem>>, vector<16xf32>,
      tpu.vector_store %arg15[%swap3A_917, %swap3A_918], %gather3A_901 {strides = array<i32>} : memref<2x256xf32, #tpu.memory_space<vmem>>, vector<16xf32>,
      %get3A_920 = arith.constant 80 : index
      %get3A_921 = tpu.vector_load %arg10[%get3A_920] {strides = array<i32>} : memref<208xi32, #tpu.memory_space<vmem>>, vector<16xi32>,
      %gather3A_922 = tpu.vector_load_idx %arg14[%get3A_921] : memref<100000xf32, #tpu.memory_space<vmem>>[vector<16xi32>], vector<16xf32>,
      %add3A_923 = arith.constant 80 : i32
      %add3A_924 = vector.broadcast %add3A_923 : i32 to vector<16xi32>
      %add3A_925 = arith.addi %iota3A, %add3A_924 : vector<16xi32>
      %lt3A_926 = arith.constant 200 : i32
      %lt3A_927 = vector.broadcast %lt3A_926 : i32 to vector<16xi32>
      %lt3A_928 = arith.cmpi slt, %add3A_925, %lt3A_927 : vector<16xi32>
      %jit3A_929 = arith.constant 0.000000e+00 : f32
      %broadcast_in_dim3A_930 = vector.broadcast %jit3A_929 : f32 to vector<16xf32>
      %select_n3A_931 = arith.select %lt3A_928, %gather3A_922, %broadcast_in_dim3A_930 : vector<16xi1>, vector<16xf32>
      %reduce_sum3A_932 = arith.constant true
      %reduce_sum3A_933 = vector.broadcast %reduce_sum3A_932 : i1 to vector<16xi1>
      %reduce_sum3A_934 = tpu.scan <sum>, %select_n3A_931 masked %reduce_sum3A_933 : vector<16xf32>, vector<16xi1> -> vector<16xf32>
      %reduce_sum3A_935 = vector.extract %reduce_sum3A_934[15] : f32 from vector<16xf32>
      %add3A_936 = arith.addf %add3A_915, %reduce_sum3A_935 : f32
      %swap3A_937 = arith.constant 1 : i32
      %swap3A_938 = arith.index_cast %swap3A_937 : i32 to index
      %swap3A_939 = arith.constant 96 : index
      %swap3A_940 = tpu.vector_load %arg15[%swap3A_938, %swap3A_939] {strides = array<i32>} : memref<2x256xf32, #tpu.memory_space<vmem>>, vector<16xf32>,
      tpu.vector_store %arg15[%swap3A_938, %swap3A_939], %gather3A_922 {strides = array<i32>} : memref<2x256xf32, #tpu.memory_space<vmem>>, vector<16xf32>,
      %get3A_941 = arith.constant 96 : index
      %get3A_942 = tpu.vector_load %arg10[%get3A_941] {strides = array<i32>} : memref<208xi32, #tpu.memory_space<vmem>>, vector<16xi32>,
      %gather3A_943 = tpu.vector_load_idx %arg14[%get3A_942] : memref<100000xf32, #tpu.memory_space<vmem>>[vector<16xi32>], vector<16xf32>,
      %add3A_944 = arith.constant 96 : i32
      %add3A_945 = vector.broadcast %add3A_944 : i32 to vector<16xi32>
      %add3A_946 = arith.addi %iota3A, %add3A_945 : vector<16xi32>
      %lt3A_947 = arith.constant 200 : i32
      %lt3A_948 = vector.broadcast %lt3A_947 : i32 to vector<16xi32>
      %lt3A_949 = arith.cmpi slt, %add3A_946, %lt3A_948 : vector<16xi32>
      %jit3A_950 = arith.constant 0.000000e+00 : f32
      %broadcast_in_dim3A_951 = vector.broadcast %jit3A_950 : f32 to vector<16xf32>
      %select_n3A_952 = arith.select %lt3A_949, %gather3A_943, %broadcast_in_dim3A_951 : vector<16xi1>, vector<16xf32>
      %reduce_sum3A_953 = arith.constant true
      %reduce_sum3A_954 = vector.broadcast %reduce_sum3A_953 : i1 to vector<16xi1>
      %reduce_sum3A_955 = tpu.scan <sum>, %select_n3A_952 masked %reduce_sum3A_954 : vector<16xf32>, vector<16xi1> -> vector<16xf32>
      %reduce_sum3A_956 = vector.extract %reduce_sum3A_955[15] : f32 from vector<16xf32>
      %add3A_957 = arith.addf %add3A_936, %reduce_sum3A_956 : f32
      %swap3A_958 = arith.constant 1 : i32
      %swap3A_959 = arith.index_cast %swap3A_958 : i32 to index
      %swap3A_960 = arith.constant 112 : index
      %swap3A_961 = tpu.vector_load %arg15[%swap3A_959, %swap3A_960] {strides = array<i32>} : memref<2x256xf32, #tpu.memory_space<vmem>>, vector<16xf32>,
      tpu.vector_store %arg15[%swap3A_959, %swap3A_960], %gather3A_943 {strides = array<i32>} : memref<2x256xf32, #tpu.memory_space<vmem>>, vector<16xf32>,
      %get3A_962 = arith.constant 112 : index
      %get3A_963 = tpu.vector_load %arg10[%get3A_962] {strides = array<i32>} : memref<208xi32, #tpu.memory_space<vmem>>, vector<16xi32>,
      %gather3A_964 = tpu.vector_load_idx %arg14[%get3A_963] : memref<100000xf32, #tpu.memory_space<vmem>>[vector<16xi32>], vector<16xf32>,
      %add3A_965 = arith.constant 112 : i32
      %add3A_966 = vector.broadcast %add3A_965 : i32 to vector<16xi32>
      %add3A_967 = arith.addi %iota3A, %add3A_966 : vector<16xi32>
      %lt3A_968 = arith.constant 200 : i32
      %lt3A_969 = vector.broadcast %lt3A_968 : i32 to vector<16xi32>
      %lt3A_970 = arith.cmpi slt, %add3A_967, %lt3A_969 : vector<16xi32>
      %jit3A_971 = arith.constant 0.000000e+00 : f32
      %broadcast_in_dim3A_972 = vector.broadcast %jit3A_971 : f32 to vector<16xf32>
      %select_n3A_973 = arith.select %lt3A_970, %gather3A_964, %broadcast_in_dim3A_972 : vector<16xi1>, vector<16xf32>
      %reduce_sum3A_974 = arith.constant true
      %reduce_sum3A_975 = vector.broadcast %reduce_sum3A_974 : i1 to vector<16xi1>
      %reduce_sum3A_976 = tpu.scan <sum>, %select_n3A_973 masked %reduce_sum3A_975 : vector<16xf32>, vector<16xi1> -> vector<16xf32>
      %reduce_sum3A_977 = vector.extract %reduce_sum3A_976[15] : f32 from vector<16xf32>
      %add3A_978 = arith.addf %add3A_957, %reduce_sum3A_977 : f32
      %swap3A_979 = arith.constant 1 : i32
      %swap3A_980 = arith.index_cast %swap3A_979 : i32 to index
      %swap3A_981 = arith.constant 128 : index
      %swap3A_982 = tpu.vector_load %arg15[%swap3A_980, %swap3A_981] {strides = array<i32>} : memref<2x256xf32, #tpu.memory_space<vmem>>, vector<16xf32>,
      tpu.vector_store %arg15[%swap3A_980, %swap3A_981], %gather3A_964 {strides = array<i32>} : memref<2x256xf32, #tpu.memory_space<vmem>>, vector<16xf32>,
      %get3A_983 = arith.constant 128 : index
      %get3A_984 = tpu.vector_load %arg10[%get3A_983] {strides = array<i32>} : memref<208xi32, #tpu.memory_space<vmem>>, vector<16xi32>,
      %gather3A_985 = tpu.vector_load_idx %arg14[%get3A_984] : memref<100000xf32, #tpu.memory_space<vmem>>[vector<16xi32>], vector<16xf32>,
      %add3A_986 = arith.constant 128 : i32
      %add3A_987 = vector.broadcast %add3A_986 : i32 to vector<16xi32>
      %add3A_988 = arith.addi %iota3A, %add3A_987 : vector<16xi32>
      %lt3A_989 = arith.constant 200 : i32
      %lt3A_990 = vector.broadcast %lt3A_989 : i32 to vector<16xi32>
      %lt3A_991 = arith.cmpi slt, %add3A_988, %lt3A_990 : vector<16xi32>
      %jit3A_992 = arith.constant 0.000000e+00 : f32
      %broadcast_in_dim3A_993 = vector.broadcast %jit3A_992 : f32 to vector<16xf32>
      %select_n3A_994 = arith.select %lt3A_991, %gather3A_985, %broadcast_in_dim3A_993 : vector<16xi1>, vector<16xf32>
      %reduce_sum3A_995 = arith.constant true
      %reduce_sum3A_996 = vector.broadcast %reduce_sum3A_995 : i1 to vector<16xi1>
      %reduce_sum3A_997 = tpu.scan <sum>, %select_n3A_994 masked %reduce_sum3A_996 : vector<16xf32>, vector<16xi1> -> vector<16xf32>
      %reduce_sum3A_998 = vector.extract %reduce_sum3A_997[15] : f32 from vector<16xf32>
      %add3A_999 = arith.addf %add3A_978, %reduce_sum3A_998 : f32
      %swap3A_1000 = arith.constant 1 : i32
      %swap3A_1001 = arith.index_cast %swap3A_1000 : i32 to index
      %swap3A_1002 = arith.constant 144 : index
      %swap3A_1003 = tpu.vector_load %arg15[%swap3A_1001, %swap3A_1002] {strides = array<i32>} : memref<2x256xf32, #tpu.memory_space<vmem>>, vector<16xf32>,
      tpu.vector_store %arg15[%swap3A_1001, %swap3A_1002], %gather3A_985 {strides = array<i32>} : memref<2x256xf32, #tpu.memory_space<vmem>>, vector<16xf32>,
      %get3A_1004 = arith.constant 144 : index
      %get3A_1005 = tpu.vector_load %arg10[%get3A_1004] {strides = array<i32>} : memref<208xi32, #tpu.memory_space<vmem>>, vector<16xi32>,
      %gather3A_1006 = tpu.vector_load_idx %arg14[%get3A_1005] : memref<100000xf32, #tpu.memory_space<vmem>>[vector<16xi32>], vector<16xf32>,
      %add3A_1007 = arith.constant 144 : i32
      %add3A_1008 = vector.broadcast %add3A_1007 : i32 to vector<16xi32>
      %add3A_1009 = arith.addi %iota3A, %add3A_1008 : vector<16xi32>
      %lt3A_1010 = arith.constant 200 : i32
      %lt3A_1011 = vector.broadcast %lt3A_1010 : i32 to vector<16xi32>
      %lt3A_1012 = arith.cmpi slt, %add3A_1009, %lt3A_1011 : vector<16xi32>
      %jit3A_1013 = arith.constant 0.000000e+00 : f32
      %broadcast_in_dim3A_1014 = vector.broadcast %jit3A_1013 : f32 to vector<16xf32>
      %select_n3A_1015 = arith.select %lt3A_1012, %gather3A_1006, %broadcast_in_dim3A_1014 : vector<16xi1>, vector<16xf32>
      %reduce_sum3A_1016 = arith.constant true
      %reduce_sum3A_1017 = vector.broadcast %reduce_sum3A_1016 : i1 to vector<16xi1>
      %reduce_sum3A_1018 = tpu.scan <sum>, %select_n3A_1015 masked %reduce_sum3A_1017 : vector<16xf32>, vector<16xi1> -> vector<16xf32>
      %reduce_sum3A_1019 = vector.extract %reduce_sum3A_1018[15] : f32 from vector<16xf32>
      %add3A_1020 = arith.addf %add3A_999, %reduce_sum3A_1019 : f32
      %swap3A_1021 = arith.constant 1 : i32
      %swap3A_1022 = arith.index_cast %swap3A_1021 : i32 to index
      %swap3A_1023 = arith.constant 160 : index
      %swap3A_1024 = tpu.vector_load %arg15[%swap3A_1022, %swap3A_1023] {strides = array<i32>} : memref<2x256xf32, #tpu.memory_space<vmem>>, vector<16xf32>,
      tpu.vector_store %arg15[%swap3A_1022, %swap3A_1023], %gather3A_1006 {strides = array<i32>} : memref<2x256xf32, #tpu.memory_space<vmem>>, vector<16xf32>,
      %get3A_1025 = arith.constant 160 : index
      %get3A_1026 = tpu.vector_load %arg10[%get3A_1025] {strides = array<i32>} : memref<208xi32, #tpu.memory_space<vmem>>, vector<16xi32>,
      %gather3A_1027 = tpu.vector_load_idx %arg14[%get3A_1026] : memref<100000xf32, #tpu.memory_space<vmem>>[vector<16xi32>], vector<16xf32>,
      %add3A_1028 = arith.constant 160 : i32
      %add3A_1029 = vector.broadcast %add3A_1028 : i32 to vector<16xi32>
      %add3A_1030 = arith.addi %iota3A, %add3A_1029 : vector<16xi32>
      %lt3A_1031 = arith.constant 200 : i32
      %lt3A_1032 = vector.broadcast %lt3A_1031 : i32 to vector<16xi32>
      %lt3A_1033 = arith.cmpi slt, %add3A_1030, %lt3A_1032 : vector<16xi32>
      %jit3A_1034 = arith.constant 0.000000e+00 : f32
      %broadcast_in_dim3A_1035 = vector.broadcast %jit3A_1034 : f32 to vector<16xf32>
      %select_n3A_1036 = arith.select %lt3A_1033, %gather3A_1027, %broadcast_in_dim3A_1035 : vector<16xi1>, vector<16xf32>
      %reduce_sum3A_1037 = arith.constant true
      %reduce_sum3A_1038 = vector.broadcast %reduce_sum3A_1037 : i1 to vector<16xi1>
      %reduce_sum3A_1039 = tpu.scan <sum>, %select_n3A_1036 masked %reduce_sum3A_1038 : vector<16xf32>, vector<16xi1> -> vector<16xf32>
      %reduce_sum3A_1040 = vector.extract %reduce_sum3A_1039[15] : f32 from vector<16xf32>
      %add3A_1041 = arith.addf %add3A_1020, %reduce_sum3A_1040 : f32
      %swap3A_1042 = arith.constant 1 : i32
      %swap3A_1043 = arith.index_cast %swap3A_1042 : i32 to index
      %swap3A_1044 = arith.constant 176 : index
      %swap3A_1045 = tpu.vector_load %arg15[%swap3A_1043, %swap3A_1044] {strides = array<i32>} : memref<2x256xf32, #tpu.memory_space<vmem>>, vector<16xf32>,
      tpu.vector_store %arg15[%swap3A_1043, %swap3A_1044], %gather3A_1027 {strides = array<i32>} : memref<2x256xf32, #tpu.memory_space<vmem>>, vector<16xf32>,
      %get3A_1046 = arith.constant 176 : index
      %get3A_1047 = tpu.vector_load %arg10[%get3A_1046] {strides = array<i32>} : memref<208xi32, #tpu.memory_space<vmem>>, vector<16xi32>,
      %gather3A_1048 = tpu.vector_load_idx %arg14[%get3A_1047] : memref<100000xf32, #tpu.memory_space<vmem>>[vector<16xi32>], vector<16xf32>,
      %add3A_1049 = arith.constant 176 : i32
      %add3A_1050 = vector.broadcast %add3A_1049 : i32 to vector<16xi32>
      %add3A_1051 = arith.addi %iota3A, %add3A_1050 : vector<16xi32>
      %lt3A_1052 = arith.constant 200 : i32
      %lt3A_1053 = vector.broadcast %lt3A_1052 : i32 to vector<16xi32>
      %lt3A_1054 = arith.cmpi slt, %add3A_1051, %lt3A_1053 : vector<16xi32>
      %jit3A_1055 = arith.constant 0.000000e+00 : f32
      %broadcast_in_dim3A_1056 = vector.broadcast %jit3A_1055 : f32 to vector<16xf32>
      %select_n3A_1057 = arith.select %lt3A_1054, %gather3A_1048, %broadcast_in_dim3A_1056 : vector<16xi1>, vector<16xf32>
      %reduce_sum3A_1058 = arith.constant true
      %reduce_sum3A_1059 = vector.broadcast %reduce_sum3A_1058 : i1 to vector<16xi1>
      %reduce_sum3A_1060 = tpu.scan <sum>, %select_n3A_1057 masked %reduce_sum3A_1059 : vector<16xf32>, vector<16xi1> -> vector<16xf32>
      %reduce_sum3A_1061 = vector.extract %reduce_sum3A_1060[15] : f32 from vector<16xf32>
      %add3A_1062 = arith.addf %add3A_1041, %reduce_sum3A_1061 : f32
      %swap3A_1063 = arith.constant 1 : i32
      %swap3A_1064 = arith.index_cast %swap3A_1063 : i32 to index
      %swap3A_1065 = arith.constant 192 : index
      %swap3A_1066 = tpu.vector_load %arg15[%swap3A_1064, %swap3A_1065] {strides = array<i32>} : memref<2x256xf32, #tpu.memory_space<vmem>>, vector<16xf32>,
      tpu.vector_store %arg15[%swap3A_1064, %swap3A_1065], %gather3A_1048 {strides = array<i32>} : memref<2x256xf32, #tpu.memory_space<vmem>>, vector<16xf32>,
      %get3A_1067 = arith.constant 192 : index
      %get3A_1068 = tpu.vector_load %arg10[%get3A_1067] {strides = array<i32>} : memref<208xi32, #tpu.memory_space<vmem>>, vector<16xi32>,
      %gather3A_1069 = tpu.vector_load_idx %arg14[%get3A_1068] : memref<100000xf32, #tpu.memory_space<vmem>>[vector<16xi32>], vector<16xf32>,
      %add3A_1070 = arith.constant 192 : i32
      %add3A_1071 = vector.broadcast %add3A_1070 : i32 to vector<16xi32>
      %add3A_1072 = arith.addi %iota3A, %add3A_1071 : vector<16xi32>
      %lt3A_1073 = arith.constant 200 : i32
      %lt3A_1074 = vector.broadcast %lt3A_1073 : i32 to vector<16xi32>
      %lt3A_1075 = arith.cmpi slt, %add3A_1072, %lt3A_1074 : vector<16xi32>
      %jit3A_1076 = arith.constant 0.000000e+00 : f32
      %broadcast_in_dim3A_1077 = vector.broadcast %jit3A_1076 : f32 to vector<16xf32>
      %select_n3A_1078 = arith.select %lt3A_1075, %gather3A_1069, %broadcast_in_dim3A_1077 : vector<16xi1>, vector<16xf32>
      %reduce_sum3A_1079 = arith.constant true
      %reduce_sum3A_1080 = vector.broadcast %reduce_sum3A_1079 : i1 to vector<16xi1>
      %reduce_sum3A_1081 = tpu.scan <sum>, %select_n3A_1078 masked %reduce_sum3A_1080 : vector<16xf32>, vector<16xi1> -> vector<16xf32>
      %reduce_sum3A_1082 = vector.extract %reduce_sum3A_1081[15] : f32 from vector<16xf32>
      %add3A_1083 = arith.addf %add3A_1062, %reduce_sum3A_1082 : f32
      %swap3A_1084 = arith.constant 1 : i32
      %swap3A_1085 = arith.index_cast %swap3A_1084 : i32 to index
      %swap3A_1086 = arith.constant 208 : index
      %swap3A_1087 = tpu.vector_load %arg15[%swap3A_1085, %swap3A_1086] {strides = array<i32>} : memref<2x256xf32, #tpu.memory_space<vmem>>, vector<16xf32>,
      tpu.vector_store %arg15[%swap3A_1085, %swap3A_1086], %gather3A_1069 {strides = array<i32>} : memref<2x256xf32, #tpu.memory_space<vmem>>, vector<16xf32>,
      %dma_start3A_1088 = arith.constant 1 : i32
      %dma_start3A_1089 = arith.constant 0 : i32
      %dma_start3A_1090 = tpu.memref_slice %arg15[%dma_start3A_1088, %dma_start3A_1089] : memref<2x256xf32, #tpu.memory_space<vmem>> -> memref<1x256xf32, #tpu.memory_space<vmem>>
      %dma_start3A_1091 = tpu.memref_squeeze %dma_start3A_1090 : memref<1x256xf32, #tpu.memory_space<vmem>> -> memref<256xf32, #tpu.memory_space<vmem>>
      %dma_start3A_1092 = arith.constant 0 : i32
      %dma_start3A_1093 = tpu.memref_slice %arg8[%add3A_624, %dma_start3A_1092] : memref<88x256xf32, #tpu.memory_space<hbm>> -> memref<1x256xf32, #tpu.memory_space<hbm>>
      %dma_start3A_1094 = tpu.memref_squeeze %dma_start3A_1093 : memref<1x256xf32, #tpu.memory_space<hbm>> -> memref<256xf32, #tpu.memory_space<hbm>>
      %dma_start3A_1095 = arith.constant 0 : i32
      %dma_start3A_1096 = tpu.memref_slice %arg8[%add3A_624, %dma_start3A_1095] : memref<88x256xf32, #tpu.memory_space<hbm>> -> memref<1x256xf32, #tpu.memory_space<hbm>>
      %dma_start3A_1097 = tpu.memref_squeeze %dma_start3A_1096 : memref<1x256xf32, #tpu.memory_space<hbm>> -> memref<256xf32, #tpu.memory_space<hbm>>
      %dma_start3A_1098 = arith.constant 0 : i32
      %dma_start3A_1099 = tpu.memref_slice %arg15[%dma_start3A_1088, %dma_start3A_1098] : memref<2x256xf32, #tpu.memory_space<vmem>> -> memref<1x256xf32, #tpu.memory_space<vmem>>
      %dma_start3A_1100 = tpu.memref_squeeze %dma_start3A_1099 : memref<1x256xf32, #tpu.memory_space<vmem>> -> memref<256xf32, #tpu.memory_space<vmem>>
      tpu.enqueue_dma source(%dma_start3A_1100 : memref<256xf32, #tpu.memory_space<vmem>>) target(%dma_start3A_1097 : memref<256xf32, #tpu.memory_space<hbm>>) target_semaphore(%arg22 : memref<!tpu.dma_semaphore, #tpu.memory_space<semaphore_mem>>)
      %mul3A_1101 = arith.mulf %add3A_706, %add3A_775 : f32
      %add3A_1102 = arith.addf %add3A_706, %add3A_775 : f32
      %mul3A_1103 = arith.mulf %add3A_1102, %add3A_1083 : f32
      %add3A_1104 = arith.addf %mul3A_1101, %mul3A_1103 : f32
      %get3A_1105 = arith.constant 0 : index
      %get3A_1106 = tpu.vector_load %arg19[%get3A_1105] {strides = array<i32>} : memref<16xf32, #tpu.memory_space<vmem>>, vector<16xf32>,
      %eq3A_1107 = arith.constant 0 : i32
      %eq3A_1108 = vector.broadcast %eq3A_1107 : i32 to vector<16xi32>
      %eq3A_1109 = arith.cmpi eq, %iota3A, %eq3A_1108 : vector<16xi32>
      %jit3A_1110 = arith.constant 0.000000e+00 : f32
      %broadcast_in_dim3A_1111 = vector.broadcast %add3A_1104 : f32 to vector<16xf32>
      %broadcast_in_dim3A_1112 = vector.broadcast %jit3A_1110 : f32 to vector<16xf32>
      %select_n3A_1113 = arith.select %eq3A_1109, %broadcast_in_dim3A_1111, %broadcast_in_dim3A_1112 : vector<16xi1>, vector<16xf32>
      %add3A_1114 = arith.addf %get3A_1106, %select_n3A_1113 : vector<16xf32>
      %swap3A_1115 = arith.constant 0 : index
      %swap3A_1116 = tpu.vector_load %arg19[%swap3A_1115] {strides = array<i32>} : memref<16xf32, #tpu.memory_space<vmem>>, vector<16xf32>,
      tpu.vector_store %arg19[%swap3A_1115], %add3A_1114 {strides = array<i32>} : memref<16xf32, #tpu.memory_space<vmem>>, vector<16xf32>,
      %add3A_1117 = arith.constant 32 : i32
      %add3A_1118 = arith.addi %arg1, %add3A_1117 : i32
      %dma_start3A_1119 = arith.constant 0 : i32
      %dma_start3A_1120 = tpu.memref_slice %arg2[%add3A_1118, %dma_start3A_1119] : memref<65x100000xf32, #tpu.memory_space<hbm>> -> memref<1x100000xf32, #tpu.memory_space<hbm>>
      %dma_start3A_1121 = tpu.memref_squeeze %dma_start3A_1120 : memref<1x100000xf32, #tpu.memory_space<hbm>> -> memref<100000xf32, #tpu.memory_space<hbm>>
      %dma_start3A_1122 = arith.constant 0 : i32
      %dma_start3A_1123 = tpu.memref_slice %arg2[%add3A_1118, %dma_start3A_1122] : memref<65x100000xf32, #tpu.memory_space<hbm>> -> memref<1x100000xf32, #tpu.memory_space<hbm>>
      %dma_start3A_1124 = tpu.memref_squeeze %dma_start3A_1123 : memref<1x100000xf32, #tpu.memory_space<hbm>> -> memref<100000xf32, #tpu.memory_space<hbm>>
      tpu.enqueue_dma source(%dma_start3A_1124 : memref<100000xf32, #tpu.memory_space<hbm>>) target(%arg14 : memref<100000xf32, #tpu.memory_space<vmem>>) target_semaphore(%arg20 : memref<!tpu.dma_semaphore, #tpu.memory_space<semaphore_mem>>)
      %get3A_1125 = arith.constant 0 : index
      %get3A_1126 = tpu.vector_load %arg12[%get3A_1125] {strides = array<i32>} : memref<80xf32, #tpu.memory_space<vmem>>, vector<16xf32>,
      %add3A_1127 = arith.constant 0 : i32
      %add3A_1128 = vector.broadcast %add3A_1127 : i32 to vector<16xi32>
      %add3A_1129 = arith.addi %iota3A, %add3A_1128 : vector<16xi32>
      %eq3A_1130 = vector.broadcast %add3A_1118 : i32 to vector<16xi32>
      %eq3A_1131 = arith.cmpi eq, %add3A_1129, %eq3A_1130 : vector<16xi32>
      %jit3A_1132 = arith.constant 0.000000e+00 : f32
      %broadcast_in_dim3A_1133 = vector.broadcast %jit3A_1132 : f32 to vector<16xf32>
      %select_n3A_1134 = arith.select %eq3A_1131, %get3A_1126, %broadcast_in_dim3A_1133 : vector<16xi1>, vector<16xf32>
      %reduce_sum3A_1135 = arith.constant true
      %reduce_sum3A_1136 = vector.broadcast %reduce_sum3A_1135 : i1 to vector<16xi1>
      %reduce_sum3A_1137 = tpu.scan <sum>, %select_n3A_1134 masked %reduce_sum3A_1136 : vector<16xf32>, vector<16xi1> -> vector<16xf32>
      %reduce_sum3A_1138 = vector.extract %reduce_sum3A_1137[15] : f32 from vector<16xf32>
      %add3A_1139 = arith.constant 0.000000e+00 : f32
      %add3A_1140 = arith.addf %add3A_1139, %reduce_sum3A_1138 : f32
      %get3A_1141 = arith.constant 16 : index
      %get3A_1142 = tpu.vector_load %arg12[%get3A_1141] {strides = array<i32>} : memref<80xf32, #tpu.memory_space<vmem>>, vector<16xf32>,
      %add3A_1143 = arith.constant 16 : i32
      %add3A_1144 = vector.broadcast %add3A_1143 : i32 to vector<16xi32>
      %add3A_1145 = arith.addi %iota3A, %add3A_1144 : vector<16xi32>
      %eq3A_1146 = vector.broadcast %add3A_1118 : i32 to vector<16xi32>
      %eq3A_1147 = arith.cmpi eq, %add3A_1145, %eq3A_1146 : vector<16xi32>
      %jit3A_1148 = arith.constant 0.000000e+00 : f32
      %broadcast_in_dim3A_1149 = vector.broadcast %jit3A_1148 : f32 to vector<16xf32>
      %select_n3A_1150 = arith.select %eq3A_1147, %get3A_1142, %broadcast_in_dim3A_1149 : vector<16xi1>, vector<16xf32>
      %reduce_sum3A_1151 = arith.constant true
      %reduce_sum3A_1152 = vector.broadcast %reduce_sum3A_1151 : i1 to vector<16xi1>
      %reduce_sum3A_1153 = tpu.scan <sum>, %select_n3A_1150 masked %reduce_sum3A_1152 : vector<16xf32>, vector<16xi1> -> vector<16xf32>
      %reduce_sum3A_1154 = vector.extract %reduce_sum3A_1153[15] : f32 from vector<16xf32>
      %add3A_1155 = arith.addf %add3A_1140, %reduce_sum3A_1154 : f32
      %get3A_1156 = arith.constant 32 : index
      %get3A_1157 = tpu.vector_load %arg12[%get3A_1156] {strides = array<i32>} : memref<80xf32, #tpu.memory_space<vmem>>, vector<16xf32>,
      %add3A_1158 = arith.constant 32 : i32
      %add3A_1159 = vector.broadcast %add3A_1158 : i32 to vector<16xi32>
      %add3A_1160 = arith.addi %iota3A, %add3A_1159 : vector<16xi32>
      %eq3A_1161 = vector.broadcast %add3A_1118 : i32 to vector<16xi32>
      %eq3A_1162 = arith.cmpi eq, %add3A_1160, %eq3A_1161 : vector<16xi32>
      %jit3A_1163 = arith.constant 0.000000e+00 : f32
      %broadcast_in_dim3A_1164 = vector.broadcast %jit3A_1163 : f32 to vector<16xf32>
      %select_n3A_1165 = arith.select %eq3A_1162, %get3A_1157, %broadcast_in_dim3A_1164 : vector<16xi1>, vector<16xf32>
      %reduce_sum3A_1166 = arith.constant true
      %reduce_sum3A_1167 = vector.broadcast %reduce_sum3A_1166 : i1 to vector<16xi1>
      %reduce_sum3A_1168 = tpu.scan <sum>, %select_n3A_1165 masked %reduce_sum3A_1167 : vector<16xf32>, vector<16xi1> -> vector<16xf32>
      %reduce_sum3A_1169 = vector.extract %reduce_sum3A_1168[15] : f32 from vector<16xf32>
      %add3A_1170 = arith.addf %add3A_1155, %reduce_sum3A_1169 : f32
      %get3A_1171 = arith.constant 48 : index
      %get3A_1172 = tpu.vector_load %arg12[%get3A_1171] {strides = array<i32>} : memref<80xf32, #tpu.memory_space<vmem>>, vector<16xf32>,
      %add3A_1173 = arith.constant 48 : i32
      %add3A_1174 = vector.broadcast %add3A_1173 : i32 to vector<16xi32>
      %add3A_1175 = arith.addi %iota3A, %add3A_1174 : vector<16xi32>
      %eq3A_1176 = vector.broadcast %add3A_1118 : i32 to vector<16xi32>
      %eq3A_1177 = arith.cmpi eq, %add3A_1175, %eq3A_1176 : vector<16xi32>
      %jit3A_1178 = arith.constant 0.000000e+00 : f32
      %broadcast_in_dim3A_1179 = vector.broadcast %jit3A_1178 : f32 to vector<16xf32>
      %select_n3A_1180 = arith.select %eq3A_1177, %get3A_1172, %broadcast_in_dim3A_1179 : vector<16xi1>, vector<16xf32>
      %reduce_sum3A_1181 = arith.constant true
      %reduce_sum3A_1182 = vector.broadcast %reduce_sum3A_1181 : i1 to vector<16xi1>
      %reduce_sum3A_1183 = tpu.scan <sum>, %select_n3A_1180 masked %reduce_sum3A_1182 : vector<16xf32>, vector<16xi1> -> vector<16xf32>
      %reduce_sum3A_1184 = vector.extract %reduce_sum3A_1183[15] : f32 from vector<16xf32>
      %add3A_1185 = arith.addf %add3A_1170, %reduce_sum3A_1184 : f32
      %get3A_1186 = arith.constant 64 : index
      %get3A_1187 = tpu.vector_load %arg12[%get3A_1186] {strides = array<i32>} : memref<80xf32, #tpu.memory_space<vmem>>, vector<16xf32>,
      %add3A_1188 = arith.constant 64 : i32
      %add3A_1189 = vector.broadcast %add3A_1188 : i32 to vector<16xi32>
      %add3A_1190 = arith.addi %iota3A, %add3A_1189 : vector<16xi32>
      %eq3A_1191 = vector.broadcast %add3A_1118 : i32 to vector<16xi32>
      %eq3A_1192 = arith.cmpi eq, %add3A_1190, %eq3A_1191 : vector<16xi32>
      %jit3A_1193 = arith.constant 0.000000e+00 : f32
      %broadcast_in_dim3A_1194 = vector.broadcast %jit3A_1193 : f32 to vector<16xf32>
      %select_n3A_1195 = arith.select %eq3A_1192, %get3A_1187, %broadcast_in_dim3A_1194 : vector<16xi1>, vector<16xf32>
      %reduce_sum3A_1196 = arith.constant true
      %reduce_sum3A_1197 = vector.broadcast %reduce_sum3A_1196 : i1 to vector<16xi1>
      %reduce_sum3A_1198 = tpu.scan <sum>, %select_n3A_1195 masked %reduce_sum3A_1197 : vector<16xf32>, vector<16xi1> -> vector<16xf32>
      %reduce_sum3A_1199 = vector.extract %reduce_sum3A_1198[15] : f32 from vector<16xf32>
      %add3A_1200 = arith.addf %add3A_1185, %reduce_sum3A_1199 : f32
      %get3A_1201 = arith.constant 2 : i32
      %get3A_1202 = arith.index_cast %get3A_1201 : i32 to index
      %get3A_1203 = arith.constant 0 : index
      %get3A_1204 = tpu.vector_load %arg13[%get3A_1202, %get3A_1203] {strides = array<i32>} : memref<4x64xf32, #tpu.memory_space<vmem>>, vector<16xf32>,
      %add3A_1205 = arith.constant 0 : i32
      %add3A_1206 = vector.broadcast %add3A_1205 : i32 to vector<16xi32>
      %add3A_1207 = arith.addi %iota3A, %add3A_1206 : vector<16xi32>
      %eq3A_1208 = vector.broadcast %sub3A_28 : i32 to vector<16xi32>
      %eq3A_1209 = arith.cmpi eq, %add3A_1207, %eq3A_1208 : vector<16xi32>
      %jit3A_1210 = arith.constant 0.000000e+00 : f32
      %broadcast_in_dim3A_1211 = vector.broadcast %jit3A_1210 : f32 to vector<16xf32>
      %select_n3A_1212 = arith.select %eq3A_1209, %get3A_1204, %broadcast_in_dim3A_1211 : vector<16xi1>, vector<16xf32>
      %reduce_sum3A_1213 = arith.constant true
      %reduce_sum3A_1214 = vector.broadcast %reduce_sum3A_1213 : i1 to vector<16xi1>
      %reduce_sum3A_1215 = tpu.scan <sum>, %select_n3A_1212 masked %reduce_sum3A_1214 : vector<16xf32>, vector<16xi1> -> vector<16xf32>
      %reduce_sum3A_1216 = vector.extract %reduce_sum3A_1215[15] : f32 from vector<16xf32>
      %add3A_1217 = arith.constant 0.000000e+00 : f32
      %add3A_1218 = arith.addf %add3A_1217, %reduce_sum3A_1216 : f32
      %get3A_1219 = arith.constant 2 : i32
      %get3A_1220 = arith.index_cast %get3A_1219 : i32 to index
      %get3A_1221 = arith.constant 16 : index
      %get3A_1222 = tpu.vector_load %arg13[%get3A_1220, %get3A_1221] {strides = array<i32>} : memref<4x64xf32, #tpu.memory_space<vmem>>, vector<16xf32>,
      %add3A_1223 = arith.constant 16 : i32
      %add3A_1224 = vector.broadcast %add3A_1223 : i32 to vector<16xi32>
      %add3A_1225 = arith.addi %iota3A, %add3A_1224 : vector<16xi32>
      %eq3A_1226 = vector.broadcast %sub3A_28 : i32 to vector<16xi32>
      %eq3A_1227 = arith.cmpi eq, %add3A_1225, %eq3A_1226 : vector<16xi32>
      %jit3A_1228 = arith.constant 0.000000e+00 : f32
      %broadcast_in_dim3A_1229 = vector.broadcast %jit3A_1228 : f32 to vector<16xf32>
      %select_n3A_1230 = arith.select %eq3A_1227, %get3A_1222, %broadcast_in_dim3A_1229 : vector<16xi1>, vector<16xf32>
      %reduce_sum3A_1231 = arith.constant true
      %reduce_sum3A_1232 = vector.broadcast %reduce_sum3A_1231 : i1 to vector<16xi1>
      %reduce_sum3A_1233 = tpu.scan <sum>, %select_n3A_1230 masked %reduce_sum3A_1232 : vector<16xf32>, vector<16xi1> -> vector<16xf32>
      %reduce_sum3A_1234 = vector.extract %reduce_sum3A_1233[15] : f32 from vector<16xf32>
      %add3A_1235 = arith.addf %add3A_1218, %reduce_sum3A_1234 : f32
      %get3A_1236 = arith.constant 2 : i32
      %get3A_1237 = arith.index_cast %get3A_1236 : i32 to index
      %get3A_1238 = arith.constant 32 : index
      %get3A_1239 = tpu.vector_load %arg13[%get3A_1237, %get3A_1238] {strides = array<i32>} : memref<4x64xf32, #tpu.memory_space<vmem>>, vector<16xf32>,
      %add3A_1240 = arith.constant 32 : i32
      %add3A_1241 = vector.broadcast %add3A_1240 : i32 to vector<16xi32>
      %add3A_1242 = arith.addi %iota3A, %add3A_1241 : vector<16xi32>
      %eq3A_1243 = vector.broadcast %sub3A_28 : i32 to vector<16xi32>
      %eq3A_1244 = arith.cmpi eq, %add3A_1242, %eq3A_1243 : vector<16xi32>
      %jit3A_1245 = arith.constant 0.000000e+00 : f32
      %broadcast_in_dim3A_1246 = vector.broadcast %jit3A_1245 : f32 to vector<16xf32>
      %select_n3A_1247 = arith.select %eq3A_1244, %get3A_1239, %broadcast_in_dim3A_1246 : vector<16xi1>, vector<16xf32>
      %reduce_sum3A_1248 = arith.constant true
      %reduce_sum3A_1249 = vector.broadcast %reduce_sum3A_1248 : i1 to vector<16xi1>
      %reduce_sum3A_1250 = tpu.scan <sum>, %select_n3A_1247 masked %reduce_sum3A_1249 : vector<16xf32>, vector<16xi1> -> vector<16xf32>
      %reduce_sum3A_1251 = vector.extract %reduce_sum3A_1250[15] : f32 from vector<16xf32>
      %add3A_1252 = arith.addf %add3A_1235, %reduce_sum3A_1251 : f32
      %get3A_1253 = arith.constant 2 : i32
      %get3A_1254 = arith.index_cast %get3A_1253 : i32 to index
      %get3A_1255 = arith.constant 48 : index
      %get3A_1256 = tpu.vector_load %arg13[%get3A_1254, %get3A_1255] {strides = array<i32>} : memref<4x64xf32, #tpu.memory_space<vmem>>, vector<16xf32>,
      %add3A_1257 = arith.constant 48 : i32
      %add3A_1258 = vector.broadcast %add3A_1257 : i32 to vector<16xi32>
      %add3A_1259 = arith.addi %iota3A, %add3A_1258 : vector<16xi32>
      %eq3A_1260 = vector.broadcast %sub3A_28 : i32 to vector<16xi32>
      %eq3A_1261 = arith.cmpi eq, %add3A_1259, %eq3A_1260 : vector<16xi32>
      %jit3A_1262 = arith.constant 0.000000e+00 : f32
      %broadcast_in_dim3A_1263 = vector.broadcast %jit3A_1262 : f32 to vector<16xf32>
      %select_n3A_1264 = arith.select %eq3A_1261, %get3A_1256, %broadcast_in_dim3A_1263 : vector<16xi1>, vector<16xf32>
      %reduce_sum3A_1265 = arith.constant true
      %reduce_sum3A_1266 = vector.broadcast %reduce_sum3A_1265 : i1 to vector<16xi1>
      %reduce_sum3A_1267 = tpu.scan <sum>, %select_n3A_1264 masked %reduce_sum3A_1266 : vector<16xf32>, vector<16xi1> -> vector<16xf32>
      %reduce_sum3A_1268 = vector.extract %reduce_sum3A_1267[15] : f32 from vector<16xf32>
      %add3A_1269 = arith.addf %add3A_1252, %reduce_sum3A_1268 : f32
      %dma_wait3A_1270 = arith.constant 0 : i32
      %dma_wait3A_1271 = tpu.memref_slice %arg2[%add3A_1118, %dma_wait3A_1270] : memref<65x100000xf32, #tpu.memory_space<hbm>> -> memref<1x100000xf32, #tpu.memory_space<hbm>>
      %dma_wait3A_1272 = tpu.memref_squeeze %dma_wait3A_1271 : memref<1x100000xf32, #tpu.memory_space<hbm>> -> memref<100000xf32, #tpu.memory_space<hbm>>
      %dma_wait3A_1273 = arith.constant 0 : i32
      %dma_wait3A_1274 = tpu.memref_slice %arg2[%add3A_1118, %dma_wait3A_1273] : memref<65x100000xf32, #tpu.memory_space<hbm>> -> memref<1x100000xf32, #tpu.memory_space<hbm>>
      %dma_wait3A_1275 = tpu.memref_squeeze %dma_wait3A_1274 : memref<1x100000xf32, #tpu.memory_space<hbm>> -> memref<100000xf32, #tpu.memory_space<hbm>>
      tpu.wait_dma2 semaphore(%arg20 : memref<!tpu.dma_semaphore, #tpu.memory_space<semaphore_mem>>) src(%dma_wait3A_1275 : memref<100000xf32, #tpu.memory_space<hbm>>) dst(%arg14 : memref<100000xf32, #tpu.memory_space<vmem>>)
      %dma_wait3A_1276 = arith.constant 1 : i32
      %dma_wait3A_1277 = arith.constant 0 : i32
      %dma_wait3A_1278 = tpu.memref_slice %arg15[%dma_wait3A_1276, %dma_wait3A_1277] : memref<2x256xf32, #tpu.memory_space<vmem>> -> memref<1x256xf32, #tpu.memory_space<vmem>>
      %dma_wait3A_1279 = tpu.memref_squeeze %dma_wait3A_1278 : memref<1x256xf32, #tpu.memory_space<vmem>> -> memref<256xf32, #tpu.memory_space<vmem>>
      %dma_wait3A_1280 = arith.constant 0 : i32
      %dma_wait3A_1281 = tpu.memref_slice %arg8[%add3A_624, %dma_wait3A_1280] : memref<88x256xf32, #tpu.memory_space<hbm>> -> memref<1x256xf32, #tpu.memory_space<hbm>>
      %dma_wait3A_1282 = tpu.memref_squeeze %dma_wait3A_1281 : memref<1x256xf32, #tpu.memory_space<hbm>> -> memref<256xf32, #tpu.memory_space<hbm>>
      %dma_wait3A_1283 = arith.constant 0 : i32
      %dma_wait3A_1284 = tpu.memref_slice %arg8[%add3A_624, %dma_wait3A_1283] : memref<88x256xf32, #tpu.memory_space<hbm>> -> memref<1x256xf32, #tpu.memory_space<hbm>>
      %dma_wait3A_1285 = tpu.memref_squeeze %dma_wait3A_1284 : memref<1x256xf32, #tpu.memory_space<hbm>> -> memref<256xf32, #tpu.memory_space<hbm>>
      %dma_wait3A_1286 = arith.constant 0 : i32
      %dma_wait3A_1287 = tpu.memref_slice %arg15[%dma_wait3A_1276, %dma_wait3A_1286] : memref<2x256xf32, #tpu.memory_space<vmem>> -> memref<1x256xf32, #tpu.memory_space<vmem>>
      %dma_wait3A_1288 = tpu.memref_squeeze %dma_wait3A_1287 : memref<1x256xf32, #tpu.memory_space<vmem>> -> memref<256xf32, #tpu.memory_space<vmem>>
      tpu.wait_dma2 semaphore(%arg22 : memref<!tpu.dma_semaphore, #tpu.memory_space<semaphore_mem>>) src(%dma_wait3A_1288 : memref<256xf32, #tpu.memory_space<vmem>>) dst(%dma_wait3A_1285 : memref<256xf32, #tpu.memory_space<hbm>>)
      %eq3A_1289 = arith.constant 14 : i32
      %eq3A_1290 = vector.broadcast %eq3A_1289 : i32 to vector<16xi32>
      %eq3A_1291 = arith.cmpi eq, %iota3A, %eq3A_1290 : vector<16xi32>
      %jit3A_1292 = arith.constant 0.000000e+00 : f32
      %broadcast_in_dim3A_1293 = vector.broadcast %add3A_1200 : f32 to vector<16xf32>
      %broadcast_in_dim3A_1294 = vector.broadcast %jit3A_1292 : f32 to vector<16xf32>
      %select_n3A_1295 = arith.select %eq3A_1291, %broadcast_in_dim3A_1293, %broadcast_in_dim3A_1294 : vector<16xi1>, vector<16xf32>
      %eq3A_1296 = arith.constant 15 : i32
      %eq3A_1297 = vector.broadcast %eq3A_1296 : i32 to vector<16xi32>
      %eq3A_1298 = arith.cmpi eq, %iota3A, %eq3A_1297 : vector<16xi32>
      %jit3A_1299 = arith.constant 0.000000e+00 : f32
      %broadcast_in_dim3A_1300 = vector.broadcast %add3A_1269 : f32 to vector<16xf32>
      %broadcast_in_dim3A_1301 = vector.broadcast %jit3A_1299 : f32 to vector<16xf32>
      %select_n3A_1302 = arith.select %eq3A_1298, %broadcast_in_dim3A_1300, %broadcast_in_dim3A_1301 : vector<16xi1>, vector<16xf32>
      %add3A_1303 = arith.addf %select_n3A_1295, %select_n3A_1302 : vector<16xf32>
      %swap3A_1304 = arith.constant 0 : i32
      %swap3A_1305 = arith.index_cast %swap3A_1304 : i32 to index
      %swap3A_1306 = arith.constant 0 : index
      %swap3A_1307 = tpu.vector_load %arg15[%swap3A_1305, %swap3A_1306] {strides = array<i32>} : memref<2x256xf32, #tpu.memory_space<vmem>>, vector<16xf32>,
      tpu.vector_store %arg15[%swap3A_1305, %swap3A_1306], %add3A_1303 {strides = array<i32>} : memref<2x256xf32, #tpu.memory_space<vmem>>, vector<16xf32>,
      %get3A_1308 = arith.constant 0 : index
      %get3A_1309 = tpu.vector_load %arg10[%get3A_1308] {strides = array<i32>} : memref<208xi32, #tpu.memory_space<vmem>>, vector<16xi32>,
      %gather3A_1310 = tpu.vector_load_idx %arg14[%get3A_1309] : memref<100000xf32, #tpu.memory_space<vmem>>[vector<16xi32>], vector<16xf32>,
      %add3A_1311 = arith.constant 0 : i32
      %add3A_1312 = vector.broadcast %add3A_1311 : i32 to vector<16xi32>
      %add3A_1313 = arith.addi %iota3A, %add3A_1312 : vector<16xi32>
      %lt3A_1314 = arith.constant 200 : i32
      %lt3A_1315 = vector.broadcast %lt3A_1314 : i32 to vector<16xi32>
      %lt3A_1316 = arith.cmpi slt, %add3A_1313, %lt3A_1315 : vector<16xi32>
      %jit3A_1317 = arith.constant 0.000000e+00 : f32
      %broadcast_in_dim3A_1318 = vector.broadcast %jit3A_1317 : f32 to vector<16xf32>
      %select_n3A_1319 = arith.select %lt3A_1316, %gather3A_1310, %broadcast_in_dim3A_1318 : vector<16xi1>, vector<16xf32>
      %reduce_sum3A_1320 = arith.constant true
      %reduce_sum3A_1321 = vector.broadcast %reduce_sum3A_1320 : i1 to vector<16xi1>
      %reduce_sum3A_1322 = tpu.scan <sum>, %select_n3A_1319 masked %reduce_sum3A_1321 : vector<16xf32>, vector<16xi1> -> vector<16xf32>
      %reduce_sum3A_1323 = vector.extract %reduce_sum3A_1322[15] : f32 from vector<16xf32>
      %add3A_1324 = arith.constant 0.000000e+00 : f32
      %add3A_1325 = arith.addf %add3A_1324, %reduce_sum3A_1323 : f32
      %swap3A_1326 = arith.constant 0 : i32
      %swap3A_1327 = arith.index_cast %swap3A_1326 : i32 to index
      %swap3A_1328 = arith.constant 16 : index
      %swap3A_1329 = tpu.vector_load %arg15[%swap3A_1327, %swap3A_1328] {strides = array<i32>} : memref<2x256xf32, #tpu.memory_space<vmem>>, vector<16xf32>,
      tpu.vector_store %arg15[%swap3A_1327, %swap3A_1328], %gather3A_1310 {strides = array<i32>} : memref<2x256xf32, #tpu.memory_space<vmem>>, vector<16xf32>,
      %get3A_1330 = arith.constant 16 : index
      %get3A_1331 = tpu.vector_load %arg10[%get3A_1330] {strides = array<i32>} : memref<208xi32, #tpu.memory_space<vmem>>, vector<16xi32>,
      %gather3A_1332 = tpu.vector_load_idx %arg14[%get3A_1331] : memref<100000xf32, #tpu.memory_space<vmem>>[vector<16xi32>], vector<16xf32>,
      %add3A_1333 = arith.constant 16 : i32
      %add3A_1334 = vector.broadcast %add3A_1333 : i32 to vector<16xi32>
      %add3A_1335 = arith.addi %iota3A, %add3A_1334 : vector<16xi32>
      %lt3A_1336 = arith.constant 200 : i32
      %lt3A_1337 = vector.broadcast %lt3A_1336 : i32 to vector<16xi32>
      %lt3A_1338 = arith.cmpi slt, %add3A_1335, %lt3A_1337 : vector<16xi32>
      %jit3A_1339 = arith.constant 0.000000e+00 : f32
      %broadcast_in_dim3A_1340 = vector.broadcast %jit3A_1339 : f32 to vector<16xf32>
      %select_n3A_1341 = arith.select %lt3A_1338, %gather3A_1332, %broadcast_in_dim3A_1340 : vector<16xi1>, vector<16xf32>
      %reduce_sum3A_1342 = arith.constant true
      %reduce_sum3A_1343 = vector.broadcast %reduce_sum3A_1342 : i1 to vector<16xi1>
      %reduce_sum3A_1344 = tpu.scan <sum>, %select_n3A_1341 masked %reduce_sum3A_1343 : vector<16xf32>, vector<16xi1> -> vector<16xf32>
      %reduce_sum3A_1345 = vector.extract %reduce_sum3A_1344[15] : f32 from vector<16xf32>
      %add3A_1346 = arith.addf %add3A_1325, %reduce_sum3A_1345 : f32
      %swap3A_1347 = arith.constant 0 : i32
      %swap3A_1348 = arith.index_cast %swap3A_1347 : i32 to index
      %swap3A_1349 = arith.constant 32 : index
      %swap3A_1350 = tpu.vector_load %arg15[%swap3A_1348, %swap3A_1349] {strides = array<i32>} : memref<2x256xf32, #tpu.memory_space<vmem>>, vector<16xf32>,
      tpu.vector_store %arg15[%swap3A_1348, %swap3A_1349], %gather3A_1332 {strides = array<i32>} : memref<2x256xf32, #tpu.memory_space<vmem>>, vector<16xf32>,
      %get3A_1351 = arith.constant 32 : index
      %get3A_1352 = tpu.vector_load %arg10[%get3A_1351] {strides = array<i32>} : memref<208xi32, #tpu.memory_space<vmem>>, vector<16xi32>,
      %gather3A_1353 = tpu.vector_load_idx %arg14[%get3A_1352] : memref<100000xf32, #tpu.memory_space<vmem>>[vector<16xi32>], vector<16xf32>,
      %add3A_1354 = arith.constant 32 : i32
      %add3A_1355 = vector.broadcast %add3A_1354 : i32 to vector<16xi32>
      %add3A_1356 = arith.addi %iota3A, %add3A_1355 : vector<16xi32>
      %lt3A_1357 = arith.constant 200 : i32
      %lt3A_1358 = vector.broadcast %lt3A_1357 : i32 to vector<16xi32>
      %lt3A_1359 = arith.cmpi slt, %add3A_1356, %lt3A_1358 : vector<16xi32>
      %jit3A_1360 = arith.constant 0.000000e+00 : f32
      %broadcast_in_dim3A_1361 = vector.broadcast %jit3A_1360 : f32 to vector<16xf32>
      %select_n3A_1362 = arith.select %lt3A_1359, %gather3A_1353, %broadcast_in_dim3A_1361 : vector<16xi1>, vector<16xf32>
      %reduce_sum3A_1363 = arith.constant true
      %reduce_sum3A_1364 = vector.broadcast %reduce_sum3A_1363 : i1 to vector<16xi1>
      %reduce_sum3A_1365 = tpu.scan <sum>, %select_n3A_1362 masked %reduce_sum3A_1364 : vector<16xf32>, vector<16xi1> -> vector<16xf32>
      %reduce_sum3A_1366 = vector.extract %reduce_sum3A_1365[15] : f32 from vector<16xf32>
      %add3A_1367 = arith.addf %add3A_1346, %reduce_sum3A_1366 : f32
      %swap3A_1368 = arith.constant 0 : i32
      %swap3A_1369 = arith.index_cast %swap3A_1368 : i32 to index
      %swap3A_1370 = arith.constant 48 : index
      %swap3A_1371 = tpu.vector_load %arg15[%swap3A_1369, %swap3A_1370] {strides = array<i32>} : memref<2x256xf32, #tpu.memory_space<vmem>>, vector<16xf32>,
      tpu.vector_store %arg15[%swap3A_1369, %swap3A_1370], %gather3A_1353 {strides = array<i32>} : memref<2x256xf32, #tpu.memory_space<vmem>>, vector<16xf32>,
      %get3A_1372 = arith.constant 48 : index
      %get3A_1373 = tpu.vector_load %arg10[%get3A_1372] {strides = array<i32>} : memref<208xi32, #tpu.memory_space<vmem>>, vector<16xi32>,
      %gather3A_1374 = tpu.vector_load_idx %arg14[%get3A_1373] : memref<100000xf32, #tpu.memory_space<vmem>>[vector<16xi32>], vector<16xf32>,
      %add3A_1375 = arith.constant 48 : i32
      %add3A_1376 = vector.broadcast %add3A_1375 : i32 to vector<16xi32>
      %add3A_1377 = arith.addi %iota3A, %add3A_1376 : vector<16xi32>
      %lt3A_1378 = arith.constant 200 : i32
      %lt3A_1379 = vector.broadcast %lt3A_1378 : i32 to vector<16xi32>
      %lt3A_1380 = arith.cmpi slt, %add3A_1377, %lt3A_1379 : vector<16xi32>
      %jit3A_1381 = arith.constant 0.000000e+00 : f32
      %broadcast_in_dim3A_1382 = vector.broadcast %jit3A_1381 : f32 to vector<16xf32>
      %select_n3A_1383 = arith.select %lt3A_1380, %gather3A_1374, %broadcast_in_dim3A_1382 : vector<16xi1>, vector<16xf32>
      %reduce_sum3A_1384 = arith.constant true
      %reduce_sum3A_1385 = vector.broadcast %reduce_sum3A_1384 : i1 to vector<16xi1>
      %reduce_sum3A_1386 = tpu.scan <sum>, %select_n3A_1383 masked %reduce_sum3A_1385 : vector<16xf32>, vector<16xi1> -> vector<16xf32>
      %reduce_sum3A_1387 = vector.extract %reduce_sum3A_1386[15] : f32 from vector<16xf32>
      %add3A_1388 = arith.addf %add3A_1367, %reduce_sum3A_1387 : f32
      %swap3A_1389 = arith.constant 0 : i32
      %swap3A_1390 = arith.index_cast %swap3A_1389 : i32 to index
      %swap3A_1391 = arith.constant 64 : index
      %swap3A_1392 = tpu.vector_load %arg15[%swap3A_1390, %swap3A_1391] {strides = array<i32>} : memref<2x256xf32, #tpu.memory_space<vmem>>, vector<16xf32>,
      tpu.vector_store %arg15[%swap3A_1390, %swap3A_1391], %gather3A_1374 {strides = array<i32>} : memref<2x256xf32, #tpu.memory_space<vmem>>, vector<16xf32>,
      %get3A_1393 = arith.constant 64 : index
      %get3A_1394 = tpu.vector_load %arg10[%get3A_1393] {strides = array<i32>} : memref<208xi32, #tpu.memory_space<vmem>>, vector<16xi32>,
      %gather3A_1395 = tpu.vector_load_idx %arg14[%get3A_1394] : memref<100000xf32, #tpu.memory_space<vmem>>[vector<16xi32>], vector<16xf32>,
      %add3A_1396 = arith.constant 64 : i32
      %add3A_1397 = vector.broadcast %add3A_1396 : i32 to vector<16xi32>
      %add3A_1398 = arith.addi %iota3A, %add3A_1397 : vector<16xi32>
      %lt3A_1399 = arith.constant 200 : i32
      %lt3A_1400 = vector.broadcast %lt3A_1399 : i32 to vector<16xi32>
      %lt3A_1401 = arith.cmpi slt, %add3A_1398, %lt3A_1400 : vector<16xi32>
      %jit3A_1402 = arith.constant 0.000000e+00 : f32
      %broadcast_in_dim3A_1403 = vector.broadcast %jit3A_1402 : f32 to vector<16xf32>
      %select_n3A_1404 = arith.select %lt3A_1401, %gather3A_1395, %broadcast_in_dim3A_1403 : vector<16xi1>, vector<16xf32>
      %reduce_sum3A_1405 = arith.constant true
      %reduce_sum3A_1406 = vector.broadcast %reduce_sum3A_1405 : i1 to vector<16xi1>
      %reduce_sum3A_1407 = tpu.scan <sum>, %select_n3A_1404 masked %reduce_sum3A_1406 : vector<16xf32>, vector<16xi1> -> vector<16xf32>
      %reduce_sum3A_1408 = vector.extract %reduce_sum3A_1407[15] : f32 from vector<16xf32>
      %add3A_1409 = arith.addf %add3A_1388, %reduce_sum3A_1408 : f32
      %swap3A_1410 = arith.constant 0 : i32
      %swap3A_1411 = arith.index_cast %swap3A_1410 : i32 to index
      %swap3A_1412 = arith.constant 80 : index
      %swap3A_1413 = tpu.vector_load %arg15[%swap3A_1411, %swap3A_1412] {strides = array<i32>} : memref<2x256xf32, #tpu.memory_space<vmem>>, vector<16xf32>,
      tpu.vector_store %arg15[%swap3A_1411, %swap3A_1412], %gather3A_1395 {strides = array<i32>} : memref<2x256xf32, #tpu.memory_space<vmem>>, vector<16xf32>,
      %get3A_1414 = arith.constant 80 : index
      %get3A_1415 = tpu.vector_load %arg10[%get3A_1414] {strides = array<i32>} : memref<208xi32, #tpu.memory_space<vmem>>, vector<16xi32>,
      %gather3A_1416 = tpu.vector_load_idx %arg14[%get3A_1415] : memref<100000xf32, #tpu.memory_space<vmem>>[vector<16xi32>], vector<16xf32>,
      %add3A_1417 = arith.constant 80 : i32
      %add3A_1418 = vector.broadcast %add3A_1417 : i32 to vector<16xi32>
      %add3A_1419 = arith.addi %iota3A, %add3A_1418 : vector<16xi32>
      %lt3A_1420 = arith.constant 200 : i32
      %lt3A_1421 = vector.broadcast %lt3A_1420 : i32 to vector<16xi32>
      %lt3A_1422 = arith.cmpi slt, %add3A_1419, %lt3A_1421 : vector<16xi32>
      %jit3A_1423 = arith.constant 0.000000e+00 : f32
      %broadcast_in_dim3A_1424 = vector.broadcast %jit3A_1423 : f32 to vector<16xf32>
      %select_n3A_1425 = arith.select %lt3A_1422, %gather3A_1416, %broadcast_in_dim3A_1424 : vector<16xi1>, vector<16xf32>
      %reduce_sum3A_1426 = arith.constant true
      %reduce_sum3A_1427 = vector.broadcast %reduce_sum3A_1426 : i1 to vector<16xi1>
      %reduce_sum3A_1428 = tpu.scan <sum>, %select_n3A_1425 masked %reduce_sum3A_1427 : vector<16xf32>, vector<16xi1> -> vector<16xf32>
      %reduce_sum3A_1429 = vector.extract %reduce_sum3A_1428[15] : f32 from vector<16xf32>
      %add3A_1430 = arith.addf %add3A_1409, %reduce_sum3A_1429 : f32
      %swap3A_1431 = arith.constant 0 : i32
      %swap3A_1432 = arith.index_cast %swap3A_1431 : i32 to index
      %swap3A_1433 = arith.constant 96 : index
      %swap3A_1434 = tpu.vector_load %arg15[%swap3A_1432, %swap3A_1433] {strides = array<i32>} : memref<2x256xf32, #tpu.memory_space<vmem>>, vector<16xf32>,
      tpu.vector_store %arg15[%swap3A_1432, %swap3A_1433], %gather3A_1416 {strides = array<i32>} : memref<2x256xf32, #tpu.memory_space<vmem>>, vector<16xf32>,
      %get3A_1435 = arith.constant 96 : index
      %get3A_1436 = tpu.vector_load %arg10[%get3A_1435] {strides = array<i32>} : memref<208xi32, #tpu.memory_space<vmem>>, vector<16xi32>,
      %gather3A_1437 = tpu.vector_load_idx %arg14[%get3A_1436] : memref<100000xf32, #tpu.memory_space<vmem>>[vector<16xi32>], vector<16xf32>,
      %add3A_1438 = arith.constant 96 : i32
      %add3A_1439 = vector.broadcast %add3A_1438 : i32 to vector<16xi32>
      %add3A_1440 = arith.addi %iota3A, %add3A_1439 : vector<16xi32>
      %lt3A_1441 = arith.constant 200 : i32
      %lt3A_1442 = vector.broadcast %lt3A_1441 : i32 to vector<16xi32>
      %lt3A_1443 = arith.cmpi slt, %add3A_1440, %lt3A_1442 : vector<16xi32>
      %jit3A_1444 = arith.constant 0.000000e+00 : f32
      %broadcast_in_dim3A_1445 = vector.broadcast %jit3A_1444 : f32 to vector<16xf32>
      %select_n3A_1446 = arith.select %lt3A_1443, %gather3A_1437, %broadcast_in_dim3A_1445 : vector<16xi1>, vector<16xf32>
      %reduce_sum3A_1447 = arith.constant true
      %reduce_sum3A_1448 = vector.broadcast %reduce_sum3A_1447 : i1 to vector<16xi1>
      %reduce_sum3A_1449 = tpu.scan <sum>, %select_n3A_1446 masked %reduce_sum3A_1448 : vector<16xf32>, vector<16xi1> -> vector<16xf32>
      %reduce_sum3A_1450 = vector.extract %reduce_sum3A_1449[15] : f32 from vector<16xf32>
      %add3A_1451 = arith.addf %add3A_1430, %reduce_sum3A_1450 : f32
      %swap3A_1452 = arith.constant 0 : i32
      %swap3A_1453 = arith.index_cast %swap3A_1452 : i32 to index
      %swap3A_1454 = arith.constant 112 : index
      %swap3A_1455 = tpu.vector_load %arg15[%swap3A_1453, %swap3A_1454] {strides = array<i32>} : memref<2x256xf32, #tpu.memory_space<vmem>>, vector<16xf32>,
      tpu.vector_store %arg15[%swap3A_1453, %swap3A_1454], %gather3A_1437 {strides = array<i32>} : memref<2x256xf32, #tpu.memory_space<vmem>>, vector<16xf32>,
      %get3A_1456 = arith.constant 112 : index
      %get3A_1457 = tpu.vector_load %arg10[%get3A_1456] {strides = array<i32>} : memref<208xi32, #tpu.memory_space<vmem>>, vector<16xi32>,
      %gather3A_1458 = tpu.vector_load_idx %arg14[%get3A_1457] : memref<100000xf32, #tpu.memory_space<vmem>>[vector<16xi32>], vector<16xf32>,
      %add3A_1459 = arith.constant 112 : i32
      %add3A_1460 = vector.broadcast %add3A_1459 : i32 to vector<16xi32>
      %add3A_1461 = arith.addi %iota3A, %add3A_1460 : vector<16xi32>
      %lt3A_1462 = arith.constant 200 : i32
      %lt3A_1463 = vector.broadcast %lt3A_1462 : i32 to vector<16xi32>
      %lt3A_1464 = arith.cmpi slt, %add3A_1461, %lt3A_1463 : vector<16xi32>
      %jit3A_1465 = arith.constant 0.000000e+00 : f32
      %broadcast_in_dim3A_1466 = vector.broadcast %jit3A_1465 : f32 to vector<16xf32>
      %select_n3A_1467 = arith.select %lt3A_1464, %gather3A_1458, %broadcast_in_dim3A_1466 : vector<16xi1>, vector<16xf32>
      %reduce_sum3A_1468 = arith.constant true
      %reduce_sum3A_1469 = vector.broadcast %reduce_sum3A_1468 : i1 to vector<16xi1>
      %reduce_sum3A_1470 = tpu.scan <sum>, %select_n3A_1467 masked %reduce_sum3A_1469 : vector<16xf32>, vector<16xi1> -> vector<16xf32>
      %reduce_sum3A_1471 = vector.extract %reduce_sum3A_1470[15] : f32 from vector<16xf32>
      %add3A_1472 = arith.addf %add3A_1451, %reduce_sum3A_1471 : f32
      %swap3A_1473 = arith.constant 0 : i32
      %swap3A_1474 = arith.index_cast %swap3A_1473 : i32 to index
      %swap3A_1475 = arith.constant 128 : index
      %swap3A_1476 = tpu.vector_load %arg15[%swap3A_1474, %swap3A_1475] {strides = array<i32>} : memref<2x256xf32, #tpu.memory_space<vmem>>, vector<16xf32>,
      tpu.vector_store %arg15[%swap3A_1474, %swap3A_1475], %gather3A_1458 {strides = array<i32>} : memref<2x256xf32, #tpu.memory_space<vmem>>, vector<16xf32>,
      %get3A_1477 = arith.constant 128 : index
      %get3A_1478 = tpu.vector_load %arg10[%get3A_1477] {strides = array<i32>} : memref<208xi32, #tpu.memory_space<vmem>>, vector<16xi32>,
      %gather3A_1479 = tpu.vector_load_idx %arg14[%get3A_1478] : memref<100000xf32, #tpu.memory_space<vmem>>[vector<16xi32>], vector<16xf32>,
      %add3A_1480 = arith.constant 128 : i32
      %add3A_1481 = vector.broadcast %add3A_1480 : i32 to vector<16xi32>
      %add3A_1482 = arith.addi %iota3A, %add3A_1481 : vector<16xi32>
      %lt3A_1483 = arith.constant 200 : i32
      %lt3A_1484 = vector.broadcast %lt3A_1483 : i32 to vector<16xi32>
      %lt3A_1485 = arith.cmpi slt, %add3A_1482, %lt3A_1484 : vector<16xi32>
      %jit3A_1486 = arith.constant 0.000000e+00 : f32
      %broadcast_in_dim3A_1487 = vector.broadcast %jit3A_1486 : f32 to vector<16xf32>
      %select_n3A_1488 = arith.select %lt3A_1485, %gather3A_1479, %broadcast_in_dim3A_1487 : vector<16xi1>, vector<16xf32>
      %reduce_sum3A_1489 = arith.constant true
      %reduce_sum3A_1490 = vector.broadcast %reduce_sum3A_1489 : i1 to vector<16xi1>
      %reduce_sum3A_1491 = tpu.scan <sum>, %select_n3A_1488 masked %reduce_sum3A_1490 : vector<16xf32>, vector<16xi1> -> vector<16xf32>
      %reduce_sum3A_1492 = vector.extract %reduce_sum3A_1491[15] : f32 from vector<16xf32>
      %add3A_1493 = arith.addf %add3A_1472, %reduce_sum3A_1492 : f32
      %swap3A_1494 = arith.constant 0 : i32
      %swap3A_1495 = arith.index_cast %swap3A_1494 : i32 to index
      %swap3A_1496 = arith.constant 144 : index
      %swap3A_1497 = tpu.vector_load %arg15[%swap3A_1495, %swap3A_1496] {strides = array<i32>} : memref<2x256xf32, #tpu.memory_space<vmem>>, vector<16xf32>,
      tpu.vector_store %arg15[%swap3A_1495, %swap3A_1496], %gather3A_1479 {strides = array<i32>} : memref<2x256xf32, #tpu.memory_space<vmem>>, vector<16xf32>,
      %get3A_1498 = arith.constant 144 : index
      %get3A_1499 = tpu.vector_load %arg10[%get3A_1498] {strides = array<i32>} : memref<208xi32, #tpu.memory_space<vmem>>, vector<16xi32>,
      %gather3A_1500 = tpu.vector_load_idx %arg14[%get3A_1499] : memref<100000xf32, #tpu.memory_space<vmem>>[vector<16xi32>], vector<16xf32>,
      %add3A_1501 = arith.constant 144 : i32
      %add3A_1502 = vector.broadcast %add3A_1501 : i32 to vector<16xi32>
      %add3A_1503 = arith.addi %iota3A, %add3A_1502 : vector<16xi32>
      %lt3A_1504 = arith.constant 200 : i32
      %lt3A_1505 = vector.broadcast %lt3A_1504 : i32 to vector<16xi32>
      %lt3A_1506 = arith.cmpi slt, %add3A_1503, %lt3A_1505 : vector<16xi32>
      %jit3A_1507 = arith.constant 0.000000e+00 : f32
      %broadcast_in_dim3A_1508 = vector.broadcast %jit3A_1507 : f32 to vector<16xf32>
      %select_n3A_1509 = arith.select %lt3A_1506, %gather3A_1500, %broadcast_in_dim3A_1508 : vector<16xi1>, vector<16xf32>
      %reduce_sum3A_1510 = arith.constant true
      %reduce_sum3A_1511 = vector.broadcast %reduce_sum3A_1510 : i1 to vector<16xi1>
      %reduce_sum3A_1512 = tpu.scan <sum>, %select_n3A_1509 masked %reduce_sum3A_1511 : vector<16xf32>, vector<16xi1> -> vector<16xf32>
      %reduce_sum3A_1513 = vector.extract %reduce_sum3A_1512[15] : f32 from vector<16xf32>
      %add3A_1514 = arith.addf %add3A_1493, %reduce_sum3A_1513 : f32
      %swap3A_1515 = arith.constant 0 : i32
      %swap3A_1516 = arith.index_cast %swap3A_1515 : i32 to index
      %swap3A_1517 = arith.constant 160 : index
      %swap3A_1518 = tpu.vector_load %arg15[%swap3A_1516, %swap3A_1517] {strides = array<i32>} : memref<2x256xf32, #tpu.memory_space<vmem>>, vector<16xf32>,
      tpu.vector_store %arg15[%swap3A_1516, %swap3A_1517], %gather3A_1500 {strides = array<i32>} : memref<2x256xf32, #tpu.memory_space<vmem>>, vector<16xf32>,
      %get3A_1519 = arith.constant 160 : index
      %get3A_1520 = tpu.vector_load %arg10[%get3A_1519] {strides = array<i32>} : memref<208xi32, #tpu.memory_space<vmem>>, vector<16xi32>,
      %gather3A_1521 = tpu.vector_load_idx %arg14[%get3A_1520] : memref<100000xf32, #tpu.memory_space<vmem>>[vector<16xi32>], vector<16xf32>,
      %add3A_1522 = arith.constant 160 : i32
      %add3A_1523 = vector.broadcast %add3A_1522 : i32 to vector<16xi32>
      %add3A_1524 = arith.addi %iota3A, %add3A_1523 : vector<16xi32>
      %lt3A_1525 = arith.constant 200 : i32
      %lt3A_1526 = vector.broadcast %lt3A_1525 : i32 to vector<16xi32>
      %lt3A_1527 = arith.cmpi slt, %add3A_1524, %lt3A_1526 : vector<16xi32>
      %jit3A_1528 = arith.constant 0.000000e+00 : f32
      %broadcast_in_dim3A_1529 = vector.broadcast %jit3A_1528 : f32 to vector<16xf32>
      %select_n3A_1530 = arith.select %lt3A_1527, %gather3A_1521, %broadcast_in_dim3A_1529 : vector<16xi1>, vector<16xf32>
      %reduce_sum3A_1531 = arith.constant true
      %reduce_sum3A_1532 = vector.broadcast %reduce_sum3A_1531 : i1 to vector<16xi1>
      %reduce_sum3A_1533 = tpu.scan <sum>, %select_n3A_1530 masked %reduce_sum3A_1532 : vector<16xf32>, vector<16xi1> -> vector<16xf32>
      %reduce_sum3A_1534 = vector.extract %reduce_sum3A_1533[15] : f32 from vector<16xf32>
      %add3A_1535 = arith.addf %add3A_1514, %reduce_sum3A_1534 : f32
      %swap3A_1536 = arith.constant 0 : i32
      %swap3A_1537 = arith.index_cast %swap3A_1536 : i32 to index
      %swap3A_1538 = arith.constant 176 : index
      %swap3A_1539 = tpu.vector_load %arg15[%swap3A_1537, %swap3A_1538] {strides = array<i32>} : memref<2x256xf32, #tpu.memory_space<vmem>>, vector<16xf32>,
      tpu.vector_store %arg15[%swap3A_1537, %swap3A_1538], %gather3A_1521 {strides = array<i32>} : memref<2x256xf32, #tpu.memory_space<vmem>>, vector<16xf32>,
      %get3A_1540 = arith.constant 176 : index
      %get3A_1541 = tpu.vector_load %arg10[%get3A_1540] {strides = array<i32>} : memref<208xi32, #tpu.memory_space<vmem>>, vector<16xi32>,
      %gather3A_1542 = tpu.vector_load_idx %arg14[%get3A_1541] : memref<100000xf32, #tpu.memory_space<vmem>>[vector<16xi32>], vector<16xf32>,
      %add3A_1543 = arith.constant 176 : i32
      %add3A_1544 = vector.broadcast %add3A_1543 : i32 to vector<16xi32>
      %add3A_1545 = arith.addi %iota3A, %add3A_1544 : vector<16xi32>
      %lt3A_1546 = arith.constant 200 : i32
      %lt3A_1547 = vector.broadcast %lt3A_1546 : i32 to vector<16xi32>
      %lt3A_1548 = arith.cmpi slt, %add3A_1545, %lt3A_1547 : vector<16xi32>
      %jit3A_1549 = arith.constant 0.000000e+00 : f32
      %broadcast_in_dim3A_1550 = vector.broadcast %jit3A_1549 : f32 to vector<16xf32>
      %select_n3A_1551 = arith.select %lt3A_1548, %gather3A_1542, %broadcast_in_dim3A_1550 : vector<16xi1>, vector<16xf32>
      %reduce_sum3A_1552 = arith.constant true
      %reduce_sum3A_1553 = vector.broadcast %reduce_sum3A_1552 : i1 to vector<16xi1>
      %reduce_sum3A_1554 = tpu.scan <sum>, %select_n3A_1551 masked %reduce_sum3A_1553 : vector<16xf32>, vector<16xi1> -> vector<16xf32>
      %reduce_sum3A_1555 = vector.extract %reduce_sum3A_1554[15] : f32 from vector<16xf32>
      %add3A_1556 = arith.addf %add3A_1535, %reduce_sum3A_1555 : f32
      %swap3A_1557 = arith.constant 0 : i32
      %swap3A_1558 = arith.index_cast %swap3A_1557 : i32 to index
      %swap3A_1559 = arith.constant 192 : index
      %swap3A_1560 = tpu.vector_load %arg15[%swap3A_1558, %swap3A_1559] {strides = array<i32>} : memref<2x256xf32, #tpu.memory_space<vmem>>, vector<16xf32>,
      tpu.vector_store %arg15[%swap3A_1558, %swap3A_1559], %gather3A_1542 {strides = array<i32>} : memref<2x256xf32, #tpu.memory_space<vmem>>, vector<16xf32>,
      %get3A_1561 = arith.constant 192 : index
      %get3A_1562 = tpu.vector_load %arg10[%get3A_1561] {strides = array<i32>} : memref<208xi32, #tpu.memory_space<vmem>>, vector<16xi32>,
      %gather3A_1563 = tpu.vector_load_idx %arg14[%get3A_1562] : memref<100000xf32, #tpu.memory_space<vmem>>[vector<16xi32>], vector<16xf32>,
      %add3A_1564 = arith.constant 192 : i32
      %add3A_1565 = vector.broadcast %add3A_1564 : i32 to vector<16xi32>
      %add3A_1566 = arith.addi %iota3A, %add3A_1565 : vector<16xi32>
      %lt3A_1567 = arith.constant 200 : i32
      %lt3A_1568 = vector.broadcast %lt3A_1567 : i32 to vector<16xi32>
      %lt3A_1569 = arith.cmpi slt, %add3A_1566, %lt3A_1568 : vector<16xi32>
      %jit3A_1570 = arith.constant 0.000000e+00 : f32
      %broadcast_in_dim3A_1571 = vector.broadcast %jit3A_1570 : f32 to vector<16xf32>
      %select_n3A_1572 = arith.select %lt3A_1569, %gather3A_1563, %broadcast_in_dim3A_1571 : vector<16xi1>, vector<16xf32>
      %reduce_sum3A_1573 = arith.constant true
      %reduce_sum3A_1574 = vector.broadcast %reduce_sum3A_1573 : i1 to vector<16xi1>
      %reduce_sum3A_1575 = tpu.scan <sum>, %select_n3A_1572 masked %reduce_sum3A_1574 : vector<16xf32>, vector<16xi1> -> vector<16xf32>
      %reduce_sum3A_1576 = vector.extract %reduce_sum3A_1575[15] : f32 from vector<16xf32>
      %add3A_1577 = arith.addf %add3A_1556, %reduce_sum3A_1576 : f32
      %swap3A_1578 = arith.constant 0 : i32
      %swap3A_1579 = arith.index_cast %swap3A_1578 : i32 to index
      %swap3A_1580 = arith.constant 208 : index
      %swap3A_1581 = tpu.vector_load %arg15[%swap3A_1579, %swap3A_1580] {strides = array<i32>} : memref<2x256xf32, #tpu.memory_space<vmem>>, vector<16xf32>,
      tpu.vector_store %arg15[%swap3A_1579, %swap3A_1580], %gather3A_1563 {strides = array<i32>} : memref<2x256xf32, #tpu.memory_space<vmem>>, vector<16xf32>,
      %dma_start3A_1582 = arith.constant 0 : i32
      %dma_start3A_1583 = arith.constant 0 : i32
      %dma_start3A_1584 = tpu.memref_slice %arg15[%dma_start3A_1582, %dma_start3A_1583] : memref<2x256xf32, #tpu.memory_space<vmem>> -> memref<1x256xf32, #tpu.memory_space<vmem>>
      %dma_start3A_1585 = tpu.memref_squeeze %dma_start3A_1584 : memref<1x256xf32, #tpu.memory_space<vmem>> -> memref<256xf32, #tpu.memory_space<vmem>>
      %dma_start3A_1586 = arith.constant 0 : i32
      %dma_start3A_1587 = tpu.memref_slice %arg8[%add3A_1118, %dma_start3A_1586] : memref<88x256xf32, #tpu.memory_space<hbm>> -> memref<1x256xf32, #tpu.memory_space<hbm>>
      %dma_start3A_1588 = tpu.memref_squeeze %dma_start3A_1587 : memref<1x256xf32, #tpu.memory_space<hbm>> -> memref<256xf32, #tpu.memory_space<hbm>>
      %dma_start3A_1589 = arith.constant 0 : i32
      %dma_start3A_1590 = tpu.memref_slice %arg8[%add3A_1118, %dma_start3A_1589] : memref<88x256xf32, #tpu.memory_space<hbm>> -> memref<1x256xf32, #tpu.memory_space<hbm>>
      %dma_start3A_1591 = tpu.memref_squeeze %dma_start3A_1590 : memref<1x256xf32, #tpu.memory_space<hbm>> -> memref<256xf32, #tpu.memory_space<hbm>>
      %dma_start3A_1592 = arith.constant 0 : i32
      %dma_start3A_1593 = tpu.memref_slice %arg15[%dma_start3A_1582, %dma_start3A_1592] : memref<2x256xf32, #tpu.memory_space<vmem>> -> memref<1x256xf32, #tpu.memory_space<vmem>>
      %dma_start3A_1594 = tpu.memref_squeeze %dma_start3A_1593 : memref<1x256xf32, #tpu.memory_space<vmem>> -> memref<256xf32, #tpu.memory_space<vmem>>
      tpu.enqueue_dma source(%dma_start3A_1594 : memref<256xf32, #tpu.memory_space<vmem>>) target(%dma_start3A_1591 : memref<256xf32, #tpu.memory_space<hbm>>) target_semaphore(%arg22 : memref<!tpu.dma_semaphore, #tpu.memory_space<semaphore_mem>>)
      %mul3A_1595 = arith.mulf %add3A_1200, %add3A_1269 : f32
      %add3A_1596 = arith.addf %add3A_1200, %add3A_1269 : f32
      %mul3A_1597 = arith.mulf %add3A_1596, %add3A_1577 : f32
      %add3A_1598 = arith.addf %mul3A_1595, %mul3A_1597 : f32
      %get3A_1599 = arith.constant 0 : index
      %get3A_1600 = tpu.vector_load %arg19[%get3A_1599] {strides = array<i32>} : memref<16xf32, #tpu.memory_space<vmem>>, vector<16xf32>,
      %eq3A_1601 = arith.constant 0 : i32
      %eq3A_1602 = vector.broadcast %eq3A_1601 : i32 to vector<16xi32>
      %eq3A_1603 = arith.cmpi eq, %iota3A, %eq3A_1602 : vector<16xi32>
      %jit3A_1604 = arith.constant 0.000000e+00 : f32
      %broadcast_in_dim3A_1605 = vector.broadcast %add3A_1598 : f32 to vector<16xf32>
      %broadcast_in_dim3A_1606 = vector.broadcast %jit3A_1604 : f32 to vector<16xf32>
      %select_n3A_1607 = arith.select %eq3A_1603, %broadcast_in_dim3A_1605, %broadcast_in_dim3A_1606 : vector<16xi1>, vector<16xf32>
      %add3A_1608 = arith.addf %get3A_1600, %select_n3A_1607 : vector<16xf32>
      %swap3A_1609 = arith.constant 0 : index
      %swap3A_1610 = tpu.vector_load %arg19[%swap3A_1609] {strides = array<i32>} : memref<16xf32, #tpu.memory_space<vmem>>, vector<16xf32>,
      tpu.vector_store %arg19[%swap3A_1609], %add3A_1608 {strides = array<i32>} : memref<16xf32, #tpu.memory_space<vmem>>, vector<16xf32>,
      %add3A_1611 = arith.constant 48 : i32
      %add3A_1612 = arith.addi %arg1, %add3A_1611 : i32
      %dma_start3A_1613 = arith.constant 0 : i32
      %dma_start3A_1614 = tpu.memref_slice %arg2[%add3A_1612, %dma_start3A_1613] : memref<65x100000xf32, #tpu.memory_space<hbm>> -> memref<1x100000xf32, #tpu.memory_space<hbm>>
      %dma_start3A_1615 = tpu.memref_squeeze %dma_start3A_1614 : memref<1x100000xf32, #tpu.memory_space<hbm>> -> memref<100000xf32, #tpu.memory_space<hbm>>
      %dma_start3A_1616 = arith.constant 0 : i32
      %dma_start3A_1617 = tpu.memref_slice %arg2[%add3A_1612, %dma_start3A_1616] : memref<65x100000xf32, #tpu.memory_space<hbm>> -> memref<1x100000xf32, #tpu.memory_space<hbm>>
      %dma_start3A_1618 = tpu.memref_squeeze %dma_start3A_1617 : memref<1x100000xf32, #tpu.memory_space<hbm>> -> memref<100000xf32, #tpu.memory_space<hbm>>
      tpu.enqueue_dma source(%dma_start3A_1618 : memref<100000xf32, #tpu.memory_space<hbm>>) target(%arg14 : memref<100000xf32, #tpu.memory_space<vmem>>) target_semaphore(%arg20 : memref<!tpu.dma_semaphore, #tpu.memory_space<semaphore_mem>>)
      %get3A_1619 = arith.constant 0 : index
      %get3A_1620 = tpu.vector_load %arg12[%get3A_1619] {strides = array<i32>} : memref<80xf32, #tpu.memory_space<vmem>>, vector<16xf32>,
      %add3A_1621 = arith.constant 0 : i32
      %add3A_1622 = vector.broadcast %add3A_1621 : i32 to vector<16xi32>
      %add3A_1623 = arith.addi %iota3A, %add3A_1622 : vector<16xi32>
      %eq3A_1624 = vector.broadcast %add3A_1612 : i32 to vector<16xi32>
      %eq3A_1625 = arith.cmpi eq, %add3A_1623, %eq3A_1624 : vector<16xi32>
      %jit3A_1626 = arith.constant 0.000000e+00 : f32
      %broadcast_in_dim3A_1627 = vector.broadcast %jit3A_1626 : f32 to vector<16xf32>
      %select_n3A_1628 = arith.select %eq3A_1625, %get3A_1620, %broadcast_in_dim3A_1627 : vector<16xi1>, vector<16xf32>
      %reduce_sum3A_1629 = arith.constant true
      %reduce_sum3A_1630 = vector.broadcast %reduce_sum3A_1629 : i1 to vector<16xi1>
      %reduce_sum3A_1631 = tpu.scan <sum>, %select_n3A_1628 masked %reduce_sum3A_1630 : vector<16xf32>, vector<16xi1> -> vector<16xf32>
      %reduce_sum3A_1632 = vector.extract %reduce_sum3A_1631[15] : f32 from vector<16xf32>
      %add3A_1633 = arith.constant 0.000000e+00 : f32
      %add3A_1634 = arith.addf %add3A_1633, %reduce_sum3A_1632 : f32
      %get3A_1635 = arith.constant 16 : index
      %get3A_1636 = tpu.vector_load %arg12[%get3A_1635] {strides = array<i32>} : memref<80xf32, #tpu.memory_space<vmem>>, vector<16xf32>,
      %add3A_1637 = arith.constant 16 : i32
      %add3A_1638 = vector.broadcast %add3A_1637 : i32 to vector<16xi32>
      %add3A_1639 = arith.addi %iota3A, %add3A_1638 : vector<16xi32>
      %eq3A_1640 = vector.broadcast %add3A_1612 : i32 to vector<16xi32>
      %eq3A_1641 = arith.cmpi eq, %add3A_1639, %eq3A_1640 : vector<16xi32>
      %jit3A_1642 = arith.constant 0.000000e+00 : f32
      %broadcast_in_dim3A_1643 = vector.broadcast %jit3A_1642 : f32 to vector<16xf32>
      %select_n3A_1644 = arith.select %eq3A_1641, %get3A_1636, %broadcast_in_dim3A_1643 : vector<16xi1>, vector<16xf32>
      %reduce_sum3A_1645 = arith.constant true
      %reduce_sum3A_1646 = vector.broadcast %reduce_sum3A_1645 : i1 to vector<16xi1>
      %reduce_sum3A_1647 = tpu.scan <sum>, %select_n3A_1644 masked %reduce_sum3A_1646 : vector<16xf32>, vector<16xi1> -> vector<16xf32>
      %reduce_sum3A_1648 = vector.extract %reduce_sum3A_1647[15] : f32 from vector<16xf32>
      %add3A_1649 = arith.addf %add3A_1634, %reduce_sum3A_1648 : f32
      %get3A_1650 = arith.constant 32 : index
      %get3A_1651 = tpu.vector_load %arg12[%get3A_1650] {strides = array<i32>} : memref<80xf32, #tpu.memory_space<vmem>>, vector<16xf32>,
      %add3A_1652 = arith.constant 32 : i32
      %add3A_1653 = vector.broadcast %add3A_1652 : i32 to vector<16xi32>
      %add3A_1654 = arith.addi %iota3A, %add3A_1653 : vector<16xi32>
      %eq3A_1655 = vector.broadcast %add3A_1612 : i32 to vector<16xi32>
      %eq3A_1656 = arith.cmpi eq, %add3A_1654, %eq3A_1655 : vector<16xi32>
      %jit3A_1657 = arith.constant 0.000000e+00 : f32
      %broadcast_in_dim3A_1658 = vector.broadcast %jit3A_1657 : f32 to vector<16xf32>
      %select_n3A_1659 = arith.select %eq3A_1656, %get3A_1651, %broadcast_in_dim3A_1658 : vector<16xi1>, vector<16xf32>
      %reduce_sum3A_1660 = arith.constant true
      %reduce_sum3A_1661 = vector.broadcast %reduce_sum3A_1660 : i1 to vector<16xi1>
      %reduce_sum3A_1662 = tpu.scan <sum>, %select_n3A_1659 masked %reduce_sum3A_1661 : vector<16xf32>, vector<16xi1> -> vector<16xf32>
      %reduce_sum3A_1663 = vector.extract %reduce_sum3A_1662[15] : f32 from vector<16xf32>
      %add3A_1664 = arith.addf %add3A_1649, %reduce_sum3A_1663 : f32
      %get3A_1665 = arith.constant 48 : index
      %get3A_1666 = tpu.vector_load %arg12[%get3A_1665] {strides = array<i32>} : memref<80xf32, #tpu.memory_space<vmem>>, vector<16xf32>,
      %add3A_1667 = arith.constant 48 : i32
      %add3A_1668 = vector.broadcast %add3A_1667 : i32 to vector<16xi32>
      %add3A_1669 = arith.addi %iota3A, %add3A_1668 : vector<16xi32>
      %eq3A_1670 = vector.broadcast %add3A_1612 : i32 to vector<16xi32>
      %eq3A_1671 = arith.cmpi eq, %add3A_1669, %eq3A_1670 : vector<16xi32>
      %jit3A_1672 = arith.constant 0.000000e+00 : f32
      %broadcast_in_dim3A_1673 = vector.broadcast %jit3A_1672 : f32 to vector<16xf32>
      %select_n3A_1674 = arith.select %eq3A_1671, %get3A_1666, %broadcast_in_dim3A_1673 : vector<16xi1>, vector<16xf32>
      %reduce_sum3A_1675 = arith.constant true
      %reduce_sum3A_1676 = vector.broadcast %reduce_sum3A_1675 : i1 to vector<16xi1>
      %reduce_sum3A_1677 = tpu.scan <sum>, %select_n3A_1674 masked %reduce_sum3A_1676 : vector<16xf32>, vector<16xi1> -> vector<16xf32>
      %reduce_sum3A_1678 = vector.extract %reduce_sum3A_1677[15] : f32 from vector<16xf32>
      %add3A_1679 = arith.addf %add3A_1664, %reduce_sum3A_1678 : f32
      %get3A_1680 = arith.constant 64 : index
      %get3A_1681 = tpu.vector_load %arg12[%get3A_1680] {strides = array<i32>} : memref<80xf32, #tpu.memory_space<vmem>>, vector<16xf32>,
      %add3A_1682 = arith.constant 64 : i32
      %add3A_1683 = vector.broadcast %add3A_1682 : i32 to vector<16xi32>
      %add3A_1684 = arith.addi %iota3A, %add3A_1683 : vector<16xi32>
      %eq3A_1685 = vector.broadcast %add3A_1612 : i32 to vector<16xi32>
      %eq3A_1686 = arith.cmpi eq, %add3A_1684, %eq3A_1685 : vector<16xi32>
      %jit3A_1687 = arith.constant 0.000000e+00 : f32
      %broadcast_in_dim3A_1688 = vector.broadcast %jit3A_1687 : f32 to vector<16xf32>
      %select_n3A_1689 = arith.select %eq3A_1686, %get3A_1681, %broadcast_in_dim3A_1688 : vector<16xi1>, vector<16xf32>
      %reduce_sum3A_1690 = arith.constant true
      %reduce_sum3A_1691 = vector.broadcast %reduce_sum3A_1690 : i1 to vector<16xi1>
      %reduce_sum3A_1692 = tpu.scan <sum>, %select_n3A_1689 masked %reduce_sum3A_1691 : vector<16xf32>, vector<16xi1> -> vector<16xf32>
      %reduce_sum3A_1693 = vector.extract %reduce_sum3A_1692[15] : f32 from vector<16xf32>
      %add3A_1694 = arith.addf %add3A_1679, %reduce_sum3A_1693 : f32
      %get3A_1695 = arith.constant 3 : i32
      %get3A_1696 = arith.index_cast %get3A_1695 : i32 to index
      %get3A_1697 = arith.constant 0 : index
      %get3A_1698 = tpu.vector_load %arg13[%get3A_1696, %get3A_1697] {strides = array<i32>} : memref<4x64xf32, #tpu.memory_space<vmem>>, vector<16xf32>,
      %add3A_1699 = arith.constant 0 : i32
      %add3A_1700 = vector.broadcast %add3A_1699 : i32 to vector<16xi32>
      %add3A_1701 = arith.addi %iota3A, %add3A_1700 : vector<16xi32>
      %eq3A_1702 = vector.broadcast %sub3A_28 : i32 to vector<16xi32>
      %eq3A_1703 = arith.cmpi eq, %add3A_1701, %eq3A_1702 : vector<16xi32>
      %jit3A_1704 = arith.constant 0.000000e+00 : f32
      %broadcast_in_dim3A_1705 = vector.broadcast %jit3A_1704 : f32 to vector<16xf32>
      %select_n3A_1706 = arith.select %eq3A_1703, %get3A_1698, %broadcast_in_dim3A_1705 : vector<16xi1>, vector<16xf32>
      %reduce_sum3A_1707 = arith.constant true
      %reduce_sum3A_1708 = vector.broadcast %reduce_sum3A_1707 : i1 to vector<16xi1>
      %reduce_sum3A_1709 = tpu.scan <sum>, %select_n3A_1706 masked %reduce_sum3A_1708 : vector<16xf32>, vector<16xi1> -> vector<16xf32>
      %reduce_sum3A_1710 = vector.extract %reduce_sum3A_1709[15] : f32 from vector<16xf32>
      %add3A_1711 = arith.constant 0.000000e+00 : f32
      %add3A_1712 = arith.addf %add3A_1711, %reduce_sum3A_1710 : f32
      %get3A_1713 = arith.constant 3 : i32
      %get3A_1714 = arith.index_cast %get3A_1713 : i32 to index
      %get3A_1715 = arith.constant 16 : index
      %get3A_1716 = tpu.vector_load %arg13[%get3A_1714, %get3A_1715] {strides = array<i32>} : memref<4x64xf32, #tpu.memory_space<vmem>>, vector<16xf32>,
      %add3A_1717 = arith.constant 16 : i32
      %add3A_1718 = vector.broadcast %add3A_1717 : i32 to vector<16xi32>
      %add3A_1719 = arith.addi %iota3A, %add3A_1718 : vector<16xi32>
      %eq3A_1720 = vector.broadcast %sub3A_28 : i32 to vector<16xi32>
      %eq3A_1721 = arith.cmpi eq, %add3A_1719, %eq3A_1720 : vector<16xi32>
      %jit3A_1722 = arith.constant 0.000000e+00 : f32
      %broadcast_in_dim3A_1723 = vector.broadcast %jit3A_1722 : f32 to vector<16xf32>
      %select_n3A_1724 = arith.select %eq3A_1721, %get3A_1716, %broadcast_in_dim3A_1723 : vector<16xi1>, vector<16xf32>
      %reduce_sum3A_1725 = arith.constant true
      %reduce_sum3A_1726 = vector.broadcast %reduce_sum3A_1725 : i1 to vector<16xi1>
      %reduce_sum3A_1727 = tpu.scan <sum>, %select_n3A_1724 masked %reduce_sum3A_1726 : vector<16xf32>, vector<16xi1> -> vector<16xf32>
      %reduce_sum3A_1728 = vector.extract %reduce_sum3A_1727[15] : f32 from vector<16xf32>
      %add3A_1729 = arith.addf %add3A_1712, %reduce_sum3A_1728 : f32
      %get3A_1730 = arith.constant 3 : i32
      %get3A_1731 = arith.index_cast %get3A_1730 : i32 to index
      %get3A_1732 = arith.constant 32 : index
      %get3A_1733 = tpu.vector_load %arg13[%get3A_1731, %get3A_1732] {strides = array<i32>} : memref<4x64xf32, #tpu.memory_space<vmem>>, vector<16xf32>,
      %add3A_1734 = arith.constant 32 : i32
      %add3A_1735 = vector.broadcast %add3A_1734 : i32 to vector<16xi32>
      %add3A_1736 = arith.addi %iota3A, %add3A_1735 : vector<16xi32>
      %eq3A_1737 = vector.broadcast %sub3A_28 : i32 to vector<16xi32>
      %eq3A_1738 = arith.cmpi eq, %add3A_1736, %eq3A_1737 : vector<16xi32>
      %jit3A_1739 = arith.constant 0.000000e+00 : f32
      %broadcast_in_dim3A_1740 = vector.broadcast %jit3A_1739 : f32 to vector<16xf32>
      %select_n3A_1741 = arith.select %eq3A_1738, %get3A_1733, %broadcast_in_dim3A_1740 : vector<16xi1>, vector<16xf32>
      %reduce_sum3A_1742 = arith.constant true
      %reduce_sum3A_1743 = vector.broadcast %reduce_sum3A_1742 : i1 to vector<16xi1>
      %reduce_sum3A_1744 = tpu.scan <sum>, %select_n3A_1741 masked %reduce_sum3A_1743 : vector<16xf32>, vector<16xi1> -> vector<16xf32>
      %reduce_sum3A_1745 = vector.extract %reduce_sum3A_1744[15] : f32 from vector<16xf32>
      %add3A_1746 = arith.addf %add3A_1729, %reduce_sum3A_1745 : f32
      %get3A_1747 = arith.constant 3 : i32
      %get3A_1748 = arith.index_cast %get3A_1747 : i32 to index
      %get3A_1749 = arith.constant 48 : index
      %get3A_1750 = tpu.vector_load %arg13[%get3A_1748, %get3A_1749] {strides = array<i32>} : memref<4x64xf32, #tpu.memory_space<vmem>>, vector<16xf32>,
      %add3A_1751 = arith.constant 48 : i32
      %add3A_1752 = vector.broadcast %add3A_1751 : i32 to vector<16xi32>
      %add3A_1753 = arith.addi %iota3A, %add3A_1752 : vector<16xi32>
      %eq3A_1754 = vector.broadcast %sub3A_28 : i32 to vector<16xi32>
      %eq3A_1755 = arith.cmpi eq, %add3A_1753, %eq3A_1754 : vector<16xi32>
      %jit3A_1756 = arith.constant 0.000000e+00 : f32
      %broadcast_in_dim3A_1757 = vector.broadcast %jit3A_1756 : f32 to vector<16xf32>
      %select_n3A_1758 = arith.select %eq3A_1755, %get3A_1750, %broadcast_in_dim3A_1757 : vector<16xi1>, vector<16xf32>
      %reduce_sum3A_1759 = arith.constant true
      %reduce_sum3A_1760 = vector.broadcast %reduce_sum3A_1759 : i1 to vector<16xi1>
      %reduce_sum3A_1761 = tpu.scan <sum>, %select_n3A_1758 masked %reduce_sum3A_1760 : vector<16xf32>, vector<16xi1> -> vector<16xf32>
      %reduce_sum3A_1762 = vector.extract %reduce_sum3A_1761[15] : f32 from vector<16xf32>
      %add3A_1763 = arith.addf %add3A_1746, %reduce_sum3A_1762 : f32
      %dma_wait3A_1764 = arith.constant 0 : i32
      %dma_wait3A_1765 = tpu.memref_slice %arg2[%add3A_1612, %dma_wait3A_1764] : memref<65x100000xf32, #tpu.memory_space<hbm>> -> memref<1x100000xf32, #tpu.memory_space<hbm>>
      %dma_wait3A_1766 = tpu.memref_squeeze %dma_wait3A_1765 : memref<1x100000xf32, #tpu.memory_space<hbm>> -> memref<100000xf32, #tpu.memory_space<hbm>>
      %dma_wait3A_1767 = arith.constant 0 : i32
      %dma_wait3A_1768 = tpu.memref_slice %arg2[%add3A_1612, %dma_wait3A_1767] : memref<65x100000xf32, #tpu.memory_space<hbm>> -> memref<1x100000xf32, #tpu.memory_space<hbm>>
      %dma_wait3A_1769 = tpu.memref_squeeze %dma_wait3A_1768 : memref<1x100000xf32, #tpu.memory_space<hbm>> -> memref<100000xf32, #tpu.memory_space<hbm>>
      tpu.wait_dma2 semaphore(%arg20 : memref<!tpu.dma_semaphore, #tpu.memory_space<semaphore_mem>>) src(%dma_wait3A_1769 : memref<100000xf32, #tpu.memory_space<hbm>>) dst(%arg14 : memref<100000xf32, #tpu.memory_space<vmem>>)
      %dma_wait3A_1770 = arith.constant 0 : i32
      %dma_wait3A_1771 = arith.constant 0 : i32
      %dma_wait3A_1772 = tpu.memref_slice %arg15[%dma_wait3A_1770, %dma_wait3A_1771] : memref<2x256xf32, #tpu.memory_space<vmem>> -> memref<1x256xf32, #tpu.memory_space<vmem>>
      %dma_wait3A_1773 = tpu.memref_squeeze %dma_wait3A_1772 : memref<1x256xf32, #tpu.memory_space<vmem>> -> memref<256xf32, #tpu.memory_space<vmem>>
      %dma_wait3A_1774 = arith.constant 0 : i32
      %dma_wait3A_1775 = tpu.memref_slice %arg8[%add3A_1118, %dma_wait3A_1774] : memref<88x256xf32, #tpu.memory_space<hbm>> -> memref<1x256xf32, #tpu.memory_space<hbm>>
      %dma_wait3A_1776 = tpu.memref_squeeze %dma_wait3A_1775 : memref<1x256xf32, #tpu.memory_space<hbm>> -> memref<256xf32, #tpu.memory_space<hbm>>
      %dma_wait3A_1777 = arith.constant 0 : i32
      %dma_wait3A_1778 = tpu.memref_slice %arg8[%add3A_1118, %dma_wait3A_1777] : memref<88x256xf32, #tpu.memory_space<hbm>> -> memref<1x256xf32, #tpu.memory_space<hbm>>
      %dma_wait3A_1779 = tpu.memref_squeeze %dma_wait3A_1778 : memref<1x256xf32, #tpu.memory_space<hbm>> -> memref<256xf32, #tpu.memory_space<hbm>>
      %dma_wait3A_1780 = arith.constant 0 : i32
      %dma_wait3A_1781 = tpu.memref_slice %arg15[%dma_wait3A_1770, %dma_wait3A_1780] : memref<2x256xf32, #tpu.memory_space<vmem>> -> memref<1x256xf32, #tpu.memory_space<vmem>>
      %dma_wait3A_1782 = tpu.memref_squeeze %dma_wait3A_1781 : memref<1x256xf32, #tpu.memory_space<vmem>> -> memref<256xf32, #tpu.memory_space<vmem>>
      tpu.wait_dma2 semaphore(%arg22 : memref<!tpu.dma_semaphore, #tpu.memory_space<semaphore_mem>>) src(%dma_wait3A_1782 : memref<256xf32, #tpu.memory_space<vmem>>) dst(%dma_wait3A_1779 : memref<256xf32, #tpu.memory_space<hbm>>)
      %eq3A_1783 = arith.constant 14 : i32
      %eq3A_1784 = vector.broadcast %eq3A_1783 : i32 to vector<16xi32>
      %eq3A_1785 = arith.cmpi eq, %iota3A, %eq3A_1784 : vector<16xi32>
      %jit3A_1786 = arith.constant 0.000000e+00 : f32
      %broadcast_in_dim3A_1787 = vector.broadcast %add3A_1694 : f32 to vector<16xf32>
      %broadcast_in_dim3A_1788 = vector.broadcast %jit3A_1786 : f32 to vector<16xf32>
      %select_n3A_1789 = arith.select %eq3A_1785, %broadcast_in_dim3A_1787, %broadcast_in_dim3A_1788 : vector<16xi1>, vector<16xf32>
      %eq3A_1790 = arith.constant 15 : i32
      %eq3A_1791 = vector.broadcast %eq3A_1790 : i32 to vector<16xi32>
      %eq3A_1792 = arith.cmpi eq, %iota3A, %eq3A_1791 : vector<16xi32>
      %jit3A_1793 = arith.constant 0.000000e+00 : f32
      %broadcast_in_dim3A_1794 = vector.broadcast %add3A_1763 : f32 to vector<16xf32>
      %broadcast_in_dim3A_1795 = vector.broadcast %jit3A_1793 : f32 to vector<16xf32>
      %select_n3A_1796 = arith.select %eq3A_1792, %broadcast_in_dim3A_1794, %broadcast_in_dim3A_1795 : vector<16xi1>, vector<16xf32>
      %add3A_1797 = arith.addf %select_n3A_1789, %select_n3A_1796 : vector<16xf32>
      %swap3A_1798 = arith.constant 1 : i32
      %swap3A_1799 = arith.index_cast %swap3A_1798 : i32 to index
      %swap3A_1800 = arith.constant 0 : index
      %swap3A_1801 = tpu.vector_load %arg15[%swap3A_1799, %swap3A_1800] {strides = array<i32>} : memref<2x256xf32, #tpu.memory_space<vmem>>, vector<16xf32>,
      tpu.vector_store %arg15[%swap3A_1799, %swap3A_1800], %add3A_1797 {strides = array<i32>} : memref<2x256xf32, #tpu.memory_space<vmem>>, vector<16xf32>,
      %get3A_1802 = arith.constant 0 : index
      %get3A_1803 = tpu.vector_load %arg10[%get3A_1802] {strides = array<i32>} : memref<208xi32, #tpu.memory_space<vmem>>, vector<16xi32>,
      %gather3A_1804 = tpu.vector_load_idx %arg14[%get3A_1803] : memref<100000xf32, #tpu.memory_space<vmem>>[vector<16xi32>], vector<16xf32>,
      %add3A_1805 = arith.constant 0 : i32
      %add3A_1806 = vector.broadcast %add3A_1805 : i32 to vector<16xi32>
      %add3A_1807 = arith.addi %iota3A, %add3A_1806 : vector<16xi32>
      %lt3A_1808 = arith.constant 200 : i32
      %lt3A_1809 = vector.broadcast %lt3A_1808 : i32 to vector<16xi32>
      %lt3A_1810 = arith.cmpi slt, %add3A_1807, %lt3A_1809 : vector<16xi32>
      %jit3A_1811 = arith.constant 0.000000e+00 : f32
      %broadcast_in_dim3A_1812 = vector.broadcast %jit3A_1811 : f32 to vector<16xf32>
      %select_n3A_1813 = arith.select %lt3A_1810, %gather3A_1804, %broadcast_in_dim3A_1812 : vector<16xi1>, vector<16xf32>
      %reduce_sum3A_1814 = arith.constant true
      %reduce_sum3A_1815 = vector.broadcast %reduce_sum3A_1814 : i1 to vector<16xi1>
      %reduce_sum3A_1816 = tpu.scan <sum>, %select_n3A_1813 masked %reduce_sum3A_1815 : vector<16xf32>, vector<16xi1> -> vector<16xf32>
      %reduce_sum3A_1817 = vector.extract %reduce_sum3A_1816[15] : f32 from vector<16xf32>
      %add3A_1818 = arith.constant 0.000000e+00 : f32
      %add3A_1819 = arith.addf %add3A_1818, %reduce_sum3A_1817 : f32
      %swap3A_1820 = arith.constant 1 : i32
      %swap3A_1821 = arith.index_cast %swap3A_1820 : i32 to index
      %swap3A_1822 = arith.constant 16 : index
      %swap3A_1823 = tpu.vector_load %arg15[%swap3A_1821, %swap3A_1822] {strides = array<i32>} : memref<2x256xf32, #tpu.memory_space<vmem>>, vector<16xf32>,
      tpu.vector_store %arg15[%swap3A_1821, %swap3A_1822], %gather3A_1804 {strides = array<i32>} : memref<2x256xf32, #tpu.memory_space<vmem>>, vector<16xf32>,
      %get3A_1824 = arith.constant 16 : index
      %get3A_1825 = tpu.vector_load %arg10[%get3A_1824] {strides = array<i32>} : memref<208xi32, #tpu.memory_space<vmem>>, vector<16xi32>,
      %gather3A_1826 = tpu.vector_load_idx %arg14[%get3A_1825] : memref<100000xf32, #tpu.memory_space<vmem>>[vector<16xi32>], vector<16xf32>,
      %add3A_1827 = arith.constant 16 : i32
      %add3A_1828 = vector.broadcast %add3A_1827 : i32 to vector<16xi32>
      %add3A_1829 = arith.addi %iota3A, %add3A_1828 : vector<16xi32>
      %lt3A_1830 = arith.constant 200 : i32
      %lt3A_1831 = vector.broadcast %lt3A_1830 : i32 to vector<16xi32>
      %lt3A_1832 = arith.cmpi slt, %add3A_1829, %lt3A_1831 : vector<16xi32>
      %jit3A_1833 = arith.constant 0.000000e+00 : f32
      %broadcast_in_dim3A_1834 = vector.broadcast %jit3A_1833 : f32 to vector<16xf32>
      %select_n3A_1835 = arith.select %lt3A_1832, %gather3A_1826, %broadcast_in_dim3A_1834 : vector<16xi1>, vector<16xf32>
      %reduce_sum3A_1836 = arith.constant true
      %reduce_sum3A_1837 = vector.broadcast %reduce_sum3A_1836 : i1 to vector<16xi1>
      %reduce_sum3A_1838 = tpu.scan <sum>, %select_n3A_1835 masked %reduce_sum3A_1837 : vector<16xf32>, vector<16xi1> -> vector<16xf32>
      %reduce_sum3A_1839 = vector.extract %reduce_sum3A_1838[15] : f32 from vector<16xf32>
      %add3A_1840 = arith.addf %add3A_1819, %reduce_sum3A_1839 : f32
      %swap3A_1841 = arith.constant 1 : i32
      %swap3A_1842 = arith.index_cast %swap3A_1841 : i32 to index
      %swap3A_1843 = arith.constant 32 : index
      %swap3A_1844 = tpu.vector_load %arg15[%swap3A_1842, %swap3A_1843] {strides = array<i32>} : memref<2x256xf32, #tpu.memory_space<vmem>>, vector<16xf32>,
      tpu.vector_store %arg15[%swap3A_1842, %swap3A_1843], %gather3A_1826 {strides = array<i32>} : memref<2x256xf32, #tpu.memory_space<vmem>>, vector<16xf32>,
      %get3A_1845 = arith.constant 32 : index
      %get3A_1846 = tpu.vector_load %arg10[%get3A_1845] {strides = array<i32>} : memref<208xi32, #tpu.memory_space<vmem>>, vector<16xi32>,
      %gather3A_1847 = tpu.vector_load_idx %arg14[%get3A_1846] : memref<100000xf32, #tpu.memory_space<vmem>>[vector<16xi32>], vector<16xf32>,
      %add3A_1848 = arith.constant 32 : i32
      %add3A_1849 = vector.broadcast %add3A_1848 : i32 to vector<16xi32>
      %add3A_1850 = arith.addi %iota3A, %add3A_1849 : vector<16xi32>
      %lt3A_1851 = arith.constant 200 : i32
      %lt3A_1852 = vector.broadcast %lt3A_1851 : i32 to vector<16xi32>
      %lt3A_1853 = arith.cmpi slt, %add3A_1850, %lt3A_1852 : vector<16xi32>
      %jit3A_1854 = arith.constant 0.000000e+00 : f32
      %broadcast_in_dim3A_1855 = vector.broadcast %jit3A_1854 : f32 to vector<16xf32>
      %select_n3A_1856 = arith.select %lt3A_1853, %gather3A_1847, %broadcast_in_dim3A_1855 : vector<16xi1>, vector<16xf32>
      %reduce_sum3A_1857 = arith.constant true
      %reduce_sum3A_1858 = vector.broadcast %reduce_sum3A_1857 : i1 to vector<16xi1>
      %reduce_sum3A_1859 = tpu.scan <sum>, %select_n3A_1856 masked %reduce_sum3A_1858 : vector<16xf32>, vector<16xi1> -> vector<16xf32>
      %reduce_sum3A_1860 = vector.extract %reduce_sum3A_1859[15] : f32 from vector<16xf32>
      %add3A_1861 = arith.addf %add3A_1840, %reduce_sum3A_1860 : f32
      %swap3A_1862 = arith.constant 1 : i32
      %swap3A_1863 = arith.index_cast %swap3A_1862 : i32 to index
      %swap3A_1864 = arith.constant 48 : index
      %swap3A_1865 = tpu.vector_load %arg15[%swap3A_1863, %swap3A_1864] {strides = array<i32>} : memref<2x256xf32, #tpu.memory_space<vmem>>, vector<16xf32>,
      tpu.vector_store %arg15[%swap3A_1863, %swap3A_1864], %gather3A_1847 {strides = array<i32>} : memref<2x256xf32, #tpu.memory_space<vmem>>, vector<16xf32>,
      %get3A_1866 = arith.constant 48 : index
      %get3A_1867 = tpu.vector_load %arg10[%get3A_1866] {strides = array<i32>} : memref<208xi32, #tpu.memory_space<vmem>>, vector<16xi32>,
      %gather3A_1868 = tpu.vector_load_idx %arg14[%get3A_1867] : memref<100000xf32, #tpu.memory_space<vmem>>[vector<16xi32>], vector<16xf32>,
      %add3A_1869 = arith.constant 48 : i32
      %add3A_1870 = vector.broadcast %add3A_1869 : i32 to vector<16xi32>
      %add3A_1871 = arith.addi %iota3A, %add3A_1870 : vector<16xi32>
      %lt3A_1872 = arith.constant 200 : i32
      %lt3A_1873 = vector.broadcast %lt3A_1872 : i32 to vector<16xi32>
      %lt3A_1874 = arith.cmpi slt, %add3A_1871, %lt3A_1873 : vector<16xi32>
      %jit3A_1875 = arith.constant 0.000000e+00 : f32
      %broadcast_in_dim3A_1876 = vector.broadcast %jit3A_1875 : f32 to vector<16xf32>
      %select_n3A_1877 = arith.select %lt3A_1874, %gather3A_1868, %broadcast_in_dim3A_1876 : vector<16xi1>, vector<16xf32>
      %reduce_sum3A_1878 = arith.constant true
      %reduce_sum3A_1879 = vector.broadcast %reduce_sum3A_1878 : i1 to vector<16xi1>
      %reduce_sum3A_1880 = tpu.scan <sum>, %select_n3A_1877 masked %reduce_sum3A_1879 : vector<16xf32>, vector<16xi1> -> vector<16xf32>
      %reduce_sum3A_1881 = vector.extract %reduce_sum3A_1880[15] : f32 from vector<16xf32>
      %add3A_1882 = arith.addf %add3A_1861, %reduce_sum3A_1881 : f32
      %swap3A_1883 = arith.constant 1 : i32
      %swap3A_1884 = arith.index_cast %swap3A_1883 : i32 to index
      %swap3A_1885 = arith.constant 64 : index
      %swap3A_1886 = tpu.vector_load %arg15[%swap3A_1884, %swap3A_1885] {strides = array<i32>} : memref<2x256xf32, #tpu.memory_space<vmem>>, vector<16xf32>,
      tpu.vector_store %arg15[%swap3A_1884, %swap3A_1885], %gather3A_1868 {strides = array<i32>} : memref<2x256xf32, #tpu.memory_space<vmem>>, vector<16xf32>,
      %get3A_1887 = arith.constant 64 : index
      %get3A_1888 = tpu.vector_load %arg10[%get3A_1887] {strides = array<i32>} : memref<208xi32, #tpu.memory_space<vmem>>, vector<16xi32>,
      %gather3A_1889 = tpu.vector_load_idx %arg14[%get3A_1888] : memref<100000xf32, #tpu.memory_space<vmem>>[vector<16xi32>], vector<16xf32>,
      %add3A_1890 = arith.constant 64 : i32
      %add3A_1891 = vector.broadcast %add3A_1890 : i32 to vector<16xi32>
      %add3A_1892 = arith.addi %iota3A, %add3A_1891 : vector<16xi32>
      %lt3A_1893 = arith.constant 200 : i32
      %lt3A_1894 = vector.broadcast %lt3A_1893 : i32 to vector<16xi32>
      %lt3A_1895 = arith.cmpi slt, %add3A_1892, %lt3A_1894 : vector<16xi32>
      %jit3A_1896 = arith.constant 0.000000e+00 : f32
      %broadcast_in_dim3A_1897 = vector.broadcast %jit3A_1896 : f32 to vector<16xf32>
      %select_n3A_1898 = arith.select %lt3A_1895, %gather3A_1889, %broadcast_in_dim3A_1897 : vector<16xi1>, vector<16xf32>
      %reduce_sum3A_1899 = arith.constant true
      %reduce_sum3A_1900 = vector.broadcast %reduce_sum3A_1899 : i1 to vector<16xi1>
      %reduce_sum3A_1901 = tpu.scan <sum>, %select_n3A_1898 masked %reduce_sum3A_1900 : vector<16xf32>, vector<16xi1> -> vector<16xf32>
      %reduce_sum3A_1902 = vector.extract %reduce_sum3A_1901[15] : f32 from vector<16xf32>
      %add3A_1903 = arith.addf %add3A_1882, %reduce_sum3A_1902 : f32
      %swap3A_1904 = arith.constant 1 : i32
      %swap3A_1905 = arith.index_cast %swap3A_1904 : i32 to index
      %swap3A_1906 = arith.constant 80 : index
      %swap3A_1907 = tpu.vector_load %arg15[%swap3A_1905, %swap3A_1906] {strides = array<i32>} : memref<2x256xf32, #tpu.memory_space<vmem>>, vector<16xf32>,
      tpu.vector_store %arg15[%swap3A_1905, %swap3A_1906], %gather3A_1889 {strides = array<i32>} : memref<2x256xf32, #tpu.memory_space<vmem>>, vector<16xf32>,
      %get3A_1908 = arith.constant 80 : index
      %get3A_1909 = tpu.vector_load %arg10[%get3A_1908] {strides = array<i32>} : memref<208xi32, #tpu.memory_space<vmem>>, vector<16xi32>,
      %gather3A_1910 = tpu.vector_load_idx %arg14[%get3A_1909] : memref<100000xf32, #tpu.memory_space<vmem>>[vector<16xi32>], vector<16xf32>,
      %add3A_1911 = arith.constant 80 : i32
      %add3A_1912 = vector.broadcast %add3A_1911 : i32 to vector<16xi32>
      %add3A_1913 = arith.addi %iota3A, %add3A_1912 : vector<16xi32>
      %lt3A_1914 = arith.constant 200 : i32
      %lt3A_1915 = vector.broadcast %lt3A_1914 : i32 to vector<16xi32>
      %lt3A_1916 = arith.cmpi slt, %add3A_1913, %lt3A_1915 : vector<16xi32>
      %jit3A_1917 = arith.constant 0.000000e+00 : f32
      %broadcast_in_dim3A_1918 = vector.broadcast %jit3A_1917 : f32 to vector<16xf32>
      %select_n3A_1919 = arith.select %lt3A_1916, %gather3A_1910, %broadcast_in_dim3A_1918 : vector<16xi1>, vector<16xf32>
      %reduce_sum3A_1920 = arith.constant true
      %reduce_sum3A_1921 = vector.broadcast %reduce_sum3A_1920 : i1 to vector<16xi1>
      %reduce_sum3A_1922 = tpu.scan <sum>, %select_n3A_1919 masked %reduce_sum3A_1921 : vector<16xf32>, vector<16xi1> -> vector<16xf32>
      %reduce_sum3A_1923 = vector.extract %reduce_sum3A_1922[15] : f32 from vector<16xf32>
      %add3A_1924 = arith.addf %add3A_1903, %reduce_sum3A_1923 : f32
      %swap3A_1925 = arith.constant 1 : i32
      %swap3A_1926 = arith.index_cast %swap3A_1925 : i32 to index
      %swap3A_1927 = arith.constant 96 : index
      %swap3A_1928 = tpu.vector_load %arg15[%swap3A_1926, %swap3A_1927] {strides = array<i32>} : memref<2x256xf32, #tpu.memory_space<vmem>>, vector<16xf32>,
      tpu.vector_store %arg15[%swap3A_1926, %swap3A_1927], %gather3A_1910 {strides = array<i32>} : memref<2x256xf32, #tpu.memory_space<vmem>>, vector<16xf32>,
      %get3A_1929 = arith.constant 96 : index
      %get3A_1930 = tpu.vector_load %arg10[%get3A_1929] {strides = array<i32>} : memref<208xi32, #tpu.memory_space<vmem>>, vector<16xi32>,
      %gather3A_1931 = tpu.vector_load_idx %arg14[%get3A_1930] : memref<100000xf32, #tpu.memory_space<vmem>>[vector<16xi32>], vector<16xf32>,
      %add3A_1932 = arith.constant 96 : i32
      %add3A_1933 = vector.broadcast %add3A_1932 : i32 to vector<16xi32>
      %add3A_1934 = arith.addi %iota3A, %add3A_1933 : vector<16xi32>
      %lt3A_1935 = arith.constant 200 : i32
      %lt3A_1936 = vector.broadcast %lt3A_1935 : i32 to vector<16xi32>
      %lt3A_1937 = arith.cmpi slt, %add3A_1934, %lt3A_1936 : vector<16xi32>
      %jit3A_1938 = arith.constant 0.000000e+00 : f32
      %broadcast_in_dim3A_1939 = vector.broadcast %jit3A_1938 : f32 to vector<16xf32>
      %select_n3A_1940 = arith.select %lt3A_1937, %gather3A_1931, %broadcast_in_dim3A_1939 : vector<16xi1>, vector<16xf32>
      %reduce_sum3A_1941 = arith.constant true
      %reduce_sum3A_1942 = vector.broadcast %reduce_sum3A_1941 : i1 to vector<16xi1>
      %reduce_sum3A_1943 = tpu.scan <sum>, %select_n3A_1940 masked %reduce_sum3A_1942 : vector<16xf32>, vector<16xi1> -> vector<16xf32>
      %reduce_sum3A_1944 = vector.extract %reduce_sum3A_1943[15] : f32 from vector<16xf32>
      %add3A_1945 = arith.addf %add3A_1924, %reduce_sum3A_1944 : f32
      %swap3A_1946 = arith.constant 1 : i32
      %swap3A_1947 = arith.index_cast %swap3A_1946 : i32 to index
      %swap3A_1948 = arith.constant 112 : index
      %swap3A_1949 = tpu.vector_load %arg15[%swap3A_1947, %swap3A_1948] {strides = array<i32>} : memref<2x256xf32, #tpu.memory_space<vmem>>, vector<16xf32>,
      tpu.vector_store %arg15[%swap3A_1947, %swap3A_1948], %gather3A_1931 {strides = array<i32>} : memref<2x256xf32, #tpu.memory_space<vmem>>, vector<16xf32>,
      %get3A_1950 = arith.constant 112 : index
      %get3A_1951 = tpu.vector_load %arg10[%get3A_1950] {strides = array<i32>} : memref<208xi32, #tpu.memory_space<vmem>>, vector<16xi32>,
      %gather3A_1952 = tpu.vector_load_idx %arg14[%get3A_1951] : memref<100000xf32, #tpu.memory_space<vmem>>[vector<16xi32>], vector<16xf32>,
      %add3A_1953 = arith.constant 112 : i32
      %add3A_1954 = vector.broadcast %add3A_1953 : i32 to vector<16xi32>
      %add3A_1955 = arith.addi %iota3A, %add3A_1954 : vector<16xi32>
      %lt3A_1956 = arith.constant 200 : i32
      %lt3A_1957 = vector.broadcast %lt3A_1956 : i32 to vector<16xi32>
      %lt3A_1958 = arith.cmpi slt, %add3A_1955, %lt3A_1957 : vector<16xi32>
      %jit3A_1959 = arith.constant 0.000000e+00 : f32
      %broadcast_in_dim3A_1960 = vector.broadcast %jit3A_1959 : f32 to vector<16xf32>
      %select_n3A_1961 = arith.select %lt3A_1958, %gather3A_1952, %broadcast_in_dim3A_1960 : vector<16xi1>, vector<16xf32>
      %reduce_sum3A_1962 = arith.constant true
      %reduce_sum3A_1963 = vector.broadcast %reduce_sum3A_1962 : i1 to vector<16xi1>
      %reduce_sum3A_1964 = tpu.scan <sum>, %select_n3A_1961 masked %reduce_sum3A_1963 : vector<16xf32>, vector<16xi1> -> vector<16xf32>
      %reduce_sum3A_1965 = vector.extract %reduce_sum3A_1964[15] : f32 from vector<16xf32>
      %add3A_1966 = arith.addf %add3A_1945, %reduce_sum3A_1965 : f32
      %swap3A_1967 = arith.constant 1 : i32
      %swap3A_1968 = arith.index_cast %swap3A_1967 : i32 to index
      %swap3A_1969 = arith.constant 128 : index
      %swap3A_1970 = tpu.vector_load %arg15[%swap3A_1968, %swap3A_1969] {strides = array<i32>} : memref<2x256xf32, #tpu.memory_space<vmem>>, vector<16xf32>,
      tpu.vector_store %arg15[%swap3A_1968, %swap3A_1969], %gather3A_1952 {strides = array<i32>} : memref<2x256xf32, #tpu.memory_space<vmem>>, vector<16xf32>,
      %get3A_1971 = arith.constant 128 : index
      %get3A_1972 = tpu.vector_load %arg10[%get3A_1971] {strides = array<i32>} : memref<208xi32, #tpu.memory_space<vmem>>, vector<16xi32>,
      %gather3A_1973 = tpu.vector_load_idx %arg14[%get3A_1972] : memref<100000xf32, #tpu.memory_space<vmem>>[vector<16xi32>], vector<16xf32>,
      %add3A_1974 = arith.constant 128 : i32
      %add3A_1975 = vector.broadcast %add3A_1974 : i32 to vector<16xi32>
      %add3A_1976 = arith.addi %iota3A, %add3A_1975 : vector<16xi32>
      %lt3A_1977 = arith.constant 200 : i32
      %lt3A_1978 = vector.broadcast %lt3A_1977 : i32 to vector<16xi32>
      %lt3A_1979 = arith.cmpi slt, %add3A_1976, %lt3A_1978 : vector<16xi32>
      %jit3A_1980 = arith.constant 0.000000e+00 : f32
      %broadcast_in_dim3A_1981 = vector.broadcast %jit3A_1980 : f32 to vector<16xf32>
      %select_n3A_1982 = arith.select %lt3A_1979, %gather3A_1973, %broadcast_in_dim3A_1981 : vector<16xi1>, vector<16xf32>
      %reduce_sum3A_1983 = arith.constant true
      %reduce_sum3A_1984 = vector.broadcast %reduce_sum3A_1983 : i1 to vector<16xi1>
      %reduce_sum3A_1985 = tpu.scan <sum>, %select_n3A_1982 masked %reduce_sum3A_1984 : vector<16xf32>, vector<16xi1> -> vector<16xf32>
      %reduce_sum3A_1986 = vector.extract %reduce_sum3A_1985[15] : f32 from vector<16xf32>
      %add3A_1987 = arith.addf %add3A_1966, %reduce_sum3A_1986 : f32
      %swap3A_1988 = arith.constant 1 : i32
      %swap3A_1989 = arith.index_cast %swap3A_1988 : i32 to index
      %swap3A_1990 = arith.constant 144 : index
      %swap3A_1991 = tpu.vector_load %arg15[%swap3A_1989, %swap3A_1990] {strides = array<i32>} : memref<2x256xf32, #tpu.memory_space<vmem>>, vector<16xf32>,
      tpu.vector_store %arg15[%swap3A_1989, %swap3A_1990], %gather3A_1973 {strides = array<i32>} : memref<2x256xf32, #tpu.memory_space<vmem>>, vector<16xf32>,
      %get3A_1992 = arith.constant 144 : index
      %get3A_1993 = tpu.vector_load %arg10[%get3A_1992] {strides = array<i32>} : memref<208xi32, #tpu.memory_space<vmem>>, vector<16xi32>,
      %gather3A_1994 = tpu.vector_load_idx %arg14[%get3A_1993] : memref<100000xf32, #tpu.memory_space<vmem>>[vector<16xi32>], vector<16xf32>,
      %add3A_1995 = arith.constant 144 : i32
      %add3A_1996 = vector.broadcast %add3A_1995 : i32 to vector<16xi32>
      %add3A_1997 = arith.addi %iota3A, %add3A_1996 : vector<16xi32>
      %lt3A_1998 = arith.constant 200 : i32
      %lt3A_1999 = vector.broadcast %lt3A_1998 : i32 to vector<16xi32>
      %lt3A_2000 = arith.cmpi slt, %add3A_1997, %lt3A_1999 : vector<16xi32>
      %jit3A_2001 = arith.constant 0.000000e+00 : f32
      %broadcast_in_dim3A_2002 = vector.broadcast %jit3A_2001 : f32 to vector<16xf32>
      %select_n3A_2003 = arith.select %lt3A_2000, %gather3A_1994, %broadcast_in_dim3A_2002 : vector<16xi1>, vector<16xf32>
      %reduce_sum3A_2004 = arith.constant true
      %reduce_sum3A_2005 = vector.broadcast %reduce_sum3A_2004 : i1 to vector<16xi1>
      %reduce_sum3A_2006 = tpu.scan <sum>, %select_n3A_2003 masked %reduce_sum3A_2005 : vector<16xf32>, vector<16xi1> -> vector<16xf32>
      %reduce_sum3A_2007 = vector.extract %reduce_sum3A_2006[15] : f32 from vector<16xf32>
      %add3A_2008 = arith.addf %add3A_1987, %reduce_sum3A_2007 : f32
      %swap3A_2009 = arith.constant 1 : i32
      %swap3A_2010 = arith.index_cast %swap3A_2009 : i32 to index
      %swap3A_2011 = arith.constant 160 : index
      %swap3A_2012 = tpu.vector_load %arg15[%swap3A_2010, %swap3A_2011] {strides = array<i32>} : memref<2x256xf32, #tpu.memory_space<vmem>>, vector<16xf32>,
      tpu.vector_store %arg15[%swap3A_2010, %swap3A_2011], %gather3A_1994 {strides = array<i32>} : memref<2x256xf32, #tpu.memory_space<vmem>>, vector<16xf32>,
      %get3A_2013 = arith.constant 160 : index
      %get3A_2014 = tpu.vector_load %arg10[%get3A_2013] {strides = array<i32>} : memref<208xi32, #tpu.memory_space<vmem>>, vector<16xi32>,
      %gather3A_2015 = tpu.vector_load_idx %arg14[%get3A_2014] : memref<100000xf32, #tpu.memory_space<vmem>>[vector<16xi32>], vector<16xf32>,
      %add3A_2016 = arith.constant 160 : i32
      %add3A_2017 = vector.broadcast %add3A_2016 : i32 to vector<16xi32>
      %add3A_2018 = arith.addi %iota3A, %add3A_2017 : vector<16xi32>
      %lt3A_2019 = arith.constant 200 : i32
      %lt3A_2020 = vector.broadcast %lt3A_2019 : i32 to vector<16xi32>
      %lt3A_2021 = arith.cmpi slt, %add3A_2018, %lt3A_2020 : vector<16xi32>
      %jit3A_2022 = arith.constant 0.000000e+00 : f32
      %broadcast_in_dim3A_2023 = vector.broadcast %jit3A_2022 : f32 to vector<16xf32>
      %select_n3A_2024 = arith.select %lt3A_2021, %gather3A_2015, %broadcast_in_dim3A_2023 : vector<16xi1>, vector<16xf32>
      %reduce_sum3A_2025 = arith.constant true
      %reduce_sum3A_2026 = vector.broadcast %reduce_sum3A_2025 : i1 to vector<16xi1>
      %reduce_sum3A_2027 = tpu.scan <sum>, %select_n3A_2024 masked %reduce_sum3A_2026 : vector<16xf32>, vector<16xi1> -> vector<16xf32>
      %reduce_sum3A_2028 = vector.extract %reduce_sum3A_2027[15] : f32 from vector<16xf32>
      %add3A_2029 = arith.addf %add3A_2008, %reduce_sum3A_2028 : f32
      %swap3A_2030 = arith.constant 1 : i32
      %swap3A_2031 = arith.index_cast %swap3A_2030 : i32 to index
      %swap3A_2032 = arith.constant 176 : index
      %swap3A_2033 = tpu.vector_load %arg15[%swap3A_2031, %swap3A_2032] {strides = array<i32>} : memref<2x256xf32, #tpu.memory_space<vmem>>, vector<16xf32>,
      tpu.vector_store %arg15[%swap3A_2031, %swap3A_2032], %gather3A_2015 {strides = array<i32>} : memref<2x256xf32, #tpu.memory_space<vmem>>, vector<16xf32>,
      %get3A_2034 = arith.constant 176 : index
      %get3A_2035 = tpu.vector_load %arg10[%get3A_2034] {strides = array<i32>} : memref<208xi32, #tpu.memory_space<vmem>>, vector<16xi32>,
      %gather3A_2036 = tpu.vector_load_idx %arg14[%get3A_2035] : memref<100000xf32, #tpu.memory_space<vmem>>[vector<16xi32>], vector<16xf32>,
      %add3A_2037 = arith.constant 176 : i32
      %add3A_2038 = vector.broadcast %add3A_2037 : i32 to vector<16xi32>
      %add3A_2039 = arith.addi %iota3A, %add3A_2038 : vector<16xi32>
      %lt3A_2040 = arith.constant 200 : i32
      %lt3A_2041 = vector.broadcast %lt3A_2040 : i32 to vector<16xi32>
      %lt3A_2042 = arith.cmpi slt, %add3A_2039, %lt3A_2041 : vector<16xi32>
      %jit3A_2043 = arith.constant 0.000000e+00 : f32
      %broadcast_in_dim3A_2044 = vector.broadcast %jit3A_2043 : f32 to vector<16xf32>
      %select_n3A_2045 = arith.select %lt3A_2042, %gather3A_2036, %broadcast_in_dim3A_2044 : vector<16xi1>, vector<16xf32>
      %reduce_sum3A_2046 = arith.constant true
      %reduce_sum3A_2047 = vector.broadcast %reduce_sum3A_2046 : i1 to vector<16xi1>
      %reduce_sum3A_2048 = tpu.scan <sum>, %select_n3A_2045 masked %reduce_sum3A_2047 : vector<16xf32>, vector<16xi1> -> vector<16xf32>
      %reduce_sum3A_2049 = vector.extract %reduce_sum3A_2048[15] : f32 from vector<16xf32>
      %add3A_2050 = arith.addf %add3A_2029, %reduce_sum3A_2049 : f32
      %swap3A_2051 = arith.constant 1 : i32
      %swap3A_2052 = arith.index_cast %swap3A_2051 : i32 to index
      %swap3A_2053 = arith.constant 192 : index
      %swap3A_2054 = tpu.vector_load %arg15[%swap3A_2052, %swap3A_2053] {strides = array<i32>} : memref<2x256xf32, #tpu.memory_space<vmem>>, vector<16xf32>,
      tpu.vector_store %arg15[%swap3A_2052, %swap3A_2053], %gather3A_2036 {strides = array<i32>} : memref<2x256xf32, #tpu.memory_space<vmem>>, vector<16xf32>,
      %get3A_2055 = arith.constant 192 : index
      %get3A_2056 = tpu.vector_load %arg10[%get3A_2055] {strides = array<i32>} : memref<208xi32, #tpu.memory_space<vmem>>, vector<16xi32>,
      %gather3A_2057 = tpu.vector_load_idx %arg14[%get3A_2056] : memref<100000xf32, #tpu.memory_space<vmem>>[vector<16xi32>], vector<16xf32>,
      %add3A_2058 = arith.constant 192 : i32
      %add3A_2059 = vector.broadcast %add3A_2058 : i32 to vector<16xi32>
      %add3A_2060 = arith.addi %iota3A, %add3A_2059 : vector<16xi32>
      %lt3A_2061 = arith.constant 200 : i32
      %lt3A_2062 = vector.broadcast %lt3A_2061 : i32 to vector<16xi32>
      %lt3A_2063 = arith.cmpi slt, %add3A_2060, %lt3A_2062 : vector<16xi32>
      %jit3A_2064 = arith.constant 0.000000e+00 : f32
      %broadcast_in_dim3A_2065 = vector.broadcast %jit3A_2064 : f32 to vector<16xf32>
      %select_n3A_2066 = arith.select %lt3A_2063, %gather3A_2057, %broadcast_in_dim3A_2065 : vector<16xi1>, vector<16xf32>
      %reduce_sum3A_2067 = arith.constant true
      %reduce_sum3A_2068 = vector.broadcast %reduce_sum3A_2067 : i1 to vector<16xi1>
      %reduce_sum3A_2069 = tpu.scan <sum>, %select_n3A_2066 masked %reduce_sum3A_2068 : vector<16xf32>, vector<16xi1> -> vector<16xf32>
      %reduce_sum3A_2070 = vector.extract %reduce_sum3A_2069[15] : f32 from vector<16xf32>
      %add3A_2071 = arith.addf %add3A_2050, %reduce_sum3A_2070 : f32
      %swap3A_2072 = arith.constant 1 : i32
      %swap3A_2073 = arith.index_cast %swap3A_2072 : i32 to index
      %swap3A_2074 = arith.constant 208 : index
      %swap3A_2075 = tpu.vector_load %arg15[%swap3A_2073, %swap3A_2074] {strides = array<i32>} : memref<2x256xf32, #tpu.memory_space<vmem>>, vector<16xf32>,
      tpu.vector_store %arg15[%swap3A_2073, %swap3A_2074], %gather3A_2057 {strides = array<i32>} : memref<2x256xf32, #tpu.memory_space<vmem>>, vector<16xf32>,
      %dma_start3A_2076 = arith.constant 1 : i32
      %dma_start3A_2077 = arith.constant 0 : i32
      %dma_start3A_2078 = tpu.memref_slice %arg15[%dma_start3A_2076, %dma_start3A_2077] : memref<2x256xf32, #tpu.memory_space<vmem>> -> memref<1x256xf32, #tpu.memory_space<vmem>>
      %dma_start3A_2079 = tpu.memref_squeeze %dma_start3A_2078 : memref<1x256xf32, #tpu.memory_space<vmem>> -> memref<256xf32, #tpu.memory_space<vmem>>
      %dma_start3A_2080 = arith.constant 0 : i32
      %dma_start3A_2081 = tpu.memref_slice %arg8[%add3A_1612, %dma_start3A_2080] : memref<88x256xf32, #tpu.memory_space<hbm>> -> memref<1x256xf32, #tpu.memory_space<hbm>>
      %dma_start3A_2082 = tpu.memref_squeeze %dma_start3A_2081 : memref<1x256xf32, #tpu.memory_space<hbm>> -> memref<256xf32, #tpu.memory_space<hbm>>
      %dma_start3A_2083 = arith.constant 0 : i32
      %dma_start3A_2084 = tpu.memref_slice %arg8[%add3A_1612, %dma_start3A_2083] : memref<88x256xf32, #tpu.memory_space<hbm>> -> memref<1x256xf32, #tpu.memory_space<hbm>>
      %dma_start3A_2085 = tpu.memref_squeeze %dma_start3A_2084 : memref<1x256xf32, #tpu.memory_space<hbm>> -> memref<256xf32, #tpu.memory_space<hbm>>
      %dma_start3A_2086 = arith.constant 0 : i32
      %dma_start3A_2087 = tpu.memref_slice %arg15[%dma_start3A_2076, %dma_start3A_2086] : memref<2x256xf32, #tpu.memory_space<vmem>> -> memref<1x256xf32, #tpu.memory_space<vmem>>
      %dma_start3A_2088 = tpu.memref_squeeze %dma_start3A_2087 : memref<1x256xf32, #tpu.memory_space<vmem>> -> memref<256xf32, #tpu.memory_space<vmem>>
      tpu.enqueue_dma source(%dma_start3A_2088 : memref<256xf32, #tpu.memory_space<vmem>>) target(%dma_start3A_2085 : memref<256xf32, #tpu.memory_space<hbm>>) target_semaphore(%arg22 : memref<!tpu.dma_semaphore, #tpu.memory_space<semaphore_mem>>)
      %mul3A_2089 = arith.mulf %add3A_1694, %add3A_1763 : f32
      %add3A_2090 = arith.addf %add3A_1694, %add3A_1763 : f32
      %mul3A_2091 = arith.mulf %add3A_2090, %add3A_2071 : f32
      %add3A_2092 = arith.addf %mul3A_2089, %mul3A_2091 : f32
      %get3A_2093 = arith.constant 0 : index
      %get3A_2094 = tpu.vector_load %arg19[%get3A_2093] {strides = array<i32>} : memref<16xf32, #tpu.memory_space<vmem>>, vector<16xf32>,
      %eq3A_2095 = arith.constant 0 : i32
      %eq3A_2096 = vector.broadcast %eq3A_2095 : i32 to vector<16xi32>
      %eq3A_2097 = arith.cmpi eq, %iota3A, %eq3A_2096 : vector<16xi32>
      %jit3A_2098 = arith.constant 0.000000e+00 : f32
      %broadcast_in_dim3A_2099 = vector.broadcast %add3A_2092 : f32 to vector<16xf32>
      %broadcast_in_dim3A_2100 = vector.broadcast %jit3A_2098 : f32 to vector<16xf32>
      %select_n3A_2101 = arith.select %eq3A_2097, %broadcast_in_dim3A_2099, %broadcast_in_dim3A_2100 : vector<16xi1>, vector<16xf32>
      %add3A_2102 = arith.addf %get3A_2094, %select_n3A_2101 : vector<16xf32>
      %swap3A_2103 = arith.constant 0 : index
      %swap3A_2104 = tpu.vector_load %arg19[%swap3A_2103] {strides = array<i32>} : memref<16xf32, #tpu.memory_space<vmem>>, vector<16xf32>,
      tpu.vector_store %arg19[%swap3A_2103], %add3A_2102 {strides = array<i32>} : memref<16xf32, #tpu.memory_space<vmem>>, vector<16xf32>,
      %dma_wait3A_2105 = arith.constant 1 : i32
      %dma_wait3A_2106 = arith.constant 0 : i32
      %dma_wait3A_2107 = tpu.memref_slice %arg15[%dma_wait3A_2105, %dma_wait3A_2106] : memref<2x256xf32, #tpu.memory_space<vmem>> -> memref<1x256xf32, #tpu.memory_space<vmem>>
      %dma_wait3A_2108 = tpu.memref_squeeze %dma_wait3A_2107 : memref<1x256xf32, #tpu.memory_space<vmem>> -> memref<256xf32, #tpu.memory_space<vmem>>
      %dma_wait3A_2109 = arith.constant 0 : i32
      %dma_wait3A_2110 = tpu.memref_slice %arg8[%add3A_1612, %dma_wait3A_2109] : memref<88x256xf32, #tpu.memory_space<hbm>> -> memref<1x256xf32, #tpu.memory_space<hbm>>
      %dma_wait3A_2111 = tpu.memref_squeeze %dma_wait3A_2110 : memref<1x256xf32, #tpu.memory_space<hbm>> -> memref<256xf32, #tpu.memory_space<hbm>>
      %dma_wait3A_2112 = arith.constant 0 : i32
      %dma_wait3A_2113 = tpu.memref_slice %arg8[%add3A_1612, %dma_wait3A_2112] : memref<88x256xf32, #tpu.memory_space<hbm>> -> memref<1x256xf32, #tpu.memory_space<hbm>>
      %dma_wait3A_2114 = tpu.memref_squeeze %dma_wait3A_2113 : memref<1x256xf32, #tpu.memory_space<hbm>> -> memref<256xf32, #tpu.memory_space<hbm>>
      %dma_wait3A_2115 = arith.constant 0 : i32
      %dma_wait3A_2116 = tpu.memref_slice %arg15[%dma_wait3A_2105, %dma_wait3A_2115] : memref<2x256xf32, #tpu.memory_space<vmem>> -> memref<1x256xf32, #tpu.memory_space<vmem>>
      %dma_wait3A_2117 = tpu.memref_squeeze %dma_wait3A_2116 : memref<1x256xf32, #tpu.memory_space<vmem>> -> memref<256xf32, #tpu.memory_space<vmem>>
      tpu.wait_dma2 semaphore(%arg22 : memref<!tpu.dma_semaphore, #tpu.memory_space<semaphore_mem>>) src(%dma_wait3A_2117 : memref<256xf32, #tpu.memory_space<vmem>>) dst(%dma_wait3A_2114 : memref<256xf32, #tpu.memory_space<hbm>>)
      %get3A_2118 = arith.constant 0 : index
      %get3A_2119 = tpu.vector_load %arg19[%get3A_2118] {strides = array<i32>} : memref<16xf32, #tpu.memory_space<vmem>>, vector<16xf32>,
      %swap3A_2120 = arith.constant 0 : index
      %swap3A_2121 = tpu.vector_load %arg16[%swap3A_2120] {strides = array<i32>} : memref<256xf32, #tpu.memory_space<vmem>>, vector<16xf32>,
      tpu.vector_store %arg16[%swap3A_2120], %get3A_2119 {strides = array<i32>} : memref<256xf32, #tpu.memory_space<vmem>>, vector<16xf32>,
      %broadcast_in_dim3A_2122 = arith.constant 0.000000e+00 : f32
      %broadcast_in_dim3A_2123 = vector.broadcast %broadcast_in_dim3A_2122 : f32 to vector<16xf32>
      %swap3A_2124 = arith.constant 16 : index
      %swap3A_2125 = tpu.vector_load %arg16[%swap3A_2124] {strides = array<i32>} : memref<256xf32, #tpu.memory_space<vmem>>, vector<16xf32>,
      tpu.vector_store %arg16[%swap3A_2124], %broadcast_in_dim3A_2123 {strides = array<i32>} : memref<256xf32, #tpu.memory_space<vmem>>, vector<16xf32>,
      %swap3A_2126 = arith.constant 32 : index
      %swap3A_2127 = tpu.vector_load %arg16[%swap3A_2126] {strides = array<i32>} : memref<256xf32, #tpu.memory_space<vmem>>, vector<16xf32>,
      tpu.vector_store %arg16[%swap3A_2126], %broadcast_in_dim3A_2123 {strides = array<i32>} : memref<256xf32, #tpu.memory_space<vmem>>, vector<16xf32>,
      %swap3A_2128 = arith.constant 48 : index
      %swap3A_2129 = tpu.vector_load %arg16[%swap3A_2128] {strides = array<i32>} : memref<256xf32, #tpu.memory_space<vmem>>, vector<16xf32>,
      tpu.vector_store %arg16[%swap3A_2128], %broadcast_in_dim3A_2123 {strides = array<i32>} : memref<256xf32, #tpu.memory_space<vmem>>, vector<16xf32>,
      %swap3A_2130 = arith.constant 64 : index
      %swap3A_2131 = tpu.vector_load %arg16[%swap3A_2130] {strides = array<i32>} : memref<256xf32, #tpu.memory_space<vmem>>, vector<16xf32>,
      tpu.vector_store %arg16[%swap3A_2130], %broadcast_in_dim3A_2123 {strides = array<i32>} : memref<256xf32, #tpu.memory_space<vmem>>, vector<16xf32>,
      %swap3A_2132 = arith.constant 80 : index
      %swap3A_2133 = tpu.vector_load %arg16[%swap3A_2132] {strides = array<i32>} : memref<256xf32, #tpu.memory_space<vmem>>, vector<16xf32>,
      tpu.vector_store %arg16[%swap3A_2132], %broadcast_in_dim3A_2123 {strides = array<i32>} : memref<256xf32, #tpu.memory_space<vmem>>, vector<16xf32>,
      %swap3A_2134 = arith.constant 96 : index
      %swap3A_2135 = tpu.vector_load %arg16[%swap3A_2134] {strides = array<i32>} : memref<256xf32, #tpu.memory_space<vmem>>, vector<16xf32>,
      tpu.vector_store %arg16[%swap3A_2134], %broadcast_in_dim3A_2123 {strides = array<i32>} : memref<256xf32, #tpu.memory_space<vmem>>, vector<16xf32>,
      %swap3A_2136 = arith.constant 112 : index
      %swap3A_2137 = tpu.vector_load %arg16[%swap3A_2136] {strides = array<i32>} : memref<256xf32, #tpu.memory_space<vmem>>, vector<16xf32>,
      tpu.vector_store %arg16[%swap3A_2136], %broadcast_in_dim3A_2123 {strides = array<i32>} : memref<256xf32, #tpu.memory_space<vmem>>, vector<16xf32>,
      %swap3A_2138 = arith.constant 128 : index
      %swap3A_2139 = tpu.vector_load %arg16[%swap3A_2138] {strides = array<i32>} : memref<256xf32, #tpu.memory_space<vmem>>, vector<16xf32>,
      tpu.vector_store %arg16[%swap3A_2138], %broadcast_in_dim3A_2123 {strides = array<i32>} : memref<256xf32, #tpu.memory_space<vmem>>, vector<16xf32>,
      %swap3A_2140 = arith.constant 144 : index
      %swap3A_2141 = tpu.vector_load %arg16[%swap3A_2140] {strides = array<i32>} : memref<256xf32, #tpu.memory_space<vmem>>, vector<16xf32>,
      tpu.vector_store %arg16[%swap3A_2140], %broadcast_in_dim3A_2123 {strides = array<i32>} : memref<256xf32, #tpu.memory_space<vmem>>, vector<16xf32>,
      %swap3A_2142 = arith.constant 160 : index
      %swap3A_2143 = tpu.vector_load %arg16[%swap3A_2142] {strides = array<i32>} : memref<256xf32, #tpu.memory_space<vmem>>, vector<16xf32>,
      tpu.vector_store %arg16[%swap3A_2142], %broadcast_in_dim3A_2123 {strides = array<i32>} : memref<256xf32, #tpu.memory_space<vmem>>, vector<16xf32>,
      %swap3A_2144 = arith.constant 176 : index
      %swap3A_2145 = tpu.vector_load %arg16[%swap3A_2144] {strides = array<i32>} : memref<256xf32, #tpu.memory_space<vmem>>, vector<16xf32>,
      tpu.vector_store %arg16[%swap3A_2144], %broadcast_in_dim3A_2123 {strides = array<i32>} : memref<256xf32, #tpu.memory_space<vmem>>, vector<16xf32>,
      %swap3A_2146 = arith.constant 192 : index
      %swap3A_2147 = tpu.vector_load %arg16[%swap3A_2146] {strides = array<i32>} : memref<256xf32, #tpu.memory_space<vmem>>, vector<16xf32>,
      tpu.vector_store %arg16[%swap3A_2146], %broadcast_in_dim3A_2123 {strides = array<i32>} : memref<256xf32, #tpu.memory_space<vmem>>, vector<16xf32>,
      %swap3A_2148 = arith.constant 208 : index
      %swap3A_2149 = tpu.vector_load %arg16[%swap3A_2148] {strides = array<i32>} : memref<256xf32, #tpu.memory_space<vmem>>, vector<16xf32>,
      tpu.vector_store %arg16[%swap3A_2148], %broadcast_in_dim3A_2123 {strides = array<i32>} : memref<256xf32, #tpu.memory_space<vmem>>, vector<16xf32>,
      %swap3A_2150 = arith.constant 224 : index
      %swap3A_2151 = tpu.vector_load %arg16[%swap3A_2150] {strides = array<i32>} : memref<256xf32, #tpu.memory_space<vmem>>, vector<16xf32>,
      tpu.vector_store %arg16[%swap3A_2150], %broadcast_in_dim3A_2123 {strides = array<i32>} : memref<256xf32, #tpu.memory_space<vmem>>, vector<16xf32>,
      %swap3A_2152 = arith.constant 240 : index
      %swap3A_2153 = tpu.vector_load %arg16[%swap3A_2152] {strides = array<i32>} : memref<256xf32, #tpu.memory_space<vmem>>, vector<16xf32>,
      tpu.vector_store %arg16[%swap3A_2152], %broadcast_in_dim3A_2123 {strides = array<i32>} : memref<256xf32, #tpu.memory_space<vmem>>, vector<16xf32>,
      %add3A_2154 = arith.constant 72 : i32
      %add3A_2155 = arith.addi %arg1, %add3A_2154 : i32
      "tpu.region"() ({
        %run_scoped3A_2156 = tpu.sem_alloc : memref<!tpu.dma_semaphore, #tpu.memory_space<semaphore_mem>>
        %dma_start3A_2157 = arith.constant 0 : i32
        %dma_start3A_2158 = tpu.memref_slice %arg8[%add3A_2155, %dma_start3A_2157] : memref<88x256xf32, #tpu.memory_space<hbm>> -> memref<1x256xf32, #tpu.memory_space<hbm>>
        %dma_start3A_2159 = tpu.memref_squeeze %dma_start3A_2158 : memref<1x256xf32, #tpu.memory_space<hbm>> -> memref<256xf32, #tpu.memory_space<hbm>>
        %dma_start3A_2160 = arith.constant 0 : i32
        %dma_start3A_2161 = tpu.memref_slice %arg8[%add3A_2155, %dma_start3A_2160] : memref<88x256xf32, #tpu.memory_space<hbm>> -> memref<1x256xf32, #tpu.memory_space<hbm>>
        %dma_start3A_2162 = tpu.memref_squeeze %dma_start3A_2161 : memref<1x256xf32, #tpu.memory_space<hbm>> -> memref<256xf32, #tpu.memory_space<hbm>>
        tpu.enqueue_dma source(%arg16 : memref<256xf32, #tpu.memory_space<vmem>>) target(%dma_start3A_2162 : memref<256xf32, #tpu.memory_space<hbm>>) target_semaphore(%run_scoped3A_2156 : memref<!tpu.dma_semaphore, #tpu.memory_space<semaphore_mem>>)
        %dma_wait3A_2163 = arith.constant 0 : i32
        %dma_wait3A_2164 = tpu.memref_slice %arg8[%add3A_2155, %dma_wait3A_2163] : memref<88x256xf32, #tpu.memory_space<hbm>> -> memref<1x256xf32, #tpu.memory_space<hbm>>
        %dma_wait3A_2165 = tpu.memref_squeeze %dma_wait3A_2164 : memref<1x256xf32, #tpu.memory_space<hbm>> -> memref<256xf32, #tpu.memory_space<hbm>>
        %dma_wait3A_2166 = arith.constant 0 : i32
        %dma_wait3A_2167 = tpu.memref_slice %arg8[%add3A_2155, %dma_wait3A_2166] : memref<88x256xf32, #tpu.memory_space<hbm>> -> memref<1x256xf32, #tpu.memory_space<hbm>>
        %dma_wait3A_2168 = tpu.memref_squeeze %dma_wait3A_2167 : memref<1x256xf32, #tpu.memory_space<hbm>> -> memref<256xf32, #tpu.memory_space<hbm>>
        tpu.wait_dma2 semaphore(%run_scoped3A_2156 : memref<!tpu.dma_semaphore, #tpu.memory_space<semaphore_mem>>) src(%arg16 : memref<256xf32, #tpu.memory_space<vmem>>) dst(%dma_wait3A_2168 : memref<256xf32, #tpu.memory_space<hbm>>)
        tpu.yield
      }) : () -> ()
    } else {
    }
    %eq3A_35 = arith.constant 1 : i32
    %eq3A_36 = arith.cmpi eq, %arg0, %eq3A_35 : i32
    %eq3A_37 = arith.constant 0 : i32
    %eq3A_38 = arith.cmpi eq, %arg1, %eq3A_37 : i32
    %and3A_39 = arith.andi %eq3A_36, %eq3A_38 : i1
    %convert_element_type3A_40 = arith.extui %and3A_39 : i1 to i32
    %cond3A_41 = arith.constant 0 : i32
    %cond3A_42 = arith.cmpi ne, %convert_element_type3A_40, %cond3A_41 : i32
    scf.if %cond3A_42 {
      %add3A = arith.constant 64 : i32
      %add3A_51 = arith.addi %arg1, %add3A : i32
      %run_scoped3A_52 = arith.constant 0 : i32
      "tpu.region"() ({
        %run_scoped3A_513 = tpu.sem_alloc : memref<!tpu.dma_semaphore, #tpu.memory_space<semaphore_mem>>
        %dma_start3A_514 = arith.constant 0 : i32
        %dma_start3A_515 = tpu.memref_slice %arg13[%run_scoped3A_52, %dma_start3A_514] : memref<4x64xf32, #tpu.memory_space<vmem>> -> memref<1x64xf32, #tpu.memory_space<vmem>>
        %dma_start3A_516 = tpu.memref_squeeze %dma_start3A_515 : memref<1x64xf32, #tpu.memory_space<vmem>> -> memref<64xf32, #tpu.memory_space<vmem>>
        %dma_start3A_517 = tpu.memref_slice %arg3[%add3A_51, %mul3A_27] : memref<65x1000000xf32, #tpu.memory_space<hbm>> -> memref<1x64xf32, #tpu.memory_space<hbm>>
        %dma_start3A_518 = tpu.memref_squeeze %dma_start3A_517 : memref<1x64xf32, #tpu.memory_space<hbm>> -> memref<64xf32, #tpu.memory_space<hbm>>
        %dma_start3A_519 = arith.constant 0 : i32
        %dma_start3A_520 = tpu.memref_slice %arg13[%run_scoped3A_52, %dma_start3A_519] : memref<4x64xf32, #tpu.memory_space<vmem>> -> memref<1x64xf32, #tpu.memory_space<vmem>>
        %dma_start3A_521 = tpu.memref_squeeze %dma_start3A_520 : memref<1x64xf32, #tpu.memory_space<vmem>> -> memref<64xf32, #tpu.memory_space<vmem>>
        %dma_start3A_522 = tpu.memref_slice %arg3[%add3A_51, %mul3A_27] : memref<65x1000000xf32, #tpu.memory_space<hbm>> -> memref<1x64xf32, #tpu.memory_space<hbm>>
        %dma_start3A_523 = tpu.memref_squeeze %dma_start3A_522 : memref<1x64xf32, #tpu.memory_space<hbm>> -> memref<64xf32, #tpu.memory_space<hbm>>
        tpu.enqueue_dma source(%dma_start3A_523 : memref<64xf32, #tpu.memory_space<hbm>>) target(%dma_start3A_521 : memref<64xf32, #tpu.memory_space<vmem>>) target_semaphore(%run_scoped3A_513 : memref<!tpu.dma_semaphore, #tpu.memory_space<semaphore_mem>>)
        %dma_wait3A_524 = arith.constant 0 : i32
        %dma_wait3A_525 = tpu.memref_slice %arg13[%run_scoped3A_52, %dma_wait3A_524] : memref<4x64xf32, #tpu.memory_space<vmem>> -> memref<1x64xf32, #tpu.memory_space<vmem>>
        %dma_wait3A_526 = tpu.memref_squeeze %dma_wait3A_525 : memref<1x64xf32, #tpu.memory_space<vmem>> -> memref<64xf32, #tpu.memory_space<vmem>>
        %dma_wait3A_527 = tpu.memref_slice %arg3[%add3A_51, %mul3A_27] : memref<65x1000000xf32, #tpu.memory_space<hbm>> -> memref<1x64xf32, #tpu.memory_space<hbm>>
        %dma_wait3A_528 = tpu.memref_squeeze %dma_wait3A_527 : memref<1x64xf32, #tpu.memory_space<hbm>> -> memref<64xf32, #tpu.memory_space<hbm>>
        %dma_wait3A_529 = arith.constant 0 : i32
        %dma_wait3A_530 = tpu.memref_slice %arg13[%run_scoped3A_52, %dma_wait3A_529] : memref<4x64xf32, #tpu.memory_space<vmem>> -> memref<1x64xf32, #tpu.memory_space<vmem>>
        %dma_wait3A_531 = tpu.memref_squeeze %dma_wait3A_530 : memref<1x64xf32, #tpu.memory_space<vmem>> -> memref<64xf32, #tpu.memory_space<vmem>>
        %dma_wait3A_532 = tpu.memref_slice %arg3[%add3A_51, %mul3A_27] : memref<65x1000000xf32, #tpu.memory_space<hbm>> -> memref<1x64xf32, #tpu.memory_space<hbm>>
        %dma_wait3A_533 = tpu.memref_squeeze %dma_wait3A_532 : memref<1x64xf32, #tpu.memory_space<hbm>> -> memref<64xf32, #tpu.memory_space<hbm>>
        tpu.wait_dma2 semaphore(%run_scoped3A_513 : memref<!tpu.dma_semaphore, #tpu.memory_space<semaphore_mem>>) src(%dma_wait3A_533 : memref<64xf32, #tpu.memory_space<hbm>>) dst(%dma_wait3A_531 : memref<64xf32, #tpu.memory_space<vmem>>)
        tpu.yield
      }) : () -> ()
      "tpu.region"() ({
        %run_scoped3A_513 = tpu.sem_alloc : memref<!tpu.dma_semaphore, #tpu.memory_space<semaphore_mem>>
        %dma_start3A_514 = arith.constant 0 : i32
        %dma_start3A_515 = tpu.memref_slice %arg2[%add3A_51, %dma_start3A_514] : memref<65x100000xf32, #tpu.memory_space<hbm>> -> memref<1x100000xf32, #tpu.memory_space<hbm>>
        %dma_start3A_516 = tpu.memref_squeeze %dma_start3A_515 : memref<1x100000xf32, #tpu.memory_space<hbm>> -> memref<100000xf32, #tpu.memory_space<hbm>>
        %dma_start3A_517 = arith.constant 0 : i32
        %dma_start3A_518 = tpu.memref_slice %arg2[%add3A_51, %dma_start3A_517] : memref<65x100000xf32, #tpu.memory_space<hbm>> -> memref<1x100000xf32, #tpu.memory_space<hbm>>
        %dma_start3A_519 = tpu.memref_squeeze %dma_start3A_518 : memref<1x100000xf32, #tpu.memory_space<hbm>> -> memref<100000xf32, #tpu.memory_space<hbm>>
        tpu.enqueue_dma source(%dma_start3A_519 : memref<100000xf32, #tpu.memory_space<hbm>>) target(%arg14 : memref<100000xf32, #tpu.memory_space<vmem>>) target_semaphore(%run_scoped3A_513 : memref<!tpu.dma_semaphore, #tpu.memory_space<semaphore_mem>>)
        %dma_wait3A_520 = arith.constant 0 : i32
        %dma_wait3A_521 = tpu.memref_slice %arg2[%add3A_51, %dma_wait3A_520] : memref<65x100000xf32, #tpu.memory_space<hbm>> -> memref<1x100000xf32, #tpu.memory_space<hbm>>
        %dma_wait3A_522 = tpu.memref_squeeze %dma_wait3A_521 : memref<1x100000xf32, #tpu.memory_space<hbm>> -> memref<100000xf32, #tpu.memory_space<hbm>>
        %dma_wait3A_523 = arith.constant 0 : i32
        %dma_wait3A_524 = tpu.memref_slice %arg2[%add3A_51, %dma_wait3A_523] : memref<65x100000xf32, #tpu.memory_space<hbm>> -> memref<1x100000xf32, #tpu.memory_space<hbm>>
        %dma_wait3A_525 = tpu.memref_squeeze %dma_wait3A_524 : memref<1x100000xf32, #tpu.memory_space<hbm>> -> memref<100000xf32, #tpu.memory_space<hbm>>
        tpu.wait_dma2 semaphore(%run_scoped3A_513 : memref<!tpu.dma_semaphore, #tpu.memory_space<semaphore_mem>>) src(%dma_wait3A_525 : memref<100000xf32, #tpu.memory_space<hbm>>) dst(%arg14 : memref<100000xf32, #tpu.memory_space<vmem>>)
        tpu.yield
      }) : () -> ()
      %get3A_53 = arith.constant 0 : index
      %get3A_54 = tpu.vector_load %arg12[%get3A_53] {strides = array<i32>} : memref<80xf32, #tpu.memory_space<vmem>>, vector<16xf32>,
      %add3A_55 = arith.constant 0 : i32
      %add3A_56 = vector.broadcast %add3A_55 : i32 to vector<16xi32>
      %add3A_57 = arith.addi %iota3A, %add3A_56 : vector<16xi32>
      %eq3A_58 = vector.broadcast %add3A_51 : i32 to vector<16xi32>
      %eq3A_59 = arith.cmpi eq, %add3A_57, %eq3A_58 : vector<16xi32>
      %jit3A_60 = arith.constant 0.000000e+00 : f32
      %broadcast_in_dim3A_61 = vector.broadcast %jit3A_60 : f32 to vector<16xf32>
      %select_n3A_62 = arith.select %eq3A_59, %get3A_54, %broadcast_in_dim3A_61 : vector<16xi1>, vector<16xf32>
      %reduce_sum3A = arith.constant true
      %reduce_sum3A_63 = vector.broadcast %reduce_sum3A : i1 to vector<16xi1>
      %reduce_sum3A_64 = tpu.scan <sum>, %select_n3A_62 masked %reduce_sum3A_63 : vector<16xf32>, vector<16xi1> -> vector<16xf32>
      %reduce_sum3A_65 = vector.extract %reduce_sum3A_64[15] : f32 from vector<16xf32>
      %add3A_66 = arith.constant 0.000000e+00 : f32
      %add3A_67 = arith.addf %add3A_66, %reduce_sum3A_65 : f32
      %get3A_68 = arith.constant 16 : index
      %get3A_69 = tpu.vector_load %arg12[%get3A_68] {strides = array<i32>} : memref<80xf32, #tpu.memory_space<vmem>>, vector<16xf32>,
      %add3A_70 = arith.constant 16 : i32
      %add3A_71 = vector.broadcast %add3A_70 : i32 to vector<16xi32>
      %add3A_72 = arith.addi %iota3A, %add3A_71 : vector<16xi32>
      %eq3A_73 = vector.broadcast %add3A_51 : i32 to vector<16xi32>
      %eq3A_74 = arith.cmpi eq, %add3A_72, %eq3A_73 : vector<16xi32>
      %jit3A_75 = arith.constant 0.000000e+00 : f32
      %broadcast_in_dim3A_76 = vector.broadcast %jit3A_75 : f32 to vector<16xf32>
      %select_n3A_77 = arith.select %eq3A_74, %get3A_69, %broadcast_in_dim3A_76 : vector<16xi1>, vector<16xf32>
      %reduce_sum3A_78 = arith.constant true
      %reduce_sum3A_79 = vector.broadcast %reduce_sum3A_78 : i1 to vector<16xi1>
      %reduce_sum3A_80 = tpu.scan <sum>, %select_n3A_77 masked %reduce_sum3A_79 : vector<16xf32>, vector<16xi1> -> vector<16xf32>
      %reduce_sum3A_81 = vector.extract %reduce_sum3A_80[15] : f32 from vector<16xf32>
      %add3A_82 = arith.addf %add3A_67, %reduce_sum3A_81 : f32
      %get3A_83 = arith.constant 32 : index
      %get3A_84 = tpu.vector_load %arg12[%get3A_83] {strides = array<i32>} : memref<80xf32, #tpu.memory_space<vmem>>, vector<16xf32>,
      %add3A_85 = arith.constant 32 : i32
      %add3A_86 = vector.broadcast %add3A_85 : i32 to vector<16xi32>
      %add3A_87 = arith.addi %iota3A, %add3A_86 : vector<16xi32>
      %eq3A_88 = vector.broadcast %add3A_51 : i32 to vector<16xi32>
      %eq3A_89 = arith.cmpi eq, %add3A_87, %eq3A_88 : vector<16xi32>
      %jit3A_90 = arith.constant 0.000000e+00 : f32
      %broadcast_in_dim3A_91 = vector.broadcast %jit3A_90 : f32 to vector<16xf32>
      %select_n3A_92 = arith.select %eq3A_89, %get3A_84, %broadcast_in_dim3A_91 : vector<16xi1>, vector<16xf32>
      %reduce_sum3A_93 = arith.constant true
      %reduce_sum3A_94 = vector.broadcast %reduce_sum3A_93 : i1 to vector<16xi1>
      %reduce_sum3A_95 = tpu.scan <sum>, %select_n3A_92 masked %reduce_sum3A_94 : vector<16xf32>, vector<16xi1> -> vector<16xf32>
      %reduce_sum3A_96 = vector.extract %reduce_sum3A_95[15] : f32 from vector<16xf32>
      %add3A_97 = arith.addf %add3A_82, %reduce_sum3A_96 : f32
      %get3A_98 = arith.constant 48 : index
      %get3A_99 = tpu.vector_load %arg12[%get3A_98] {strides = array<i32>} : memref<80xf32, #tpu.memory_space<vmem>>, vector<16xf32>,
      %add3A_100 = arith.constant 48 : i32
      %add3A_101 = vector.broadcast %add3A_100 : i32 to vector<16xi32>
      %add3A_102 = arith.addi %iota3A, %add3A_101 : vector<16xi32>
      %eq3A_103 = vector.broadcast %add3A_51 : i32 to vector<16xi32>
      %eq3A_104 = arith.cmpi eq, %add3A_102, %eq3A_103 : vector<16xi32>
      %jit3A_105 = arith.constant 0.000000e+00 : f32
      %broadcast_in_dim3A_106 = vector.broadcast %jit3A_105 : f32 to vector<16xf32>
      %select_n3A_107 = arith.select %eq3A_104, %get3A_99, %broadcast_in_dim3A_106 : vector<16xi1>, vector<16xf32>
      %reduce_sum3A_108 = arith.constant true
      %reduce_sum3A_109 = vector.broadcast %reduce_sum3A_108 : i1 to vector<16xi1>
      %reduce_sum3A_110 = tpu.scan <sum>, %select_n3A_107 masked %reduce_sum3A_109 : vector<16xf32>, vector<16xi1> -> vector<16xf32>
      %reduce_sum3A_111 = vector.extract %reduce_sum3A_110[15] : f32 from vector<16xf32>
      %add3A_112 = arith.addf %add3A_97, %reduce_sum3A_111 : f32
      %get3A_113 = arith.constant 64 : index
      %get3A_114 = tpu.vector_load %arg12[%get3A_113] {strides = array<i32>} : memref<80xf32, #tpu.memory_space<vmem>>, vector<16xf32>,
      %add3A_115 = arith.constant 64 : i32
      %add3A_116 = vector.broadcast %add3A_115 : i32 to vector<16xi32>
      %add3A_117 = arith.addi %iota3A, %add3A_116 : vector<16xi32>
      %eq3A_118 = vector.broadcast %add3A_51 : i32 to vector<16xi32>
      %eq3A_119 = arith.cmpi eq, %add3A_117, %eq3A_118 : vector<16xi32>
      %jit3A_120 = arith.constant 0.000000e+00 : f32
      %broadcast_in_dim3A_121 = vector.broadcast %jit3A_120 : f32 to vector<16xf32>
      %select_n3A_122 = arith.select %eq3A_119, %get3A_114, %broadcast_in_dim3A_121 : vector<16xi1>, vector<16xf32>
      %reduce_sum3A_123 = arith.constant true
      %reduce_sum3A_124 = vector.broadcast %reduce_sum3A_123 : i1 to vector<16xi1>
      %reduce_sum3A_125 = tpu.scan <sum>, %select_n3A_122 masked %reduce_sum3A_124 : vector<16xf32>, vector<16xi1> -> vector<16xf32>
      %reduce_sum3A_126 = vector.extract %reduce_sum3A_125[15] : f32 from vector<16xf32>
      %add3A_127 = arith.addf %add3A_112, %reduce_sum3A_126 : f32
      %get3A_128 = arith.constant 0 : i32
      %get3A_129 = arith.index_cast %get3A_128 : i32 to index
      %get3A_130 = arith.constant 0 : index
      %get3A_131 = tpu.vector_load %arg13[%get3A_129, %get3A_130] {strides = array<i32>} : memref<4x64xf32, #tpu.memory_space<vmem>>, vector<16xf32>,
      %add3A_132 = arith.constant 0 : i32
      %add3A_133 = vector.broadcast %add3A_132 : i32 to vector<16xi32>
      %add3A_134 = arith.addi %iota3A, %add3A_133 : vector<16xi32>
      %eq3A_135 = vector.broadcast %sub3A_28 : i32 to vector<16xi32>
      %eq3A_136 = arith.cmpi eq, %add3A_134, %eq3A_135 : vector<16xi32>
      %jit3A_137 = arith.constant 0.000000e+00 : f32
      %broadcast_in_dim3A_138 = vector.broadcast %jit3A_137 : f32 to vector<16xf32>
      %select_n3A_139 = arith.select %eq3A_136, %get3A_131, %broadcast_in_dim3A_138 : vector<16xi1>, vector<16xf32>
      %reduce_sum3A_140 = arith.constant true
      %reduce_sum3A_141 = vector.broadcast %reduce_sum3A_140 : i1 to vector<16xi1>
      %reduce_sum3A_142 = tpu.scan <sum>, %select_n3A_139 masked %reduce_sum3A_141 : vector<16xf32>, vector<16xi1> -> vector<16xf32>
      %reduce_sum3A_143 = vector.extract %reduce_sum3A_142[15] : f32 from vector<16xf32>
      %add3A_144 = arith.constant 0.000000e+00 : f32
      %add3A_145 = arith.addf %add3A_144, %reduce_sum3A_143 : f32
      %get3A_146 = arith.constant 0 : i32
      %get3A_147 = arith.index_cast %get3A_146 : i32 to index
      %get3A_148 = arith.constant 16 : index
      %get3A_149 = tpu.vector_load %arg13[%get3A_147, %get3A_148] {strides = array<i32>} : memref<4x64xf32, #tpu.memory_space<vmem>>, vector<16xf32>,
      %add3A_150 = arith.constant 16 : i32
      %add3A_151 = vector.broadcast %add3A_150 : i32 to vector<16xi32>
      %add3A_152 = arith.addi %iota3A, %add3A_151 : vector<16xi32>
      %eq3A_153 = vector.broadcast %sub3A_28 : i32 to vector<16xi32>
      %eq3A_154 = arith.cmpi eq, %add3A_152, %eq3A_153 : vector<16xi32>
      %jit3A_155 = arith.constant 0.000000e+00 : f32
      %broadcast_in_dim3A_156 = vector.broadcast %jit3A_155 : f32 to vector<16xf32>
      %select_n3A_157 = arith.select %eq3A_154, %get3A_149, %broadcast_in_dim3A_156 : vector<16xi1>, vector<16xf32>
      %reduce_sum3A_158 = arith.constant true
      %reduce_sum3A_159 = vector.broadcast %reduce_sum3A_158 : i1 to vector<16xi1>
      %reduce_sum3A_160 = tpu.scan <sum>, %select_n3A_157 masked %reduce_sum3A_159 : vector<16xf32>, vector<16xi1> -> vector<16xf32>
      %reduce_sum3A_161 = vector.extract %reduce_sum3A_160[15] : f32 from vector<16xf32>
      %add3A_162 = arith.addf %add3A_145, %reduce_sum3A_161 : f32
      %get3A_163 = arith.constant 0 : i32
      %get3A_164 = arith.index_cast %get3A_163 : i32 to index
      %get3A_165 = arith.constant 32 : index
      %get3A_166 = tpu.vector_load %arg13[%get3A_164, %get3A_165] {strides = array<i32>} : memref<4x64xf32, #tpu.memory_space<vmem>>, vector<16xf32>,
      %add3A_167 = arith.constant 32 : i32
      %add3A_168 = vector.broadcast %add3A_167 : i32 to vector<16xi32>
      %add3A_169 = arith.addi %iota3A, %add3A_168 : vector<16xi32>
      %eq3A_170 = vector.broadcast %sub3A_28 : i32 to vector<16xi32>
      %eq3A_171 = arith.cmpi eq, %add3A_169, %eq3A_170 : vector<16xi32>
      %jit3A_172 = arith.constant 0.000000e+00 : f32
      %broadcast_in_dim3A_173 = vector.broadcast %jit3A_172 : f32 to vector<16xf32>
      %select_n3A_174 = arith.select %eq3A_171, %get3A_166, %broadcast_in_dim3A_173 : vector<16xi1>, vector<16xf32>
      %reduce_sum3A_175 = arith.constant true
      %reduce_sum3A_176 = vector.broadcast %reduce_sum3A_175 : i1 to vector<16xi1>
      %reduce_sum3A_177 = tpu.scan <sum>, %select_n3A_174 masked %reduce_sum3A_176 : vector<16xf32>, vector<16xi1> -> vector<16xf32>
      %reduce_sum3A_178 = vector.extract %reduce_sum3A_177[15] : f32 from vector<16xf32>
      %add3A_179 = arith.addf %add3A_162, %reduce_sum3A_178 : f32
      %get3A_180 = arith.constant 0 : i32
      %get3A_181 = arith.index_cast %get3A_180 : i32 to index
      %get3A_182 = arith.constant 48 : index
      %get3A_183 = tpu.vector_load %arg13[%get3A_181, %get3A_182] {strides = array<i32>} : memref<4x64xf32, #tpu.memory_space<vmem>>, vector<16xf32>,
      %add3A_184 = arith.constant 48 : i32
      %add3A_185 = vector.broadcast %add3A_184 : i32 to vector<16xi32>
      %add3A_186 = arith.addi %iota3A, %add3A_185 : vector<16xi32>
      %eq3A_187 = vector.broadcast %sub3A_28 : i32 to vector<16xi32>
      %eq3A_188 = arith.cmpi eq, %add3A_186, %eq3A_187 : vector<16xi32>
      %jit3A_189 = arith.constant 0.000000e+00 : f32
      %broadcast_in_dim3A_190 = vector.broadcast %jit3A_189 : f32 to vector<16xf32>
      %select_n3A_191 = arith.select %eq3A_188, %get3A_183, %broadcast_in_dim3A_190 : vector<16xi1>, vector<16xf32>
      %reduce_sum3A_192 = arith.constant true
      %reduce_sum3A_193 = vector.broadcast %reduce_sum3A_192 : i1 to vector<16xi1>
      %reduce_sum3A_194 = tpu.scan <sum>, %select_n3A_191 masked %reduce_sum3A_193 : vector<16xf32>, vector<16xi1> -> vector<16xf32>
      %reduce_sum3A_195 = vector.extract %reduce_sum3A_194[15] : f32 from vector<16xf32>
      %add3A_196 = arith.addf %add3A_179, %reduce_sum3A_195 : f32
      %eq3A_197 = arith.constant 14 : i32
      %eq3A_198 = vector.broadcast %eq3A_197 : i32 to vector<16xi32>
      %eq3A_199 = arith.cmpi eq, %iota3A, %eq3A_198 : vector<16xi32>
      %jit3A_200 = arith.constant 0.000000e+00 : f32
      %broadcast_in_dim3A_201 = vector.broadcast %add3A_127 : f32 to vector<16xf32>
      %broadcast_in_dim3A_202 = vector.broadcast %jit3A_200 : f32 to vector<16xf32>
      %select_n3A_203 = arith.select %eq3A_199, %broadcast_in_dim3A_201, %broadcast_in_dim3A_202 : vector<16xi1>, vector<16xf32>
      %eq3A_204 = arith.constant 15 : i32
      %eq3A_205 = vector.broadcast %eq3A_204 : i32 to vector<16xi32>
      %eq3A_206 = arith.cmpi eq, %iota3A, %eq3A_205 : vector<16xi32>
      %jit3A_207 = arith.constant 0.000000e+00 : f32
      %broadcast_in_dim3A_208 = vector.broadcast %add3A_196 : f32 to vector<16xf32>
      %broadcast_in_dim3A_209 = vector.broadcast %jit3A_207 : f32 to vector<16xf32>
      %select_n3A_210 = arith.select %eq3A_206, %broadcast_in_dim3A_208, %broadcast_in_dim3A_209 : vector<16xi1>, vector<16xf32>
      %add3A_211 = arith.addf %select_n3A_203, %select_n3A_210 : vector<16xf32>
      %swap3A_212 = arith.constant 0 : i32
      %swap3A_213 = arith.index_cast %swap3A_212 : i32 to index
      %swap3A_214 = arith.constant 0 : index
      %swap3A_215 = tpu.vector_load %arg15[%swap3A_213, %swap3A_214] {strides = array<i32>} : memref<2x256xf32, #tpu.memory_space<vmem>>, vector<16xf32>,
      tpu.vector_store %arg15[%swap3A_213, %swap3A_214], %add3A_211 {strides = array<i32>} : memref<2x256xf32, #tpu.memory_space<vmem>>, vector<16xf32>,
      %get3A_216 = arith.constant 0 : index
      %get3A_217 = tpu.vector_load %arg10[%get3A_216] {strides = array<i32>} : memref<208xi32, #tpu.memory_space<vmem>>, vector<16xi32>,
      %gather3A = tpu.vector_load_idx %arg14[%get3A_217] : memref<100000xf32, #tpu.memory_space<vmem>>[vector<16xi32>], vector<16xf32>,
      %add3A_218 = arith.constant 0 : i32
      %add3A_219 = vector.broadcast %add3A_218 : i32 to vector<16xi32>
      %add3A_220 = arith.addi %iota3A, %add3A_219 : vector<16xi32>
      %lt3A_221 = arith.constant 200 : i32
      %lt3A_222 = vector.broadcast %lt3A_221 : i32 to vector<16xi32>
      %lt3A_223 = arith.cmpi slt, %add3A_220, %lt3A_222 : vector<16xi32>
      %jit3A_224 = arith.constant 0.000000e+00 : f32
      %broadcast_in_dim3A_225 = vector.broadcast %jit3A_224 : f32 to vector<16xf32>
      %select_n3A_226 = arith.select %lt3A_223, %gather3A, %broadcast_in_dim3A_225 : vector<16xi1>, vector<16xf32>
      %reduce_sum3A_227 = arith.constant true
      %reduce_sum3A_228 = vector.broadcast %reduce_sum3A_227 : i1 to vector<16xi1>
      %reduce_sum3A_229 = tpu.scan <sum>, %select_n3A_226 masked %reduce_sum3A_228 : vector<16xf32>, vector<16xi1> -> vector<16xf32>
      %reduce_sum3A_230 = vector.extract %reduce_sum3A_229[15] : f32 from vector<16xf32>
      %add3A_231 = arith.constant 0.000000e+00 : f32
      %add3A_232 = arith.addf %add3A_231, %reduce_sum3A_230 : f32
      %swap3A_233 = arith.constant 0 : i32
      %swap3A_234 = arith.index_cast %swap3A_233 : i32 to index
      %swap3A_235 = arith.constant 16 : index
      %swap3A_236 = tpu.vector_load %arg15[%swap3A_234, %swap3A_235] {strides = array<i32>} : memref<2x256xf32, #tpu.memory_space<vmem>>, vector<16xf32>,
      tpu.vector_store %arg15[%swap3A_234, %swap3A_235], %gather3A {strides = array<i32>} : memref<2x256xf32, #tpu.memory_space<vmem>>, vector<16xf32>,
      %get3A_237 = arith.constant 16 : index
      %get3A_238 = tpu.vector_load %arg10[%get3A_237] {strides = array<i32>} : memref<208xi32, #tpu.memory_space<vmem>>, vector<16xi32>,
      %gather3A_239 = tpu.vector_load_idx %arg14[%get3A_238] : memref<100000xf32, #tpu.memory_space<vmem>>[vector<16xi32>], vector<16xf32>,
      %add3A_240 = arith.constant 16 : i32
      %add3A_241 = vector.broadcast %add3A_240 : i32 to vector<16xi32>
      %add3A_242 = arith.addi %iota3A, %add3A_241 : vector<16xi32>
      %lt3A_243 = arith.constant 200 : i32
      %lt3A_244 = vector.broadcast %lt3A_243 : i32 to vector<16xi32>
      %lt3A_245 = arith.cmpi slt, %add3A_242, %lt3A_244 : vector<16xi32>
      %jit3A_246 = arith.constant 0.000000e+00 : f32
      %broadcast_in_dim3A_247 = vector.broadcast %jit3A_246 : f32 to vector<16xf32>
      %select_n3A_248 = arith.select %lt3A_245, %gather3A_239, %broadcast_in_dim3A_247 : vector<16xi1>, vector<16xf32>
      %reduce_sum3A_249 = arith.constant true
      %reduce_sum3A_250 = vector.broadcast %reduce_sum3A_249 : i1 to vector<16xi1>
      %reduce_sum3A_251 = tpu.scan <sum>, %select_n3A_248 masked %reduce_sum3A_250 : vector<16xf32>, vector<16xi1> -> vector<16xf32>
      %reduce_sum3A_252 = vector.extract %reduce_sum3A_251[15] : f32 from vector<16xf32>
      %add3A_253 = arith.addf %add3A_232, %reduce_sum3A_252 : f32
      %swap3A_254 = arith.constant 0 : i32
      %swap3A_255 = arith.index_cast %swap3A_254 : i32 to index
      %swap3A_256 = arith.constant 32 : index
      %swap3A_257 = tpu.vector_load %arg15[%swap3A_255, %swap3A_256] {strides = array<i32>} : memref<2x256xf32, #tpu.memory_space<vmem>>, vector<16xf32>,
      tpu.vector_store %arg15[%swap3A_255, %swap3A_256], %gather3A_239 {strides = array<i32>} : memref<2x256xf32, #tpu.memory_space<vmem>>, vector<16xf32>,
      %get3A_258 = arith.constant 32 : index
      %get3A_259 = tpu.vector_load %arg10[%get3A_258] {strides = array<i32>} : memref<208xi32, #tpu.memory_space<vmem>>, vector<16xi32>,
      %gather3A_260 = tpu.vector_load_idx %arg14[%get3A_259] : memref<100000xf32, #tpu.memory_space<vmem>>[vector<16xi32>], vector<16xf32>,
      %add3A_261 = arith.constant 32 : i32
      %add3A_262 = vector.broadcast %add3A_261 : i32 to vector<16xi32>
      %add3A_263 = arith.addi %iota3A, %add3A_262 : vector<16xi32>
      %lt3A_264 = arith.constant 200 : i32
      %lt3A_265 = vector.broadcast %lt3A_264 : i32 to vector<16xi32>
      %lt3A_266 = arith.cmpi slt, %add3A_263, %lt3A_265 : vector<16xi32>
      %jit3A_267 = arith.constant 0.000000e+00 : f32
      %broadcast_in_dim3A_268 = vector.broadcast %jit3A_267 : f32 to vector<16xf32>
      %select_n3A_269 = arith.select %lt3A_266, %gather3A_260, %broadcast_in_dim3A_268 : vector<16xi1>, vector<16xf32>
      %reduce_sum3A_270 = arith.constant true
      %reduce_sum3A_271 = vector.broadcast %reduce_sum3A_270 : i1 to vector<16xi1>
      %reduce_sum3A_272 = tpu.scan <sum>, %select_n3A_269 masked %reduce_sum3A_271 : vector<16xf32>, vector<16xi1> -> vector<16xf32>
      %reduce_sum3A_273 = vector.extract %reduce_sum3A_272[15] : f32 from vector<16xf32>
      %add3A_274 = arith.addf %add3A_253, %reduce_sum3A_273 : f32
      %swap3A_275 = arith.constant 0 : i32
      %swap3A_276 = arith.index_cast %swap3A_275 : i32 to index
      %swap3A_277 = arith.constant 48 : index
      %swap3A_278 = tpu.vector_load %arg15[%swap3A_276, %swap3A_277] {strides = array<i32>} : memref<2x256xf32, #tpu.memory_space<vmem>>, vector<16xf32>,
      tpu.vector_store %arg15[%swap3A_276, %swap3A_277], %gather3A_260 {strides = array<i32>} : memref<2x256xf32, #tpu.memory_space<vmem>>, vector<16xf32>,
      %get3A_279 = arith.constant 48 : index
      %get3A_280 = tpu.vector_load %arg10[%get3A_279] {strides = array<i32>} : memref<208xi32, #tpu.memory_space<vmem>>, vector<16xi32>,
      %gather3A_281 = tpu.vector_load_idx %arg14[%get3A_280] : memref<100000xf32, #tpu.memory_space<vmem>>[vector<16xi32>], vector<16xf32>,
      %add3A_282 = arith.constant 48 : i32
      %add3A_283 = vector.broadcast %add3A_282 : i32 to vector<16xi32>
      %add3A_284 = arith.addi %iota3A, %add3A_283 : vector<16xi32>
      %lt3A_285 = arith.constant 200 : i32
      %lt3A_286 = vector.broadcast %lt3A_285 : i32 to vector<16xi32>
      %lt3A_287 = arith.cmpi slt, %add3A_284, %lt3A_286 : vector<16xi32>
      %jit3A_288 = arith.constant 0.000000e+00 : f32
      %broadcast_in_dim3A_289 = vector.broadcast %jit3A_288 : f32 to vector<16xf32>
      %select_n3A_290 = arith.select %lt3A_287, %gather3A_281, %broadcast_in_dim3A_289 : vector<16xi1>, vector<16xf32>
      %reduce_sum3A_291 = arith.constant true
      %reduce_sum3A_292 = vector.broadcast %reduce_sum3A_291 : i1 to vector<16xi1>
      %reduce_sum3A_293 = tpu.scan <sum>, %select_n3A_290 masked %reduce_sum3A_292 : vector<16xf32>, vector<16xi1> -> vector<16xf32>
      %reduce_sum3A_294 = vector.extract %reduce_sum3A_293[15] : f32 from vector<16xf32>
      %add3A_295 = arith.addf %add3A_274, %reduce_sum3A_294 : f32
      %swap3A_296 = arith.constant 0 : i32
      %swap3A_297 = arith.index_cast %swap3A_296 : i32 to index
      %swap3A_298 = arith.constant 64 : index
      %swap3A_299 = tpu.vector_load %arg15[%swap3A_297, %swap3A_298] {strides = array<i32>} : memref<2x256xf32, #tpu.memory_space<vmem>>, vector<16xf32>,
      tpu.vector_store %arg15[%swap3A_297, %swap3A_298], %gather3A_281 {strides = array<i32>} : memref<2x256xf32, #tpu.memory_space<vmem>>, vector<16xf32>,
      %get3A_300 = arith.constant 64 : index
      %get3A_301 = tpu.vector_load %arg10[%get3A_300] {strides = array<i32>} : memref<208xi32, #tpu.memory_space<vmem>>, vector<16xi32>,
      %gather3A_302 = tpu.vector_load_idx %arg14[%get3A_301] : memref<100000xf32, #tpu.memory_space<vmem>>[vector<16xi32>], vector<16xf32>,
      %add3A_303 = arith.constant 64 : i32
      %add3A_304 = vector.broadcast %add3A_303 : i32 to vector<16xi32>
      %add3A_305 = arith.addi %iota3A, %add3A_304 : vector<16xi32>
      %lt3A_306 = arith.constant 200 : i32
      %lt3A_307 = vector.broadcast %lt3A_306 : i32 to vector<16xi32>
      %lt3A_308 = arith.cmpi slt, %add3A_305, %lt3A_307 : vector<16xi32>
      %jit3A_309 = arith.constant 0.000000e+00 : f32
      %broadcast_in_dim3A_310 = vector.broadcast %jit3A_309 : f32 to vector<16xf32>
      %select_n3A_311 = arith.select %lt3A_308, %gather3A_302, %broadcast_in_dim3A_310 : vector<16xi1>, vector<16xf32>
      %reduce_sum3A_312 = arith.constant true
      %reduce_sum3A_313 = vector.broadcast %reduce_sum3A_312 : i1 to vector<16xi1>
      %reduce_sum3A_314 = tpu.scan <sum>, %select_n3A_311 masked %reduce_sum3A_313 : vector<16xf32>, vector<16xi1> -> vector<16xf32>
      %reduce_sum3A_315 = vector.extract %reduce_sum3A_314[15] : f32 from vector<16xf32>
      %add3A_316 = arith.addf %add3A_295, %reduce_sum3A_315 : f32
      %swap3A_317 = arith.constant 0 : i32
      %swap3A_318 = arith.index_cast %swap3A_317 : i32 to index
      %swap3A_319 = arith.constant 80 : index
      %swap3A_320 = tpu.vector_load %arg15[%swap3A_318, %swap3A_319] {strides = array<i32>} : memref<2x256xf32, #tpu.memory_space<vmem>>, vector<16xf32>,
      tpu.vector_store %arg15[%swap3A_318, %swap3A_319], %gather3A_302 {strides = array<i32>} : memref<2x256xf32, #tpu.memory_space<vmem>>, vector<16xf32>,
      %get3A_321 = arith.constant 80 : index
      %get3A_322 = tpu.vector_load %arg10[%get3A_321] {strides = array<i32>} : memref<208xi32, #tpu.memory_space<vmem>>, vector<16xi32>,
      %gather3A_323 = tpu.vector_load_idx %arg14[%get3A_322] : memref<100000xf32, #tpu.memory_space<vmem>>[vector<16xi32>], vector<16xf32>,
      %add3A_324 = arith.constant 80 : i32
      %add3A_325 = vector.broadcast %add3A_324 : i32 to vector<16xi32>
      %add3A_326 = arith.addi %iota3A, %add3A_325 : vector<16xi32>
      %lt3A_327 = arith.constant 200 : i32
      %lt3A_328 = vector.broadcast %lt3A_327 : i32 to vector<16xi32>
      %lt3A_329 = arith.cmpi slt, %add3A_326, %lt3A_328 : vector<16xi32>
      %jit3A_330 = arith.constant 0.000000e+00 : f32
      %broadcast_in_dim3A_331 = vector.broadcast %jit3A_330 : f32 to vector<16xf32>
      %select_n3A_332 = arith.select %lt3A_329, %gather3A_323, %broadcast_in_dim3A_331 : vector<16xi1>, vector<16xf32>
      %reduce_sum3A_333 = arith.constant true
      %reduce_sum3A_334 = vector.broadcast %reduce_sum3A_333 : i1 to vector<16xi1>
      %reduce_sum3A_335 = tpu.scan <sum>, %select_n3A_332 masked %reduce_sum3A_334 : vector<16xf32>, vector<16xi1> -> vector<16xf32>
      %reduce_sum3A_336 = vector.extract %reduce_sum3A_335[15] : f32 from vector<16xf32>
      %add3A_337 = arith.addf %add3A_316, %reduce_sum3A_336 : f32
      %swap3A_338 = arith.constant 0 : i32
      %swap3A_339 = arith.index_cast %swap3A_338 : i32 to index
      %swap3A_340 = arith.constant 96 : index
      %swap3A_341 = tpu.vector_load %arg15[%swap3A_339, %swap3A_340] {strides = array<i32>} : memref<2x256xf32, #tpu.memory_space<vmem>>, vector<16xf32>,
      tpu.vector_store %arg15[%swap3A_339, %swap3A_340], %gather3A_323 {strides = array<i32>} : memref<2x256xf32, #tpu.memory_space<vmem>>, vector<16xf32>,
      %get3A_342 = arith.constant 96 : index
      %get3A_343 = tpu.vector_load %arg10[%get3A_342] {strides = array<i32>} : memref<208xi32, #tpu.memory_space<vmem>>, vector<16xi32>,
      %gather3A_344 = tpu.vector_load_idx %arg14[%get3A_343] : memref<100000xf32, #tpu.memory_space<vmem>>[vector<16xi32>], vector<16xf32>,
      %add3A_345 = arith.constant 96 : i32
      %add3A_346 = vector.broadcast %add3A_345 : i32 to vector<16xi32>
      %add3A_347 = arith.addi %iota3A, %add3A_346 : vector<16xi32>
      %lt3A_348 = arith.constant 200 : i32
      %lt3A_349 = vector.broadcast %lt3A_348 : i32 to vector<16xi32>
      %lt3A_350 = arith.cmpi slt, %add3A_347, %lt3A_349 : vector<16xi32>
      %jit3A_351 = arith.constant 0.000000e+00 : f32
      %broadcast_in_dim3A_352 = vector.broadcast %jit3A_351 : f32 to vector<16xf32>
      %select_n3A_353 = arith.select %lt3A_350, %gather3A_344, %broadcast_in_dim3A_352 : vector<16xi1>, vector<16xf32>
      %reduce_sum3A_354 = arith.constant true
      %reduce_sum3A_355 = vector.broadcast %reduce_sum3A_354 : i1 to vector<16xi1>
      %reduce_sum3A_356 = tpu.scan <sum>, %select_n3A_353 masked %reduce_sum3A_355 : vector<16xf32>, vector<16xi1> -> vector<16xf32>
      %reduce_sum3A_357 = vector.extract %reduce_sum3A_356[15] : f32 from vector<16xf32>
      %add3A_358 = arith.addf %add3A_337, %reduce_sum3A_357 : f32
      %swap3A_359 = arith.constant 0 : i32
      %swap3A_360 = arith.index_cast %swap3A_359 : i32 to index
      %swap3A_361 = arith.constant 112 : index
      %swap3A_362 = tpu.vector_load %arg15[%swap3A_360, %swap3A_361] {strides = array<i32>} : memref<2x256xf32, #tpu.memory_space<vmem>>, vector<16xf32>,
      tpu.vector_store %arg15[%swap3A_360, %swap3A_361], %gather3A_344 {strides = array<i32>} : memref<2x256xf32, #tpu.memory_space<vmem>>, vector<16xf32>,
      %get3A_363 = arith.constant 112 : index
      %get3A_364 = tpu.vector_load %arg10[%get3A_363] {strides = array<i32>} : memref<208xi32, #tpu.memory_space<vmem>>, vector<16xi32>,
      %gather3A_365 = tpu.vector_load_idx %arg14[%get3A_364] : memref<100000xf32, #tpu.memory_space<vmem>>[vector<16xi32>], vector<16xf32>,
      %add3A_366 = arith.constant 112 : i32
      %add3A_367 = vector.broadcast %add3A_366 : i32 to vector<16xi32>
      %add3A_368 = arith.addi %iota3A, %add3A_367 : vector<16xi32>
      %lt3A_369 = arith.constant 200 : i32
      %lt3A_370 = vector.broadcast %lt3A_369 : i32 to vector<16xi32>
      %lt3A_371 = arith.cmpi slt, %add3A_368, %lt3A_370 : vector<16xi32>
      %jit3A_372 = arith.constant 0.000000e+00 : f32
      %broadcast_in_dim3A_373 = vector.broadcast %jit3A_372 : f32 to vector<16xf32>
      %select_n3A_374 = arith.select %lt3A_371, %gather3A_365, %broadcast_in_dim3A_373 : vector<16xi1>, vector<16xf32>
      %reduce_sum3A_375 = arith.constant true
      %reduce_sum3A_376 = vector.broadcast %reduce_sum3A_375 : i1 to vector<16xi1>
      %reduce_sum3A_377 = tpu.scan <sum>, %select_n3A_374 masked %reduce_sum3A_376 : vector<16xf32>, vector<16xi1> -> vector<16xf32>
      %reduce_sum3A_378 = vector.extract %reduce_sum3A_377[15] : f32 from vector<16xf32>
      %add3A_379 = arith.addf %add3A_358, %reduce_sum3A_378 : f32
      %swap3A_380 = arith.constant 0 : i32
      %swap3A_381 = arith.index_cast %swap3A_380 : i32 to index
      %swap3A_382 = arith.constant 128 : index
      %swap3A_383 = tpu.vector_load %arg15[%swap3A_381, %swap3A_382] {strides = array<i32>} : memref<2x256xf32, #tpu.memory_space<vmem>>, vector<16xf32>,
      tpu.vector_store %arg15[%swap3A_381, %swap3A_382], %gather3A_365 {strides = array<i32>} : memref<2x256xf32, #tpu.memory_space<vmem>>, vector<16xf32>,
      %get3A_384 = arith.constant 128 : index
      %get3A_385 = tpu.vector_load %arg10[%get3A_384] {strides = array<i32>} : memref<208xi32, #tpu.memory_space<vmem>>, vector<16xi32>,
      %gather3A_386 = tpu.vector_load_idx %arg14[%get3A_385] : memref<100000xf32, #tpu.memory_space<vmem>>[vector<16xi32>], vector<16xf32>,
      %add3A_387 = arith.constant 128 : i32
      %add3A_388 = vector.broadcast %add3A_387 : i32 to vector<16xi32>
      %add3A_389 = arith.addi %iota3A, %add3A_388 : vector<16xi32>
      %lt3A_390 = arith.constant 200 : i32
      %lt3A_391 = vector.broadcast %lt3A_390 : i32 to vector<16xi32>
      %lt3A_392 = arith.cmpi slt, %add3A_389, %lt3A_391 : vector<16xi32>
      %jit3A_393 = arith.constant 0.000000e+00 : f32
      %broadcast_in_dim3A_394 = vector.broadcast %jit3A_393 : f32 to vector<16xf32>
      %select_n3A_395 = arith.select %lt3A_392, %gather3A_386, %broadcast_in_dim3A_394 : vector<16xi1>, vector<16xf32>
      %reduce_sum3A_396 = arith.constant true
      %reduce_sum3A_397 = vector.broadcast %reduce_sum3A_396 : i1 to vector<16xi1>
      %reduce_sum3A_398 = tpu.scan <sum>, %select_n3A_395 masked %reduce_sum3A_397 : vector<16xf32>, vector<16xi1> -> vector<16xf32>
      %reduce_sum3A_399 = vector.extract %reduce_sum3A_398[15] : f32 from vector<16xf32>
      %add3A_400 = arith.addf %add3A_379, %reduce_sum3A_399 : f32
      %swap3A_401 = arith.constant 0 : i32
      %swap3A_402 = arith.index_cast %swap3A_401 : i32 to index
      %swap3A_403 = arith.constant 144 : index
      %swap3A_404 = tpu.vector_load %arg15[%swap3A_402, %swap3A_403] {strides = array<i32>} : memref<2x256xf32, #tpu.memory_space<vmem>>, vector<16xf32>,
      tpu.vector_store %arg15[%swap3A_402, %swap3A_403], %gather3A_386 {strides = array<i32>} : memref<2x256xf32, #tpu.memory_space<vmem>>, vector<16xf32>,
      %get3A_405 = arith.constant 144 : index
      %get3A_406 = tpu.vector_load %arg10[%get3A_405] {strides = array<i32>} : memref<208xi32, #tpu.memory_space<vmem>>, vector<16xi32>,
      %gather3A_407 = tpu.vector_load_idx %arg14[%get3A_406] : memref<100000xf32, #tpu.memory_space<vmem>>[vector<16xi32>], vector<16xf32>,
      %add3A_408 = arith.constant 144 : i32
      %add3A_409 = vector.broadcast %add3A_408 : i32 to vector<16xi32>
      %add3A_410 = arith.addi %iota3A, %add3A_409 : vector<16xi32>
      %lt3A_411 = arith.constant 200 : i32
      %lt3A_412 = vector.broadcast %lt3A_411 : i32 to vector<16xi32>
      %lt3A_413 = arith.cmpi slt, %add3A_410, %lt3A_412 : vector<16xi32>
      %jit3A_414 = arith.constant 0.000000e+00 : f32
      %broadcast_in_dim3A_415 = vector.broadcast %jit3A_414 : f32 to vector<16xf32>
      %select_n3A_416 = arith.select %lt3A_413, %gather3A_407, %broadcast_in_dim3A_415 : vector<16xi1>, vector<16xf32>
      %reduce_sum3A_417 = arith.constant true
      %reduce_sum3A_418 = vector.broadcast %reduce_sum3A_417 : i1 to vector<16xi1>
      %reduce_sum3A_419 = tpu.scan <sum>, %select_n3A_416 masked %reduce_sum3A_418 : vector<16xf32>, vector<16xi1> -> vector<16xf32>
      %reduce_sum3A_420 = vector.extract %reduce_sum3A_419[15] : f32 from vector<16xf32>
      %add3A_421 = arith.addf %add3A_400, %reduce_sum3A_420 : f32
      %swap3A_422 = arith.constant 0 : i32
      %swap3A_423 = arith.index_cast %swap3A_422 : i32 to index
      %swap3A_424 = arith.constant 160 : index
      %swap3A_425 = tpu.vector_load %arg15[%swap3A_423, %swap3A_424] {strides = array<i32>} : memref<2x256xf32, #tpu.memory_space<vmem>>, vector<16xf32>,
      tpu.vector_store %arg15[%swap3A_423, %swap3A_424], %gather3A_407 {strides = array<i32>} : memref<2x256xf32, #tpu.memory_space<vmem>>, vector<16xf32>,
      %get3A_426 = arith.constant 160 : index
      %get3A_427 = tpu.vector_load %arg10[%get3A_426] {strides = array<i32>} : memref<208xi32, #tpu.memory_space<vmem>>, vector<16xi32>,
      %gather3A_428 = tpu.vector_load_idx %arg14[%get3A_427] : memref<100000xf32, #tpu.memory_space<vmem>>[vector<16xi32>], vector<16xf32>,
      %add3A_429 = arith.constant 160 : i32
      %add3A_430 = vector.broadcast %add3A_429 : i32 to vector<16xi32>
      %add3A_431 = arith.addi %iota3A, %add3A_430 : vector<16xi32>
      %lt3A_432 = arith.constant 200 : i32
      %lt3A_433 = vector.broadcast %lt3A_432 : i32 to vector<16xi32>
      %lt3A_434 = arith.cmpi slt, %add3A_431, %lt3A_433 : vector<16xi32>
      %jit3A_435 = arith.constant 0.000000e+00 : f32
      %broadcast_in_dim3A_436 = vector.broadcast %jit3A_435 : f32 to vector<16xf32>
      %select_n3A_437 = arith.select %lt3A_434, %gather3A_428, %broadcast_in_dim3A_436 : vector<16xi1>, vector<16xf32>
      %reduce_sum3A_438 = arith.constant true
      %reduce_sum3A_439 = vector.broadcast %reduce_sum3A_438 : i1 to vector<16xi1>
      %reduce_sum3A_440 = tpu.scan <sum>, %select_n3A_437 masked %reduce_sum3A_439 : vector<16xf32>, vector<16xi1> -> vector<16xf32>
      %reduce_sum3A_441 = vector.extract %reduce_sum3A_440[15] : f32 from vector<16xf32>
      %add3A_442 = arith.addf %add3A_421, %reduce_sum3A_441 : f32
      %swap3A_443 = arith.constant 0 : i32
      %swap3A_444 = arith.index_cast %swap3A_443 : i32 to index
      %swap3A_445 = arith.constant 176 : index
      %swap3A_446 = tpu.vector_load %arg15[%swap3A_444, %swap3A_445] {strides = array<i32>} : memref<2x256xf32, #tpu.memory_space<vmem>>, vector<16xf32>,
      tpu.vector_store %arg15[%swap3A_444, %swap3A_445], %gather3A_428 {strides = array<i32>} : memref<2x256xf32, #tpu.memory_space<vmem>>, vector<16xf32>,
      %get3A_447 = arith.constant 176 : index
      %get3A_448 = tpu.vector_load %arg10[%get3A_447] {strides = array<i32>} : memref<208xi32, #tpu.memory_space<vmem>>, vector<16xi32>,
      %gather3A_449 = tpu.vector_load_idx %arg14[%get3A_448] : memref<100000xf32, #tpu.memory_space<vmem>>[vector<16xi32>], vector<16xf32>,
      %add3A_450 = arith.constant 176 : i32
      %add3A_451 = vector.broadcast %add3A_450 : i32 to vector<16xi32>
      %add3A_452 = arith.addi %iota3A, %add3A_451 : vector<16xi32>
      %lt3A_453 = arith.constant 200 : i32
      %lt3A_454 = vector.broadcast %lt3A_453 : i32 to vector<16xi32>
      %lt3A_455 = arith.cmpi slt, %add3A_452, %lt3A_454 : vector<16xi32>
      %jit3A_456 = arith.constant 0.000000e+00 : f32
      %broadcast_in_dim3A_457 = vector.broadcast %jit3A_456 : f32 to vector<16xf32>
      %select_n3A_458 = arith.select %lt3A_455, %gather3A_449, %broadcast_in_dim3A_457 : vector<16xi1>, vector<16xf32>
      %reduce_sum3A_459 = arith.constant true
      %reduce_sum3A_460 = vector.broadcast %reduce_sum3A_459 : i1 to vector<16xi1>
      %reduce_sum3A_461 = tpu.scan <sum>, %select_n3A_458 masked %reduce_sum3A_460 : vector<16xf32>, vector<16xi1> -> vector<16xf32>
      %reduce_sum3A_462 = vector.extract %reduce_sum3A_461[15] : f32 from vector<16xf32>
      %add3A_463 = arith.addf %add3A_442, %reduce_sum3A_462 : f32
      %swap3A_464 = arith.constant 0 : i32
      %swap3A_465 = arith.index_cast %swap3A_464 : i32 to index
      %swap3A_466 = arith.constant 192 : index
      %swap3A_467 = tpu.vector_load %arg15[%swap3A_465, %swap3A_466] {strides = array<i32>} : memref<2x256xf32, #tpu.memory_space<vmem>>, vector<16xf32>,
      tpu.vector_store %arg15[%swap3A_465, %swap3A_466], %gather3A_449 {strides = array<i32>} : memref<2x256xf32, #tpu.memory_space<vmem>>, vector<16xf32>,
      %get3A_468 = arith.constant 192 : index
      %get3A_469 = tpu.vector_load %arg10[%get3A_468] {strides = array<i32>} : memref<208xi32, #tpu.memory_space<vmem>>, vector<16xi32>,
      %gather3A_470 = tpu.vector_load_idx %arg14[%get3A_469] : memref<100000xf32, #tpu.memory_space<vmem>>[vector<16xi32>], vector<16xf32>,
      %add3A_471 = arith.constant 192 : i32
      %add3A_472 = vector.broadcast %add3A_471 : i32 to vector<16xi32>
      %add3A_473 = arith.addi %iota3A, %add3A_472 : vector<16xi32>
      %lt3A_474 = arith.constant 200 : i32
      %lt3A_475 = vector.broadcast %lt3A_474 : i32 to vector<16xi32>
      %lt3A_476 = arith.cmpi slt, %add3A_473, %lt3A_475 : vector<16xi32>
      %jit3A_477 = arith.constant 0.000000e+00 : f32
      %broadcast_in_dim3A_478 = vector.broadcast %jit3A_477 : f32 to vector<16xf32>
      %select_n3A_479 = arith.select %lt3A_476, %gather3A_470, %broadcast_in_dim3A_478 : vector<16xi1>, vector<16xf32>
      %reduce_sum3A_480 = arith.constant true
      %reduce_sum3A_481 = vector.broadcast %reduce_sum3A_480 : i1 to vector<16xi1>
      %reduce_sum3A_482 = tpu.scan <sum>, %select_n3A_479 masked %reduce_sum3A_481 : vector<16xf32>, vector<16xi1> -> vector<16xf32>
      %reduce_sum3A_483 = vector.extract %reduce_sum3A_482[15] : f32 from vector<16xf32>
      %add3A_484 = arith.addf %add3A_463, %reduce_sum3A_483 : f32
      %swap3A_485 = arith.constant 0 : i32
      %swap3A_486 = arith.index_cast %swap3A_485 : i32 to index
      %swap3A_487 = arith.constant 208 : index
      %swap3A_488 = tpu.vector_load %arg15[%swap3A_486, %swap3A_487] {strides = array<i32>} : memref<2x256xf32, #tpu.memory_space<vmem>>, vector<16xf32>,
      tpu.vector_store %arg15[%swap3A_486, %swap3A_487], %gather3A_470 {strides = array<i32>} : memref<2x256xf32, #tpu.memory_space<vmem>>, vector<16xf32>,
      %dma_start3A = arith.constant 0 : i32
      %dma_start3A_489 = arith.constant 0 : i32
      %dma_start3A_490 = tpu.memref_slice %arg15[%dma_start3A, %dma_start3A_489] : memref<2x256xf32, #tpu.memory_space<vmem>> -> memref<1x256xf32, #tpu.memory_space<vmem>>
      %dma_start3A_491 = tpu.memref_squeeze %dma_start3A_490 : memref<1x256xf32, #tpu.memory_space<vmem>> -> memref<256xf32, #tpu.memory_space<vmem>>
      %dma_start3A_492 = arith.constant 0 : i32
      %dma_start3A_493 = tpu.memref_slice %arg8[%add3A_51, %dma_start3A_492] : memref<88x256xf32, #tpu.memory_space<hbm>> -> memref<1x256xf32, #tpu.memory_space<hbm>>
      %dma_start3A_494 = tpu.memref_squeeze %dma_start3A_493 : memref<1x256xf32, #tpu.memory_space<hbm>> -> memref<256xf32, #tpu.memory_space<hbm>>
      %dma_start3A_495 = arith.constant 0 : i32
      %dma_start3A_496 = tpu.memref_slice %arg8[%add3A_51, %dma_start3A_495] : memref<88x256xf32, #tpu.memory_space<hbm>> -> memref<1x256xf32, #tpu.memory_space<hbm>>
      %dma_start3A_497 = tpu.memref_squeeze %dma_start3A_496 : memref<1x256xf32, #tpu.memory_space<hbm>> -> memref<256xf32, #tpu.memory_space<hbm>>
      %dma_start3A_498 = arith.constant 0 : i32
      %dma_start3A_499 = tpu.memref_slice %arg15[%dma_start3A, %dma_start3A_498] : memref<2x256xf32, #tpu.memory_space<vmem>> -> memref<1x256xf32, #tpu.memory_space<vmem>>
      %dma_start3A_500 = tpu.memref_squeeze %dma_start3A_499 : memref<1x256xf32, #tpu.memory_space<vmem>> -> memref<256xf32, #tpu.memory_space<vmem>>
      tpu.enqueue_dma source(%dma_start3A_500 : memref<256xf32, #tpu.memory_space<vmem>>) target(%dma_start3A_497 : memref<256xf32, #tpu.memory_space<hbm>>) target_semaphore(%arg22 : memref<!tpu.dma_semaphore, #tpu.memory_space<semaphore_mem>>)
      %dma_wait3A = arith.constant 0 : i32
      %dma_wait3A_501 = arith.constant 0 : i32
      %dma_wait3A_502 = tpu.memref_slice %arg15[%dma_wait3A, %dma_wait3A_501] : memref<2x256xf32, #tpu.memory_space<vmem>> -> memref<1x256xf32, #tpu.memory_space<vmem>>
      %dma_wait3A_503 = tpu.memref_squeeze %dma_wait3A_502 : memref<1x256xf32, #tpu.memory_space<vmem>> -> memref<256xf32, #tpu.memory_space<vmem>>
      %dma_wait3A_504 = arith.constant 0 : i32
      %dma_wait3A_505 = tpu.memref_slice %arg8[%add3A_51, %dma_wait3A_504] : memref<88x256xf32, #tpu.memory_space<hbm>> -> memref<1x256xf32, #tpu.memory_space<hbm>>
      %dma_wait3A_506 = tpu.memref_squeeze %dma_wait3A_505 : memref<1x256xf32, #tpu.memory_space<hbm>> -> memref<256xf32, #tpu.memory_space<hbm>>
      %dma_wait3A_507 = arith.constant 0 : i32
      %dma_wait3A_508 = tpu.memref_slice %arg8[%add3A_51, %dma_wait3A_507] : memref<88x256xf32, #tpu.memory_space<hbm>> -> memref<1x256xf32, #tpu.memory_space<hbm>>
      %dma_wait3A_509 = tpu.memref_squeeze %dma_wait3A_508 : memref<1x256xf32, #tpu.memory_space<hbm>> -> memref<256xf32, #tpu.memory_space<hbm>>
      %dma_wait3A_510 = arith.constant 0 : i32
      %dma_wait3A_511 = tpu.memref_slice %arg15[%dma_wait3A, %dma_wait3A_510] : memref<2x256xf32, #tpu.memory_space<vmem>> -> memref<1x256xf32, #tpu.memory_space<vmem>>
      %dma_wait3A_512 = tpu.memref_squeeze %dma_wait3A_511 : memref<1x256xf32, #tpu.memory_space<vmem>> -> memref<256xf32, #tpu.memory_space<vmem>>
      tpu.wait_dma2 semaphore(%arg22 : memref<!tpu.dma_semaphore, #tpu.memory_space<semaphore_mem>>) src(%dma_wait3A_512 : memref<256xf32, #tpu.memory_space<vmem>>) dst(%dma_wait3A_509 : memref<256xf32, #tpu.memory_space<hbm>>)
    } else {
    }
    %barrier3A = arith.constant 0 : index
    tpu.barrier barrier_id(%barrier3A)
    %eq3A_43 = arith.constant 0 : i32
    %eq3A_44 = arith.cmpi eq, %arg0, %eq3A_43 : i32
    %eq3A_45 = arith.constant 0 : i32
    %eq3A_46 = arith.cmpi eq, %arg1, %eq3A_45 : i32
    %and3A_47 = arith.andi %eq3A_44, %eq3A_46 : i1
    %convert_element_type3A_48 = arith.extui %and3A_47 : i1 to i32
    %cond3A_49 = arith.constant 0 : i32
    %cond3A_50 = arith.cmpi ne, %convert_element_type3A_48, %cond3A_49 : i32
    scf.if %cond3A_50 {
      "tpu.region"() ({
        %run_scoped3A_142 = tpu.sem_alloc : memref<!tpu.dma_semaphore, #tpu.memory_space<semaphore_mem>>
        %dma_start3A = arith.constant 0 : i32
        %dma_start3A_143 = tpu.memref_slice %arg18[%dma_start3A] : memref<16xf32, #tpu.memory_space<vmem>> -> memref<1xf32, #tpu.memory_space<vmem>>
        %dma_start3A_144 = arith.constant 0 : i32
        %dma_start3A_145 = tpu.memref_slice %arg18[%dma_start3A_144] : memref<16xf32, #tpu.memory_space<vmem>> -> memref<1xf32, #tpu.memory_space<vmem>>
        tpu.enqueue_dma source(%arg5 : memref<1xf32, #tpu.memory_space<hbm>>) target(%dma_start3A_145 : memref<1xf32, #tpu.memory_space<vmem>>) target_semaphore(%run_scoped3A_142 : memref<!tpu.dma_semaphore, #tpu.memory_space<semaphore_mem>>)
        %dma_wait3A = arith.constant 0 : i32
        %dma_wait3A_146 = tpu.memref_slice %arg18[%dma_wait3A] : memref<16xf32, #tpu.memory_space<vmem>> -> memref<1xf32, #tpu.memory_space<vmem>>
        %dma_wait3A_147 = arith.constant 0 : i32
        %dma_wait3A_148 = tpu.memref_slice %arg18[%dma_wait3A_147] : memref<16xf32, #tpu.memory_space<vmem>> -> memref<1xf32, #tpu.memory_space<vmem>>
        tpu.wait_dma2 semaphore(%run_scoped3A_142 : memref<!tpu.dma_semaphore, #tpu.memory_space<semaphore_mem>>) src(%arg5 : memref<1xf32, #tpu.memory_space<hbm>>) dst(%dma_wait3A_148 : memref<1xf32, #tpu.memory_space<vmem>>)
        tpu.yield
      }) : () -> ()
      "tpu.region"() ({
        %run_scoped3A_142 = tpu.sem_alloc : memref<!tpu.dma_semaphore, #tpu.memory_space<semaphore_mem>>
        %dma_start3A = arith.constant 72 : i32
        %dma_start3A_143 = arith.constant 0 : i32
        %dma_start3A_144 = tpu.memref_slice %arg8[%dma_start3A, %dma_start3A_143] : memref<88x256xf32, #tpu.memory_space<hbm>> -> memref<16x256xf32, #tpu.memory_space<hbm>>
        %dma_start3A_145 = arith.constant 72 : i32
        %dma_start3A_146 = arith.constant 0 : i32
        %dma_start3A_147 = tpu.memref_slice %arg8[%dma_start3A_145, %dma_start3A_146] : memref<88x256xf32, #tpu.memory_space<hbm>> -> memref<16x256xf32, #tpu.memory_space<hbm>>
        tpu.enqueue_dma source(%dma_start3A_147 : memref<16x256xf32, #tpu.memory_space<hbm>>) target(%arg17 : memref<16x256xf32, #tpu.memory_space<vmem>>) target_semaphore(%run_scoped3A_142 : memref<!tpu.dma_semaphore, #tpu.memory_space<semaphore_mem>>)
        %dma_wait3A = arith.constant 72 : i32
        %dma_wait3A_148 = arith.constant 0 : i32
        %dma_wait3A_149 = tpu.memref_slice %arg8[%dma_wait3A, %dma_wait3A_148] : memref<88x256xf32, #tpu.memory_space<hbm>> -> memref<16x256xf32, #tpu.memory_space<hbm>>
        %dma_wait3A_150 = arith.constant 72 : i32
        %dma_wait3A_151 = arith.constant 0 : i32
        %dma_wait3A_152 = tpu.memref_slice %arg8[%dma_wait3A_150, %dma_wait3A_151] : memref<88x256xf32, #tpu.memory_space<hbm>> -> memref<16x256xf32, #tpu.memory_space<hbm>>
        tpu.wait_dma2 semaphore(%run_scoped3A_142 : memref<!tpu.dma_semaphore, #tpu.memory_space<semaphore_mem>>) src(%dma_wait3A_152 : memref<16x256xf32, #tpu.memory_space<hbm>>) dst(%arg17 : memref<16x256xf32, #tpu.memory_space<vmem>>)
        tpu.yield
      }) : () -> ()
      %broadcast_in_dim3A_51 = arith.constant 0.000000e+00 : f32
      %broadcast_in_dim3A_52 = vector.broadcast %broadcast_in_dim3A_51 : f32 to vector<16xf32>
      %get3A_53 = arith.constant 0 : i32
      %get3A_54 = arith.index_cast %get3A_53 : i32 to index
      %get3A_55 = arith.constant 0 : index
      %get3A_56 = tpu.vector_load %arg17[%get3A_54, %get3A_55] {strides = array<i32>} : memref<16x256xf32, #tpu.memory_space<vmem>>, vector<16xf32>,
      %add3A = arith.addf %broadcast_in_dim3A_52, %get3A_56 : vector<16xf32>
      %get3A_57 = arith.constant 1 : i32
      %get3A_58 = arith.index_cast %get3A_57 : i32 to index
      %get3A_59 = arith.constant 0 : index
      %get3A_60 = tpu.vector_load %arg17[%get3A_58, %get3A_59] {strides = array<i32>} : memref<16x256xf32, #tpu.memory_space<vmem>>, vector<16xf32>,
      %add3A_61 = arith.addf %add3A, %get3A_60 : vector<16xf32>
      %get3A_62 = arith.constant 2 : i32
      %get3A_63 = arith.index_cast %get3A_62 : i32 to index
      %get3A_64 = arith.constant 0 : index
      %get3A_65 = tpu.vector_load %arg17[%get3A_63, %get3A_64] {strides = array<i32>} : memref<16x256xf32, #tpu.memory_space<vmem>>, vector<16xf32>,
      %add3A_66 = arith.addf %add3A_61, %get3A_65 : vector<16xf32>
      %get3A_67 = arith.constant 3 : i32
      %get3A_68 = arith.index_cast %get3A_67 : i32 to index
      %get3A_69 = arith.constant 0 : index
      %get3A_70 = tpu.vector_load %arg17[%get3A_68, %get3A_69] {strides = array<i32>} : memref<16x256xf32, #tpu.memory_space<vmem>>, vector<16xf32>,
      %add3A_71 = arith.addf %add3A_66, %get3A_70 : vector<16xf32>
      %get3A_72 = arith.constant 4 : i32
      %get3A_73 = arith.index_cast %get3A_72 : i32 to index
      %get3A_74 = arith.constant 0 : index
      %get3A_75 = tpu.vector_load %arg17[%get3A_73, %get3A_74] {strides = array<i32>} : memref<16x256xf32, #tpu.memory_space<vmem>>, vector<16xf32>,
      %add3A_76 = arith.addf %add3A_71, %get3A_75 : vector<16xf32>
      %get3A_77 = arith.constant 5 : i32
      %get3A_78 = arith.index_cast %get3A_77 : i32 to index
      %get3A_79 = arith.constant 0 : index
      %get3A_80 = tpu.vector_load %arg17[%get3A_78, %get3A_79] {strides = array<i32>} : memref<16x256xf32, #tpu.memory_space<vmem>>, vector<16xf32>,
      %add3A_81 = arith.addf %add3A_76, %get3A_80 : vector<16xf32>
      %get3A_82 = arith.constant 6 : i32
      %get3A_83 = arith.index_cast %get3A_82 : i32 to index
      %get3A_84 = arith.constant 0 : index
      %get3A_85 = tpu.vector_load %arg17[%get3A_83, %get3A_84] {strides = array<i32>} : memref<16x256xf32, #tpu.memory_space<vmem>>, vector<16xf32>,
      %add3A_86 = arith.addf %add3A_81, %get3A_85 : vector<16xf32>
      %get3A_87 = arith.constant 7 : i32
      %get3A_88 = arith.index_cast %get3A_87 : i32 to index
      %get3A_89 = arith.constant 0 : index
      %get3A_90 = tpu.vector_load %arg17[%get3A_88, %get3A_89] {strides = array<i32>} : memref<16x256xf32, #tpu.memory_space<vmem>>, vector<16xf32>,
      %add3A_91 = arith.addf %add3A_86, %get3A_90 : vector<16xf32>
      %get3A_92 = arith.constant 8 : i32
      %get3A_93 = arith.index_cast %get3A_92 : i32 to index
      %get3A_94 = arith.constant 0 : index
      %get3A_95 = tpu.vector_load %arg17[%get3A_93, %get3A_94] {strides = array<i32>} : memref<16x256xf32, #tpu.memory_space<vmem>>, vector<16xf32>,
      %add3A_96 = arith.addf %add3A_91, %get3A_95 : vector<16xf32>
      %get3A_97 = arith.constant 9 : i32
      %get3A_98 = arith.index_cast %get3A_97 : i32 to index
      %get3A_99 = arith.constant 0 : index
      %get3A_100 = tpu.vector_load %arg17[%get3A_98, %get3A_99] {strides = array<i32>} : memref<16x256xf32, #tpu.memory_space<vmem>>, vector<16xf32>,
      %add3A_101 = arith.addf %add3A_96, %get3A_100 : vector<16xf32>
      %get3A_102 = arith.constant 10 : i32
      %get3A_103 = arith.index_cast %get3A_102 : i32 to index
      %get3A_104 = arith.constant 0 : index
      %get3A_105 = tpu.vector_load %arg17[%get3A_103, %get3A_104] {strides = array<i32>} : memref<16x256xf32, #tpu.memory_space<vmem>>, vector<16xf32>,
      %add3A_106 = arith.addf %add3A_101, %get3A_105 : vector<16xf32>
      %get3A_107 = arith.constant 11 : i32
      %get3A_108 = arith.index_cast %get3A_107 : i32 to index
      %get3A_109 = arith.constant 0 : index
      %get3A_110 = tpu.vector_load %arg17[%get3A_108, %get3A_109] {strides = array<i32>} : memref<16x256xf32, #tpu.memory_space<vmem>>, vector<16xf32>,
      %add3A_111 = arith.addf %add3A_106, %get3A_110 : vector<16xf32>
      %get3A_112 = arith.constant 12 : i32
      %get3A_113 = arith.index_cast %get3A_112 : i32 to index
      %get3A_114 = arith.constant 0 : index
      %get3A_115 = tpu.vector_load %arg17[%get3A_113, %get3A_114] {strides = array<i32>} : memref<16x256xf32, #tpu.memory_space<vmem>>, vector<16xf32>,
      %add3A_116 = arith.addf %add3A_111, %get3A_115 : vector<16xf32>
      %get3A_117 = arith.constant 13 : i32
      %get3A_118 = arith.index_cast %get3A_117 : i32 to index
      %get3A_119 = arith.constant 0 : index
      %get3A_120 = tpu.vector_load %arg17[%get3A_118, %get3A_119] {strides = array<i32>} : memref<16x256xf32, #tpu.memory_space<vmem>>, vector<16xf32>,
      %add3A_121 = arith.addf %add3A_116, %get3A_120 : vector<16xf32>
      %get3A_122 = arith.constant 14 : i32
      %get3A_123 = arith.index_cast %get3A_122 : i32 to index
      %get3A_124 = arith.constant 0 : index
      %get3A_125 = tpu.vector_load %arg17[%get3A_123, %get3A_124] {strides = array<i32>} : memref<16x256xf32, #tpu.memory_space<vmem>>, vector<16xf32>,
      %add3A_126 = arith.addf %add3A_121, %get3A_125 : vector<16xf32>
      %get3A_127 = arith.constant 15 : i32
      %get3A_128 = arith.index_cast %get3A_127 : i32 to index
      %get3A_129 = arith.constant 0 : index
      %get3A_130 = tpu.vector_load %arg17[%get3A_128, %get3A_129] {strides = array<i32>} : memref<16x256xf32, #tpu.memory_space<vmem>>, vector<16xf32>,
      %add3A_131 = arith.addf %add3A_126, %get3A_130 : vector<16xf32>
      %slice3A_132 = vector.extract_strided_slice %add3A_131 {offsets = [0], sizes = [1], strides = [1]} : vector<16xf32> to vector<1xf32>
      %squeeze3A_133 = vector.extract %slice3A_132[0] : f32 from vector<1xf32>
      %get3A_134 = arith.constant 0 : index
      %get3A_135 = tpu.vector_load %arg18[%get3A_134] {strides = array<i32>} : memref<16xf32, #tpu.memory_space<vmem>>, vector<16xf32>,
      %slice3A_136 = vector.extract_strided_slice %get3A_135 {offsets = [0], sizes = [1], strides = [1]} : vector<16xf32> to vector<1xf32>
      %squeeze3A_137 = vector.extract %slice3A_136[0] : f32 from vector<1xf32>
      %add3A_138 = arith.addf %squeeze3A_133, %squeeze3A_137 : f32
      %broadcast_in_dim3A_139 = vector.broadcast %add3A_138 : f32 to vector<16xf32>
      %swap3A_140 = arith.constant 0 : index
      %swap3A_141 = tpu.vector_load %arg19[%swap3A_140] {strides = array<i32>} : memref<16xf32, #tpu.memory_space<vmem>>, vector<16xf32>,
      tpu.vector_store %arg19[%swap3A_140], %broadcast_in_dim3A_139 {strides = array<i32>} : memref<16xf32, #tpu.memory_space<vmem>>, vector<16xf32>,
      "tpu.region"() ({
        %run_scoped3A_142 = tpu.sem_alloc : memref<!tpu.dma_semaphore, #tpu.memory_space<semaphore_mem>>
        %dma_start3A = arith.constant 0 : i32
        %dma_start3A_143 = tpu.memref_slice %arg19[%dma_start3A] : memref<16xf32, #tpu.memory_space<vmem>> -> memref<1xf32, #tpu.memory_space<vmem>>
        %dma_start3A_144 = arith.constant 0 : i32
        %dma_start3A_145 = tpu.memref_slice %arg19[%dma_start3A_144] : memref<16xf32, #tpu.memory_space<vmem>> -> memref<1xf32, #tpu.memory_space<vmem>>
        tpu.enqueue_dma source(%dma_start3A_145 : memref<1xf32, #tpu.memory_space<vmem>>) target(%arg9 : memref<1xf32, #tpu.memory_space<hbm>>) target_semaphore(%run_scoped3A_142 : memref<!tpu.dma_semaphore, #tpu.memory_space<semaphore_mem>>)
        %dma_wait3A = arith.constant 0 : i32
        %dma_wait3A_146 = tpu.memref_slice %arg19[%dma_wait3A] : memref<16xf32, #tpu.memory_space<vmem>> -> memref<1xf32, #tpu.memory_space<vmem>>
        %dma_wait3A_147 = arith.constant 0 : i32
        %dma_wait3A_148 = tpu.memref_slice %arg19[%dma_wait3A_147] : memref<16xf32, #tpu.memory_space<vmem>> -> memref<1xf32, #tpu.memory_space<vmem>>
        tpu.wait_dma2 semaphore(%run_scoped3A_142 : memref<!tpu.dma_semaphore, #tpu.memory_space<semaphore_mem>>) src(%dma_wait3A_148 : memref<1xf32, #tpu.memory_space<vmem>>) dst(%arg9 : memref<1xf32, #tpu.memory_space<hbm>>)
        tpu.yield
      }) : () -> ()
    } else {
    }
    return
  }
}

</mosaic_0001>

<sc_bundles>
// kernel: kernel.3.cloned.1.call-start
scs
__scs_entry_jumppad:
0x0: {  	(pc) =	sbr.rel $0x88, $3  }
0x1: {  	(tag) =	ssettag $0x0;
	lr =	simm.s32 $0x1  }
0x2: {  	[smem:$0x3F9B] =	sst lr;
	_ =	strace $0xD0000000  }
0x3: {  	_ = 	snop  }
0x4: {  	_ = 	snop  }
0x5: {  	_ = 	snop  }
0x6: {  	_ = 	snop  }
0x7: {  	_ = 	snop  }
__scs_overlays_trampoline_lowered:
0x8: {  	[smem:$0x3FAA] =	sst s0  }
0x9: {  	[smem:$0x3FAB] =	sst s1  }
0xa: {  	[smem:$0x3FAC] =	sst s2  }
0xb: {  	[smem:$0x3FAD] =	sst s3  }
0xc: {  	[smem:$0x3FAE] =	sst s4  }
0xd: {  	[smem:$0x3FAF] =	sst s5  }
0xe: {  	[smem:$0x3FB0] =	sst s6  }
0xf: {  	[smem:$0x3FB1] =	sst s7  }
0x10: {  	[smem:$0x3FB2] =	sst s8  }
0x11: {  	[smem:$0x3FB3] =	sst s9;
	s0 =	simm.s32 @!p0 $0x0  }
0x12: {  	s1 =	sld [smem:$0x3F99];
	s0 =	simm.s32 @p0 $0x1  }
0x13: {  	[smem:$0x3FB4] =	sst s0;
	s0 =	simm.s32 @!p1 $0x0  }
0x14: {  	s2 =	sld [smem:$0x3F98];
	s0 =	simm.s32 @p1 $0x1  }
0x15: {  	[smem:$0x3FB5] =	sst s0;
	s0 =	simm.s32 @!p2 $0x0  }
0x16: {  	s3 =	sld [smem:$0x3FDB];
	s0 =	simm.s32 @p2 $0x1  }
0x17: {  	s4 =	simm.s32 $0x1BF5;
	[smem:$0x3FB7] =	sst s0  }
0x18: {  	s0 =	sld [smem:$0x3F9A];
	_ =	swait.ge [sflag:s4], $0x0  }
0x19: {  	s7 =	sld [smem:$0x3F9B]  }
0x1a: {  	s8 =	sadd.s32 $0xFFFFE003, lr  }
0x1b: {  	s9 =	sadd.s32 $0xFFFFFEF7, lr;
	s5 =	simm.s32 $0xFFFFFFFF;
	p2 =	slt.u32 s8, $0xFFFFF086  }
0x1c: {  	p1 =	slt.u32 s9, $0xF7A;
	s5 =	simm.s32 @!p2 $0x0  }
0x1d: {  	s5 =	simm.s32 @p1 $0x1;
	p0 =	seq.s32 s7, s2  }
0x1e: {  	s7 =	smul.u32 @!p0 $0xF7A, s2;
	p2 =	seq.s32 @!p0 s5, $0x0  }
0x1f: {  	s9 =	smul.u32 $0xF7A, s1;
	s8 =	simm.s32 @!p0 $0x1BF5;
	p2 =	por !p2, p0  }
0x20: {  	[sflag:s8] =	ssyncset.s32 @!p0 $0xFFFFF086;
	s6 =	sadd.s32 @!p0 s3, s7;
	s7 =	simm.s32 @!p0 $0x108  }
0x21: {  	s3 =	sadd.s32 s3, s9;
	s6 =	sadd.s32 @!p0 $0x88, s6;
	s7 =	simm.s32 @p2 $0x1082  }
0x22: {  	[simem:s7], [sflag:s8] =	dma.local @!p0 [hbm:s6], $0xF7A  }
0x23: {  	s9 =	sor.u32 $0xD0000000, s2;
	s6 =	simm.s32 $0x108;
	_ =	swait.ge @!p0 [sflag:s8], $0x0  }
0x24: {  	s3 =	sadd.s32 $0x88, s3;
	s6 =	simm.s32 @!p1 $0x1082;
	[sflag:s4] =	ssyncset.s32 $0xFFFFF086  }
0x25: {  	[simem:s6], [sflag:s4] =	dma.local [hbm:s3], $0xF7A  }
0x26: {  	[smem:$0x3F9B] =	sst s1;
	(tag) =	ssettag s2;
	_ =	strace s9  }
0x27: {  	s1 =	sld [smem:$0x3FAB]  }
0x28: {  	s2 =	sld [smem:$0x3FAC]  }
0x29: {  	s4 =	sld [smem:$0x3FAE]  }
0x2a: {  	p0 =	seq.s32 s5, $0x0;
	s5 =	sld [smem:$0x3FAF]  }
0x2b: {  	s6 =	sld [smem:$0x3FB0]  }
0x2c: {  	s7 =	sld [smem:$0x3FB1]  }
0x2d: {  	s3 =	simm.s32 $0x108;
	s8 =	sld [smem:$0x3FB2]  }
0x2e: {  	s3 =	simm.s32 @!p0 $0x1082;
	s9 =	sld [smem:$0x3FB3]  }
0x2f: {  	lr =	sadd.s32 s0, s3;
	s0 =	sld [smem:$0x3FAA]  }
0x30: {  	s3 =	sld [smem:$0x3FAD]  }
0x31: {  	[smem:$0x3FB6] =	sst s10  }
0x32: {  	s10 =	sld [smem:$0x3FB4];
	_ =	sdelay $0x3  }
0x33: {  	p0 =	seq.s32 s10, $0x1;
	s10 =	sld [smem:$0x3FB6];
	_ =	sdelay $0x3  }
0x34: {  	[smem:$0x3FB6] =	sst s10  }
0x35: {  	s10 =	sld [smem:$0x3FB5];
	_ =	sdelay $0x3  }
0x36: {  	p1 =	seq.s32 s10, $0x1;
	s10 =	sld [smem:$0x3FB6];
	_ =	sdelay $0x3  }
0x37: {  	[smem:$0x3FB6] =	sst s10  }
0x38: {  	s10 =	sld [smem:$0x3FB7]  }
0x39: {  	_ = 	snop;
	(pc) =	sbr.ind lr, $3  }
0x3a: {  	_ = 	snop  }
0x3b: {  	_ = 	snop  }
0x3c: {  	p2 =	seq.s32 s10, $0x1;
	s10 =	sld [smem:$0x3FB6]  }
0x3d: {  	_ =	shalt  }
0x3e: {  	_ =	shalt  }
0x3f: {  	_ =	shalt  }
0x40: {  	_ =	shalt  }
0x41: {  	_ =	shalt  }
0x42: {  	_ =	shalt  }
0x43: {  	_ =	shalt  }
0x44: {  	_ =	shalt  }
0x45: {  	_ =	shalt  }
0x46: {  	_ =	shalt  }
0x47: {  	_ =	shalt  }
0x48: {  	_ =	shalt  }
0x49: {  	_ =	shalt  }
0x4a: {  	_ =	shalt  }
0x4b: {  	_ =	shalt  }
0x4c: {  	_ =	shalt  }
0x4d: {  	_ =	shalt  }
0x4e: {  	_ =	shalt  }
0x4f: {  	_ =	shalt  }
0x50: {  	_ =	shalt  }
0x51: {  	_ =	shalt  }
0x52: {  	_ =	shalt  }
0x53: {  	_ =	shalt  }
0x54: {  	_ =	shalt  }
0x55: {  	_ =	shalt  }
0x56: {  	_ =	shalt  }
0x57: {  	_ =	shalt  }
0x58: {  	_ =	shalt  }
0x59: {  	_ =	shalt  }
0x5a: {  	_ =	shalt  }
0x5b: {  	_ =	shalt  }
0x5c: {  	_ =	shalt  }
0x5d: {  	_ =	shalt  }
0x5e: {  	_ =	shalt  }
0x5f: {  	_ =	shalt  }
0x60: {  	_ =	shalt  }
0x61: {  	_ =	shalt  }
0x62: {  	_ =	shalt  }
0x63: {  	_ =	shalt  }
0x64: {  	_ =	shalt  }
0x65: {  	_ =	shalt  }
0x66: {  	_ =	shalt  }
0x67: {  	_ =	shalt  }
0x68: {  	_ =	shalt  }
0x69: {  	_ =	shalt  }
0x6a: {  	_ =	shalt  }
0x6b: {  	_ =	shalt  }
0x6c: {  	_ =	shalt  }
0x6d: {  	_ =	shalt  }
0x6e: {  	_ =	shalt  }
0x6f: {  	_ =	shalt  }
0x70: {  	_ =	shalt  }
0x71: {  	_ =	shalt  }
0x72: {  	_ =	shalt  }
0x73: {  	_ =	shalt  }
0x74: {  	_ =	shalt  }
0x75: {  	_ =	shalt  }
0x76: {  	_ =	shalt  }
0x77: {  	_ =	shalt  }
0x78: {  	_ =	shalt  }
0x79: {  	_ =	shalt  }
0x7a: {  	_ =	shalt  }
0x7b: {  	_ =	shalt  }
0x7c: {  	_ =	shalt  }
0x7d: {  	_ =	shalt  }
0x7e: {  	_ =	shalt  }
0x7f: {  	_ =	shalt  }
0x80: {  	_ =	shalt  }
0x81: {  	_ =	shalt  }
0x82: {  	_ =	shalt  }
0x83: {  	_ =	shalt  }
0x84: {  	_ =	shalt  }
0x85: {  	_ =	shalt  }
0x86: {  	_ =	shalt  }
0x87: {  	_ =	shalt  }
.Lfunc_end0:
.L_simem_size_0:
called_computation_lowered:
.L_overlay_start_0:
0x88: {  	s2 =	sld [smem:$0x3FD9]  }
0x89: {  	s3 =	sld [smem:$0x3FFE];
	_ =	sdelay $0x1  }
0x8a: {  	s1 =	srdreg.scid  }
0x8b: {  	s0 =	sand.u32 $0x1, s1  }
0x8c: {  	s14 =	sshll.u32 s0, $0xA;
	s2 =	sadd.s32 s3, s2  }
0x8d: {  	s2 =	sadd.s32 s2, s14  }
0x8e: {  	[smem:$0x3FC2] =	sst s2  }
0x8f: {  	_ = 	snop  }
0x90: {  	s2 =	sld [smem:$0x3FC9]  }
0x91: {  	s15 =	sld [smem:$0x3FC8]  }
0x92: {  	s4 =	sld [smem:$0x3FC7]  }
0x93: {  	s5 =	sld [smem:$0x3FD0]  }
0x94: {  	s6 =	sld [smem:$0x3FC6]  }
0x95: {  	s7 =	sld [smem:$0x3FC5]  }
0x96: {  	s9 =	simm.s32 $0xA;
	s10 =	simm.s32 $0x10;
	s8 =	sld [smem:$0x3FC4]  }
0x97: {  	[smem:s10], [sflag:s9] =	dma.local [hbm:s5], $0x1  }
0x98: {  	_ =	swait.eq [sflag:s9], $0x1  }
0x99: {  	[sflag:s9] =	ssyncset.done $0x0  }
0x9a: {  	[sflag:s9] =	ssyncadd.s32 $0xFFFFFFFF  }
0x9b: {  	s16 =	sld [smem:$0x10];
	(tm) =	ssettm $0x1  }
0x9c: {  	s17 =	sld [smem:$0x3FFB];
	_ =	sdelay $0x3  }
0x9d: {  	_ =	strace s17  }
0x9e: {  	s9 =	sld [smem:$0x3FFC];
	_ =	sdelay $0x3  }
0x9f: {  	_ =	strace s9  }
0xa0: {  	s9 =	sld [smem:$0x3FFD];
	_ =	sdelay $0x3  }
0xa1: {  	_ =	strace s9  }
0xa2: {  	_ =	strace $0x8FFFFFFF  }
0xa3: {  	s18 =	sld [smem:$0x3FDB];
	_ =	sdelay $0x1  }
0xa4: {  	s19 =	simm.s32 $_scs_section_size  }
0xa5: {  	s11 =	simm.s32 $_size__tile_overlayer_lowered;
	s12 =	simm.s32 $_tile_overlayer_lowered  }
0xa6: {  	s22 =	simm.s32 $0x1BFF;
	s21 =	sshll.u32 s12, $0x1;
	s9 =	sadd.s32 s19, s18  }
0xa7: {  	s13 =	simm.s32 $0x0;
	s20 =	sshll.u32 s11, $0x1;
	s11 =	sadd.s32 s21, s9  }
0xa8: {  	[timem:s13], [sflag:s22] =	dma.local [hbm:s11], s20  }
0xa9: {  	_ =	swait.ge [sflag:s22], s20  }
0xaa: {  	s10 =	ssub.s32 $0x0, s20;
	[sflag:s22] =	ssyncset.done $0x0  }
0xab: {  	[sflag:s22] =	ssyncadd.s32 s10;
	_ =	sdelay $0x1  }
0xac: {  	s23 =	simm.s32 $0x1B8B  }
0xad: {  	_ =	swait.ge [sflag:s23], $0x1  }
0xae: {  	[sflag:s23] =	ssyncset.done $0x0  }
0xaf: {  	s25 =	simm.s32 $0x1B8E;
	s24 =	sld [smem:$0x3FFE];
	[sflag:s23] =	ssyncadd.s32 $0xFFFFFFFF  }
0xb0: {  	s26 =	simm.s32 $execute0_lowered;
	[smem:$0x3FD2] =	sst s25  }
0xb1: {  	s11 =	sshll.u32 s26, $0x1;
	_ =	strace $0x80000046;
	[dreg:$0x1] =	wrdreg $0xFFFFFFFF  }
0xb2: {  	s28 =	simm.s32 $_size_execute0_lowered;
	s9 =	sadd.s32 s9, s11;
	[dreg:$0x0] =	wrdreg $0x0  }
0xb3: {  	s11 =	sshll.u32 s28, $0x1;
	[dreg:$0x2] =	wrdreg s9  }
0xb4: {  	[dreg:$0x3] =	wrdreg s11  }
0xb5: {  	[dreg:$0x4] =	wrdreg $0xC0  }
0xb6: {  	_ =	task [dreg:s13], $0x5FFFF  }
0xb7: {  	[dreg:$0x1] =	wrdreg $0xFFFFFFFF  }
0xb8: {  	[dreg:$0x0] =	wrdreg $0x60  }
0xb9: {  	[dreg:$0x2] =	wrdreg s15  }
0xba: {  	[dreg:$0x3] =	wrdreg s2  }
0xbb: {  	[dreg:$0x4] =	wrdreg s4  }
0xbc: {  	[dreg:$0x5] =	wrdreg s6  }
0xbd: {  	[dreg:$0x6] =	wrdreg s7  }
0xbe: {  	[dreg:$0x7] =	wrdreg s8  }
0xbf: {  	[dreg:$0x8] =	wrdreg s24  }
0xc0: {  	[dreg:$0x9] =	wrdreg s16  }
0xc1: {  	[dreg:$0xa] =	wrdreg $0x9  }
0xc2: {  	_ =	task.clear_ibuf [dreg:s13], $0xBFFFF;
	_ =	strace $0x90000046  }
0xc3: {  	s29 =	simm.s32 $0x9;
	_ =	strace $0x80000048  }
0xc4: {  	_ =	swait.ge [sflag:s29], $0x1  }
0xc5: {  	[sflag:s29] =	ssyncadd.s32 $0xFFFFFFFF  }
0xc6: {  	_ =	strace $0x90000048  }
0xc7: {  	_ =	sfence  }
0xc8: {  	s30 =	sld [smem:$0x0];
	_ =	sdelay $0x2  }
0xc9: {  	s31 =	sshll.u32 s1, $0xD;
	s1 =	sshrl.u32 s1, $0x2  }
0xca: {  	s3 =	sand.u32 $0x4000, s31;
	s1 =	sadd.s32 s1, s30  }
0xcb: {  	s0 =	sor.u32 s3, s0;
	s1 =	sshll.u32 s1, $0x11  }
0xcc: {  	s0 =	sor.u32 s1, s0  }
0xcd: {  	s0 =	sadd.s32 $0x8F2B, s0  }
0xce: {  	[sflag:s0] =	ssyncadd.remote.s32 $0x1  }
0xcf: {  	_ =	sfence.sel $0xFFFF  }
0xd0: {  	[dreg:$0x0] =	wrdreg $0xFFFFFFFF;
	(pc) =	sbr.abs _section_cstart, $3  }
0xd1: {  	[dreg:$0x1] =	wrdreg $0xFFFFFFFF  }
0xd2: {  	_ =	task.clear_ibuf [dreg:s13], $0x2FFFF;
	_ =	strace $0x9FFFFFFF  }
0xd3: {  	(tm) =	ssettm $0x7FFFFFFF  }
tec
execute0_lowered:
.L_overlay_start_1:
0x0: {  	(tag) =	ssettag $0x1  }
0x1: {  	s1 =	rddreg [dreg:$0x0]  }
0x2: {  	s0 =	rddreg [dreg:$0x1]  }
0x3: {  	s22 =	rddreg [dreg:$0x2]  }
0x4: {  	s23 =	rddreg [dreg:$0x4]  }
0x5: {  	s31 =	rddreg [dreg:$0x5];
	s7 =	simm.s32 $0x0  }
0x6: {  	[smem:$0x7FF] =	sst s7  }
0x7: {  	s2 =	rddreg [dreg:$0x6];
	v0 =	vimm.f32 $0.0e+00;
	_ =	strace $0x80000047  }
0x8: {  	s3 =	srdreg.scid;
	s24 =	stileid.u32;
	(xrf2) =	vadd.scan.msk.f32 $0xffff, v0  }
0x9: {  	s6 =	sand.u32 $0x1, s3;
	s10 =	sshrl.u32 s24, $0x3  }
0xa: {  	s11 =	sshll.u32 s24, $0x7;
	s4 =	sor.u32 $0x10, s24;
	s3 =	sor.u32 $0x20, s24  }
0xb: {  	s5 =	sor.u32 $0x30, s24;
	s8 =	ssub.s32 $0x2, s6;
	s12 =	smul.u32 $0x7A1400, s10  }
0xc: {  	s13 =	sshrl.u32 s4, $0x3;
	s15 =	sshrl.u32 s3, $0x3;
	s29 =	smul.u32 $0xC3800, s10  }
0xd: {  	s11 =	sand.u32 $0x380, s11;
	s17 =	sshrl.u32 s5, $0x3;
	s14 =	smul.u32 $0x7A1400, s13  }
0xe: {  	s10 =	sshll.u32 s10, $0xB;
	p2 =	seq.s32 s6, $0x1;
	s16 =	smul.u32 $0x7A1400, s15  }
0xf: {  	p0 =	sne.s32 s6, $0x0;
	s9 =	sshrl.u32 s8, $0x1;
	s25 =	smul.u32 $0x7A1400, s17  }
0x10: {  	s10 =	sor.u32 s11, s10;
	s19 =	smul.u32 $0xC3800, s13;
	s13 =	sshll.u32 s13, $0xB  }
0x11: {  	s20 =	smul.u32 $0xC3800, s15;
	s15 =	sshll.u32 s15, $0xB;
	s8 =	ssub.s32 s8, s9  }
0x12: {  	s21 =	sor.u32 s11, s12;
	s10 =	sshrl.u32 s10, $0x3;
	s13 =	sor.u32 s11, s13;
	v1, _, _ =	vpop (xrf2)  }
0x13: {  	s15 =	sor.u32 s11, s15;
	[dreg:$0x9] =	wrdreg s21;
	s26 =	sor.u32 s11, s14;
	(v2sf) =	vpush v1, $0xF  }
0x14: {  	s18 =	sor.u32 s11, s16;
	s9 =	sor.u32 s11, s25;
	s12 =	sor.u32 s11, s19  }
0x15: {  	s21 =	smul.u32 $0xC3800, s17;
	s20 =	sor.u32 s11, s20;
	[dreg:$0xa] =	wrdreg s26  }
0x16: {  	s25 =	sshll.u32 s17, $0xB;
	s19 =	sadd.s32 $0x800, s2;
	[dreg:$0xb] =	wrdreg s18  }
0x17: {  	[dreg:$0xc] =	wrdreg s9;
	s9 =	sor.u32 s11, s29;
	s18 =	sshrl.u32 s13, $0x3  }
0x18: {  	s26 =	sshll.u32 s24, $0x8;
	s29 =	sor.u32 s11, s25;
	s13 =	sadd.s32 s19, s10  }
0x19: {  	s25 =	sshrl.u32 s15, $0x3;
	s12 =	sshrl.u32 s12, $0x3;
	s21 =	sor.u32 s11, s21  }
0x1a: {  	s17 =	sand.u32 $0x800, s26;
	s14 =	sadd.s32 s19, s18;
	s16 =	sshrl.u32 s29, $0x3  }
0x1b: {  	s15 =	sadd.s32 s19, s25;
	s29 =	sor.u32 s24, s6;
	s9 =	sshrl.u32 s9, $0x3  }
0x1c: {  	s11 =	sor.u32 s11, s17;
	s6 =	sadd.s32 s1, s9;
	s17 =	sshrl.u32 s20, $0x3  }
0x1d: {  	s11 =	sadd.s32 $0x4800, s11;
	[dreg:$0xe] =	wrdreg s6;
	s6 =	sadd.s32 s1, s12  }
0x1e: {  	s20 =	sadd.s32 s1, s17;
	s26 =	sshrl.u32 s11, $0x3;
	[dreg:$0xf] =	wrdreg s6  }
0x1f: {  	s16 =	sadd.s32 s19, s16;
	[dreg:$0x10] =	wrdreg s20;
	s10 =	sadd.s32 s19, s26  }
0x20: {  	s19 =	sshrl.u32 s21, $0x3;
	s26 =	sadd.s32 $0x1100, s2;
	[dreg:$0xd] =	wrdreg s10  }
0x21: {  	s21 =	sadd.s32 s1, s19;
	[dreg:$0x13] =	wrdreg s26  }
0x22: {  	p3 =	seq.s32 s24, $0x0;
	[dreg:$0x11] =	wrdreg s21;
	s18 =	spop (v2sf)  }
0x23: {  	s28 =	sadd.s32 $0x1000, s2;
	s1 =	sadd.s32 $0xC3800, s1;
	s10 =	sadd.f32 $0.0e+00, s18  }
0x24: {  	v5 =	vmov s4;
	s4 =	simm.s32 $0x400;
	p2 =	por !p3, !p2;
	[dreg:$0x12] =	wrdreg s1  }
0x25: {  	v3 =	vmov s5;
	s5 =	simm.s32 $0x2;
	p2 =	por !p2, !p2;
	s11 =	sadd.f32 s10, s18  }
0x26: {  	s30 =	smax.u32 s8, $0x1;
	p1 =	sne.s32 s29, $0x0;
	[dreg:$0x15] =	wrdreg s10  }
.Ltmp0:
0x27: {  	vm2 =	vmmov $0xff;
	s9 =	simm.s32 $0x18B00;
	v1 =	vlaneseq.u32;
	s25 =	sadd.f32 s11, s18;
	(pc) =	sbr.rel .LBB2_1-.Ltmp0, $4  }
0x28: {  	vm5 =	vcmask $0x3B38;
	vm6 =	vcmask $0x3B00;
	s12 =	simm.s32 $0x100;
	s6 =	simm.s32 $0x1;
	v2 =	vor.u32 $0x30, v1;
	[dreg:$0x16] =	wrdreg s11  }
0x29: {  	v4 =	vmov s3;
	s2 =	simm.s32 $0x80;
	s1 =	simm.s32 $0x4;
	vm0 =	veq.s32 v3, v2;
	v3 =	vor.u32 $0x20, v1;
	s29 =	sadd.f32 s25, s18  }
0x2a: {  	v6 =	vmov s24;
	s21 =	simm.s32 $0x18C80;
	vm1 =	veq.s32 v4, v3;
	v4 =	vor.u32 $0x10, v1;
	s10 =	simm.s32 $0x18C00;
	[dreg:$0x17] =	wrdreg s25  }
0x2b: {  	vm7 =	vcmask $0x300;
	vm4 =	veq.s32 v6, v1;
	vm3 =	veq.s32 v5, v4;
	s11 =	simm.s32 $0x3;
	s25 =	simm.s32 $0x180;
	[dreg:$0x14] =	wrdreg s29  }
.LBB2_5:
.Ltmp1:
0x2c: {  	(pc) =	sbr.rel @!p1 .LBB2_6-.Ltmp1, $2  }
0x2d: {  	_ =	sdelay $0x1  }
0x2e: {  	[bflag:$0x0] =	sbarrier.arrive $0xFFFF;
	_ =	sdelay $0x1  }
.LBB2_7:
0x2f: {  	s30 =	sadd.s32 $0xFFFFFFFF, s30  }
0x30: {  	p3 =	sne.s32 s30, $0x0  }
.Ltmp2:
0x31: {  	_ = 	snop;
	(pc) =	sbr.rel @!p3 .LBB2_8-.Ltmp2, $1  }
0x32: {  	_ =	sdelay $0x3  }
.LBB2_1:
0x33: {  	[tilespmem:s7], [sflag:$0x4] =	stream.linear.gather [hbm4b:s31+s7], $0xC8, $0x38;
	[tilespmem:$0x19F00] =	vst v63  }
0x34: {  	_ =	swait.ge [sflag:s1], $0xC8  }
0x35: {  	[sflag:s1] =	ssyncset.done $0x0  }
0x36: {  	[sflag:s1] =	ssyncadd.s32 $0xFFFFFF38  }
0x37: {  	v5 =	vld [tilespmem:$0xC0];
	_ =	sdelay $0x4  }
0x38: {  	v5 =	vnsel vm2, $0x0, v5  }
0x39: {  	[tilespmem:$0xC0] =	vst v5  }
0x3a: {  	[tilespmem:s12], [sflag:$0x4] =	stream.linear.gather [hbm4b:s23+s7], $0x2, $0x38;
	[tilespmem:$0x19F00] =	vst v63  }
0x3b: {  	_ =	swait.ge [sflag:s1], $0x2  }
0x3c: {  	[sflag:s1] =	ssyncset.done $0x0  }
0x3d: {  	[sflag:s1] =	ssyncadd.s32 $0xFFFFFFFE  }
0x3e: {  	[tilespmem:s25], [sflag:$0x4] =	stream.linear.gather [hbm4b:s22+s7], $0x41, $0x38;
	[tilespmem:$0x19F00] =	vst v63  }
0x3f: {  	_ =	swait.ge [sflag:s1], $0x41  }
0x40: {  	[sflag:s1] =	ssyncset.done $0x0  }
0x41: {  	[sflag:s1] =	ssyncadd.s32 $0xFFFFFFBF  }
0x42: {  	v5 =	vld [tilespmem:$0x100];
	_ =	sdelay $0x4  }
0x43: {  	(v2sf) =	vpush v5, $0x1;
	_ =	sdelay $0xe  }
0x44: {  	s3 =	spop (v2sf)  }
0x45: {  	s17 =	sand.u32 $0x3F, s3  }
0x46: {  	s20 =	sshra.s32 s3, $0x1F;
	p3 =	slt.s32 s3, $0x1;
	p4 =	sne.s32 s17, $0x0  }
0x47: {  	s26 =	sshrl.u32 s20, $0x1A;
	s20 =	simm.s32 $0x1;
	p3 =	por !p3, !p4  }
.Ltmp3:
0x48: {  	s17 =	sadd.s32 s26, s3;
	p3 =	por !p3, !p3;
	(pc) =	sbr.rel @p0 .LBB2_3-.Ltmp3, $4  }
0x49: {  	s17 =	sshra.s32 s17, $0x6;
	s20 =	simm.s32 @!p3 $0x0  }
0x4a: {  	s17 =	ssub.s32 s17, s20  }
0x4b: {  	s20 =	sshll.u32 s17, $0x6;
	s17 =	sshll.u32 s17, $0x9  }
0x4c: {  	[tilespmem:$0x19E80] =	vst v0;
	s3 =	ssub.s32 s3, s20;
	s29 =	sand.u32 $0x40, s20;
	s17 =	sand.u32 $0xFFFFFC00, s17  }
0x4d: {  	s8 =	rddreg [dreg:$0x9]  }
0x4e: {  	s20 =	sadd.s32 s8, s17  }
0x4f: {  	s20 =	sor.u32 s29, s20  }
0x50: {  	s20 =	sshrl.u32 s20, $0x3  }
0x51: {  	s19 =	simm.s32 $0x200;
	s20 =	sadd.s32 s0, s20  }
0x52: {  	[tilespmem:s19], [sflag:$0x2] =	stream.linear.gather [hbm4b:s20+s7], $0x40, $0x38;
	[tilespmem:$0x19F00] =	vst v63  }
0x53: {  	s20 =	rddreg [dreg:$0xa]  }
0x54: {  	s24 =	sadd.s32 s20, s17  }
0x55: {  	s20 =	sor.u32 s29, s24  }
0x56: {  	s26 =	rddreg [dreg:$0xb];
	s20 =	sshrl.u32 s20, $0x3  }
0x57: {  	s25 =	simm.s32 $0x280;
	s12 =	sadd.s32 s26, s17;
	s20 =	sadd.s32 s0, s20  }
0x58: {  	[tilespmem:s25], [sflag:$0x2] =	stream.linear.gather [hbm4b:s20+s7], $0x40, $0x38;
	[tilespmem:$0x19F00] =	vst v63  }
0x59: {  	s20 =	sor.u32 s29, s12  }
0x5a: {  	s24 =	rddreg [dreg:$0xc];
	s20 =	sshrl.u32 s20, $0x3  }
0x5b: {  	s19 =	simm.s32 $0x300;
	s25 =	sadd.s32 s24, s17;
	s20 =	sadd.s32 s0, s20  }
0x5c: {  	[tilespmem:s19], [sflag:$0x2] =	stream.linear.gather [hbm4b:s20+s7], $0x40, $0x38;
	[tilespmem:$0x19F00] =	vst v63  }
0x5d: {  	s20 =	sor.u32 s29, s25  }
0x5e: {  	s20 =	sshrl.u32 s20, $0x3  }
0x5f: {  	s26 =	simm.s32 $0x380;
	s20 =	sadd.s32 s0, s20  }
0x60: {  	[tilespmem:s26], [sflag:$0x2] =	stream.linear.gather [hbm4b:s20+s7], $0x40, $0x38;
	[tilespmem:$0x19F00] =	vst v63  }
0x61: {  	s12 =	rddreg [dreg:$0xe]  }
0x62: {  	[tilespmem:s4], [sflag:$0x1] =	stream.strided.gather [hbm4b:s12+s2], $0x18700, s4, s2, $0x38;
	[tilespmem:$0x19F00] =	vst v63  }
0x63: {  	_ =	swait.ge [sflag:s5], $0x40  }
0x64: {  	[sflag:s5] =	ssyncset.done $0x0  }
0x65: {  	[sflag:s5] =	ssyncadd.s32 $0xFFFFFFC0  }
0x66: {  	_ =	swait.ge [sflag:s5], $0x40  }
0x67: {  	[sflag:s5] =	ssyncset.done $0x0  }
0x68: {  	[sflag:s5] =	ssyncadd.s32 $0xFFFFFFC0  }
0x69: {  	_ =	swait.ge [sflag:s5], $0x40  }
0x6a: {  	[sflag:s5] =	ssyncset.done $0x0  }
0x6b: {  	[sflag:s5] =	ssyncadd.s32 $0xFFFFFFC0  }
0x6c: {  	_ =	swait.ge [sflag:s5], $0x40  }
0x6d: {  	[sflag:s5] =	ssyncset.done $0x0  }
0x6e: {  	[sflag:s5] =	ssyncadd.s32 $0xFFFFFFC0  }
0x6f: {  	v5 =	vld [tilespmem:$0x180]  }
0x70: {  	v6 =	vld [tilespmem:$0x200]  }
0x71: {  	v7 =	vld [tilespmem:$0x210]  }
0x72: {  	v8 =	vld [tilespmem:$0x220]  }
0x73: {  	v9 =	vmov s3  }
0x74: {  	vm8 =	veq.s32 v9, v1;
	v5 =	vnsel vm4, $0x0, v5  }
0x75: {  	vm9 =	veq.s32 v9, v4;
	(xrf2) =	vadd.scan.msk.f32 $0xffff, v5;
	v5 =	vnsel vm8, $0x0, v6  }
0x76: {  	vm10 =	veq.s32 v9, v3;
	(xrf2) =	vadd.scan.msk.f32 $0xffff, v5;
	v5 =	vnsel vm9, $0x0, v7  }
0x77: {  	(xrf2) =	vadd.scan.msk.f32 $0xffff, v5;
	v5 =	vnsel vm10, $0x0, v8  }
0x78: {  	(xrf2) =	vadd.scan.msk.f32 $0xffff, v5;
	_ =	sdelay $0x6  }
0x79: {  	v5, _, _ =	vpop (xrf2)  }
0x7a: {  	(v2sf) =	vpush v5, $0xF;
	v5, _, _ =	vpop (xrf2)  }
0x7b: {  	(v2sf) =	vpush v5, $0xF;
	v5, _, _ =	vpop (xrf2)  }
0x7c: {  	(v2sf) =	vpush v5, $0xF;
	v5, _, _ =	vpop (xrf2)  }
0x7d: {  	(v2sf) =	vpush v5, $0xF;
	v5 =	vld [tilespmem:$0x230];
	_ =	sdelay $0x3  }
0x7e: {  	vm11 =	veq.s32 v9, v2  }
0x7f: {  	v5 =	vnsel vm11, $0x0, v5  }
0x80: {  	(xrf2) =	vadd.scan.msk.f32 $0xffff, v5;
	_ =	sdelay $0x8  }
0x81: {  	s19 =	spop (v2sf)  }
0x82: {  	s25 =	spop (v2sf);
	v5, _, _ =	vpop (xrf2)  }
0x83: {  	s26 =	spop (v2sf);
	(v2sf) =	vpush v5, $0xF;
	_ =	sdelay $0xa  }
0x84: {  	s20 =	sadd.f32 $0.0e+00, s19;
	_ =	sdelay $0x1  }
0x85: {  	s20 =	sadd.f32 s20, s18  }
0x86: {  	s12 =	smov.u32 s22;
	s22 =	sadd.f32 $0.0e+00, s25;
	s24 =	spop (v2sf)  }
0x87: {  	s20 =	sadd.f32 s20, s18;
	s25 =	spop (v2sf)  }
0x88: {  	s22 =	sadd.f32 s26, s22;
	_ =	swait.ge [sflag:s6], $0x18700  }
0x89: {  	s20 =	sadd.f32 s20, s18;
	[sflag:s6] =	ssyncset.done $0x0  }
0x8a: {  	s22 =	sadd.f32 s24, s22;
	[sflag:s6] =	ssyncadd.s32 $0xFFFE7900  }
0x8b: {  	s20 =	sadd.f32 s20, s18;
	v5 =	vld [tilespmem:$0x0]  }
0x8c: {  	s22 =	sadd.f32 s25, s22;
	_ =	sdelay $0x1  }
0x8d: {  	v6 =	vmov s20;
	v7 =	vmov s22  }
0x8e: {  	v6 =	vnsel vm5, $0x0, v6;
	v7 =	vsel vm6, $0x0, v7  }
0x8f: {  	v6 =	vadd.f32 v7, v6  }
0x90: {  	v7 =	vld [tilespmem:$0x10]  }
0x91: {  	[tilespmem:$0x18B00] =	vst v6  }
0x92: {  	v5 =	vld.idx.msk [tilespmem:v5+s4+$0x0], $0xffff;
	_ =	sdelay $0x3  }
0x93: {  	v6 =	vld [tilespmem:$0x20]  }
0x94: {  	[tilespmem:$0x18B10] =	vst v5  }
0x95: {  	v7 =	vld.idx.msk [tilespmem:v7+s4+$0x0], $0xffff;
	_ =	sdelay $0x3  }
0x96: {  	v59 =	vld [tilespmem:$0x30]  }
0x97: {  	[tilespmem:$0x18B20] =	vst v7  }
0x98: {  	v6 =	vld.idx.msk [tilespmem:v6+s4+$0x0], $0xffff;
	_ =	sdelay $0x3  }
0x99: {  	v60 =	vld [tilespmem:$0x40]  }
0x9a: {  	[tilespmem:$0x18B30] =	vst v6  }
0x9b: {  	v8 =	vld.idx.msk [tilespmem:v59+s4+$0x0], $0xffff;
	_ =	sdelay $0x3  }
0x9c: {  	v10 =	vld [tilespmem:$0x50]  }
0x9d: {  	[tilespmem:$0x18B40] =	vst v8  }
0x9e: {  	v9 =	vld.idx.msk [tilespmem:v60+s4+$0x0], $0xffff;
	_ =	sdelay $0x3  }
0x9f: {  	v11 =	vld [tilespmem:$0x60]  }
0xa0: {  	[tilespmem:$0x18B50] =	vst v9  }
0xa1: {  	v10 =	vld.idx.msk [tilespmem:v10+s4+$0x0], $0xffff;
	_ =	sdelay $0x3  }
0xa2: {  	v12 =	vld [tilespmem:$0x70]  }
0xa3: {  	[tilespmem:$0x18B60] =	vst v10  }
0xa4: {  	v11 =	vld.idx.msk [tilespmem:v11+s4+$0x0], $0xffff;
	_ =	sdelay $0x3  }
0xa5: {  	v13 =	vld [tilespmem:$0x80]  }
0xa6: {  	[tilespmem:$0x18B70] =	vst v11  }
0xa7: {  	v12 =	vld.idx.msk [tilespmem:v12+s4+$0x0], $0xffff;
	_ =	sdelay $0x3  }
0xa8: {  	v14 =	vld [tilespmem:$0x90]  }
0xa9: {  	[tilespmem:$0x18C00] =	vst v12  }
0xaa: {  	v13 =	vld.idx.msk [tilespmem:v13+s4+$0x0], $0xffff;
	_ =	sdelay $0x3  }
0xab: {  	v15 =	vld [tilespmem:$0xA0]  }
0xac: {  	(xrf2) =	vadd.scan.msk.f32 $0xffff, v5;
	[tilespmem:$0x18C10] =	vst v13  }
0xad: {  	v14 =	vld.idx.msk [tilespmem:v14+s4+$0x0], $0xffff  }
0xae: {  	(xrf2) =	vadd.scan.msk.f32 $0xffff, v7  }
0xaf: {  	(xrf2) =	vadd.scan.msk.f32 $0xffff, v6;
	_ =	sdelay $0x1  }
0xb0: {  	v5 =	vld [tilespmem:$0xB0]  }
0xb1: {  	[tilespmem:$0x18C20] =	vst v14  }
0xb2: {  	(xrf2) =	vadd.scan.msk.f32 $0xffff, v8;
	v6 =	vld.idx.msk [tilespmem:v15+s4+$0x0], $0xffff;
	_ =	sdelay $0x1  }
0xb3: {  	(xrf2) =	vadd.scan.msk.f32 $0xffff, v9  }
0xb4: {  	v61, _, _ =	vpop (xrf2)  }
0xb5: {  	v7 =	vld [tilespmem:$0xC0];
	(v2sf) =	vpush v61, $0xF;
	(xrf2) =	vadd.scan.msk.f32 $0xffff, v10  }
0xb6: {  	v62, _, _ =	vpop (xrf2);
	[tilespmem:$0x18C30] =	vst v6  }
0xb7: {  	(v2sf) =	vpush v62, $0xF;
	v63, _, _ =	vpop (xrf2);
	(xrf2) =	vadd.scan.msk.f32 $0xffff, v11;
	v5 =	vld.idx.msk [tilespmem:v5+s4+$0x0], $0xffff  }
0xb8: {  	(v2sf) =	vpush v63, $0xF  }
0xb9: {  	(xrf2) =	vadd.scan.msk.f32 $0xffff, v12;
	_ =	sdelay $0x1  }
0xba: {  	v12, _, _ =	vpop (xrf2);
	(xrf2) =	vadd.scan.msk.f32 $0xffff, v13  }
0xbb: {  	(v2sf) =	vpush v12, $0xF;
	[tilespmem:$0x18C40] =	vst v5  }
0xbc: {  	v13, _, _ =	vpop (xrf2);
	(xrf2) =	vadd.scan.msk.f32 $0xffff, v14;
	v7 =	vld.idx.msk [tilespmem:v7+s4+$0x0], $0xffff  }
0xbd: {  	(v2sf) =	vpush v13, $0xF  }
0xbe: {  	v15, _, _ =	vpop (xrf2);
	(xrf2) =	vadd.scan.msk.f32 $0xffff, v6  }
0xbf: {  	(v2sf) =	vpush v15, $0xF  }
0xc0: {  	v6, _, _ =	vpop (xrf2);
	(xrf2) =	vadd.scan.msk.f32 $0xffff, v5  }
0xc1: {  	(v2sf) =	vpush v6, $0xF;
	v5 =	vnsel vm2, $0x0, v7  }
0xc2: {  	v6, _, _ =	vpop (xrf2);
	(xrf2) =	vadd.scan.msk.f32 $0xffff, v5  }
0xc3: {  	s24 =	spop (v2sf);
	(v2sf) =	vpush v6, $0xF  }
0xc4: {  	s8 =	smov.u32 s23;
	s23 =	sadd.f32 $0.0e+00, s24;
	v5, _, _ =	vpop (xrf2)  }
0xc5: {  	s25 =	spop (v2sf);
	(v2sf) =	vpush v5, $0xF  }
0xc6: {  	s23 =	sadd.f32 s25, s23;
	s26 =	spop (v2sf);
	[tilespmem:$0x18C50] =	vst v7;
	v5, _, _ =	vpop (xrf2)  }
0xc7: {  	[hbm4b:s13+s7] =	stream.linear.scatter [tilespmem:s9], [sflag:$0x3], $0x80, $0x38;
	(v2sf) =	vpush v5, $0xF;
	[tilespmem:$0x19F00] =	vst v63  }
0xc8: {  	s19 =	sadd.s32 $0x80, s13;
	s23 =	sadd.f32 s26, s23;
	v5, _, _ =	vpop (xrf2)  }
0xc9: {  	[hbm4b:s19+s7] =	stream.linear.scatter [tilespmem:s10], [sflag:$0x3], $0x80, $0x38;
	(v2sf) =	vpush v5, $0xF;
	[tilespmem:$0x19F00] =	vst v63  }
0xca: {  	s19 =	spop (v2sf);
	v5, _, _ =	vpop (xrf2)  }
0xcb: {  	s23 =	sadd.f32 s19, s23;
	(v2sf) =	vpush v5, $0xF  }
0xcc: {  	s25 =	spop (v2sf);
	v5, _, _ =	vpop (xrf2)  }
0xcd: {  	s23 =	sadd.f32 s25, s23;
	(v2sf) =	vpush v5, $0xF  }
0xce: {  	s26 =	spop (v2sf)  }
0xcf: {  	s23 =	sadd.f32 s26, s23  }
0xd0: {  	s19 =	spop (v2sf)  }
0xd1: {  	s23 =	sadd.f32 s19, s23  }
0xd2: {  	s25 =	spop (v2sf)  }
0xd3: {  	s23 =	sadd.f32 s25, s23  }
0xd4: {  	s26 =	spop (v2sf)  }
0xd5: {  	s23 =	sadd.f32 s26, s23  }
0xd6: {  	s19 =	spop (v2sf)  }
0xd7: {  	s23 =	sadd.f32 s19, s23  }
0xd8: {  	s25 =	spop (v2sf)  }
0xd9: {  	s23 =	sadd.f32 s25, s23  }
0xda: {  	s26 =	spop (v2sf)  }
0xdb: {  	s23 =	sadd.f32 s26, s23  }
0xdc: {  	s25 =	sadd.f32 s22, s20;
	s19 =	spop (v2sf)  }
0xdd: {  	s23 =	sadd.f32 s19, s23  }
0xde: {  	s20 =	smul.f32 s22, s20  }
0xdf: {  	s26 =	smul.f32 s23, s25  }
0xe0: {  	v5 =	vld [tilespmem:$0x19E80]  }
0xe1: {  	s20 =	sadd.f32 s26, s20;
	_ =	sdelay $0x1  }
0xe2: {  	v6 =	vmov s20  }
0xe3: {  	v6 =	vnsel vm7, $0x0, v6  }
0xe4: {  	v5 =	vadd.f32 v5, v6;
	_ =	sdelay $0x1  }
0xe5: {  	s19 =	rddreg [dreg:$0xf];
	[tilespmem:$0x19E80] =	vst v5  }
0xe6: {  	[tilespmem:s4], [sflag:$0x1] =	stream.strided.gather [hbm4b:s19+s2], $0x18700, s4, s2, $0x38;
	[tilespmem:$0x19F00] =	vst v63  }
0xe7: {  	v5 =	vld [tilespmem:$0x190]  }
0xe8: {  	v6 =	vld [tilespmem:$0x280]  }
0xe9: {  	v7 =	vld [tilespmem:$0x290]  }
0xea: {  	v16 =	vld [tilespmem:$0x2A0]  }
0xeb: {  	v17 =	vld [tilespmem:$0x2B0]  }
0xec: {  	v5 =	vnsel vm3, $0x0, v5  }
0xed: {  	(xrf2) =	vadd.scan.msk.f32 $0xffff, v5;
	v5 =	vnsel vm8, $0x0, v6  }
0xee: {  	(xrf2) =	vadd.scan.msk.f32 $0xffff, v5;
	v5 =	vnsel vm9, $0x0, v7  }
0xef: {  	(xrf2) =	vadd.scan.msk.f32 $0xffff, v5;
	v5 =	vnsel vm10, $0x0, v16  }
0xf0: {  	(xrf2) =	vadd.scan.msk.f32 $0xffff, v5;
	v5 =	vnsel vm11, $0x0, v17  }
0xf1: {  	(xrf2) =	vadd.scan.msk.f32 $0xffff, v5;
	_ =	sdelay $0x5  }
0xf2: {  	v5, _, _ =	vpop (xrf2)  }
0xf3: {  	(v2sf) =	vpush v5, $0xF;
	v5, _, _ =	vpop (xrf2)  }
0xf4: {  	(v2sf) =	vpush v5, $0xF;
	v5, _, _ =	vpop (xrf2)  }
0xf5: {  	(v2sf) =	vpush v5, $0xF;
	v5, _, _ =	vpop (xrf2)  }
0xf6: {  	(v2sf) =	vpush v5, $0xF;
	v5, _, _ =	vpop (xrf2)  }
0xf7: {  	(v2sf) =	vpush v5, $0xF;
	_ =	sdelay $0xa  }
0xf8: {  	s22 =	spop (v2sf)  }
0xf9: {  	s23 =	spop (v2sf)  }
0xfa: {  	s24 =	spop (v2sf)  }
0xfb: {  	s25 =	spop (v2sf)  }
0xfc: {  	s19 =	rddreg [dreg:$0x15];
	s26 =	spop (v2sf)  }
0xfd: {  	s20 =	sadd.f32 s22, s19;
	_ =	swait.ge [sflag:s6], $0x18700  }
0xfe: {  	s22 =	sadd.f32 $0.0e+00, s23;
	[sflag:s6] =	ssyncset.done $0x0  }
0xff: {  	s20 =	sadd.f32 s20, s18;
	[sflag:s6] =	ssyncadd.s32 $0xFFFE7900  }
0x100: {  	s22 =	sadd.f32 s24, s22;
	_ =	swait.ge [sflag:s11], $0x100  }
0x101: {  	s20 =	sadd.f32 s20, s18;
	[sflag:s11] =	ssyncset.done $0x0  }
0x102: {  	s22 =	sadd.f32 s25, s22;
	[sflag:s11] =	ssyncadd.s32 $0xFFFFFF00  }
0x103: {  	s20 =	sadd.f32 s20, s18;
	v5 =	vld [tilespmem:$0x0]  }
0x104: {  	s22 =	sadd.f32 s26, s22;
	_ =	sdelay $0x1  }
0x105: {  	v6 =	vmov s20;
	v7 =	vmov s22  }
0x106: {  	v6 =	vnsel vm5, $0x0, v6;
	v7 =	vsel vm6, $0x0, v7  }
0x107: {  	v6 =	vadd.f32 v7, v6  }
0x108: {  	v7 =	vld [tilespmem:$0x10]  }
0x109: {  	[tilespmem:$0x18B80] =	vst v6  }
0x10a: {  	v5 =	vld.idx.msk [tilespmem:v5+s4+$0x0], $0xffff;
	_ =	sdelay $0x3  }
0x10b: {  	v6 =	vld [tilespmem:$0x20]  }
0x10c: {  	[tilespmem:$0x18B90] =	vst v5  }
0x10d: {  	v7 =	vld.idx.msk [tilespmem:v7+s4+$0x0], $0xffff;
	_ =	sdelay $0x3  }
0x10e: {  	v18 =	vld [tilespmem:$0x30]  }
0x10f: {  	[tilespmem:$0x18BA0] =	vst v7  }
0x110: {  	v6 =	vld.idx.msk [tilespmem:v6+s4+$0x0], $0xffff;
	_ =	sdelay $0x3  }
0x111: {  	v19 =	vld [tilespmem:$0x40]  }
0x112: {  	[tilespmem:$0x18BB0] =	vst v6  }
0x113: {  	v8 =	vld.idx.msk [tilespmem:v18+s4+$0x0], $0xffff;
	_ =	sdelay $0x3  }
0x114: {  	v20 =	vld [tilespmem:$0x50]  }
0x115: {  	[tilespmem:$0x18BC0] =	vst v8  }
0x116: {  	v9 =	vld.idx.msk [tilespmem:v19+s4+$0x0], $0xffff;
	_ =	sdelay $0x3  }
0x117: {  	v21 =	vld [tilespmem:$0x60]  }
0x118: {  	[tilespmem:$0x18BD0] =	vst v9  }
0x119: {  	v10 =	vld.idx.msk [tilespmem:v20+s4+$0x0], $0xffff;
	_ =	sdelay $0x3  }
0x11a: {  	v22 =	vld [tilespmem:$0x70]  }
0x11b: {  	[tilespmem:$0x18BE0] =	vst v10  }
0x11c: {  	v11 =	vld.idx.msk [tilespmem:v21+s4+$0x0], $0xffff;
	_ =	sdelay $0x3  }
0x11d: {  	v23 =	vld [tilespmem:$0x80]  }
0x11e: {  	[tilespmem:$0x18BF0] =	vst v11  }
0x11f: {  	v12 =	vld.idx.msk [tilespmem:v22+s4+$0x0], $0xffff;
	_ =	sdelay $0x3  }
0x120: {  	v24 =	vld [tilespmem:$0x90]  }
0x121: {  	[tilespmem:$0x18C80] =	vst v12  }
0x122: {  	v13 =	vld.idx.msk [tilespmem:v23+s4+$0x0], $0xffff;
	_ =	sdelay $0x3  }
0x123: {  	v25 =	vld [tilespmem:$0xA0];
	(xrf2) =	vadd.scan.msk.f32 $0xffff, v5  }
0x124: {  	[tilespmem:$0x18C90] =	vst v13  }
0x125: {  	v14 =	vld.idx.msk [tilespmem:v24+s4+$0x0], $0xffff  }
0x126: {  	(xrf2) =	vadd.scan.msk.f32 $0xffff, v7;
	_ =	sdelay $0x1  }
0x127: {  	(xrf2) =	vadd.scan.msk.f32 $0xffff, v6  }
0x128: {  	v5 =	vld [tilespmem:$0xB0]  }
0x129: {  	(xrf2) =	vadd.scan.msk.f32 $0xffff, v8;
	[tilespmem:$0x18CA0] =	vst v14  }
0x12a: {  	v6 =	vld.idx.msk [tilespmem:v25+s4+$0x0], $0xffff  }
0x12b: {  	(xrf2) =	vadd.scan.msk.f32 $0xffff, v9  }
0x12c: {  	v26, _, _ =	vpop (xrf2);
	(xrf2) =	vadd.scan.msk.f32 $0xffff, v10;
	_ =	sdelay $0x1  }
0x12d: {  	v7 =	vld [tilespmem:$0xC0];
	(v2sf) =	vpush v26, $0xF  }
0x12e: {  	v27, _, _ =	vpop (xrf2);
	[tilespmem:$0x18CB0] =	vst v6  }
0x12f: {  	(v2sf) =	vpush v27, $0xF;
	(xrf2) =	vadd.scan.msk.f32 $0xffff, v11;
	v5 =	vld.idx.msk [tilespmem:v5+s4+$0x0], $0xffff  }
0x130: {  	v28, _, _ =	vpop (xrf2)  }
0x131: {  	(v2sf) =	vpush v28, $0xF;
	(xrf2) =	vadd.scan.msk.f32 $0xffff, v12  }
0x132: {  	v29, _, _ =	vpop (xrf2)  }
0x133: {  	(v2sf) =	vpush v29, $0xF;
	(xrf2) =	vadd.scan.msk.f32 $0xffff, v13  }
0x134: {  	v30, _, _ =	vpop (xrf2);
	[tilespmem:$0x18CC0] =	vst v5  }
0x135: {  	(v2sf) =	vpush v30, $0xF;
	v31, _, _ =	vpop (xrf2);
	(xrf2) =	vadd.scan.msk.f32 $0xffff, v14;
	v7 =	vld.idx.msk [tilespmem:v7+s4+$0x0], $0xffff  }
0x136: {  	(v2sf) =	vpush v31, $0xF  }
0x137: {  	(xrf2) =	vadd.scan.msk.f32 $0xffff, v6;
	_ =	sdelay $0x1  }
0x138: {  	v6, _, _ =	vpop (xrf2);
	(xrf2) =	vadd.scan.msk.f32 $0xffff, v5  }
0x139: {  	(v2sf) =	vpush v6, $0xF;
	v5 =	vnsel vm2, $0x0, v7  }
0x13a: {  	v6, _, _ =	vpop (xrf2);
	(xrf2) =	vadd.scan.msk.f32 $0xffff, v5  }
0x13b: {  	s25 =	spop (v2sf);
	(v2sf) =	vpush v6, $0xF  }
0x13c: {  	s23 =	sadd.f32 $0.0e+00, s25;
	v5, _, _ =	vpop (xrf2)  }
0x13d: {  	s26 =	spop (v2sf);
	(v2sf) =	vpush v5, $0xF  }
0x13e: {  	s23 =	sadd.f32 s26, s23;
	v5, _, _ =	vpop (xrf2)  }
0x13f: {  	s25 =	spop (v2sf);
	(v2sf) =	vpush v5, $0xF  }
0x140: {  	s23 =	sadd.f32 s25, s23;
	v5, _, _ =	vpop (xrf2)  }
0x141: {  	s26 =	spop (v2sf);
	(v2sf) =	vpush v5, $0xF  }
0x142: {  	s23 =	sadd.f32 s26, s23;
	v5, _, _ =	vpop (xrf2)  }
0x143: {  	s25 =	spop (v2sf);
	(v2sf) =	vpush v5, $0xF  }
0x144: {  	s19 =	simm.s32 $0x18B80;
	s23 =	sadd.f32 s25, s23;
	s26 =	spop (v2sf);
	[tilespmem:$0x18CD0] =	vst v7;
	v5, _, _ =	vpop (xrf2)  }
0x145: {  	[hbm4b:s14+s7] =	stream.linear.scatter [tilespmem:s19], [sflag:$0x3], $0x80, $0x38;
	(v2sf) =	vpush v5, $0xF;
	[tilespmem:$0x19F00] =	vst v63  }
0x146: {  	s24 =	sadd.s32 $0x80, s14;
	s23 =	sadd.f32 s26, s23  }
0x147: {  	[hbm4b:s24+s7] =	stream.linear.scatter [tilespmem:s21], [sflag:$0x3], $0x80, $0x38;
	[tilespmem:$0x19F00] =	vst v63  }
0x148: {  	s25 =	spop (v2sf)  }
0x149: {  	s23 =	sadd.f32 s25, s23  }
0x14a: {  	s26 =	spop (v2sf)  }
0x14b: {  	s23 =	sadd.f32 s26, s23  }
0x14c: {  	s25 =	spop (v2sf)  }
0x14d: {  	s23 =	sadd.f32 s25, s23  }
0x14e: {  	s26 =	spop (v2sf)  }
0x14f: {  	s23 =	sadd.f32 s26, s23  }
0x150: {  	s25 =	spop (v2sf)  }
0x151: {  	s23 =	sadd.f32 s25, s23  }
0x152: {  	s26 =	spop (v2sf)  }
0x153: {  	s23 =	sadd.f32 s26, s23  }
0x154: {  	s26 =	sadd.f32 s22, s20;
	s25 =	spop (v2sf)  }
0x155: {  	s23 =	sadd.f32 s25, s23  }
0x156: {  	s20 =	smul.f32 s22, s20  }
0x157: {  	s24 =	smul.f32 s23, s26  }
0x158: {  	v5 =	vld [tilespmem:$0x19E80]  }
0x159: {  	s20 =	sadd.f32 s24, s20;
	_ =	sdelay $0x1  }
0x15a: {  	v6 =	vmov s20  }
0x15b: {  	v6 =	vnsel vm7, $0x0, v6  }
0x15c: {  	v5 =	vadd.f32 v5, v6;
	_ =	sdelay $0x1  }
0x15d: {  	s25 =	rddreg [dreg:$0x10];
	[tilespmem:$0x19E80] =	vst v5  }
0x15e: {  	[tilespmem:s4], [sflag:$0x1] =	stream.strided.gather [hbm4b:s25+s2], $0x18700, s4, s2, $0x38;
	[tilespmem:$0x19F00] =	vst v63  }
0x15f: {  	v5 =	vld [tilespmem:$0x1A0]  }
0x160: {  	v6 =	vld [tilespmem:$0x300]  }
0x161: {  	v7 =	vld [tilespmem:$0x310]  }
0x162: {  	v32 =	vld [tilespmem:$0x320]  }
0x163: {  	v33 =	vld [tilespmem:$0x330]  }
0x164: {  	v5 =	vnsel vm1, $0x0, v5  }
0x165: {  	(xrf2) =	vadd.scan.msk.f32 $0xffff, v5;
	v5 =	vnsel vm8, $0x0, v6  }
0x166: {  	(xrf2) =	vadd.scan.msk.f32 $0xffff, v5;
	v5 =	vnsel vm9, $0x0, v7  }
0x167: {  	(xrf2) =	vadd.scan.msk.f32 $0xffff, v5;
	v5 =	vnsel vm10, $0x0, v32  }
0x168: {  	(xrf2) =	vadd.scan.msk.f32 $0xffff, v5;
	v5 =	vnsel vm11, $0x0, v33  }
0x169: {  	(xrf2) =	vadd.scan.msk.f32 $0xffff, v5;
	_ =	sdelay $0x5  }
0x16a: {  	v5, _, _ =	vpop (xrf2)  }
0x16b: {  	(v2sf) =	vpush v5, $0xF;
	v5, _, _ =	vpop (xrf2)  }
0x16c: {  	(v2sf) =	vpush v5, $0xF;
	v5, _, _ =	vpop (xrf2)  }
0x16d: {  	(v2sf) =	vpush v5, $0xF;
	v5, _, _ =	vpop (xrf2)  }
0x16e: {  	(v2sf) =	vpush v5, $0xF;
	v5, _, _ =	vpop (xrf2)  }
0x16f: {  	(v2sf) =	vpush v5, $0xF;
	_ =	sdelay $0xa  }
0x170: {  	s20 =	spop (v2sf)  }
0x171: {  	s26 =	spop (v2sf)  }
0x172: {  	s23 =	spop (v2sf)  }
0x173: {  	s24 =	spop (v2sf)  }
0x174: {  	s22 =	sadd.f32 $0.0e+00, s26;
	s25 =	spop (v2sf)  }
0x175: {  	_ =	swait.ge [sflag:s6], $0x18700  }
0x176: {  	s22 =	sadd.f32 s23, s22;
	[sflag:s6] =	ssyncset.done $0x0  }
0x177: {  	s26 =	rddreg [dreg:$0x16];
	[sflag:s6] =	ssyncadd.s32 $0xFFFE7900  }
0x178: {  	s20 =	sadd.f32 s20, s26;
	_ =	swait.ge [sflag:s11], $0x100  }
0x179: {  	s22 =	sadd.f32 s24, s22;
	[sflag:s11] =	ssyncset.done $0x0  }
0x17a: {  	s20 =	sadd.f32 s20, s18;
	[sflag:s11] =	ssyncadd.s32 $0xFFFFFF00  }
0x17b: {  	s22 =	sadd.f32 s25, s22;
	v5 =	vld [tilespmem:$0x0]  }
0x17c: {  	s20 =	sadd.f32 s20, s18;
	_ =	sdelay $0x1  }
0x17d: {  	v7 =	vmov s22;
	v6 =	vmov s20  }
0x17e: {  	v7 =	vsel vm6, $0x0, v7;
	v6 =	vnsel vm5, $0x0, v6  }
0x17f: {  	v6 =	vadd.f32 v7, v6  }
0x180: {  	v7 =	vld [tilespmem:$0x10]  }
0x181: {  	[tilespmem:$0x18B00] =	vst v6  }
0x182: {  	v5 =	vld.idx.msk [tilespmem:v5+s4+$0x0], $0xffff;
	_ =	sdelay $0x3  }
0x183: {  	v6 =	vld [tilespmem:$0x20]  }
0x184: {  	[tilespmem:$0x18B10] =	vst v5  }
0x185: {  	v7 =	vld.idx.msk [tilespmem:v7+s4+$0x0], $0xffff;
	_ =	sdelay $0x3  }
0x186: {  	v34 =	vld [tilespmem:$0x30]  }
0x187: {  	[tilespmem:$0x18B20] =	vst v7  }
0x188: {  	v6 =	vld.idx.msk [tilespmem:v6+s4+$0x0], $0xffff;
	_ =	sdelay $0x3  }
0x189: {  	v35 =	vld [tilespmem:$0x40]  }
0x18a: {  	[tilespmem:$0x18B30] =	vst v6  }
0x18b: {  	v8 =	vld.idx.msk [tilespmem:v34+s4+$0x0], $0xffff;
	_ =	sdelay $0x3  }
0x18c: {  	v36 =	vld [tilespmem:$0x50]  }
0x18d: {  	[tilespmem:$0x18B40] =	vst v8  }
0x18e: {  	v9 =	vld.idx.msk [tilespmem:v35+s4+$0x0], $0xffff;
	_ =	sdelay $0x3  }
0x18f: {  	v37 =	vld [tilespmem:$0x60]  }
0x190: {  	[tilespmem:$0x18B50] =	vst v9  }
0x191: {  	v10 =	vld.idx.msk [tilespmem:v36+s4+$0x0], $0xffff;
	_ =	sdelay $0x3  }
0x192: {  	v38 =	vld [tilespmem:$0x70]  }
0x193: {  	[tilespmem:$0x18B60] =	vst v10  }
0x194: {  	v11 =	vld.idx.msk [tilespmem:v37+s4+$0x0], $0xffff;
	_ =	sdelay $0x3  }
0x195: {  	v39 =	vld [tilespmem:$0x80]  }
0x196: {  	[tilespmem:$0x18B70] =	vst v11  }
0x197: {  	v12 =	vld.idx.msk [tilespmem:v38+s4+$0x0], $0xffff;
	_ =	sdelay $0x3  }
0x198: {  	v40 =	vld [tilespmem:$0x90]  }
0x199: {  	[tilespmem:$0x18C00] =	vst v12  }
0x19a: {  	v13 =	vld.idx.msk [tilespmem:v39+s4+$0x0], $0xffff;
	_ =	sdelay $0x3  }
0x19b: {  	v41 =	vld [tilespmem:$0xA0]  }
0x19c: {  	(xrf2) =	vadd.scan.msk.f32 $0xffff, v5;
	[tilespmem:$0x18C10] =	vst v13  }
0x19d: {  	(xrf2) =	vadd.scan.msk.f32 $0xffff, v7;
	v14 =	vld.idx.msk [tilespmem:v40+s4+$0x0], $0xffff;
	_ =	sdelay $0x3  }
0x19e: {  	v5 =	vld [tilespmem:$0xB0];
	(xrf2) =	vadd.scan.msk.f32 $0xffff, v6  }
0x19f: {  	[tilespmem:$0x18C20] =	vst v14  }
0x1a0: {  	(xrf2) =	vadd.scan.msk.f32 $0xffff, v8;
	v6 =	vld.idx.msk [tilespmem:v41+s4+$0x0], $0xffff;
	_ =	sdelay $0x1  }
0x1a1: {  	(xrf2) =	vadd.scan.msk.f32 $0xffff, v9  }
0x1a2: {  	v42, _, _ =	vpop (xrf2)  }
0x1a3: {  	v7 =	vld [tilespmem:$0xC0];
	(v2sf) =	vpush v42, $0xF;
	v43, _, _ =	vpop (xrf2);
	(xrf2) =	vadd.scan.msk.f32 $0xffff, v10  }
0x1a4: {  	(v2sf) =	vpush v43, $0xF;
	[tilespmem:$0x18C30] =	vst v6  }
0x1a5: {  	(xrf2) =	vadd.scan.msk.f32 $0xffff, v11;
	v5 =	vld.idx.msk [tilespmem:v5+s4+$0x0], $0xffff;
	_ =	sdelay $0x1  }
0x1a6: {  	v44, _, _ =	vpop (xrf2);
	(xrf2) =	vadd.scan.msk.f32 $0xffff, v12  }
0x1a7: {  	(v2sf) =	vpush v44, $0xF  }
0x1a8: {  	v45, _, _ =	vpop (xrf2);
	(xrf2) =	vadd.scan.msk.f32 $0xffff, v13  }
0x1a9: {  	(v2sf) =	vpush v45, $0xF;
	[tilespmem:$0x18C40] =	vst v5  }
0x1aa: {  	v46, _, _ =	vpop (xrf2);
	(xrf2) =	vadd.scan.msk.f32 $0xffff, v14;
	v7 =	vld.idx.msk [tilespmem:v7+s4+$0x0], $0xffff  }
0x1ab: {  	(v2sf) =	vpush v46, $0xF  }
0x1ac: {  	v47, _, _ =	vpop (xrf2);
	(xrf2) =	vadd.scan.msk.f32 $0xffff, v6  }
0x1ad: {  	(v2sf) =	vpush v47, $0xF  }
0x1ae: {  	v6, _, _ =	vpop (xrf2);
	(xrf2) =	vadd.scan.msk.f32 $0xffff, v5  }
0x1af: {  	(v2sf) =	vpush v6, $0xF;
	v5 =	vnsel vm2, $0x0, v7  }
0x1b0: {  	v6, _, _ =	vpop (xrf2);
	(xrf2) =	vadd.scan.msk.f32 $0xffff, v5  }
0x1b1: {  	s24 =	spop (v2sf);
	(v2sf) =	vpush v6, $0xF  }
0x1b2: {  	s23 =	sadd.f32 $0.0e+00, s24;
	s25 =	spop (v2sf);
	[tilespmem:$0x18C50] =	vst v7;
	v5, _, _ =	vpop (xrf2)  }
0x1b3: {  	[hbm4b:s15+s7] =	stream.linear.scatter [tilespmem:s9], [sflag:$0x3], $0x80, $0x38;
	(v2sf) =	vpush v5, $0xF;
	[tilespmem:$0x19F00] =	vst v63  }
0x1b4: {  	s26 =	sadd.s32 $0x80, s15;
	s23 =	sadd.f32 s25, s23;
	v5, _, _ =	vpop (xrf2)  }
0x1b5: {  	[hbm4b:s26+s7] =	stream.linear.scatter [tilespmem:s10], [sflag:$0x3], $0x80, $0x38;
	(v2sf) =	vpush v5, $0xF;
	[tilespmem:$0x19F00] =	vst v63  }
0x1b6: {  	s26 =	spop (v2sf);
	v5, _, _ =	vpop (xrf2)  }
0x1b7: {  	s23 =	sadd.f32 s26, s23;
	(v2sf) =	vpush v5, $0xF  }
0x1b8: {  	s25 =	spop (v2sf);
	v5, _, _ =	vpop (xrf2)  }
0x1b9: {  	s23 =	sadd.f32 s25, s23;
	(v2sf) =	vpush v5, $0xF  }
0x1ba: {  	s26 =	spop (v2sf);
	v5, _, _ =	vpop (xrf2)  }
0x1bb: {  	s23 =	sadd.f32 s26, s23;
	(v2sf) =	vpush v5, $0xF  }
0x1bc: {  	s25 =	spop (v2sf)  }
0x1bd: {  	s23 =	sadd.f32 s25, s23  }
0x1be: {  	s26 =	spop (v2sf)  }
0x1bf: {  	s23 =	sadd.f32 s26, s23  }
0x1c0: {  	s25 =	spop (v2sf)  }
0x1c1: {  	s23 =	sadd.f32 s25, s23  }
0x1c2: {  	s26 =	spop (v2sf)  }
0x1c3: {  	s23 =	sadd.f32 s26, s23  }
0x1c4: {  	s25 =	spop (v2sf)  }
0x1c5: {  	s23 =	sadd.f32 s25, s23  }
0x1c6: {  	s26 =	spop (v2sf)  }
0x1c7: {  	s23 =	sadd.f32 s26, s23  }
0x1c8: {  	s25 =	spop (v2sf)  }
0x1c9: {  	s23 =	sadd.f32 s25, s23  }
0x1ca: {  	s25 =	sadd.f32 s22, s20;
	s26 =	spop (v2sf)  }
0x1cb: {  	s23 =	sadd.f32 s26, s23  }
0x1cc: {  	s20 =	smul.f32 s22, s20  }
0x1cd: {  	s26 =	smul.f32 s23, s25  }
0x1ce: {  	v5 =	vld [tilespmem:$0x19E80]  }
0x1cf: {  	s20 =	sadd.f32 s26, s20;
	_ =	sdelay $0x1  }
0x1d0: {  	v6 =	vmov s20  }
0x1d1: {  	v6 =	vnsel vm7, $0x0, v6  }
0x1d2: {  	v5 =	vadd.f32 v5, v6;
	_ =	sdelay $0x1  }
0x1d3: {  	s22 =	rddreg [dreg:$0x11];
	[tilespmem:$0x19E80] =	vst v5  }
0x1d4: {  	[tilespmem:s4], [sflag:$0x1] =	stream.strided.gather [hbm4b:s22+s2], $0x18700, s4, s2, $0x38;
	[tilespmem:$0x19F00] =	vst v63  }
0x1d5: {  	v5 =	vld [tilespmem:$0x1B0]  }
0x1d6: {  	v6 =	vld [tilespmem:$0x380]  }
0x1d7: {  	v7 =	vld [tilespmem:$0x390]  }
0x1d8: {  	v48 =	vld [tilespmem:$0x3A0]  }
0x1d9: {  	v49 =	vld [tilespmem:$0x3B0]  }
0x1da: {  	v5 =	vnsel vm0, $0x0, v5  }
0x1db: {  	(xrf2) =	vadd.scan.msk.f32 $0xffff, v5;
	v5 =	vnsel vm8, $0x0, v6  }
0x1dc: {  	(xrf2) =	vadd.scan.msk.f32 $0xffff, v5;
	v5 =	vnsel vm9, $0x0, v7  }
0x1dd: {  	(xrf2) =	vadd.scan.msk.f32 $0xffff, v5;
	v5 =	vnsel vm10, $0x0, v48  }
0x1de: {  	(xrf2) =	vadd.scan.msk.f32 $0xffff, v5;
	v5 =	vnsel vm11, $0x0, v49  }
0x1df: {  	(xrf2) =	vadd.scan.msk.f32 $0xffff, v5;
	_ =	sdelay $0x5  }
0x1e0: {  	v5, _, _ =	vpop (xrf2)  }
0x1e1: {  	(v2sf) =	vpush v5, $0xF;
	v5, _, _ =	vpop (xrf2)  }
0x1e2: {  	(v2sf) =	vpush v5, $0xF;
	v5, _, _ =	vpop (xrf2)  }
0x1e3: {  	(v2sf) =	vpush v5, $0xF;
	v5, _, _ =	vpop (xrf2)  }
0x1e4: {  	(v2sf) =	vpush v5, $0xF;
	v5, _, _ =	vpop (xrf2)  }
0x1e5: {  	(v2sf) =	vpush v5, $0xF;
	_ =	sdelay $0xa  }
0x1e6: {  	s20 =	spop (v2sf)  }
0x1e7: {  	s23 =	spop (v2sf)  }
0x1e8: {  	s26 =	spop (v2sf)  }
0x1e9: {  	s24 =	spop (v2sf)  }
0x1ea: {  	s22 =	sadd.f32 $0.0e+00, s23;
	s25 =	spop (v2sf)  }
0x1eb: {  	_ =	swait.ge [sflag:s6], $0x18700  }
0x1ec: {  	s22 =	sadd.f32 s26, s22;
	[sflag:s6] =	ssyncset.done $0x0  }
0x1ed: {  	[sflag:s6] =	ssyncadd.s32 $0xFFFE7900  }
0x1ee: {  	s22 =	sadd.f32 s24, s22;
	_ =	swait.ge [sflag:s11], $0x100  }
0x1ef: {  	s26 =	rddreg [dreg:$0x17];
	[sflag:s11] =	ssyncset.done $0x0  }
0x1f0: {  	s20 =	sadd.f32 s20, s26;
	[sflag:s11] =	ssyncadd.s32 $0xFFFFFF00  }
0x1f1: {  	s22 =	sadd.f32 s25, s22;
	v5 =	vld [tilespmem:$0x0]  }
0x1f2: {  	s20 =	sadd.f32 s20, s18;
	_ =	sdelay $0x1  }
0x1f3: {  	v7 =	vmov s22;
	v6 =	vmov s20  }
0x1f4: {  	v7 =	vsel vm6, $0x0, v7;
	v6 =	vnsel vm5, $0x0, v6  }
0x1f5: {  	v6 =	vadd.f32 v7, v6  }
0x1f6: {  	v7 =	vld [tilespmem:$0x10]  }
0x1f7: {  	[tilespmem:$0x18B80] =	vst v6  }
0x1f8: {  	v5 =	vld.idx.msk [tilespmem:v5+s4+$0x0], $0xffff;
	_ =	sdelay $0x3  }
0x1f9: {  	v6 =	vld [tilespmem:$0x20]  }
0x1fa: {  	[tilespmem:$0x18B90] =	vst v5  }
0x1fb: {  	v7 =	vld.idx.msk [tilespmem:v7+s4+$0x0], $0xffff;
	_ =	sdelay $0x3  }
0x1fc: {  	v50 =	vld [tilespmem:$0x30]  }
0x1fd: {  	[tilespmem:$0x18BA0] =	vst v7  }
0x1fe: {  	v6 =	vld.idx.msk [tilespmem:v6+s4+$0x0], $0xffff;
	_ =	sdelay $0x3  }
0x1ff: {  	v51 =	vld [tilespmem:$0x40]  }
0x200: {  	[tilespmem:$0x18BB0] =	vst v6  }
0x201: {  	v8 =	vld.idx.msk [tilespmem:v50+s4+$0x0], $0xffff;
	_ =	sdelay $0x3  }
0x202: {  	v52 =	vld [tilespmem:$0x50]  }
0x203: {  	[tilespmem:$0x18BC0] =	vst v8  }
0x204: {  	v9 =	vld.idx.msk [tilespmem:v51+s4+$0x0], $0xffff;
	_ =	sdelay $0x3  }
0x205: {  	v53 =	vld [tilespmem:$0x60]  }
0x206: {  	[tilespmem:$0x18BD0] =	vst v9  }
0x207: {  	v10 =	vld.idx.msk [tilespmem:v52+s4+$0x0], $0xffff;
	_ =	sdelay $0x3  }
0x208: {  	v54 =	vld [tilespmem:$0x70]  }
0x209: {  	[tilespmem:$0x18BE0] =	vst v10  }
0x20a: {  	v11 =	vld.idx.msk [tilespmem:v53+s4+$0x0], $0xffff;
	_ =	sdelay $0x3  }
0x20b: {  	v55 =	vld [tilespmem:$0x80]  }
0x20c: {  	[tilespmem:$0x18BF0] =	vst v11  }
0x20d: {  	v12 =	vld.idx.msk [tilespmem:v54+s4+$0x0], $0xffff;
	_ =	sdelay $0x3  }
0x20e: {  	v56 =	vld [tilespmem:$0x90]  }
0x20f: {  	[tilespmem:$0x18C80] =	vst v12  }
0x210: {  	v13 =	vld.idx.msk [tilespmem:v55+s4+$0x0], $0xffff;
	_ =	sdelay $0x3  }
0x211: {  	v57 =	vld [tilespmem:$0xA0]  }
0x212: {  	(xrf2) =	vadd.scan.msk.f32 $0xffff, v5;
	[tilespmem:$0x18C90] =	vst v13  }
0x213: {  	(xrf2) =	vadd.scan.msk.f32 $0xffff, v7;
	v14 =	vld.idx.msk [tilespmem:v56+s4+$0x0], $0xffff;
	_ =	sdelay $0x3  }
0x214: {  	v5 =	vld [tilespmem:$0xB0];
	(xrf2) =	vadd.scan.msk.f32 $0xffff, v6  }
0x215: {  	[tilespmem:$0x18CA0] =	vst v14  }
0x216: {  	(xrf2) =	vadd.scan.msk.f32 $0xffff, v8;
	v6 =	vld.idx.msk [tilespmem:v57+s4+$0x0], $0xffff;
	_ =	sdelay $0x1  }
0x217: {  	(xrf2) =	vadd.scan.msk.f32 $0xffff, v9  }
0x218: {  	v58, _, _ =	vpop (xrf2)  }
0x219: {  	v7 =	vld [tilespmem:$0xC0];
	(v2sf) =	vpush v58, $0xF;
	v59, _, _ =	vpop (xrf2);
	(xrf2) =	vadd.scan.msk.f32 $0xffff, v10  }
0x21a: {  	(v2sf) =	vpush v59, $0xF;
	[tilespmem:$0x18CB0] =	vst v6  }
0x21b: {  	(xrf2) =	vadd.scan.msk.f32 $0xffff, v11;
	v5 =	vld.idx.msk [tilespmem:v5+s4+$0x0], $0xffff;
	_ =	sdelay $0x1  }
0x21c: {  	v60, _, _ =	vpop (xrf2);
	(xrf2) =	vadd.scan.msk.f32 $0xffff, v12  }
0x21d: {  	(v2sf) =	vpush v60, $0xF  }
0x21e: {  	v61, _, _ =	vpop (xrf2);
	(xrf2) =	vadd.scan.msk.f32 $0xffff, v13  }
0x21f: {  	(v2sf) =	vpush v61, $0xF;
	[tilespmem:$0x18CC0] =	vst v5  }
0x220: {  	v62, _, _ =	vpop (xrf2);
	(xrf2) =	vadd.scan.msk.f32 $0xffff, v14;
	v7 =	vld.idx.msk [tilespmem:v7+s4+$0x0], $0xffff  }
0x221: {  	(v2sf) =	vpush v62, $0xF  }
0x222: {  	v63, _, _ =	vpop (xrf2);
	(xrf2) =	vadd.scan.msk.f32 $0xffff, v6  }
0x223: {  	(v2sf) =	vpush v63, $0xF  }
0x224: {  	v6, _, _ =	vpop (xrf2);
	(xrf2) =	vadd.scan.msk.f32 $0xffff, v5  }
0x225: {  	(v2sf) =	vpush v6, $0xF;
	v5 =	vnsel vm2, $0x0, v7  }
0x226: {  	v6, _, _ =	vpop (xrf2);
	(xrf2) =	vadd.scan.msk.f32 $0xffff, v5  }
0x227: {  	s24 =	spop (v2sf);
	(v2sf) =	vpush v6, $0xF  }
0x228: {  	s23 =	sadd.f32 $0.0e+00, s24;
	s26 =	spop (v2sf);
	[tilespmem:$0x18CD0] =	vst v7;
	v5, _, _ =	vpop (xrf2)  }
0x229: {  	[hbm4b:s16+s7] =	stream.linear.scatter [tilespmem:s19], [sflag:$0x3], $0x80, $0x38;
	(v2sf) =	vpush v5, $0xF;
	[tilespmem:$0x19F00] =	vst v63  }
0x22a: {  	s23 =	sadd.f32 s26, s23;
	s19 =	sadd.s32 $0x80, s16;
	v5, _, _ =	vpop (xrf2)  }
0x22b: {  	[hbm4b:s19+s7] =	stream.linear.scatter [tilespmem:s21], [sflag:$0x3], $0x80, $0x38;
	(v2sf) =	vpush v5, $0xF;
	[tilespmem:$0x19F00] =	vst v63  }
0x22c: {  	s19 =	spop (v2sf);
	v5, _, _ =	vpop (xrf2)  }
0x22d: {  	s23 =	sadd.f32 s19, s23;
	(v2sf) =	vpush v5, $0xF  }
0x22e: {  	s26 =	spop (v2sf);
	v5, _, _ =	vpop (xrf2)  }
0x22f: {  	s23 =	sadd.f32 s26, s23;
	(v2sf) =	vpush v5, $0xF  }
0x230: {  	s19 =	spop (v2sf);
	v5, _, _ =	vpop (xrf2)  }
0x231: {  	s23 =	sadd.f32 s19, s23;
	(v2sf) =	vpush v5, $0xF  }
0x232: {  	s26 =	spop (v2sf)  }
0x233: {  	s23 =	sadd.f32 s26, s23  }
0x234: {  	s19 =	spop (v2sf)  }
0x235: {  	s23 =	sadd.f32 s19, s23  }
0x236: {  	s26 =	spop (v2sf)  }
0x237: {  	s23 =	sadd.f32 s26, s23  }
0x238: {  	s19 =	spop (v2sf)  }
0x239: {  	s23 =	sadd.f32 s19, s23  }
0x23a: {  	s26 =	spop (v2sf)  }
0x23b: {  	s23 =	sadd.f32 s26, s23  }
0x23c: {  	s19 =	spop (v2sf)  }
0x23d: {  	s23 =	sadd.f32 s19, s23  }
0x23e: {  	s26 =	spop (v2sf)  }
0x23f: {  	s23 =	sadd.f32 s26, s23  }
0x240: {  	s26 =	sadd.f32 s22, s20;
	s19 =	spop (v2sf)  }
0x241: {  	s23 =	sadd.f32 s19, s23  }
0x242: {  	s20 =	smul.f32 s22, s20  }
0x243: {  	s19 =	smul.f32 s23, s26  }
0x244: {  	v5 =	vld [tilespmem:$0x19E80]  }
0x245: {  	s20 =	sadd.f32 s19, s20;
	_ =	sdelay $0x1  }
0x246: {  	v6 =	vmov s20  }
0x247: {  	v6 =	vnsel vm7, $0x0, v6  }
0x248: {  	v5 =	vadd.f32 v5, v6;
	_ =	sdelay $0x1  }
0x249: {  	[tilespmem:$0x19E80] =	vst v5  }
0x24a: {  	_ =	swait.ge [sflag:s11], $0x100  }
0x24b: {  	[sflag:s11] =	ssyncset.done $0x0  }
0x24c: {  	[sflag:s11] =	ssyncadd.s32 $0xFFFFFF00  }
0x24d: {  	[tilespmem:$0x18D00] =	vst v5  }
0x24e: {  	[tilespmem:$0x18D10] =	vst v0  }
0x24f: {  	[tilespmem:$0x18D20] =	vst v0  }
0x250: {  	[tilespmem:$0x18D30] =	vst v0  }
0x251: {  	[tilespmem:$0x18D40] =	vst v0  }
0x252: {  	[tilespmem:$0x18D50] =	vst v0  }
0x253: {  	[tilespmem:$0x18D60] =	vst v0  }
0x254: {  	[tilespmem:$0x18D70] =	vst v0  }
0x255: {  	[tilespmem:$0x18D80] =	vst v0  }
0x256: {  	[tilespmem:$0x18D90] =	vst v0  }
0x257: {  	[tilespmem:$0x18DA0] =	vst v0  }
0x258: {  	[tilespmem:$0x18DB0] =	vst v0  }
0x259: {  	[tilespmem:$0x18DC0] =	vst v0  }
0x25a: {  	[tilespmem:$0x18DD0] =	vst v0  }
0x25b: {  	[tilespmem:$0x18DE0] =	vst v0  }
0x25c: {  	s26 =	simm.s32 $0x18D00;
	s24 =	rddreg [dreg:$0xd];
	[tilespmem:$0x18DF0] =	vst v0  }
0x25d: {  	[hbm4b:s24+s2] =	stream.strided.scatter [tilespmem:s26], [sflag:$0x4], $0x100, s4, s2, $0x38;
	[tilespmem:$0x19F00] =	vst v63  }
0x25e: {  	_ =	swait.ge [sflag:s1], $0x100  }
0x25f: {  	s25 =	simm.s32 $0x180;
	s22 =	smov.u32 s12;
	[sflag:s1] =	ssyncset.done $0x0  }
0x260: {  	s12 =	simm.s32 $0x100;
	s23 =	smov.u32 s8;
	[sflag:s1] =	ssyncadd.s32 $0xFFFFFF00  }
.LBB2_3:
.Ltmp4:
0x261: {  	(pc) =	sbr.rel @!p2 .LBB2_5-.Ltmp4, $1  }
0x262: {  	_ =	sdelay $0x3  }
0x263: {  	s17 =	sor.u32 s29, s17  }
0x264: {  	s17 =	sadd.s32 $0x3D0A000, s17  }
0x265: {  	s17 =	sshrl.u32 s17, $0x3  }
0x266: {  	s8 =	simm.s32 $0x200;
	s17 =	sadd.s32 s0, s17  }
0x267: {  	[tilespmem:s8], [sflag:$0x4] =	stream.linear.gather [hbm4b:s17+s7], $0x40, $0x38;
	[tilespmem:$0x19F00] =	vst v63  }
0x268: {  	_ =	swait.ge [sflag:s1], $0x40  }
0x269: {  	[sflag:s1] =	ssyncset.done $0x0  }
0x26a: {  	s26 =	rddreg [dreg:$0x12];
	[sflag:s1] =	ssyncadd.s32 $0xFFFFFFC0  }
0x26b: {  	[tilespmem:s4], [sflag:$0x4] =	stream.strided.gather [hbm4b:s26+s2], $0x18700, s4, s2, $0x38;
	[tilespmem:$0x19F00] =	vst v63  }
0x26c: {  	_ =	swait.ge [sflag:s1], $0x18700  }
0x26d: {  	[sflag:s1] =	ssyncset.done $0x0  }
0x26e: {  	[sflag:s1] =	ssyncadd.s32 $0xFFFE7900  }
0x26f: {  	v5 =	vld [tilespmem:$0x1C0]  }
0x270: {  	v6 =	vld [tilespmem:$0x200];
	_ =	sdelay $0x1  }
0x271: {  	v7 =	vld [tilespmem:$0x210]  }
0x272: {  	vm8 =	vmmov $0x1;
	v8 =	vmov s3  }
0x273: {  	v9 =	vld [tilespmem:$0x220];
	v5 =	vnsel vm8, $0x0, v5;
	vm8 =	veq.s32 v8, v1  }
0x274: {  	(xrf2) =	vadd.scan.msk.f32 $0xffff, v5;
	v5 =	vnsel vm8, $0x0, v6  }
0x275: {  	vm8 =	veq.s32 v8, v4;
	(xrf2) =	vadd.scan.msk.f32 $0xffff, v5;
	v5 =	vld [tilespmem:$0x230]  }
0x276: {  	v6 =	vnsel vm8, $0x0, v7  }
0x277: {  	vm8 =	veq.s32 v8, v3;
	(xrf2) =	vadd.scan.msk.f32 $0xffff, v6  }
0x278: {  	v6 =	vnsel vm8, $0x0, v9  }
0x279: {  	vm8 =	veq.s32 v8, v2;
	(xrf2) =	vadd.scan.msk.f32 $0xffff, v6  }
0x27a: {  	v5 =	vnsel vm8, $0x0, v5  }
0x27b: {  	(xrf2) =	vadd.scan.msk.f32 $0xffff, v5;
	_ =	sdelay $0x2  }
0x27c: {  	v5, _, _ =	vpop (xrf2)  }
0x27d: {  	v6, _, _ =	vpop (xrf2);
	(v2sf) =	vpush v5, $0xF  }
0x27e: {  	(v2sf) =	vpush v6, $0xF  }
0x27f: {  	v5, _, _ =	vpop (xrf2)  }
0x280: {  	(v2sf) =	vpush v5, $0xF  }
0x281: {  	v5, _, _ =	vpop (xrf2)  }
0x282: {  	(v2sf) =	vpush v5, $0xF  }
0x283: {  	v5, _, _ =	vpop (xrf2)  }
0x284: {  	(v2sf) =	vpush v5, $0xF;
	_ =	sdelay $0x7  }
0x285: {  	s29 =	spop (v2sf)  }
0x286: {  	s8 =	spop (v2sf)  }
0x287: {  	s17 =	sadd.f32 $0.0e+00, s8  }
0x288: {  	s20 =	spop (v2sf)  }
0x289: {  	s17 =	sadd.f32 s20, s17  }
0x28a: {  	s24 =	rddreg [dreg:$0x14];
	s19 =	spop (v2sf)  }
0x28b: {  	s17 =	sadd.f32 s19, s17  }
0x28c: {  	v5 =	vld [tilespmem:$0x0];
	s3 =	sadd.f32 s29, s24;
	s26 =	spop (v2sf)  }
0x28d: {  	s17 =	sadd.f32 s26, s17;
	_ =	sdelay $0x1  }
0x28e: {  	v6 =	vmov s3;
	v7 =	vmov s17  }
0x28f: {  	v6 =	vnsel vm5, $0x0, v6;
	v7 =	vsel vm6, $0x0, v7  }
0x290: {  	v6 =	vadd.f32 v7, v6  }
0x291: {  	v7 =	vld [tilespmem:$0x10]  }
0x292: {  	[tilespmem:$0x18B00] =	vst v6  }
0x293: {  	v5 =	vld.idx.msk [tilespmem:v5+s4+$0x0], $0xffff;
	_ =	sdelay $0x3  }
0x294: {  	v6 =	vld [tilespmem:$0x20]  }
0x295: {  	[tilespmem:$0x18B10] =	vst v5  }
0x296: {  	v5 =	vld.idx.msk [tilespmem:v7+s4+$0x0], $0xffff;
	_ =	sdelay $0x3  }
0x297: {  	v7 =	vld [tilespmem:$0x30]  }
0x298: {  	[tilespmem:$0x18B20] =	vst v5  }
0x299: {  	v5 =	vld.idx.msk [tilespmem:v6+s4+$0x0], $0xffff;
	_ =	sdelay $0x3  }
0x29a: {  	v6 =	vld [tilespmem:$0x40]  }
0x29b: {  	[tilespmem:$0x18B30] =	vst v5  }
0x29c: {  	v5 =	vld.idx.msk [tilespmem:v7+s4+$0x0], $0xffff;
	_ =	sdelay $0x3  }
0x29d: {  	v7 =	vld [tilespmem:$0x50]  }
0x29e: {  	[tilespmem:$0x18B40] =	vst v5  }
0x29f: {  	v5 =	vld.idx.msk [tilespmem:v6+s4+$0x0], $0xffff;
	_ =	sdelay $0x3  }
0x2a0: {  	v6 =	vld [tilespmem:$0x60]  }
0x2a1: {  	[tilespmem:$0x18B50] =	vst v5  }
0x2a2: {  	v5 =	vld.idx.msk [tilespmem:v7+s4+$0x0], $0xffff;
	_ =	sdelay $0x3  }
0x2a3: {  	v7 =	vld [tilespmem:$0x70]  }
0x2a4: {  	[tilespmem:$0x18B60] =	vst v5  }
0x2a5: {  	v5 =	vld.idx.msk [tilespmem:v6+s4+$0x0], $0xffff;
	_ =	sdelay $0x3  }
0x2a6: {  	v6 =	vld [tilespmem:$0x80]  }
0x2a7: {  	[tilespmem:$0x18B70] =	vst v5  }
0x2a8: {  	v5 =	vld.idx.msk [tilespmem:v7+s4+$0x0], $0xffff;
	_ =	sdelay $0x3  }
0x2a9: {  	v7 =	vld [tilespmem:$0x90]  }
0x2aa: {  	[tilespmem:$0x18C00] =	vst v5  }
0x2ab: {  	v5 =	vld.idx.msk [tilespmem:v6+s4+$0x0], $0xffff;
	_ =	sdelay $0x3  }
0x2ac: {  	v6 =	vld [tilespmem:$0xA0]  }
0x2ad: {  	[tilespmem:$0x18C10] =	vst v5  }
0x2ae: {  	v5 =	vld.idx.msk [tilespmem:v7+s4+$0x0], $0xffff;
	_ =	sdelay $0x3  }
0x2af: {  	v7 =	vld [tilespmem:$0xB0]  }
0x2b0: {  	[tilespmem:$0x18C20] =	vst v5  }
0x2b1: {  	v5 =	vld.idx.msk [tilespmem:v6+s4+$0x0], $0xffff;
	_ =	sdelay $0x3  }
0x2b2: {  	v6 =	vld [tilespmem:$0xC0]  }
0x2b3: {  	[tilespmem:$0x18C30] =	vst v5  }
0x2b4: {  	v5 =	vld.idx.msk [tilespmem:v7+s4+$0x0], $0xffff;
	_ =	sdelay $0x4  }
0x2b5: {  	[tilespmem:$0x18C40] =	vst v5  }
0x2b6: {  	v5 =	vld.idx.msk [tilespmem:v6+s4+$0x0], $0xffff;
	_ =	sdelay $0x4  }
0x2b7: {  	[tilespmem:$0x18C50] =	vst v5  }
0x2b8: {  	[hbm4b:s28+s7] =	stream.linear.scatter [tilespmem:s9], [sflag:$0x3], $0x80, $0x38;
	[tilespmem:$0x19F00] =	vst v63  }
.Ltmp5:
0x2b9: {  	s29 =	sadd.s32 $0x80, s28;
	(pc) =	sbr.rel .LBB2_5-.Ltmp5, $4  }
0x2ba: {  	[hbm4b:s29+s7] =	stream.linear.scatter [tilespmem:s10], [sflag:$0x3], $0x80, $0x38;
	[tilespmem:$0x19F00] =	vst v63  }
0x2bb: {  	_ =	swait.ge [sflag:s11], $0x100  }
0x2bc: {  	[sflag:s11] =	ssyncset.done $0x0  }
0x2bd: {  	[sflag:s11] =	ssyncadd.s32 $0xFFFFFF00  }
.LBB2_6:
0x2be: {  	s3 =	rddreg [dreg:$0x3];
	s8 =	simm.s32 $0x19E00  }
0x2bf: {  	[tilespmem:s8], [sflag:$0x4] =	stream.linear.gather [hbm4b:s3+s7], $0x1, $0x38;
	[tilespmem:$0x19F00] =	vst v63  }
0x2c0: {  	_ =	swait.ge [sflag:s1], $0x1  }
0x2c1: {  	[sflag:s1] =	ssyncset.done $0x0  }
0x2c2: {  	s29 =	simm.s32 $0x18E00;
	s26 =	rddreg [dreg:$0x13];
	[sflag:s1] =	ssyncadd.s32 $0xFFFFFFFF  }
0x2c3: {  	[tilespmem:s29], [sflag:$0x4] =	stream.linear.gather [hbm4b:s26+s7], $0x1000, $0x38;
	[tilespmem:$0x19F00] =	vst v63  }
0x2c4: {  	_ =	swait.ge [sflag:s1], $0x1000  }
0x2c5: {  	[sflag:s1] =	ssyncset.done $0x0  }
0x2c6: {  	[sflag:s1] =	ssyncadd.s32 $0xFFFFF000  }
0x2c7: {  	v5 =	vld [tilespmem:$0x18E00];
	_ =	sdelay $0x1  }
0x2c8: {  	v6 =	vld [tilespmem:$0x18E80];
	_ =	sdelay $0x1  }
0x2c9: {  	v7 =	vld [tilespmem:$0x18F00]  }
0x2ca: {  	(v2sf) =	vpush v5, $0x0  }
0x2cb: {  	v5 =	vld [tilespmem:$0x18F80]  }
0x2cc: {  	(v2sf) =	vpush v6, $0x0  }
0x2cd: {  	v6 =	vld [tilespmem:$0x19000]  }
0x2ce: {  	(v2sf) =	vpush v7, $0x0  }
0x2cf: {  	v7 =	vld [tilespmem:$0x19080]  }
0x2d0: {  	(v2sf) =	vpush v5, $0x0  }
0x2d1: {  	v5 =	vld [tilespmem:$0x19100]  }
0x2d2: {  	(v2sf) =	vpush v6, $0x0  }
0x2d3: {  	v6 =	vld [tilespmem:$0x19180]  }
0x2d4: {  	(v2sf) =	vpush v7, $0x0  }
0x2d5: {  	v7 =	vld [tilespmem:$0x19600]  }
0x2d6: {  	(v2sf) =	vpush v5, $0x0  }
0x2d7: {  	v5 =	vld [tilespmem:$0x19680]  }
0x2d8: {  	(v2sf) =	vpush v6, $0x0  }
0x2d9: {  	v6 =	vld [tilespmem:$0x19700];
	s17 =	spop (v2sf)  }
0x2da: {  	(v2sf) =	vpush v7, $0x0;
	s3 =	sadd.f32 $0.0e+00, s17  }
0x2db: {  	v7 =	vld [tilespmem:$0x19780];
	s17 =	spop (v2sf)  }
0x2dc: {  	(v2sf) =	vpush v5, $0x0;
	s3 =	sadd.f32 s17, s3  }
0x2dd: {  	v5 =	vld [tilespmem:$0x19800];
	s19 =	spop (v2sf)  }
0x2de: {  	(v2sf) =	vpush v6, $0x0;
	s3 =	sadd.f32 s19, s3  }
0x2df: {  	v6 =	vld [tilespmem:$0x19880];
	s20 =	spop (v2sf)  }
0x2e0: {  	(v2sf) =	vpush v7, $0x0;
	s3 =	sadd.f32 s20, s3  }
0x2e1: {  	v7 =	vld [tilespmem:$0x19900];
	s24 =	spop (v2sf)  }
0x2e2: {  	(v2sf) =	vpush v5, $0x0;
	s3 =	sadd.f32 s24, s3  }
0x2e3: {  	v5 =	vld [tilespmem:$0x19980];
	s26 =	spop (v2sf)  }
0x2e4: {  	(v2sf) =	vpush v6, $0x0;
	s3 =	sadd.f32 s26, s3  }
0x2e5: {  	v6 =	vld [tilespmem:$0x19E00];
	s29 =	spop (v2sf)  }
0x2e6: {  	(v2sf) =	vpush v7, $0x0;
	s3 =	sadd.f32 s29, s3  }
0x2e7: {  	s8 =	spop (v2sf)  }
0x2e8: {  	(v2sf) =	vpush v5, $0x0;
	s3 =	sadd.f32 s8, s3  }
0x2e9: {  	s19 =	spop (v2sf)  }
0x2ea: {  	(v2sf) =	vpush v6, $0x0;
	s3 =	sadd.f32 s19, s3  }
0x2eb: {  	s20 =	spop (v2sf)  }
0x2ec: {  	s3 =	sadd.f32 s20, s3  }
0x2ed: {  	s24 =	spop (v2sf)  }
0x2ee: {  	s3 =	sadd.f32 s24, s3  }
0x2ef: {  	s26 =	spop (v2sf)  }
0x2f0: {  	s3 =	sadd.f32 s26, s3  }
0x2f1: {  	s29 =	spop (v2sf)  }
0x2f2: {  	s3 =	sadd.f32 s29, s3  }
0x2f3: {  	s8 =	spop (v2sf)  }
0x2f4: {  	s3 =	sadd.f32 s8, s3  }
0x2f5: {  	s19 =	spop (v2sf)  }
0x2f6: {  	s3 =	sadd.f32 s19, s3  }
0x2f7: {  	s20 =	spop (v2sf)  }
0x2f8: {  	s3 =	sadd.f32 s20, s3  }
0x2f9: {  	s24 =	spop (v2sf)  }
0x2fa: {  	s3 =	sadd.f32 s24, s3;
	_ =	sdelay $0x1  }
0x2fb: {  	v5 =	vmov s3  }
.Ltmp6:
0x2fc: {  	s26 =	rddreg [dreg:$0x7];
	s29 =	simm.s32 $0x19E80;
	[tilespmem:$0x19E80] =	vst v5;
	(pc) =	sbr.rel .LBB2_7-.Ltmp6, $4  }
0x2fd: {  	[hbm4b:s26+s7] =	stream.linear.scatter [tilespmem:s29], [sflag:$0x4], $0x1, $0x38;
	[tilespmem:$0x19F00] =	vst v63  }
0x2fe: {  	_ =	swait.ge [sflag:s1], $0x1  }
0x2ff: {  	[sflag:s1] =	ssyncset.done $0x0  }
0x300: {  	[sflag:s1] =	ssyncadd.s32 $0xFFFFFFFF  }
.LBB2_8:
0x301: {  	_ =	sfence.sel $0x180000  }
0x302: {  	[bflag:$0x0] =	sbarrier.arrive $0xFFFF  }
0x303: {  	_ =	strace $0x90000047  }
0x304: {  	s0 =	stileid.u32;
	[bflag:$0x2] =	sbarrier.arrive $0xFFFF  }
0x305: {  	p0 =	sne.s32 s0, $0x0;
	s0 =	rddreg [dreg:$0x8]  }
0x306: {  	s0 =	sadd.s32 @!p0 $0x100000, s0  }
0x307: {  	[sflag:s0] =	ssyncadd.tile.s32 @!p0 $0x1;
	_ =	shalt  }
.Lfunc_end2:
_tile_overlayer_lowered:
.L_overlay_start_2:
0x308: {  	(tag) =	ssettag $0x2  }
0x309: {  	s0 =	rddreg [dreg:$0x0];
	s2 =	stileid.u32  }
0x30a: {  	s1 =	rddreg [dreg:$0x1];
	p0 =	sne.s32 s2, $0x0  }
0x30b: {  	s3 =	rddreg [dreg:$0x2];
	[bflag:$0x3] =	sbarrier.arrive $0xFFFF;
	s2 =	simm.s32 @!p0 $0x1C04  }
0x30c: {  	[timem:s3], [sflag:s2] =	dma.local @!p0 [hbm:s0], s1  }
0x30d: {  	s0 =	simm.s32 @!p0 $0x4  }
0x30e: {  	_ =	swait.ge @!p0 [sflag:s0], s1  }
0x30f: {  	s1 =	ssub.s32 @!p0 $0x0, s1;
	[sflag:s0] =	ssyncset.done @!p0 $0x0  }
0x310: {  	[sflag:s0] =	ssyncadd.s32 @!p0 s1  }
0x311: {  	[bflag:$0x3] =	sbarrier.arrive $0xFFFF  }
0x312: {  	_ =	shalt  }

</sc_bundles>
